<compile_context>
chip_gen: v7x
topology: tpu7x:2x2x1
jax: 0.10.2.dev20260603
libtpu: 0.0.44.dev20260713+nightly
codegen_flags: <defaults>
</compile_context>

<pallas_src>
import functools
import jax
import jax.numpy as jnp
from jax import lax
from jax.experimental import pallas as pl
from jax.experimental.pallas import tpu as pltpu, tpu_sc as plsc

B = 8
C = 192
C2 = 2 * C
R = C2 // 16
E = 16
K = 2
TEMP = 2.0
H = 224
S = H * H
ROWS = B * C
EPS = 1e-5

SC_NW = 32
SC_RPW = 16
SC_ROWS = SC_NW * SC_RPW
TC_ROWS = ROWS - SC_ROWS
RB = 64
NRB = ROWS // RB

_sc_mesh = plsc.VectorSubcoreMesh(core_axis_name="c", subcore_axis_name="s")


@functools.partial(
    pl.kernel, mesh=_sc_mesh,
    out_type=jax.ShapeDtypeStruct((SC_ROWS, 16), jnp.float32),
    scratch_types=[
        pltpu.VMEM((H, H), jnp.float32),
        pltpu.VMEM((H, H), jnp.float32),
        pltpu.VMEM((SC_RPW, 16), jnp.float32),
        pltpu.SemaphoreType.DMA,
        pltpu.SemaphoreType.DMA,
    ],
)
def _sc_rowsum(x_hbm, out_hbm, slab0, slab1, part, sem0, sem1):
    wid = lax.axis_index("s") * 2 + lax.axis_index("c")
    base = wid * SC_RPW
    src = TC_ROWS + base
    slabs = (slab0, slab1)
    sems = (sem0, sem1)
    iota = lax.iota(jnp.int32, 16)
    dn = lax.GatherDimensionNumbers(offset_dims=(), collapsed_slice_dims=(0,),
                                    start_index_map=(0,))
    cps = {0: pltpu.async_copy(x_hbm.at[src], slabs[0], sems[0])}
    for jj in range(SC_RPW):
        if jj + 1 < SC_RPW:
            cps[(jj + 1) % 2] = pltpu.async_copy(
                x_hbm.at[src + jj + 1], slabs[(jj + 1) % 2], sems[(jj + 1) % 2])
        cps[jj % 2].wait()
        slab = slabs[jj % 2]

        def body(i, a):
            for t in range(H // 16):
                a = a + slab[i, pl.ds(t * 16, 16)]
            return a
        rowacc = lax.fori_loop(0, H, body, jnp.zeros((16,), jnp.float32))
        for k in (8, 4, 2, 1):
            perm = (iota ^ k).reshape(16, 1)
            rowacc = rowacc + lax.gather(
                rowacc, perm, dn, (1,), unique_indices=True,
                mode=lax.GatherScatterMode.PROMISE_IN_BOUNDS)
        part[jj] = rowacc
    pltpu.sync_copy(part, out_hbm.at[pl.ds(base, SC_RPW)])


def _gelu(t):
    return 0.5 * t * (1.0 + jax.lax.erf(t * (1.0 / jnp.sqrt(2.0))))


def _rowsum_kernel(x_ref, out_ref):
    s = jnp.sum(x_ref[...], axis=1)
    out_ref[...] = jnp.sum(s, axis=1, keepdims=True)


def _mlp_kernel(g_ref, w1t_ref, b1_ref, bn1g_ref, bn1b_ref,
                caw1t_ref, cab1_ref, caw2t_ref, cab2_ref,
                w2t_ref, b2_ref, bn2g_ref, bn2b_ref,
                w3t_ref, b3_ref,
                idx_ref, val_ref):
    rs = 1.0 / jnp.sqrt(1.0 + EPS)
    g = g_ref[...] * (1.0 / S)
    h = jnp.dot(g, w1t_ref[...], preferred_element_type=jnp.float32) + b1_ref[...]
    h = h * (bn1g_ref[...] * rs) + bn1b_ref[...]
    h = _gelu(h)
    t = _gelu(jnp.dot(h, caw1t_ref[...], preferred_element_type=jnp.float32) + cab1_ref[...])
    fc = jnp.dot(t, caw2t_ref[...], preferred_element_type=jnp.float32) + cab2_ref[...]
    att = jax.nn.sigmoid(2.0 * fc)
    h = h * att
    h2 = jnp.dot(h, w2t_ref[...], preferred_element_type=jnp.float32) + b2_ref[...]
    h2 = h2 * (bn2g_ref[...] * rs) + bn2b_ref[...]
    h2 = _gelu(h2)
    scores = jnp.dot(h2, w3t_ref[...], preferred_element_type=jnp.float32) + b3_ref[...]

    ids = jax.lax.broadcasted_iota(jnp.int32, (B, E), 1)
    m1 = jnp.max(scores, axis=1, keepdims=True)
    i1 = jnp.min(jnp.where(scores == m1, ids, E), axis=1, keepdims=True)
    masked = jnp.where(ids == i1, -jnp.inf, scores)
    m2 = jnp.max(masked, axis=1, keepdims=True)
    i2 = jnp.min(jnp.where(masked == m2, ids, E), axis=1, keepdims=True)
    v1 = 1.0 / (1.0 + jnp.exp((m2 - m1) / TEMP))
    v2 = 1.0 - v1
    col = jax.lax.broadcasted_iota(jnp.int32, (B, K), 1)
    idx_ref[...] = jnp.where(col == 0, i1, i2)
    val_ref[...] = jnp.where(col == 0, v1, v2)


def kernel(x, w1, b1, bn1_g, bn1_b, ca_w1, ca_b1, ca_w2, ca_b2, w2, b2, bn2_g, bn2_b, w3, b3):
    x3 = x.reshape(ROWS, H, H)

    sc_part = _sc_rowsum(x3)

    gsum_tc = pl.pallas_call(
        _rowsum_kernel,
        grid=(NRB,),
        in_specs=[pl.BlockSpec((RB, H, H), lambda i: (i, 0, 0))],
        out_specs=pl.BlockSpec((RB, 1), lambda i: (i, 0)),
        out_shape=jax.ShapeDtypeStruct((ROWS, 1), jnp.float32),
        compiler_params=pltpu.CompilerParams(
            dimension_semantics=("arbitrary",),
        ),
    )(x3)

    g = jnp.concatenate(
        [gsum_tc[:TC_ROWS],
         0.5 * (gsum_tc[TC_ROWS:] + sc_part[:, :1])], axis=0).reshape(B, C)

    row = lambda v: v.reshape(1, -1)
    full = lambda shp: pl.BlockSpec(shp, lambda: (0,) * len(shp))
    idx, val = pl.pallas_call(
        _mlp_kernel,
        in_specs=[
            full((B, C)),
            full((C, C2)), full((1, C2)), full((1, C2)), full((1, C2)),
            full((C2, R)), full((1, R)), full((R, C2)), full((1, C2)),
            full((C2, C)), full((1, C)), full((1, C)), full((1, C)),
            full((C, E)), full((1, E)),
        ],
        out_specs=[full((B, K)), full((B, K))],
        out_shape=[
            jax.ShapeDtypeStruct((B, K), jnp.int32),
            jax.ShapeDtypeStruct((B, K), jnp.float32),
        ],
    )(g, w1.T, row(b1), row(bn1_g), row(bn1_b),
      ca_w1.T, row(ca_b1), ca_w2.T, row(ca_b2),
      w2.T, row(b2), row(bn2_g), row(bn2_b),
      w3.T, row(b3))
    return idx, val

# --- scband reference (transcript-rebuilt; emitter-appended) ---
"""Pipeline reference for scband-global-top-kgating-26061861552656 (READ-ONLY COPY).

The authoritative reference and input builder live on the scoring server;
editing this copy changes nothing except your own understanding.
"""

import jax, jax.numpy as jnp
import numpy as np

C = 192
E = 16
K = 2
TEMP = 2.0
RED = 16


def setup_inputs(seed: int = 0) -> dict:
    key = jax.random.key(seed)
    ks = jax.random.split(key, 10)
    C2 = 2 * C
    R = C2 // RED
    inp = {}
    inp["x"] = jax.random.normal(ks[0], (8, C, 224, 224), dtype=jnp.float32)
    # gate conv1: 1x1 conv C -> 2C
    inp["w1"] = jax.random.normal(ks[1], (C2, C), dtype=jnp.float32) * 0.05
    inp["b1"] = jnp.zeros((C2,), jnp.float32)
    # BatchNorm2d(2C), eval mode (running_mean=0, running_var=1)
    inp["bn1_g"] = jnp.ones((C2,), jnp.float32)
    inp["bn1_b"] = jnp.zeros((C2,), jnp.float32)
    # ChannelAttention fc: 2C -> 2C/16 -> 2C
    inp["ca_w1"] = jax.random.normal(ks[2], (R, C2), dtype=jnp.float32) * 0.05
    inp["ca_b1"] = jnp.zeros((R,), jnp.float32)
    inp["ca_w2"] = jax.random.normal(ks[3], (C2, R), dtype=jnp.float32) * 0.05
    inp["ca_b2"] = jnp.zeros((C2,), jnp.float32)
    # gate conv2: 1x1 conv 2C -> C
    inp["w2"] = jax.random.normal(ks[4], (C, C2), dtype=jnp.float32) * 0.05
    inp["b2"] = jnp.zeros((C,), jnp.float32)
    inp["bn2_g"] = jnp.ones((C,), jnp.float32)
    inp["bn2_b"] = jnp.zeros((C,), jnp.float32)
    # gate conv3: 1x1 conv C -> num_experts
    inp["w3"] = jax.random.normal(ks[5], (E, C), dtype=jnp.float32) * 0.05
    inp["b3"] = jnp.zeros((E,), jnp.float32)
    return inp


def reference(x, w1, b1, bn1_g, bn1_b, ca_w1, ca_b1, ca_w2, ca_b2, w2, b2, bn2_g, bn2_b, w3, b3):
    eps = 1e-5
    # global_pool: AdaptiveAvgPool2d(1) -> [B, C]
    g = jnp.mean(x, axis=(2, 3))
    # conv1 (1x1 on 1x1 spatial == matmul)
    h = g @ w1.T + b1
    # BN1 eval-mode: running_mean=0, running_var=1
    h = (h / jnp.sqrt(1.0 + eps)) * bn1_g + bn1_b
    h = jax.nn.gelu(h, approximate=False)
    # ChannelAttention: on 1x1 spatial, avg_pool == max_pool == identity
    def fc(t):
        return jax.nn.gelu(t @ ca_w1.T + ca_b1, approximate=False) @ ca_w2.T + ca_b2
    att = jax.nn.sigmoid(fc(h) + fc(h))
    h = h * att
    # conv2 + BN2 + GELU
    h2 = h @ w2.T + b2
    h2 = (h2 / jnp.sqrt(1.0 + eps)) * bn2_g + bn2_b
    h2 = jax.nn.gelu(h2, approximate=False)
    # conv3 -> gating scores [B, E]
    scores = h2 @ w3.T + b3
    top_k_values, top_k_indices = jax.lax.top_k(scores, K)
    top_k_values = jax.nn.softmax(top_k_values / TEMP, axis=1)
    return (top_k_indices, top_k_values)

if __name__ == "__main__":
    import jax
    _d = setup_inputs()
    print(jax.jit(kernel)(*tuple(_d.values())))

</pallas_src>

<mosaic_0001>
#map = affine_map<(d0, d1) -> (0, 0, 0)>
#map1 = affine_map<(d0, d1) -> (0, 0)>
module attributes {stable_mosaic.version = 14 : i64} {
  func.func @_sc_rowsum(%arg0: i32, %arg1: i32, %arg2: memref<1536x224x224xf32, #tpu.memory_space<hbm>>, %arg3: memref<512x16xf32, #tpu.memory_space<hbm>>, %arg4: memref<224x224xf32, #tpu.memory_space<vmem>>, %arg5: memref<224x224xf32, #tpu.memory_space<vmem>>, %arg6: memref<16x16xf32, #tpu.memory_space<vmem>>, %arg7: memref<!tpu.dma_semaphore, #tpu.memory_space<semaphore_mem>>, %arg8: memref<!tpu.dma_semaphore, #tpu.memory_space<semaphore_mem>>) attributes {dimension_semantics = [#tpu.dimension_semantics<core_parallel>, #tpu.dimension_semantics<subcore_parallel>], iteration_bounds = array<i64: 2, 16>, scalar_prefetch = 0 : i64, scratch_operands = 5 : i64, tpu.core_type = #tpu.core_type<sc_vector_subcore>, window_params = [{transform_indices = #map}, {transform_indices = #map1}]} {
    %mul3A = arith.constant 2 : i32
    %mul3A_0 = arith.muli %arg1, %mul3A : i32
    %add3A = arith.addi %mul3A_0, %arg0 : i32
    %mul3A_1 = arith.constant 16 : i32
    %mul3A_2 = arith.muli %add3A, %mul3A_1 : i32
    %add3A_3 = arith.constant 1024 : i32
    %add3A_4 = arith.addi %add3A_3, %mul3A_2 : i32
    %iota3A = tpu.iota {dimensions = array<i32: 0>} : vector<16xi32>
    %dma_start3A = arith.constant 0 : i32
    %dma_start3A_5 = arith.constant 0 : i32
    %dma_start3A_6 = tpu.memref_slice %arg2[%add3A_4, %dma_start3A, %dma_start3A_5] : memref<1536x224x224xf32, #tpu.memory_space<hbm>> -> memref<1x224x224xf32, #tpu.memory_space<hbm>>
    %dma_start3A_7 = tpu.memref_squeeze %dma_start3A_6 : memref<1x224x224xf32, #tpu.memory_space<hbm>> -> memref<224x224xf32, #tpu.memory_space<hbm>>
    %dma_start3A_8 = arith.constant 0 : i32
    %dma_start3A_9 = arith.constant 0 : i32
    %dma_start3A_10 = tpu.memref_slice %arg2[%add3A_4, %dma_start3A_8, %dma_start3A_9] : memref<1536x224x224xf32, #tpu.memory_space<hbm>> -> memref<1x224x224xf32, #tpu.memory_space<hbm>>
    %dma_start3A_11 = tpu.memref_squeeze %dma_start3A_10 : memref<1x224x224xf32, #tpu.memory_space<hbm>> -> memref<224x224xf32, #tpu.memory_space<hbm>>
    tpu.enqueue_dma source(%dma_start3A_11 : memref<224x224xf32, #tpu.memory_space<hbm>>) target(%arg4 : memref<224x224xf32, #tpu.memory_space<vmem>>) target_semaphore(%arg7 : memref<!tpu.dma_semaphore, #tpu.memory_space<semaphore_mem>>)
    %add3A_12 = arith.constant 0 : i32
    %add3A_13 = arith.addi %add3A_4, %add3A_12 : i32
    %add3A_14 = arith.constant 1 : i32
    %add3A_15 = arith.addi %add3A_13, %add3A_14 : i32
    %dma_start3A_16 = arith.constant 0 : i32
    %dma_start3A_17 = arith.constant 0 : i32
    %dma_start3A_18 = tpu.memref_slice %arg2[%add3A_15, %dma_start3A_16, %dma_start3A_17] : memref<1536x224x224xf32, #tpu.memory_space<hbm>> -> memref<1x224x224xf32, #tpu.memory_space<hbm>>
    %dma_start3A_19 = tpu.memref_squeeze %dma_start3A_18 : memref<1x224x224xf32, #tpu.memory_space<hbm>> -> memref<224x224xf32, #tpu.memory_space<hbm>>
    %dma_start3A_20 = arith.constant 0 : i32
    %dma_start3A_21 = arith.constant 0 : i32
    %dma_start3A_22 = tpu.memref_slice %arg2[%add3A_15, %dma_start3A_20, %dma_start3A_21] : memref<1536x224x224xf32, #tpu.memory_space<hbm>> -> memref<1x224x224xf32, #tpu.memory_space<hbm>>
    %dma_start3A_23 = tpu.memref_squeeze %dma_start3A_22 : memref<1x224x224xf32, #tpu.memory_space<hbm>> -> memref<224x224xf32, #tpu.memory_space<hbm>>
    tpu.enqueue_dma source(%dma_start3A_23 : memref<224x224xf32, #tpu.memory_space<hbm>>) target(%arg5 : memref<224x224xf32, #tpu.memory_space<vmem>>) target_semaphore(%arg8 : memref<!tpu.dma_semaphore, #tpu.memory_space<semaphore_mem>>)
    %dma_wait3A = arith.constant 0 : i32
    %dma_wait3A_24 = arith.constant 0 : i32
    %dma_wait3A_25 = tpu.memref_slice %arg2[%add3A_4, %dma_wait3A, %dma_wait3A_24] : memref<1536x224x224xf32, #tpu.memory_space<hbm>> -> memref<1x224x224xf32, #tpu.memory_space<hbm>>
    %dma_wait3A_26 = tpu.memref_squeeze %dma_wait3A_25 : memref<1x224x224xf32, #tpu.memory_space<hbm>> -> memref<224x224xf32, #tpu.memory_space<hbm>>
    %dma_wait3A_27 = arith.constant 0 : i32
    %dma_wait3A_28 = arith.constant 0 : i32
    %dma_wait3A_29 = tpu.memref_slice %arg2[%add3A_4, %dma_wait3A_27, %dma_wait3A_28] : memref<1536x224x224xf32, #tpu.memory_space<hbm>> -> memref<1x224x224xf32, #tpu.memory_space<hbm>>
    %dma_wait3A_30 = tpu.memref_squeeze %dma_wait3A_29 : memref<1x224x224xf32, #tpu.memory_space<hbm>> -> memref<224x224xf32, #tpu.memory_space<hbm>>
    tpu.wait_dma2 semaphore(%arg7 : memref<!tpu.dma_semaphore, #tpu.memory_space<semaphore_mem>>) src(%dma_wait3A_30 : memref<224x224xf32, #tpu.memory_space<hbm>>) dst(%arg4 : memref<224x224xf32, #tpu.memory_space<vmem>>)
    %broadcast_in_dim3A = arith.constant 0.000000e+00 : f32
    %broadcast_in_dim3A_31 = vector.broadcast %broadcast_in_dim3A : f32 to vector<16xf32>
    %scan3A = arith.constant 0 : i32
    %scan3A_32 = arith.constant 224 : i32
    %scan3A_33 = arith.addi %scan3A, %scan3A_32 : i32
    %scan3A_34 = arith.constant 1 : i32
    %scan3A_35 = scf.for %scan3A_985 = %scan3A to %scan3A_33 step %scan3A_34 iter_args(%scan3A_986 = %broadcast_in_dim3A_31) -> (vector<16xf32>)  : i32 {
      %get3A = arith.index_cast %scan3A_985 : i32 to index
      %get3A_987 = arith.constant 0 : index
      %get3A_988 = tpu.vector_load %arg4[%get3A, %get3A_987] {strides = array<i32>} : memref<224x224xf32, #tpu.memory_space<vmem>>, vector<1x16xf32>,
      %get3A_989 = vector.shape_cast %get3A_988 : vector<1x16xf32> to vector<16xf32>
      %add3A_990 = arith.addf %scan3A_986, %get3A_989 : vector<16xf32>
      %get3A_991 = arith.index_cast %scan3A_985 : i32 to index
      %get3A_992 = arith.constant 16 : index
      %get3A_993 = tpu.vector_load %arg4[%get3A_991, %get3A_992] {strides = array<i32>} : memref<224x224xf32, #tpu.memory_space<vmem>>, vector<1x16xf32>,
      %get3A_994 = vector.shape_cast %get3A_993 : vector<1x16xf32> to vector<16xf32>
      %add3A_995 = arith.addf %add3A_990, %get3A_994 : vector<16xf32>
      %get3A_996 = arith.index_cast %scan3A_985 : i32 to index
      %get3A_997 = arith.constant 32 : index
      %get3A_998 = tpu.vector_load %arg4[%get3A_996, %get3A_997] {strides = array<i32>} : memref<224x224xf32, #tpu.memory_space<vmem>>, vector<1x16xf32>,
      %get3A_999 = vector.shape_cast %get3A_998 : vector<1x16xf32> to vector<16xf32>
      %add3A_1000 = arith.addf %add3A_995, %get3A_999 : vector<16xf32>
      %get3A_1001 = arith.index_cast %scan3A_985 : i32 to index
      %get3A_1002 = arith.constant 48 : index
      %get3A_1003 = tpu.vector_load %arg4[%get3A_1001, %get3A_1002] {strides = array<i32>} : memref<224x224xf32, #tpu.memory_space<vmem>>, vector<1x16xf32>,
      %get3A_1004 = vector.shape_cast %get3A_1003 : vector<1x16xf32> to vector<16xf32>
      %add3A_1005 = arith.addf %add3A_1000, %get3A_1004 : vector<16xf32>
      %get3A_1006 = arith.index_cast %scan3A_985 : i32 to index
      %get3A_1007 = arith.constant 64 : index
      %get3A_1008 = tpu.vector_load %arg4[%get3A_1006, %get3A_1007] {strides = array<i32>} : memref<224x224xf32, #tpu.memory_space<vmem>>, vector<1x16xf32>,
      %get3A_1009 = vector.shape_cast %get3A_1008 : vector<1x16xf32> to vector<16xf32>
      %add3A_1010 = arith.addf %add3A_1005, %get3A_1009 : vector<16xf32>
      %get3A_1011 = arith.index_cast %scan3A_985 : i32 to index
      %get3A_1012 = arith.constant 80 : index
      %get3A_1013 = tpu.vector_load %arg4[%get3A_1011, %get3A_1012] {strides = array<i32>} : memref<224x224xf32, #tpu.memory_space<vmem>>, vector<1x16xf32>,
      %get3A_1014 = vector.shape_cast %get3A_1013 : vector<1x16xf32> to vector<16xf32>
      %add3A_1015 = arith.addf %add3A_1010, %get3A_1014 : vector<16xf32>
      %get3A_1016 = arith.index_cast %scan3A_985 : i32 to index
      %get3A_1017 = arith.constant 96 : index
      %get3A_1018 = tpu.vector_load %arg4[%get3A_1016, %get3A_1017] {strides = array<i32>} : memref<224x224xf32, #tpu.memory_space<vmem>>, vector<1x16xf32>,
      %get3A_1019 = vector.shape_cast %get3A_1018 : vector<1x16xf32> to vector<16xf32>
      %add3A_1020 = arith.addf %add3A_1015, %get3A_1019 : vector<16xf32>
      %get3A_1021 = arith.index_cast %scan3A_985 : i32 to index
      %get3A_1022 = arith.constant 112 : index
      %get3A_1023 = tpu.vector_load %arg4[%get3A_1021, %get3A_1022] {strides = array<i32>} : memref<224x224xf32, #tpu.memory_space<vmem>>, vector<1x16xf32>,
      %get3A_1024 = vector.shape_cast %get3A_1023 : vector<1x16xf32> to vector<16xf32>
      %add3A_1025 = arith.addf %add3A_1020, %get3A_1024 : vector<16xf32>
      %get3A_1026 = arith.index_cast %scan3A_985 : i32 to index
      %get3A_1027 = arith.constant 128 : index
      %get3A_1028 = tpu.vector_load %arg4[%get3A_1026, %get3A_1027] {strides = array<i32>} : memref<224x224xf32, #tpu.memory_space<vmem>>, vector<1x16xf32>,
      %get3A_1029 = vector.shape_cast %get3A_1028 : vector<1x16xf32> to vector<16xf32>
      %add3A_1030 = arith.addf %add3A_1025, %get3A_1029 : vector<16xf32>
      %get3A_1031 = arith.index_cast %scan3A_985 : i32 to index
      %get3A_1032 = arith.constant 144 : index
      %get3A_1033 = tpu.vector_load %arg4[%get3A_1031, %get3A_1032] {strides = array<i32>} : memref<224x224xf32, #tpu.memory_space<vmem>>, vector<1x16xf32>,
      %get3A_1034 = vector.shape_cast %get3A_1033 : vector<1x16xf32> to vector<16xf32>
      %add3A_1035 = arith.addf %add3A_1030, %get3A_1034 : vector<16xf32>
      %get3A_1036 = arith.index_cast %scan3A_985 : i32 to index
      %get3A_1037 = arith.constant 160 : index
      %get3A_1038 = tpu.vector_load %arg4[%get3A_1036, %get3A_1037] {strides = array<i32>} : memref<224x224xf32, #tpu.memory_space<vmem>>, vector<1x16xf32>,
      %get3A_1039 = vector.shape_cast %get3A_1038 : vector<1x16xf32> to vector<16xf32>
      %add3A_1040 = arith.addf %add3A_1035, %get3A_1039 : vector<16xf32>
      %get3A_1041 = arith.index_cast %scan3A_985 : i32 to index
      %get3A_1042 = arith.constant 176 : index
      %get3A_1043 = tpu.vector_load %arg4[%get3A_1041, %get3A_1042] {strides = array<i32>} : memref<224x224xf32, #tpu.memory_space<vmem>>, vector<1x16xf32>,
      %get3A_1044 = vector.shape_cast %get3A_1043 : vector<1x16xf32> to vector<16xf32>
      %add3A_1045 = arith.addf %add3A_1040, %get3A_1044 : vector<16xf32>
      %get3A_1046 = arith.index_cast %scan3A_985 : i32 to index
      %get3A_1047 = arith.constant 192 : index
      %get3A_1048 = tpu.vector_load %arg4[%get3A_1046, %get3A_1047] {strides = array<i32>} : memref<224x224xf32, #tpu.memory_space<vmem>>, vector<1x16xf32>,
      %get3A_1049 = vector.shape_cast %get3A_1048 : vector<1x16xf32> to vector<16xf32>
      %add3A_1050 = arith.addf %add3A_1045, %get3A_1049 : vector<16xf32>
      %get3A_1051 = arith.index_cast %scan3A_985 : i32 to index
      %get3A_1052 = arith.constant 208 : index
      %get3A_1053 = tpu.vector_load %arg4[%get3A_1051, %get3A_1052] {strides = array<i32>} : memref<224x224xf32, #tpu.memory_space<vmem>>, vector<1x16xf32>,
      %get3A_1054 = vector.shape_cast %get3A_1053 : vector<1x16xf32> to vector<16xf32>
      %add3A_1055 = arith.addf %add3A_1050, %get3A_1054 : vector<16xf32>
      scf.yield %add3A_1055 : vector<16xf32>
    }
    %scan3A_36 = arith.constant 224 : i32
    %xor3A = arith.constant 8 : i32
    %xor3A_37 = vector.broadcast %xor3A : i32 to vector<16xi32>
    %xor3A_38 = arith.xori %iota3A, %xor3A_37 : vector<16xi32>
    %reshape3A = vector.shape_cast %xor3A_38 : vector<16xi32> to vector<16x1xi32>
    %gather3A = vector.shape_cast %reshape3A : vector<16x1xi32> to vector<16xi32>
    %gather3A_39 = tpu.dynamic_gather %scan3A_35[%gather3A] in [0] : vector<16xf32>, vector<16xi32> -> vector<16xf32>
    %add3A_40 = arith.addf %scan3A_35, %gather3A_39 : vector<16xf32>
    %xor3A_41 = arith.constant 4 : i32
    %xor3A_42 = vector.broadcast %xor3A_41 : i32 to vector<16xi32>
    %xor3A_43 = arith.xori %iota3A, %xor3A_42 : vector<16xi32>
    %reshape3A_44 = vector.shape_cast %xor3A_43 : vector<16xi32> to vector<16x1xi32>
    %gather3A_45 = vector.shape_cast %reshape3A_44 : vector<16x1xi32> to vector<16xi32>
    %gather3A_46 = tpu.dynamic_gather %add3A_40[%gather3A_45] in [0] : vector<16xf32>, vector<16xi32> -> vector<16xf32>
    %add3A_47 = arith.addf %add3A_40, %gather3A_46 : vector<16xf32>
    %xor3A_48 = arith.constant 2 : i32
    %xor3A_49 = vector.broadcast %xor3A_48 : i32 to vector<16xi32>
    %xor3A_50 = arith.xori %iota3A, %xor3A_49 : vector<16xi32>
    %reshape3A_51 = vector.shape_cast %xor3A_50 : vector<16xi32> to vector<16x1xi32>
    %gather3A_52 = vector.shape_cast %reshape3A_51 : vector<16x1xi32> to vector<16xi32>
    %gather3A_53 = tpu.dynamic_gather %add3A_47[%gather3A_52] in [0] : vector<16xf32>, vector<16xi32> -> vector<16xf32>
    %add3A_54 = arith.addf %add3A_47, %gather3A_53 : vector<16xf32>
    %xor3A_55 = arith.constant 1 : i32
    %xor3A_56 = vector.broadcast %xor3A_55 : i32 to vector<16xi32>
    %xor3A_57 = arith.xori %iota3A, %xor3A_56 : vector<16xi32>
    %reshape3A_58 = vector.shape_cast %xor3A_57 : vector<16xi32> to vector<16x1xi32>
    %gather3A_59 = vector.shape_cast %reshape3A_58 : vector<16x1xi32> to vector<16xi32>
    %gather3A_60 = tpu.dynamic_gather %add3A_54[%gather3A_59] in [0] : vector<16xf32>, vector<16xi32> -> vector<16xf32>
    %add3A_61 = arith.addf %add3A_54, %gather3A_60 : vector<16xf32>
    %swap3A = arith.constant 0 : i32
    %swap3A_62 = arith.index_cast %swap3A : i32 to index
    %swap3A_63 = arith.constant 0 : index
    %swap3A_64 = tpu.vector_load %arg6[%swap3A_62, %swap3A_63] {strides = array<i32>} : memref<16x16xf32, #tpu.memory_space<vmem>>, vector<1x16xf32>,
    %swap3A_65 = vector.shape_cast %swap3A_64 : vector<1x16xf32> to vector<16xf32>
    %swap3A_66 = vector.shape_cast %add3A_61 : vector<16xf32> to vector<1x16xf32>
    tpu.vector_store %arg6[%swap3A_62, %swap3A_63], %swap3A_66 {strides = array<i32>} : memref<16x16xf32, #tpu.memory_space<vmem>>, vector<1x16xf32>,
    %add3A_67 = arith.constant 1 : i32
    %add3A_68 = arith.addi %add3A_4, %add3A_67 : i32
    %add3A_69 = arith.constant 1 : i32
    %add3A_70 = arith.addi %add3A_68, %add3A_69 : i32
    %dma_start3A_71 = arith.constant 0 : i32
    %dma_start3A_72 = arith.constant 0 : i32
    %dma_start3A_73 = tpu.memref_slice %arg2[%add3A_70, %dma_start3A_71, %dma_start3A_72] : memref<1536x224x224xf32, #tpu.memory_space<hbm>> -> memref<1x224x224xf32, #tpu.memory_space<hbm>>
    %dma_start3A_74 = tpu.memref_squeeze %dma_start3A_73 : memref<1x224x224xf32, #tpu.memory_space<hbm>> -> memref<224x224xf32, #tpu.memory_space<hbm>>
    %dma_start3A_75 = arith.constant 0 : i32
    %dma_start3A_76 = arith.constant 0 : i32
    %dma_start3A_77 = tpu.memref_slice %arg2[%add3A_70, %dma_start3A_75, %dma_start3A_76] : memref<1536x224x224xf32, #tpu.memory_space<hbm>> -> memref<1x224x224xf32, #tpu.memory_space<hbm>>
    %dma_start3A_78 = tpu.memref_squeeze %dma_start3A_77 : memref<1x224x224xf32, #tpu.memory_space<hbm>> -> memref<224x224xf32, #tpu.memory_space<hbm>>
    tpu.enqueue_dma source(%dma_start3A_78 : memref<224x224xf32, #tpu.memory_space<hbm>>) target(%arg4 : memref<224x224xf32, #tpu.memory_space<vmem>>) target_semaphore(%arg7 : memref<!tpu.dma_semaphore, #tpu.memory_space<semaphore_mem>>)
    %dma_wait3A_79 = arith.constant 0 : i32
    %dma_wait3A_80 = arith.constant 0 : i32
    %dma_wait3A_81 = tpu.memref_slice %arg2[%add3A_15, %dma_wait3A_79, %dma_wait3A_80] : memref<1536x224x224xf32, #tpu.memory_space<hbm>> -> memref<1x224x224xf32, #tpu.memory_space<hbm>>
    %dma_wait3A_82 = tpu.memref_squeeze %dma_wait3A_81 : memref<1x224x224xf32, #tpu.memory_space<hbm>> -> memref<224x224xf32, #tpu.memory_space<hbm>>
    %dma_wait3A_83 = arith.constant 0 : i32
    %dma_wait3A_84 = arith.constant 0 : i32
    %dma_wait3A_85 = tpu.memref_slice %arg2[%add3A_15, %dma_wait3A_83, %dma_wait3A_84] : memref<1536x224x224xf32, #tpu.memory_space<hbm>> -> memref<1x224x224xf32, #tpu.memory_space<hbm>>
    %dma_wait3A_86 = tpu.memref_squeeze %dma_wait3A_85 : memref<1x224x224xf32, #tpu.memory_space<hbm>> -> memref<224x224xf32, #tpu.memory_space<hbm>>
    tpu.wait_dma2 semaphore(%arg8 : memref<!tpu.dma_semaphore, #tpu.memory_space<semaphore_mem>>) src(%dma_wait3A_86 : memref<224x224xf32, #tpu.memory_space<hbm>>) dst(%arg5 : memref<224x224xf32, #tpu.memory_space<vmem>>)
    %broadcast_in_dim3A_87 = arith.constant 0.000000e+00 : f32
    %broadcast_in_dim3A_88 = vector.broadcast %broadcast_in_dim3A_87 : f32 to vector<16xf32>
    %scan3A_89 = arith.constant 0 : i32
    %scan3A_90 = arith.constant 224 : i32
    %scan3A_91 = arith.addi %scan3A_89, %scan3A_90 : i32
    %scan3A_92 = arith.constant 1 : i32
    %scan3A_93 = scf.for %scan3A_985 = %scan3A_89 to %scan3A_91 step %scan3A_92 iter_args(%scan3A_986 = %broadcast_in_dim3A_88) -> (vector<16xf32>)  : i32 {
      %get3A = arith.index_cast %scan3A_985 : i32 to index
      %get3A_987 = arith.constant 0 : index
      %get3A_988 = tpu.vector_load %arg5[%get3A, %get3A_987] {strides = array<i32>} : memref<224x224xf32, #tpu.memory_space<vmem>>, vector<1x16xf32>,
      %get3A_989 = vector.shape_cast %get3A_988 : vector<1x16xf32> to vector<16xf32>
      %add3A_990 = arith.addf %scan3A_986, %get3A_989 : vector<16xf32>
      %get3A_991 = arith.index_cast %scan3A_985 : i32 to index
      %get3A_992 = arith.constant 16 : index
      %get3A_993 = tpu.vector_load %arg5[%get3A_991, %get3A_992] {strides = array<i32>} : memref<224x224xf32, #tpu.memory_space<vmem>>, vector<1x16xf32>,
      %get3A_994 = vector.shape_cast %get3A_993 : vector<1x16xf32> to vector<16xf32>
      %add3A_995 = arith.addf %add3A_990, %get3A_994 : vector<16xf32>
      %get3A_996 = arith.index_cast %scan3A_985 : i32 to index
      %get3A_997 = arith.constant 32 : index
      %get3A_998 = tpu.vector_load %arg5[%get3A_996, %get3A_997] {strides = array<i32>} : memref<224x224xf32, #tpu.memory_space<vmem>>, vector<1x16xf32>,
      %get3A_999 = vector.shape_cast %get3A_998 : vector<1x16xf32> to vector<16xf32>
      %add3A_1000 = arith.addf %add3A_995, %get3A_999 : vector<16xf32>
      %get3A_1001 = arith.index_cast %scan3A_985 : i32 to index
      %get3A_1002 = arith.constant 48 : index
      %get3A_1003 = tpu.vector_load %arg5[%get3A_1001, %get3A_1002] {strides = array<i32>} : memref<224x224xf32, #tpu.memory_space<vmem>>, vector<1x16xf32>,
      %get3A_1004 = vector.shape_cast %get3A_1003 : vector<1x16xf32> to vector<16xf32>
      %add3A_1005 = arith.addf %add3A_1000, %get3A_1004 : vector<16xf32>
      %get3A_1006 = arith.index_cast %scan3A_985 : i32 to index
      %get3A_1007 = arith.constant 64 : index
      %get3A_1008 = tpu.vector_load %arg5[%get3A_1006, %get3A_1007] {strides = array<i32>} : memref<224x224xf32, #tpu.memory_space<vmem>>, vector<1x16xf32>,
      %get3A_1009 = vector.shape_cast %get3A_1008 : vector<1x16xf32> to vector<16xf32>
      %add3A_1010 = arith.addf %add3A_1005, %get3A_1009 : vector<16xf32>
      %get3A_1011 = arith.index_cast %scan3A_985 : i32 to index
      %get3A_1012 = arith.constant 80 : index
      %get3A_1013 = tpu.vector_load %arg5[%get3A_1011, %get3A_1012] {strides = array<i32>} : memref<224x224xf32, #tpu.memory_space<vmem>>, vector<1x16xf32>,
      %get3A_1014 = vector.shape_cast %get3A_1013 : vector<1x16xf32> to vector<16xf32>
      %add3A_1015 = arith.addf %add3A_1010, %get3A_1014 : vector<16xf32>
      %get3A_1016 = arith.index_cast %scan3A_985 : i32 to index
      %get3A_1017 = arith.constant 96 : index
      %get3A_1018 = tpu.vector_load %arg5[%get3A_1016, %get3A_1017] {strides = array<i32>} : memref<224x224xf32, #tpu.memory_space<vmem>>, vector<1x16xf32>,
      %get3A_1019 = vector.shape_cast %get3A_1018 : vector<1x16xf32> to vector<16xf32>
      %add3A_1020 = arith.addf %add3A_1015, %get3A_1019 : vector<16xf32>
      %get3A_1021 = arith.index_cast %scan3A_985 : i32 to index
      %get3A_1022 = arith.constant 112 : index
      %get3A_1023 = tpu.vector_load %arg5[%get3A_1021, %get3A_1022] {strides = array<i32>} : memref<224x224xf32, #tpu.memory_space<vmem>>, vector<1x16xf32>,
      %get3A_1024 = vector.shape_cast %get3A_1023 : vector<1x16xf32> to vector<16xf32>
      %add3A_1025 = arith.addf %add3A_1020, %get3A_1024 : vector<16xf32>
      %get3A_1026 = arith.index_cast %scan3A_985 : i32 to index
      %get3A_1027 = arith.constant 128 : index
      %get3A_1028 = tpu.vector_load %arg5[%get3A_1026, %get3A_1027] {strides = array<i32>} : memref<224x224xf32, #tpu.memory_space<vmem>>, vector<1x16xf32>,
      %get3A_1029 = vector.shape_cast %get3A_1028 : vector<1x16xf32> to vector<16xf32>
      %add3A_1030 = arith.addf %add3A_1025, %get3A_1029 : vector<16xf32>
      %get3A_1031 = arith.index_cast %scan3A_985 : i32 to index
      %get3A_1032 = arith.constant 144 : index
      %get3A_1033 = tpu.vector_load %arg5[%get3A_1031, %get3A_1032] {strides = array<i32>} : memref<224x224xf32, #tpu.memory_space<vmem>>, vector<1x16xf32>,
      %get3A_1034 = vector.shape_cast %get3A_1033 : vector<1x16xf32> to vector<16xf32>
      %add3A_1035 = arith.addf %add3A_1030, %get3A_1034 : vector<16xf32>
      %get3A_1036 = arith.index_cast %scan3A_985 : i32 to index
      %get3A_1037 = arith.constant 160 : index
      %get3A_1038 = tpu.vector_load %arg5[%get3A_1036, %get3A_1037] {strides = array<i32>} : memref<224x224xf32, #tpu.memory_space<vmem>>, vector<1x16xf32>,
      %get3A_1039 = vector.shape_cast %get3A_1038 : vector<1x16xf32> to vector<16xf32>
      %add3A_1040 = arith.addf %add3A_1035, %get3A_1039 : vector<16xf32>
      %get3A_1041 = arith.index_cast %scan3A_985 : i32 to index
      %get3A_1042 = arith.constant 176 : index
      %get3A_1043 = tpu.vector_load %arg5[%get3A_1041, %get3A_1042] {strides = array<i32>} : memref<224x224xf32, #tpu.memory_space<vmem>>, vector<1x16xf32>,
      %get3A_1044 = vector.shape_cast %get3A_1043 : vector<1x16xf32> to vector<16xf32>
      %add3A_1045 = arith.addf %add3A_1040, %get3A_1044 : vector<16xf32>
      %get3A_1046 = arith.index_cast %scan3A_985 : i32 to index
      %get3A_1047 = arith.constant 192 : index
      %get3A_1048 = tpu.vector_load %arg5[%get3A_1046, %get3A_1047] {strides = array<i32>} : memref<224x224xf32, #tpu.memory_space<vmem>>, vector<1x16xf32>,
      %get3A_1049 = vector.shape_cast %get3A_1048 : vector<1x16xf32> to vector<16xf32>
      %add3A_1050 = arith.addf %add3A_1045, %get3A_1049 : vector<16xf32>
      %get3A_1051 = arith.index_cast %scan3A_985 : i32 to index
      %get3A_1052 = arith.constant 208 : index
      %get3A_1053 = tpu.vector_load %arg5[%get3A_1051, %get3A_1052] {strides = array<i32>} : memref<224x224xf32, #tpu.memory_space<vmem>>, vector<1x16xf32>,
      %get3A_1054 = vector.shape_cast %get3A_1053 : vector<1x16xf32> to vector<16xf32>
      %add3A_1055 = arith.addf %add3A_1050, %get3A_1054 : vector<16xf32>
      scf.yield %add3A_1055 : vector<16xf32>
    }
    %scan3A_94 = arith.constant 224 : i32
    %xor3A_95 = arith.constant 8 : i32
    %xor3A_96 = vector.broadcast %xor3A_95 : i32 to vector<16xi32>
    %xor3A_97 = arith.xori %iota3A, %xor3A_96 : vector<16xi32>
    %reshape3A_98 = vector.shape_cast %xor3A_97 : vector<16xi32> to vector<16x1xi32>
    %gather3A_99 = vector.shape_cast %reshape3A_98 : vector<16x1xi32> to vector<16xi32>
    %gather3A_100 = tpu.dynamic_gather %scan3A_93[%gather3A_99] in [0] : vector<16xf32>, vector<16xi32> -> vector<16xf32>
    %add3A_101 = arith.addf %scan3A_93, %gather3A_100 : vector<16xf32>
    %xor3A_102 = arith.constant 4 : i32
    %xor3A_103 = vector.broadcast %xor3A_102 : i32 to vector<16xi32>
    %xor3A_104 = arith.xori %iota3A, %xor3A_103 : vector<16xi32>
    %reshape3A_105 = vector.shape_cast %xor3A_104 : vector<16xi32> to vector<16x1xi32>
    %gather3A_106 = vector.shape_cast %reshape3A_105 : vector<16x1xi32> to vector<16xi32>
    %gather3A_107 = tpu.dynamic_gather %add3A_101[%gather3A_106] in [0] : vector<16xf32>, vector<16xi32> -> vector<16xf32>
    %add3A_108 = arith.addf %add3A_101, %gather3A_107 : vector<16xf32>
    %xor3A_109 = arith.constant 2 : i32
    %xor3A_110 = vector.broadcast %xor3A_109 : i32 to vector<16xi32>
    %xor3A_111 = arith.xori %iota3A, %xor3A_110 : vector<16xi32>
    %reshape3A_112 = vector.shape_cast %xor3A_111 : vector<16xi32> to vector<16x1xi32>
    %gather3A_113 = vector.shape_cast %reshape3A_112 : vector<16x1xi32> to vector<16xi32>
    %gather3A_114 = tpu.dynamic_gather %add3A_108[%gather3A_113] in [0] : vector<16xf32>, vector<16xi32> -> vector<16xf32>
    %add3A_115 = arith.addf %add3A_108, %gather3A_114 : vector<16xf32>
    %xor3A_116 = arith.constant 1 : i32
    %xor3A_117 = vector.broadcast %xor3A_116 : i32 to vector<16xi32>
    %xor3A_118 = arith.xori %iota3A, %xor3A_117 : vector<16xi32>
    %reshape3A_119 = vector.shape_cast %xor3A_118 : vector<16xi32> to vector<16x1xi32>
    %gather3A_120 = vector.shape_cast %reshape3A_119 : vector<16x1xi32> to vector<16xi32>
    %gather3A_121 = tpu.dynamic_gather %add3A_115[%gather3A_120] in [0] : vector<16xf32>, vector<16xi32> -> vector<16xf32>
    %add3A_122 = arith.addf %add3A_115, %gather3A_121 : vector<16xf32>
    %swap3A_123 = arith.constant 1 : i32
    %swap3A_124 = arith.index_cast %swap3A_123 : i32 to index
    %swap3A_125 = arith.constant 0 : index
    %swap3A_126 = tpu.vector_load %arg6[%swap3A_124, %swap3A_125] {strides = array<i32>} : memref<16x16xf32, #tpu.memory_space<vmem>>, vector<1x16xf32>,
    %swap3A_127 = vector.shape_cast %swap3A_126 : vector<1x16xf32> to vector<16xf32>
    %swap3A_128 = vector.shape_cast %add3A_122 : vector<16xf32> to vector<1x16xf32>
    tpu.vector_store %arg6[%swap3A_124, %swap3A_125], %swap3A_128 {strides = array<i32>} : memref<16x16xf32, #tpu.memory_space<vmem>>, vector<1x16xf32>,
    %add3A_129 = arith.constant 2 : i32
    %add3A_130 = arith.addi %add3A_4, %add3A_129 : i32
    %add3A_131 = arith.constant 1 : i32
    %add3A_132 = arith.addi %add3A_130, %add3A_131 : i32
    %dma_start3A_133 = arith.constant 0 : i32
    %dma_start3A_134 = arith.constant 0 : i32
    %dma_start3A_135 = tpu.memref_slice %arg2[%add3A_132, %dma_start3A_133, %dma_start3A_134] : memref<1536x224x224xf32, #tpu.memory_space<hbm>> -> memref<1x224x224xf32, #tpu.memory_space<hbm>>
    %dma_start3A_136 = tpu.memref_squeeze %dma_start3A_135 : memref<1x224x224xf32, #tpu.memory_space<hbm>> -> memref<224x224xf32, #tpu.memory_space<hbm>>
    %dma_start3A_137 = arith.constant 0 : i32
    %dma_start3A_138 = arith.constant 0 : i32
    %dma_start3A_139 = tpu.memref_slice %arg2[%add3A_132, %dma_start3A_137, %dma_start3A_138] : memref<1536x224x224xf32, #tpu.memory_space<hbm>> -> memref<1x224x224xf32, #tpu.memory_space<hbm>>
    %dma_start3A_140 = tpu.memref_squeeze %dma_start3A_139 : memref<1x224x224xf32, #tpu.memory_space<hbm>> -> memref<224x224xf32, #tpu.memory_space<hbm>>
    tpu.enqueue_dma source(%dma_start3A_140 : memref<224x224xf32, #tpu.memory_space<hbm>>) target(%arg5 : memref<224x224xf32, #tpu.memory_space<vmem>>) target_semaphore(%arg8 : memref<!tpu.dma_semaphore, #tpu.memory_space<semaphore_mem>>)
    %dma_wait3A_141 = arith.constant 0 : i32
    %dma_wait3A_142 = arith.constant 0 : i32
    %dma_wait3A_143 = tpu.memref_slice %arg2[%add3A_70, %dma_wait3A_141, %dma_wait3A_142] : memref<1536x224x224xf32, #tpu.memory_space<hbm>> -> memref<1x224x224xf32, #tpu.memory_space<hbm>>
    %dma_wait3A_144 = tpu.memref_squeeze %dma_wait3A_143 : memref<1x224x224xf32, #tpu.memory_space<hbm>> -> memref<224x224xf32, #tpu.memory_space<hbm>>
    %dma_wait3A_145 = arith.constant 0 : i32
    %dma_wait3A_146 = arith.constant 0 : i32
    %dma_wait3A_147 = tpu.memref_slice %arg2[%add3A_70, %dma_wait3A_145, %dma_wait3A_146] : memref<1536x224x224xf32, #tpu.memory_space<hbm>> -> memref<1x224x224xf32, #tpu.memory_space<hbm>>
    %dma_wait3A_148 = tpu.memref_squeeze %dma_wait3A_147 : memref<1x224x224xf32, #tpu.memory_space<hbm>> -> memref<224x224xf32, #tpu.memory_space<hbm>>
    tpu.wait_dma2 semaphore(%arg7 : memref<!tpu.dma_semaphore, #tpu.memory_space<semaphore_mem>>) src(%dma_wait3A_148 : memref<224x224xf32, #tpu.memory_space<hbm>>) dst(%arg4 : memref<224x224xf32, #tpu.memory_space<vmem>>)
    %broadcast_in_dim3A_149 = arith.constant 0.000000e+00 : f32
    %broadcast_in_dim3A_150 = vector.broadcast %broadcast_in_dim3A_149 : f32 to vector<16xf32>
    %scan3A_151 = arith.constant 0 : i32
    %scan3A_152 = arith.constant 224 : i32
    %scan3A_153 = arith.addi %scan3A_151, %scan3A_152 : i32
    %scan3A_154 = arith.constant 1 : i32
    %scan3A_155 = scf.for %scan3A_985 = %scan3A_151 to %scan3A_153 step %scan3A_154 iter_args(%scan3A_986 = %broadcast_in_dim3A_150) -> (vector<16xf32>)  : i32 {
      %get3A = arith.index_cast %scan3A_985 : i32 to index
      %get3A_987 = arith.constant 0 : index
      %get3A_988 = tpu.vector_load %arg4[%get3A, %get3A_987] {strides = array<i32>} : memref<224x224xf32, #tpu.memory_space<vmem>>, vector<1x16xf32>,
      %get3A_989 = vector.shape_cast %get3A_988 : vector<1x16xf32> to vector<16xf32>
      %add3A_990 = arith.addf %scan3A_986, %get3A_989 : vector<16xf32>
      %get3A_991 = arith.index_cast %scan3A_985 : i32 to index
      %get3A_992 = arith.constant 16 : index
      %get3A_993 = tpu.vector_load %arg4[%get3A_991, %get3A_992] {strides = array<i32>} : memref<224x224xf32, #tpu.memory_space<vmem>>, vector<1x16xf32>,
      %get3A_994 = vector.shape_cast %get3A_993 : vector<1x16xf32> to vector<16xf32>
      %add3A_995 = arith.addf %add3A_990, %get3A_994 : vector<16xf32>
      %get3A_996 = arith.index_cast %scan3A_985 : i32 to index
      %get3A_997 = arith.constant 32 : index
      %get3A_998 = tpu.vector_load %arg4[%get3A_996, %get3A_997] {strides = array<i32>} : memref<224x224xf32, #tpu.memory_space<vmem>>, vector<1x16xf32>,
      %get3A_999 = vector.shape_cast %get3A_998 : vector<1x16xf32> to vector<16xf32>
      %add3A_1000 = arith.addf %add3A_995, %get3A_999 : vector<16xf32>
      %get3A_1001 = arith.index_cast %scan3A_985 : i32 to index
      %get3A_1002 = arith.constant 48 : index
      %get3A_1003 = tpu.vector_load %arg4[%get3A_1001, %get3A_1002] {strides = array<i32>} : memref<224x224xf32, #tpu.memory_space<vmem>>, vector<1x16xf32>,
      %get3A_1004 = vector.shape_cast %get3A_1003 : vector<1x16xf32> to vector<16xf32>
      %add3A_1005 = arith.addf %add3A_1000, %get3A_1004 : vector<16xf32>
      %get3A_1006 = arith.index_cast %scan3A_985 : i32 to index
      %get3A_1007 = arith.constant 64 : index
      %get3A_1008 = tpu.vector_load %arg4[%get3A_1006, %get3A_1007] {strides = array<i32>} : memref<224x224xf32, #tpu.memory_space<vmem>>, vector<1x16xf32>,
      %get3A_1009 = vector.shape_cast %get3A_1008 : vector<1x16xf32> to vector<16xf32>
      %add3A_1010 = arith.addf %add3A_1005, %get3A_1009 : vector<16xf32>
      %get3A_1011 = arith.index_cast %scan3A_985 : i32 to index
      %get3A_1012 = arith.constant 80 : index
      %get3A_1013 = tpu.vector_load %arg4[%get3A_1011, %get3A_1012] {strides = array<i32>} : memref<224x224xf32, #tpu.memory_space<vmem>>, vector<1x16xf32>,
      %get3A_1014 = vector.shape_cast %get3A_1013 : vector<1x16xf32> to vector<16xf32>
      %add3A_1015 = arith.addf %add3A_1010, %get3A_1014 : vector<16xf32>
      %get3A_1016 = arith.index_cast %scan3A_985 : i32 to index
      %get3A_1017 = arith.constant 96 : index
      %get3A_1018 = tpu.vector_load %arg4[%get3A_1016, %get3A_1017] {strides = array<i32>} : memref<224x224xf32, #tpu.memory_space<vmem>>, vector<1x16xf32>,
      %get3A_1019 = vector.shape_cast %get3A_1018 : vector<1x16xf32> to vector<16xf32>
      %add3A_1020 = arith.addf %add3A_1015, %get3A_1019 : vector<16xf32>
      %get3A_1021 = arith.index_cast %scan3A_985 : i32 to index
      %get3A_1022 = arith.constant 112 : index
      %get3A_1023 = tpu.vector_load %arg4[%get3A_1021, %get3A_1022] {strides = array<i32>} : memref<224x224xf32, #tpu.memory_space<vmem>>, vector<1x16xf32>,
      %get3A_1024 = vector.shape_cast %get3A_1023 : vector<1x16xf32> to vector<16xf32>
      %add3A_1025 = arith.addf %add3A_1020, %get3A_1024 : vector<16xf32>
      %get3A_1026 = arith.index_cast %scan3A_985 : i32 to index
      %get3A_1027 = arith.constant 128 : index
      %get3A_1028 = tpu.vector_load %arg4[%get3A_1026, %get3A_1027] {strides = array<i32>} : memref<224x224xf32, #tpu.memory_space<vmem>>, vector<1x16xf32>,
      %get3A_1029 = vector.shape_cast %get3A_1028 : vector<1x16xf32> to vector<16xf32>
      %add3A_1030 = arith.addf %add3A_1025, %get3A_1029 : vector<16xf32>
      %get3A_1031 = arith.index_cast %scan3A_985 : i32 to index
      %get3A_1032 = arith.constant 144 : index
      %get3A_1033 = tpu.vector_load %arg4[%get3A_1031, %get3A_1032] {strides = array<i32>} : memref<224x224xf32, #tpu.memory_space<vmem>>, vector<1x16xf32>,
      %get3A_1034 = vector.shape_cast %get3A_1033 : vector<1x16xf32> to vector<16xf32>
      %add3A_1035 = arith.addf %add3A_1030, %get3A_1034 : vector<16xf32>
      %get3A_1036 = arith.index_cast %scan3A_985 : i32 to index
      %get3A_1037 = arith.constant 160 : index
      %get3A_1038 = tpu.vector_load %arg4[%get3A_1036, %get3A_1037] {strides = array<i32>} : memref<224x224xf32, #tpu.memory_space<vmem>>, vector<1x16xf32>,
      %get3A_1039 = vector.shape_cast %get3A_1038 : vector<1x16xf32> to vector<16xf32>
      %add3A_1040 = arith.addf %add3A_1035, %get3A_1039 : vector<16xf32>
      %get3A_1041 = arith.index_cast %scan3A_985 : i32 to index
      %get3A_1042 = arith.constant 176 : index
      %get3A_1043 = tpu.vector_load %arg4[%get3A_1041, %get3A_1042] {strides = array<i32>} : memref<224x224xf32, #tpu.memory_space<vmem>>, vector<1x16xf32>,
      %get3A_1044 = vector.shape_cast %get3A_1043 : vector<1x16xf32> to vector<16xf32>
      %add3A_1045 = arith.addf %add3A_1040, %get3A_1044 : vector<16xf32>
      %get3A_1046 = arith.index_cast %scan3A_985 : i32 to index
      %get3A_1047 = arith.constant 192 : index
      %get3A_1048 = tpu.vector_load %arg4[%get3A_1046, %get3A_1047] {strides = array<i32>} : memref<224x224xf32, #tpu.memory_space<vmem>>, vector<1x16xf32>,
      %get3A_1049 = vector.shape_cast %get3A_1048 : vector<1x16xf32> to vector<16xf32>
      %add3A_1050 = arith.addf %add3A_1045, %get3A_1049 : vector<16xf32>
      %get3A_1051 = arith.index_cast %scan3A_985 : i32 to index
      %get3A_1052 = arith.constant 208 : index
      %get3A_1053 = tpu.vector_load %arg4[%get3A_1051, %get3A_1052] {strides = array<i32>} : memref<224x224xf32, #tpu.memory_space<vmem>>, vector<1x16xf32>,
      %get3A_1054 = vector.shape_cast %get3A_1053 : vector<1x16xf32> to vector<16xf32>
      %add3A_1055 = arith.addf %add3A_1050, %get3A_1054 : vector<16xf32>
      scf.yield %add3A_1055 : vector<16xf32>
    }
    %scan3A_156 = arith.constant 224 : i32
    %xor3A_157 = arith.constant 8 : i32
    %xor3A_158 = vector.broadcast %xor3A_157 : i32 to vector<16xi32>
    %xor3A_159 = arith.xori %iota3A, %xor3A_158 : vector<16xi32>
    %reshape3A_160 = vector.shape_cast %xor3A_159 : vector<16xi32> to vector<16x1xi32>
    %gather3A_161 = vector.shape_cast %reshape3A_160 : vector<16x1xi32> to vector<16xi32>
    %gather3A_162 = tpu.dynamic_gather %scan3A_155[%gather3A_161] in [0] : vector<16xf32>, vector<16xi32> -> vector<16xf32>
    %add3A_163 = arith.addf %scan3A_155, %gather3A_162 : vector<16xf32>
    %xor3A_164 = arith.constant 4 : i32
    %xor3A_165 = vector.broadcast %xor3A_164 : i32 to vector<16xi32>
    %xor3A_166 = arith.xori %iota3A, %xor3A_165 : vector<16xi32>
    %reshape3A_167 = vector.shape_cast %xor3A_166 : vector<16xi32> to vector<16x1xi32>
    %gather3A_168 = vector.shape_cast %reshape3A_167 : vector<16x1xi32> to vector<16xi32>
    %gather3A_169 = tpu.dynamic_gather %add3A_163[%gather3A_168] in [0] : vector<16xf32>, vector<16xi32> -> vector<16xf32>
    %add3A_170 = arith.addf %add3A_163, %gather3A_169 : vector<16xf32>
    %xor3A_171 = arith.constant 2 : i32
    %xor3A_172 = vector.broadcast %xor3A_171 : i32 to vector<16xi32>
    %xor3A_173 = arith.xori %iota3A, %xor3A_172 : vector<16xi32>
    %reshape3A_174 = vector.shape_cast %xor3A_173 : vector<16xi32> to vector<16x1xi32>
    %gather3A_175 = vector.shape_cast %reshape3A_174 : vector<16x1xi32> to vector<16xi32>
    %gather3A_176 = tpu.dynamic_gather %add3A_170[%gather3A_175] in [0] : vector<16xf32>, vector<16xi32> -> vector<16xf32>
    %add3A_177 = arith.addf %add3A_170, %gather3A_176 : vector<16xf32>
    %xor3A_178 = arith.constant 1 : i32
    %xor3A_179 = vector.broadcast %xor3A_178 : i32 to vector<16xi32>
    %xor3A_180 = arith.xori %iota3A, %xor3A_179 : vector<16xi32>
    %reshape3A_181 = vector.shape_cast %xor3A_180 : vector<16xi32> to vector<16x1xi32>
    %gather3A_182 = vector.shape_cast %reshape3A_181 : vector<16x1xi32> to vector<16xi32>
    %gather3A_183 = tpu.dynamic_gather %add3A_177[%gather3A_182] in [0] : vector<16xf32>, vector<16xi32> -> vector<16xf32>
    %add3A_184 = arith.addf %add3A_177, %gather3A_183 : vector<16xf32>
    %swap3A_185 = arith.constant 2 : i32
    %swap3A_186 = arith.index_cast %swap3A_185 : i32 to index
    %swap3A_187 = arith.constant 0 : index
    %swap3A_188 = tpu.vector_load %arg6[%swap3A_186, %swap3A_187] {strides = array<i32>} : memref<16x16xf32, #tpu.memory_space<vmem>>, vector<1x16xf32>,
    %swap3A_189 = vector.shape_cast %swap3A_188 : vector<1x16xf32> to vector<16xf32>
    %swap3A_190 = vector.shape_cast %add3A_184 : vector<16xf32> to vector<1x16xf32>
    tpu.vector_store %arg6[%swap3A_186, %swap3A_187], %swap3A_190 {strides = array<i32>} : memref<16x16xf32, #tpu.memory_space<vmem>>, vector<1x16xf32>,
    %add3A_191 = arith.constant 3 : i32
    %add3A_192 = arith.addi %add3A_4, %add3A_191 : i32
    %add3A_193 = arith.constant 1 : i32
    %add3A_194 = arith.addi %add3A_192, %add3A_193 : i32
    %dma_start3A_195 = arith.constant 0 : i32
    %dma_start3A_196 = arith.constant 0 : i32
    %dma_start3A_197 = tpu.memref_slice %arg2[%add3A_194, %dma_start3A_195, %dma_start3A_196] : memref<1536x224x224xf32, #tpu.memory_space<hbm>> -> memref<1x224x224xf32, #tpu.memory_space<hbm>>
    %dma_start3A_198 = tpu.memref_squeeze %dma_start3A_197 : memref<1x224x224xf32, #tpu.memory_space<hbm>> -> memref<224x224xf32, #tpu.memory_space<hbm>>
    %dma_start3A_199 = arith.constant 0 : i32
    %dma_start3A_200 = arith.constant 0 : i32
    %dma_start3A_201 = tpu.memref_slice %arg2[%add3A_194, %dma_start3A_199, %dma_start3A_200] : memref<1536x224x224xf32, #tpu.memory_space<hbm>> -> memref<1x224x224xf32, #tpu.memory_space<hbm>>
    %dma_start3A_202 = tpu.memref_squeeze %dma_start3A_201 : memref<1x224x224xf32, #tpu.memory_space<hbm>> -> memref<224x224xf32, #tpu.memory_space<hbm>>
    tpu.enqueue_dma source(%dma_start3A_202 : memref<224x224xf32, #tpu.memory_space<hbm>>) target(%arg4 : memref<224x224xf32, #tpu.memory_space<vmem>>) target_semaphore(%arg7 : memref<!tpu.dma_semaphore, #tpu.memory_space<semaphore_mem>>)
    %dma_wait3A_203 = arith.constant 0 : i32
    %dma_wait3A_204 = arith.constant 0 : i32
    %dma_wait3A_205 = tpu.memref_slice %arg2[%add3A_132, %dma_wait3A_203, %dma_wait3A_204] : memref<1536x224x224xf32, #tpu.memory_space<hbm>> -> memref<1x224x224xf32, #tpu.memory_space<hbm>>
    %dma_wait3A_206 = tpu.memref_squeeze %dma_wait3A_205 : memref<1x224x224xf32, #tpu.memory_space<hbm>> -> memref<224x224xf32, #tpu.memory_space<hbm>>
    %dma_wait3A_207 = arith.constant 0 : i32
    %dma_wait3A_208 = arith.constant 0 : i32
    %dma_wait3A_209 = tpu.memref_slice %arg2[%add3A_132, %dma_wait3A_207, %dma_wait3A_208] : memref<1536x224x224xf32, #tpu.memory_space<hbm>> -> memref<1x224x224xf32, #tpu.memory_space<hbm>>
    %dma_wait3A_210 = tpu.memref_squeeze %dma_wait3A_209 : memref<1x224x224xf32, #tpu.memory_space<hbm>> -> memref<224x224xf32, #tpu.memory_space<hbm>>
    tpu.wait_dma2 semaphore(%arg8 : memref<!tpu.dma_semaphore, #tpu.memory_space<semaphore_mem>>) src(%dma_wait3A_210 : memref<224x224xf32, #tpu.memory_space<hbm>>) dst(%arg5 : memref<224x224xf32, #tpu.memory_space<vmem>>)
    %broadcast_in_dim3A_211 = arith.constant 0.000000e+00 : f32
    %broadcast_in_dim3A_212 = vector.broadcast %broadcast_in_dim3A_211 : f32 to vector<16xf32>
    %scan3A_213 = arith.constant 0 : i32
    %scan3A_214 = arith.constant 224 : i32
    %scan3A_215 = arith.addi %scan3A_213, %scan3A_214 : i32
    %scan3A_216 = arith.constant 1 : i32
    %scan3A_217 = scf.for %scan3A_985 = %scan3A_213 to %scan3A_215 step %scan3A_216 iter_args(%scan3A_986 = %broadcast_in_dim3A_212) -> (vector<16xf32>)  : i32 {
      %get3A = arith.index_cast %scan3A_985 : i32 to index
      %get3A_987 = arith.constant 0 : index
      %get3A_988 = tpu.vector_load %arg5[%get3A, %get3A_987] {strides = array<i32>} : memref<224x224xf32, #tpu.memory_space<vmem>>, vector<1x16xf32>,
      %get3A_989 = vector.shape_cast %get3A_988 : vector<1x16xf32> to vector<16xf32>
      %add3A_990 = arith.addf %scan3A_986, %get3A_989 : vector<16xf32>
      %get3A_991 = arith.index_cast %scan3A_985 : i32 to index
      %get3A_992 = arith.constant 16 : index
      %get3A_993 = tpu.vector_load %arg5[%get3A_991, %get3A_992] {strides = array<i32>} : memref<224x224xf32, #tpu.memory_space<vmem>>, vector<1x16xf32>,
      %get3A_994 = vector.shape_cast %get3A_993 : vector<1x16xf32> to vector<16xf32>
      %add3A_995 = arith.addf %add3A_990, %get3A_994 : vector<16xf32>
      %get3A_996 = arith.index_cast %scan3A_985 : i32 to index
      %get3A_997 = arith.constant 32 : index
      %get3A_998 = tpu.vector_load %arg5[%get3A_996, %get3A_997] {strides = array<i32>} : memref<224x224xf32, #tpu.memory_space<vmem>>, vector<1x16xf32>,
      %get3A_999 = vector.shape_cast %get3A_998 : vector<1x16xf32> to vector<16xf32>
      %add3A_1000 = arith.addf %add3A_995, %get3A_999 : vector<16xf32>
      %get3A_1001 = arith.index_cast %scan3A_985 : i32 to index
      %get3A_1002 = arith.constant 48 : index
      %get3A_1003 = tpu.vector_load %arg5[%get3A_1001, %get3A_1002] {strides = array<i32>} : memref<224x224xf32, #tpu.memory_space<vmem>>, vector<1x16xf32>,
      %get3A_1004 = vector.shape_cast %get3A_1003 : vector<1x16xf32> to vector<16xf32>
      %add3A_1005 = arith.addf %add3A_1000, %get3A_1004 : vector<16xf32>
      %get3A_1006 = arith.index_cast %scan3A_985 : i32 to index
      %get3A_1007 = arith.constant 64 : index
      %get3A_1008 = tpu.vector_load %arg5[%get3A_1006, %get3A_1007] {strides = array<i32>} : memref<224x224xf32, #tpu.memory_space<vmem>>, vector<1x16xf32>,
      %get3A_1009 = vector.shape_cast %get3A_1008 : vector<1x16xf32> to vector<16xf32>
      %add3A_1010 = arith.addf %add3A_1005, %get3A_1009 : vector<16xf32>
      %get3A_1011 = arith.index_cast %scan3A_985 : i32 to index
      %get3A_1012 = arith.constant 80 : index
      %get3A_1013 = tpu.vector_load %arg5[%get3A_1011, %get3A_1012] {strides = array<i32>} : memref<224x224xf32, #tpu.memory_space<vmem>>, vector<1x16xf32>,
      %get3A_1014 = vector.shape_cast %get3A_1013 : vector<1x16xf32> to vector<16xf32>
      %add3A_1015 = arith.addf %add3A_1010, %get3A_1014 : vector<16xf32>
      %get3A_1016 = arith.index_cast %scan3A_985 : i32 to index
      %get3A_1017 = arith.constant 96 : index
      %get3A_1018 = tpu.vector_load %arg5[%get3A_1016, %get3A_1017] {strides = array<i32>} : memref<224x224xf32, #tpu.memory_space<vmem>>, vector<1x16xf32>,
      %get3A_1019 = vector.shape_cast %get3A_1018 : vector<1x16xf32> to vector<16xf32>
      %add3A_1020 = arith.addf %add3A_1015, %get3A_1019 : vector<16xf32>
      %get3A_1021 = arith.index_cast %scan3A_985 : i32 to index
      %get3A_1022 = arith.constant 112 : index
      %get3A_1023 = tpu.vector_load %arg5[%get3A_1021, %get3A_1022] {strides = array<i32>} : memref<224x224xf32, #tpu.memory_space<vmem>>, vector<1x16xf32>,
      %get3A_1024 = vector.shape_cast %get3A_1023 : vector<1x16xf32> to vector<16xf32>
      %add3A_1025 = arith.addf %add3A_1020, %get3A_1024 : vector<16xf32>
      %get3A_1026 = arith.index_cast %scan3A_985 : i32 to index
      %get3A_1027 = arith.constant 128 : index
      %get3A_1028 = tpu.vector_load %arg5[%get3A_1026, %get3A_1027] {strides = array<i32>} : memref<224x224xf32, #tpu.memory_space<vmem>>, vector<1x16xf32>,
      %get3A_1029 = vector.shape_cast %get3A_1028 : vector<1x16xf32> to vector<16xf32>
      %add3A_1030 = arith.addf %add3A_1025, %get3A_1029 : vector<16xf32>
      %get3A_1031 = arith.index_cast %scan3A_985 : i32 to index
      %get3A_1032 = arith.constant 144 : index
      %get3A_1033 = tpu.vector_load %arg5[%get3A_1031, %get3A_1032] {strides = array<i32>} : memref<224x224xf32, #tpu.memory_space<vmem>>, vector<1x16xf32>,
      %get3A_1034 = vector.shape_cast %get3A_1033 : vector<1x16xf32> to vector<16xf32>
      %add3A_1035 = arith.addf %add3A_1030, %get3A_1034 : vector<16xf32>
      %get3A_1036 = arith.index_cast %scan3A_985 : i32 to index
      %get3A_1037 = arith.constant 160 : index
      %get3A_1038 = tpu.vector_load %arg5[%get3A_1036, %get3A_1037] {strides = array<i32>} : memref<224x224xf32, #tpu.memory_space<vmem>>, vector<1x16xf32>,
      %get3A_1039 = vector.shape_cast %get3A_1038 : vector<1x16xf32> to vector<16xf32>
      %add3A_1040 = arith.addf %add3A_1035, %get3A_1039 : vector<16xf32>
      %get3A_1041 = arith.index_cast %scan3A_985 : i32 to index
      %get3A_1042 = arith.constant 176 : index
      %get3A_1043 = tpu.vector_load %arg5[%get3A_1041, %get3A_1042] {strides = array<i32>} : memref<224x224xf32, #tpu.memory_space<vmem>>, vector<1x16xf32>,
      %get3A_1044 = vector.shape_cast %get3A_1043 : vector<1x16xf32> to vector<16xf32>
      %add3A_1045 = arith.addf %add3A_1040, %get3A_1044 : vector<16xf32>
      %get3A_1046 = arith.index_cast %scan3A_985 : i32 to index
      %get3A_1047 = arith.constant 192 : index
      %get3A_1048 = tpu.vector_load %arg5[%get3A_1046, %get3A_1047] {strides = array<i32>} : memref<224x224xf32, #tpu.memory_space<vmem>>, vector<1x16xf32>,
      %get3A_1049 = vector.shape_cast %get3A_1048 : vector<1x16xf32> to vector<16xf32>
      %add3A_1050 = arith.addf %add3A_1045, %get3A_1049 : vector<16xf32>
      %get3A_1051 = arith.index_cast %scan3A_985 : i32 to index
      %get3A_1052 = arith.constant 208 : index
      %get3A_1053 = tpu.vector_load %arg5[%get3A_1051, %get3A_1052] {strides = array<i32>} : memref<224x224xf32, #tpu.memory_space<vmem>>, vector<1x16xf32>,
      %get3A_1054 = vector.shape_cast %get3A_1053 : vector<1x16xf32> to vector<16xf32>
      %add3A_1055 = arith.addf %add3A_1050, %get3A_1054 : vector<16xf32>
      scf.yield %add3A_1055 : vector<16xf32>
    }
    %scan3A_218 = arith.constant 224 : i32
    %xor3A_219 = arith.constant 8 : i32
    %xor3A_220 = vector.broadcast %xor3A_219 : i32 to vector<16xi32>
    %xor3A_221 = arith.xori %iota3A, %xor3A_220 : vector<16xi32>
    %reshape3A_222 = vector.shape_cast %xor3A_221 : vector<16xi32> to vector<16x1xi32>
    %gather3A_223 = vector.shape_cast %reshape3A_222 : vector<16x1xi32> to vector<16xi32>
    %gather3A_224 = tpu.dynamic_gather %scan3A_217[%gather3A_223] in [0] : vector<16xf32>, vector<16xi32> -> vector<16xf32>
    %add3A_225 = arith.addf %scan3A_217, %gather3A_224 : vector<16xf32>
    %xor3A_226 = arith.constant 4 : i32
    %xor3A_227 = vector.broadcast %xor3A_226 : i32 to vector<16xi32>
    %xor3A_228 = arith.xori %iota3A, %xor3A_227 : vector<16xi32>
    %reshape3A_229 = vector.shape_cast %xor3A_228 : vector<16xi32> to vector<16x1xi32>
    %gather3A_230 = vector.shape_cast %reshape3A_229 : vector<16x1xi32> to vector<16xi32>
    %gather3A_231 = tpu.dynamic_gather %add3A_225[%gather3A_230] in [0] : vector<16xf32>, vector<16xi32> -> vector<16xf32>
    %add3A_232 = arith.addf %add3A_225, %gather3A_231 : vector<16xf32>
    %xor3A_233 = arith.constant 2 : i32
    %xor3A_234 = vector.broadcast %xor3A_233 : i32 to vector<16xi32>
    %xor3A_235 = arith.xori %iota3A, %xor3A_234 : vector<16xi32>
    %reshape3A_236 = vector.shape_cast %xor3A_235 : vector<16xi32> to vector<16x1xi32>
    %gather3A_237 = vector.shape_cast %reshape3A_236 : vector<16x1xi32> to vector<16xi32>
    %gather3A_238 = tpu.dynamic_gather %add3A_232[%gather3A_237] in [0] : vector<16xf32>, vector<16xi32> -> vector<16xf32>
    %add3A_239 = arith.addf %add3A_232, %gather3A_238 : vector<16xf32>
    %xor3A_240 = arith.constant 1 : i32
    %xor3A_241 = vector.broadcast %xor3A_240 : i32 to vector<16xi32>
    %xor3A_242 = arith.xori %iota3A, %xor3A_241 : vector<16xi32>
    %reshape3A_243 = vector.shape_cast %xor3A_242 : vector<16xi32> to vector<16x1xi32>
    %gather3A_244 = vector.shape_cast %reshape3A_243 : vector<16x1xi32> to vector<16xi32>
    %gather3A_245 = tpu.dynamic_gather %add3A_239[%gather3A_244] in [0] : vector<16xf32>, vector<16xi32> -> vector<16xf32>
    %add3A_246 = arith.addf %add3A_239, %gather3A_245 : vector<16xf32>
    %swap3A_247 = arith.constant 3 : i32
    %swap3A_248 = arith.index_cast %swap3A_247 : i32 to index
    %swap3A_249 = arith.constant 0 : index
    %swap3A_250 = tpu.vector_load %arg6[%swap3A_248, %swap3A_249] {strides = array<i32>} : memref<16x16xf32, #tpu.memory_space<vmem>>, vector<1x16xf32>,
    %swap3A_251 = vector.shape_cast %swap3A_250 : vector<1x16xf32> to vector<16xf32>
    %swap3A_252 = vector.shape_cast %add3A_246 : vector<16xf32> to vector<1x16xf32>
    tpu.vector_store %arg6[%swap3A_248, %swap3A_249], %swap3A_252 {strides = array<i32>} : memref<16x16xf32, #tpu.memory_space<vmem>>, vector<1x16xf32>,
    %add3A_253 = arith.constant 4 : i32
    %add3A_254 = arith.addi %add3A_4, %add3A_253 : i32
    %add3A_255 = arith.constant 1 : i32
    %add3A_256 = arith.addi %add3A_254, %add3A_255 : i32
    %dma_start3A_257 = arith.constant 0 : i32
    %dma_start3A_258 = arith.constant 0 : i32
    %dma_start3A_259 = tpu.memref_slice %arg2[%add3A_256, %dma_start3A_257, %dma_start3A_258] : memref<1536x224x224xf32, #tpu.memory_space<hbm>> -> memref<1x224x224xf32, #tpu.memory_space<hbm>>
    %dma_start3A_260 = tpu.memref_squeeze %dma_start3A_259 : memref<1x224x224xf32, #tpu.memory_space<hbm>> -> memref<224x224xf32, #tpu.memory_space<hbm>>
    %dma_start3A_261 = arith.constant 0 : i32
    %dma_start3A_262 = arith.constant 0 : i32
    %dma_start3A_263 = tpu.memref_slice %arg2[%add3A_256, %dma_start3A_261, %dma_start3A_262] : memref<1536x224x224xf32, #tpu.memory_space<hbm>> -> memref<1x224x224xf32, #tpu.memory_space<hbm>>
    %dma_start3A_264 = tpu.memref_squeeze %dma_start3A_263 : memref<1x224x224xf32, #tpu.memory_space<hbm>> -> memref<224x224xf32, #tpu.memory_space<hbm>>
    tpu.enqueue_dma source(%dma_start3A_264 : memref<224x224xf32, #tpu.memory_space<hbm>>) target(%arg5 : memref<224x224xf32, #tpu.memory_space<vmem>>) target_semaphore(%arg8 : memref<!tpu.dma_semaphore, #tpu.memory_space<semaphore_mem>>)
    %dma_wait3A_265 = arith.constant 0 : i32
    %dma_wait3A_266 = arith.constant 0 : i32
    %dma_wait3A_267 = tpu.memref_slice %arg2[%add3A_194, %dma_wait3A_265, %dma_wait3A_266] : memref<1536x224x224xf32, #tpu.memory_space<hbm>> -> memref<1x224x224xf32, #tpu.memory_space<hbm>>
    %dma_wait3A_268 = tpu.memref_squeeze %dma_wait3A_267 : memref<1x224x224xf32, #tpu.memory_space<hbm>> -> memref<224x224xf32, #tpu.memory_space<hbm>>
    %dma_wait3A_269 = arith.constant 0 : i32
    %dma_wait3A_270 = arith.constant 0 : i32
    %dma_wait3A_271 = tpu.memref_slice %arg2[%add3A_194, %dma_wait3A_269, %dma_wait3A_270] : memref<1536x224x224xf32, #tpu.memory_space<hbm>> -> memref<1x224x224xf32, #tpu.memory_space<hbm>>
    %dma_wait3A_272 = tpu.memref_squeeze %dma_wait3A_271 : memref<1x224x224xf32, #tpu.memory_space<hbm>> -> memref<224x224xf32, #tpu.memory_space<hbm>>
    tpu.wait_dma2 semaphore(%arg7 : memref<!tpu.dma_semaphore, #tpu.memory_space<semaphore_mem>>) src(%dma_wait3A_272 : memref<224x224xf32, #tpu.memory_space<hbm>>) dst(%arg4 : memref<224x224xf32, #tpu.memory_space<vmem>>)
    %broadcast_in_dim3A_273 = arith.constant 0.000000e+00 : f32
    %broadcast_in_dim3A_274 = vector.broadcast %broadcast_in_dim3A_273 : f32 to vector<16xf32>
    %scan3A_275 = arith.constant 0 : i32
    %scan3A_276 = arith.constant 224 : i32
    %scan3A_277 = arith.addi %scan3A_275, %scan3A_276 : i32
    %scan3A_278 = arith.constant 1 : i32
    %scan3A_279 = scf.for %scan3A_985 = %scan3A_275 to %scan3A_277 step %scan3A_278 iter_args(%scan3A_986 = %broadcast_in_dim3A_274) -> (vector<16xf32>)  : i32 {
      %get3A = arith.index_cast %scan3A_985 : i32 to index
      %get3A_987 = arith.constant 0 : index
      %get3A_988 = tpu.vector_load %arg4[%get3A, %get3A_987] {strides = array<i32>} : memref<224x224xf32, #tpu.memory_space<vmem>>, vector<1x16xf32>,
      %get3A_989 = vector.shape_cast %get3A_988 : vector<1x16xf32> to vector<16xf32>
      %add3A_990 = arith.addf %scan3A_986, %get3A_989 : vector<16xf32>
      %get3A_991 = arith.index_cast %scan3A_985 : i32 to index
      %get3A_992 = arith.constant 16 : index
      %get3A_993 = tpu.vector_load %arg4[%get3A_991, %get3A_992] {strides = array<i32>} : memref<224x224xf32, #tpu.memory_space<vmem>>, vector<1x16xf32>,
      %get3A_994 = vector.shape_cast %get3A_993 : vector<1x16xf32> to vector<16xf32>
      %add3A_995 = arith.addf %add3A_990, %get3A_994 : vector<16xf32>
      %get3A_996 = arith.index_cast %scan3A_985 : i32 to index
      %get3A_997 = arith.constant 32 : index
      %get3A_998 = tpu.vector_load %arg4[%get3A_996, %get3A_997] {strides = array<i32>} : memref<224x224xf32, #tpu.memory_space<vmem>>, vector<1x16xf32>,
      %get3A_999 = vector.shape_cast %get3A_998 : vector<1x16xf32> to vector<16xf32>
      %add3A_1000 = arith.addf %add3A_995, %get3A_999 : vector<16xf32>
      %get3A_1001 = arith.index_cast %scan3A_985 : i32 to index
      %get3A_1002 = arith.constant 48 : index
      %get3A_1003 = tpu.vector_load %arg4[%get3A_1001, %get3A_1002] {strides = array<i32>} : memref<224x224xf32, #tpu.memory_space<vmem>>, vector<1x16xf32>,
      %get3A_1004 = vector.shape_cast %get3A_1003 : vector<1x16xf32> to vector<16xf32>
      %add3A_1005 = arith.addf %add3A_1000, %get3A_1004 : vector<16xf32>
      %get3A_1006 = arith.index_cast %scan3A_985 : i32 to index
      %get3A_1007 = arith.constant 64 : index
      %get3A_1008 = tpu.vector_load %arg4[%get3A_1006, %get3A_1007] {strides = array<i32>} : memref<224x224xf32, #tpu.memory_space<vmem>>, vector<1x16xf32>,
      %get3A_1009 = vector.shape_cast %get3A_1008 : vector<1x16xf32> to vector<16xf32>
      %add3A_1010 = arith.addf %add3A_1005, %get3A_1009 : vector<16xf32>
      %get3A_1011 = arith.index_cast %scan3A_985 : i32 to index
      %get3A_1012 = arith.constant 80 : index
      %get3A_1013 = tpu.vector_load %arg4[%get3A_1011, %get3A_1012] {strides = array<i32>} : memref<224x224xf32, #tpu.memory_space<vmem>>, vector<1x16xf32>,
      %get3A_1014 = vector.shape_cast %get3A_1013 : vector<1x16xf32> to vector<16xf32>
      %add3A_1015 = arith.addf %add3A_1010, %get3A_1014 : vector<16xf32>
      %get3A_1016 = arith.index_cast %scan3A_985 : i32 to index
      %get3A_1017 = arith.constant 96 : index
      %get3A_1018 = tpu.vector_load %arg4[%get3A_1016, %get3A_1017] {strides = array<i32>} : memref<224x224xf32, #tpu.memory_space<vmem>>, vector<1x16xf32>,
      %get3A_1019 = vector.shape_cast %get3A_1018 : vector<1x16xf32> to vector<16xf32>
      %add3A_1020 = arith.addf %add3A_1015, %get3A_1019 : vector<16xf32>
      %get3A_1021 = arith.index_cast %scan3A_985 : i32 to index
      %get3A_1022 = arith.constant 112 : index
      %get3A_1023 = tpu.vector_load %arg4[%get3A_1021, %get3A_1022] {strides = array<i32>} : memref<224x224xf32, #tpu.memory_space<vmem>>, vector<1x16xf32>,
      %get3A_1024 = vector.shape_cast %get3A_1023 : vector<1x16xf32> to vector<16xf32>
      %add3A_1025 = arith.addf %add3A_1020, %get3A_1024 : vector<16xf32>
      %get3A_1026 = arith.index_cast %scan3A_985 : i32 to index
      %get3A_1027 = arith.constant 128 : index
      %get3A_1028 = tpu.vector_load %arg4[%get3A_1026, %get3A_1027] {strides = array<i32>} : memref<224x224xf32, #tpu.memory_space<vmem>>, vector<1x16xf32>,
      %get3A_1029 = vector.shape_cast %get3A_1028 : vector<1x16xf32> to vector<16xf32>
      %add3A_1030 = arith.addf %add3A_1025, %get3A_1029 : vector<16xf32>
      %get3A_1031 = arith.index_cast %scan3A_985 : i32 to index
      %get3A_1032 = arith.constant 144 : index
      %get3A_1033 = tpu.vector_load %arg4[%get3A_1031, %get3A_1032] {strides = array<i32>} : memref<224x224xf32, #tpu.memory_space<vmem>>, vector<1x16xf32>,
      %get3A_1034 = vector.shape_cast %get3A_1033 : vector<1x16xf32> to vector<16xf32>
      %add3A_1035 = arith.addf %add3A_1030, %get3A_1034 : vector<16xf32>
      %get3A_1036 = arith.index_cast %scan3A_985 : i32 to index
      %get3A_1037 = arith.constant 160 : index
      %get3A_1038 = tpu.vector_load %arg4[%get3A_1036, %get3A_1037] {strides = array<i32>} : memref<224x224xf32, #tpu.memory_space<vmem>>, vector<1x16xf32>,
      %get3A_1039 = vector.shape_cast %get3A_1038 : vector<1x16xf32> to vector<16xf32>
      %add3A_1040 = arith.addf %add3A_1035, %get3A_1039 : vector<16xf32>
      %get3A_1041 = arith.index_cast %scan3A_985 : i32 to index
      %get3A_1042 = arith.constant 176 : index
      %get3A_1043 = tpu.vector_load %arg4[%get3A_1041, %get3A_1042] {strides = array<i32>} : memref<224x224xf32, #tpu.memory_space<vmem>>, vector<1x16xf32>,
      %get3A_1044 = vector.shape_cast %get3A_1043 : vector<1x16xf32> to vector<16xf32>
      %add3A_1045 = arith.addf %add3A_1040, %get3A_1044 : vector<16xf32>
      %get3A_1046 = arith.index_cast %scan3A_985 : i32 to index
      %get3A_1047 = arith.constant 192 : index
      %get3A_1048 = tpu.vector_load %arg4[%get3A_1046, %get3A_1047] {strides = array<i32>} : memref<224x224xf32, #tpu.memory_space<vmem>>, vector<1x16xf32>,
      %get3A_1049 = vector.shape_cast %get3A_1048 : vector<1x16xf32> to vector<16xf32>
      %add3A_1050 = arith.addf %add3A_1045, %get3A_1049 : vector<16xf32>
      %get3A_1051 = arith.index_cast %scan3A_985 : i32 to index
      %get3A_1052 = arith.constant 208 : index
      %get3A_1053 = tpu.vector_load %arg4[%get3A_1051, %get3A_1052] {strides = array<i32>} : memref<224x224xf32, #tpu.memory_space<vmem>>, vector<1x16xf32>,
      %get3A_1054 = vector.shape_cast %get3A_1053 : vector<1x16xf32> to vector<16xf32>
      %add3A_1055 = arith.addf %add3A_1050, %get3A_1054 : vector<16xf32>
      scf.yield %add3A_1055 : vector<16xf32>
    }
    %scan3A_280 = arith.constant 224 : i32
    %xor3A_281 = arith.constant 8 : i32
    %xor3A_282 = vector.broadcast %xor3A_281 : i32 to vector<16xi32>
    %xor3A_283 = arith.xori %iota3A, %xor3A_282 : vector<16xi32>
    %reshape3A_284 = vector.shape_cast %xor3A_283 : vector<16xi32> to vector<16x1xi32>
    %gather3A_285 = vector.shape_cast %reshape3A_284 : vector<16x1xi32> to vector<16xi32>
    %gather3A_286 = tpu.dynamic_gather %scan3A_279[%gather3A_285] in [0] : vector<16xf32>, vector<16xi32> -> vector<16xf32>
    %add3A_287 = arith.addf %scan3A_279, %gather3A_286 : vector<16xf32>
    %xor3A_288 = arith.constant 4 : i32
    %xor3A_289 = vector.broadcast %xor3A_288 : i32 to vector<16xi32>
    %xor3A_290 = arith.xori %iota3A, %xor3A_289 : vector<16xi32>
    %reshape3A_291 = vector.shape_cast %xor3A_290 : vector<16xi32> to vector<16x1xi32>
    %gather3A_292 = vector.shape_cast %reshape3A_291 : vector<16x1xi32> to vector<16xi32>
    %gather3A_293 = tpu.dynamic_gather %add3A_287[%gather3A_292] in [0] : vector<16xf32>, vector<16xi32> -> vector<16xf32>
    %add3A_294 = arith.addf %add3A_287, %gather3A_293 : vector<16xf32>
    %xor3A_295 = arith.constant 2 : i32
    %xor3A_296 = vector.broadcast %xor3A_295 : i32 to vector<16xi32>
    %xor3A_297 = arith.xori %iota3A, %xor3A_296 : vector<16xi32>
    %reshape3A_298 = vector.shape_cast %xor3A_297 : vector<16xi32> to vector<16x1xi32>
    %gather3A_299 = vector.shape_cast %reshape3A_298 : vector<16x1xi32> to vector<16xi32>
    %gather3A_300 = tpu.dynamic_gather %add3A_294[%gather3A_299] in [0] : vector<16xf32>, vector<16xi32> -> vector<16xf32>
    %add3A_301 = arith.addf %add3A_294, %gather3A_300 : vector<16xf32>
    %xor3A_302 = arith.constant 1 : i32
    %xor3A_303 = vector.broadcast %xor3A_302 : i32 to vector<16xi32>
    %xor3A_304 = arith.xori %iota3A, %xor3A_303 : vector<16xi32>
    %reshape3A_305 = vector.shape_cast %xor3A_304 : vector<16xi32> to vector<16x1xi32>
    %gather3A_306 = vector.shape_cast %reshape3A_305 : vector<16x1xi32> to vector<16xi32>
    %gather3A_307 = tpu.dynamic_gather %add3A_301[%gather3A_306] in [0] : vector<16xf32>, vector<16xi32> -> vector<16xf32>
    %add3A_308 = arith.addf %add3A_301, %gather3A_307 : vector<16xf32>
    %swap3A_309 = arith.constant 4 : i32
    %swap3A_310 = arith.index_cast %swap3A_309 : i32 to index
    %swap3A_311 = arith.constant 0 : index
    %swap3A_312 = tpu.vector_load %arg6[%swap3A_310, %swap3A_311] {strides = array<i32>} : memref<16x16xf32, #tpu.memory_space<vmem>>, vector<1x16xf32>,
    %swap3A_313 = vector.shape_cast %swap3A_312 : vector<1x16xf32> to vector<16xf32>
    %swap3A_314 = vector.shape_cast %add3A_308 : vector<16xf32> to vector<1x16xf32>
    tpu.vector_store %arg6[%swap3A_310, %swap3A_311], %swap3A_314 {strides = array<i32>} : memref<16x16xf32, #tpu.memory_space<vmem>>, vector<1x16xf32>,
    %add3A_315 = arith.constant 5 : i32
    %add3A_316 = arith.addi %add3A_4, %add3A_315 : i32
    %add3A_317 = arith.constant 1 : i32
    %add3A_318 = arith.addi %add3A_316, %add3A_317 : i32
    %dma_start3A_319 = arith.constant 0 : i32
    %dma_start3A_320 = arith.constant 0 : i32
    %dma_start3A_321 = tpu.memref_slice %arg2[%add3A_318, %dma_start3A_319, %dma_start3A_320] : memref<1536x224x224xf32, #tpu.memory_space<hbm>> -> memref<1x224x224xf32, #tpu.memory_space<hbm>>
    %dma_start3A_322 = tpu.memref_squeeze %dma_start3A_321 : memref<1x224x224xf32, #tpu.memory_space<hbm>> -> memref<224x224xf32, #tpu.memory_space<hbm>>
    %dma_start3A_323 = arith.constant 0 : i32
    %dma_start3A_324 = arith.constant 0 : i32
    %dma_start3A_325 = tpu.memref_slice %arg2[%add3A_318, %dma_start3A_323, %dma_start3A_324] : memref<1536x224x224xf32, #tpu.memory_space<hbm>> -> memref<1x224x224xf32, #tpu.memory_space<hbm>>
    %dma_start3A_326 = tpu.memref_squeeze %dma_start3A_325 : memref<1x224x224xf32, #tpu.memory_space<hbm>> -> memref<224x224xf32, #tpu.memory_space<hbm>>
    tpu.enqueue_dma source(%dma_start3A_326 : memref<224x224xf32, #tpu.memory_space<hbm>>) target(%arg4 : memref<224x224xf32, #tpu.memory_space<vmem>>) target_semaphore(%arg7 : memref<!tpu.dma_semaphore, #tpu.memory_space<semaphore_mem>>)
    %dma_wait3A_327 = arith.constant 0 : i32
    %dma_wait3A_328 = arith.constant 0 : i32
    %dma_wait3A_329 = tpu.memref_slice %arg2[%add3A_256, %dma_wait3A_327, %dma_wait3A_328] : memref<1536x224x224xf32, #tpu.memory_space<hbm>> -> memref<1x224x224xf32, #tpu.memory_space<hbm>>
    %dma_wait3A_330 = tpu.memref_squeeze %dma_wait3A_329 : memref<1x224x224xf32, #tpu.memory_space<hbm>> -> memref<224x224xf32, #tpu.memory_space<hbm>>
    %dma_wait3A_331 = arith.constant 0 : i32
    %dma_wait3A_332 = arith.constant 0 : i32
    %dma_wait3A_333 = tpu.memref_slice %arg2[%add3A_256, %dma_wait3A_331, %dma_wait3A_332] : memref<1536x224x224xf32, #tpu.memory_space<hbm>> -> memref<1x224x224xf32, #tpu.memory_space<hbm>>
    %dma_wait3A_334 = tpu.memref_squeeze %dma_wait3A_333 : memref<1x224x224xf32, #tpu.memory_space<hbm>> -> memref<224x224xf32, #tpu.memory_space<hbm>>
    tpu.wait_dma2 semaphore(%arg8 : memref<!tpu.dma_semaphore, #tpu.memory_space<semaphore_mem>>) src(%dma_wait3A_334 : memref<224x224xf32, #tpu.memory_space<hbm>>) dst(%arg5 : memref<224x224xf32, #tpu.memory_space<vmem>>)
    %broadcast_in_dim3A_335 = arith.constant 0.000000e+00 : f32
    %broadcast_in_dim3A_336 = vector.broadcast %broadcast_in_dim3A_335 : f32 to vector<16xf32>
    %scan3A_337 = arith.constant 0 : i32
    %scan3A_338 = arith.constant 224 : i32
    %scan3A_339 = arith.addi %scan3A_337, %scan3A_338 : i32
    %scan3A_340 = arith.constant 1 : i32
    %scan3A_341 = scf.for %scan3A_985 = %scan3A_337 to %scan3A_339 step %scan3A_340 iter_args(%scan3A_986 = %broadcast_in_dim3A_336) -> (vector<16xf32>)  : i32 {
      %get3A = arith.index_cast %scan3A_985 : i32 to index
      %get3A_987 = arith.constant 0 : index
      %get3A_988 = tpu.vector_load %arg5[%get3A, %get3A_987] {strides = array<i32>} : memref<224x224xf32, #tpu.memory_space<vmem>>, vector<1x16xf32>,
      %get3A_989 = vector.shape_cast %get3A_988 : vector<1x16xf32> to vector<16xf32>
      %add3A_990 = arith.addf %scan3A_986, %get3A_989 : vector<16xf32>
      %get3A_991 = arith.index_cast %scan3A_985 : i32 to index
      %get3A_992 = arith.constant 16 : index
      %get3A_993 = tpu.vector_load %arg5[%get3A_991, %get3A_992] {strides = array<i32>} : memref<224x224xf32, #tpu.memory_space<vmem>>, vector<1x16xf32>,
      %get3A_994 = vector.shape_cast %get3A_993 : vector<1x16xf32> to vector<16xf32>
      %add3A_995 = arith.addf %add3A_990, %get3A_994 : vector<16xf32>
      %get3A_996 = arith.index_cast %scan3A_985 : i32 to index
      %get3A_997 = arith.constant 32 : index
      %get3A_998 = tpu.vector_load %arg5[%get3A_996, %get3A_997] {strides = array<i32>} : memref<224x224xf32, #tpu.memory_space<vmem>>, vector<1x16xf32>,
      %get3A_999 = vector.shape_cast %get3A_998 : vector<1x16xf32> to vector<16xf32>
      %add3A_1000 = arith.addf %add3A_995, %get3A_999 : vector<16xf32>
      %get3A_1001 = arith.index_cast %scan3A_985 : i32 to index
      %get3A_1002 = arith.constant 48 : index
      %get3A_1003 = tpu.vector_load %arg5[%get3A_1001, %get3A_1002] {strides = array<i32>} : memref<224x224xf32, #tpu.memory_space<vmem>>, vector<1x16xf32>,
      %get3A_1004 = vector.shape_cast %get3A_1003 : vector<1x16xf32> to vector<16xf32>
      %add3A_1005 = arith.addf %add3A_1000, %get3A_1004 : vector<16xf32>
      %get3A_1006 = arith.index_cast %scan3A_985 : i32 to index
      %get3A_1007 = arith.constant 64 : index
      %get3A_1008 = tpu.vector_load %arg5[%get3A_1006, %get3A_1007] {strides = array<i32>} : memref<224x224xf32, #tpu.memory_space<vmem>>, vector<1x16xf32>,
      %get3A_1009 = vector.shape_cast %get3A_1008 : vector<1x16xf32> to vector<16xf32>
      %add3A_1010 = arith.addf %add3A_1005, %get3A_1009 : vector<16xf32>
      %get3A_1011 = arith.index_cast %scan3A_985 : i32 to index
      %get3A_1012 = arith.constant 80 : index
      %get3A_1013 = tpu.vector_load %arg5[%get3A_1011, %get3A_1012] {strides = array<i32>} : memref<224x224xf32, #tpu.memory_space<vmem>>, vector<1x16xf32>,
      %get3A_1014 = vector.shape_cast %get3A_1013 : vector<1x16xf32> to vector<16xf32>
      %add3A_1015 = arith.addf %add3A_1010, %get3A_1014 : vector<16xf32>
      %get3A_1016 = arith.index_cast %scan3A_985 : i32 to index
      %get3A_1017 = arith.constant 96 : index
      %get3A_1018 = tpu.vector_load %arg5[%get3A_1016, %get3A_1017] {strides = array<i32>} : memref<224x224xf32, #tpu.memory_space<vmem>>, vector<1x16xf32>,
      %get3A_1019 = vector.shape_cast %get3A_1018 : vector<1x16xf32> to vector<16xf32>
      %add3A_1020 = arith.addf %add3A_1015, %get3A_1019 : vector<16xf32>
      %get3A_1021 = arith.index_cast %scan3A_985 : i32 to index
      %get3A_1022 = arith.constant 112 : index
      %get3A_1023 = tpu.vector_load %arg5[%get3A_1021, %get3A_1022] {strides = array<i32>} : memref<224x224xf32, #tpu.memory_space<vmem>>, vector<1x16xf32>,
      %get3A_1024 = vector.shape_cast %get3A_1023 : vector<1x16xf32> to vector<16xf32>
      %add3A_1025 = arith.addf %add3A_1020, %get3A_1024 : vector<16xf32>
      %get3A_1026 = arith.index_cast %scan3A_985 : i32 to index
      %get3A_1027 = arith.constant 128 : index
      %get3A_1028 = tpu.vector_load %arg5[%get3A_1026, %get3A_1027] {strides = array<i32>} : memref<224x224xf32, #tpu.memory_space<vmem>>, vector<1x16xf32>,
      %get3A_1029 = vector.shape_cast %get3A_1028 : vector<1x16xf32> to vector<16xf32>
      %add3A_1030 = arith.addf %add3A_1025, %get3A_1029 : vector<16xf32>
      %get3A_1031 = arith.index_cast %scan3A_985 : i32 to index
      %get3A_1032 = arith.constant 144 : index
      %get3A_1033 = tpu.vector_load %arg5[%get3A_1031, %get3A_1032] {strides = array<i32>} : memref<224x224xf32, #tpu.memory_space<vmem>>, vector<1x16xf32>,
      %get3A_1034 = vector.shape_cast %get3A_1033 : vector<1x16xf32> to vector<16xf32>
      %add3A_1035 = arith.addf %add3A_1030, %get3A_1034 : vector<16xf32>
      %get3A_1036 = arith.index_cast %scan3A_985 : i32 to index
      %get3A_1037 = arith.constant 160 : index
      %get3A_1038 = tpu.vector_load %arg5[%get3A_1036, %get3A_1037] {strides = array<i32>} : memref<224x224xf32, #tpu.memory_space<vmem>>, vector<1x16xf32>,
      %get3A_1039 = vector.shape_cast %get3A_1038 : vector<1x16xf32> to vector<16xf32>
      %add3A_1040 = arith.addf %add3A_1035, %get3A_1039 : vector<16xf32>
      %get3A_1041 = arith.index_cast %scan3A_985 : i32 to index
      %get3A_1042 = arith.constant 176 : index
      %get3A_1043 = tpu.vector_load %arg5[%get3A_1041, %get3A_1042] {strides = array<i32>} : memref<224x224xf32, #tpu.memory_space<vmem>>, vector<1x16xf32>,
      %get3A_1044 = vector.shape_cast %get3A_1043 : vector<1x16xf32> to vector<16xf32>
      %add3A_1045 = arith.addf %add3A_1040, %get3A_1044 : vector<16xf32>
      %get3A_1046 = arith.index_cast %scan3A_985 : i32 to index
      %get3A_1047 = arith.constant 192 : index
      %get3A_1048 = tpu.vector_load %arg5[%get3A_1046, %get3A_1047] {strides = array<i32>} : memref<224x224xf32, #tpu.memory_space<vmem>>, vector<1x16xf32>,
      %get3A_1049 = vector.shape_cast %get3A_1048 : vector<1x16xf32> to vector<16xf32>
      %add3A_1050 = arith.addf %add3A_1045, %get3A_1049 : vector<16xf32>
      %get3A_1051 = arith.index_cast %scan3A_985 : i32 to index
      %get3A_1052 = arith.constant 208 : index
      %get3A_1053 = tpu.vector_load %arg5[%get3A_1051, %get3A_1052] {strides = array<i32>} : memref<224x224xf32, #tpu.memory_space<vmem>>, vector<1x16xf32>,
      %get3A_1054 = vector.shape_cast %get3A_1053 : vector<1x16xf32> to vector<16xf32>
      %add3A_1055 = arith.addf %add3A_1050, %get3A_1054 : vector<16xf32>
      scf.yield %add3A_1055 : vector<16xf32>
    }
    %scan3A_342 = arith.constant 224 : i32
    %xor3A_343 = arith.constant 8 : i32
    %xor3A_344 = vector.broadcast %xor3A_343 : i32 to vector<16xi32>
    %xor3A_345 = arith.xori %iota3A, %xor3A_344 : vector<16xi32>
    %reshape3A_346 = vector.shape_cast %xor3A_345 : vector<16xi32> to vector<16x1xi32>
    %gather3A_347 = vector.shape_cast %reshape3A_346 : vector<16x1xi32> to vector<16xi32>
    %gather3A_348 = tpu.dynamic_gather %scan3A_341[%gather3A_347] in [0] : vector<16xf32>, vector<16xi32> -> vector<16xf32>
    %add3A_349 = arith.addf %scan3A_341, %gather3A_348 : vector<16xf32>
    %xor3A_350 = arith.constant 4 : i32
    %xor3A_351 = vector.broadcast %xor3A_350 : i32 to vector<16xi32>
    %xor3A_352 = arith.xori %iota3A, %xor3A_351 : vector<16xi32>
    %reshape3A_353 = vector.shape_cast %xor3A_352 : vector<16xi32> to vector<16x1xi32>
    %gather3A_354 = vector.shape_cast %reshape3A_353 : vector<16x1xi32> to vector<16xi32>
    %gather3A_355 = tpu.dynamic_gather %add3A_349[%gather3A_354] in [0] : vector<16xf32>, vector<16xi32> -> vector<16xf32>
    %add3A_356 = arith.addf %add3A_349, %gather3A_355 : vector<16xf32>
    %xor3A_357 = arith.constant 2 : i32
    %xor3A_358 = vector.broadcast %xor3A_357 : i32 to vector<16xi32>
    %xor3A_359 = arith.xori %iota3A, %xor3A_358 : vector<16xi32>
    %reshape3A_360 = vector.shape_cast %xor3A_359 : vector<16xi32> to vector<16x1xi32>
    %gather3A_361 = vector.shape_cast %reshape3A_360 : vector<16x1xi32> to vector<16xi32>
    %gather3A_362 = tpu.dynamic_gather %add3A_356[%gather3A_361] in [0] : vector<16xf32>, vector<16xi32> -> vector<16xf32>
    %add3A_363 = arith.addf %add3A_356, %gather3A_362 : vector<16xf32>
    %xor3A_364 = arith.constant 1 : i32
    %xor3A_365 = vector.broadcast %xor3A_364 : i32 to vector<16xi32>
    %xor3A_366 = arith.xori %iota3A, %xor3A_365 : vector<16xi32>
    %reshape3A_367 = vector.shape_cast %xor3A_366 : vector<16xi32> to vector<16x1xi32>
    %gather3A_368 = vector.shape_cast %reshape3A_367 : vector<16x1xi32> to vector<16xi32>
    %gather3A_369 = tpu.dynamic_gather %add3A_363[%gather3A_368] in [0] : vector<16xf32>, vector<16xi32> -> vector<16xf32>
    %add3A_370 = arith.addf %add3A_363, %gather3A_369 : vector<16xf32>
    %swap3A_371 = arith.constant 5 : i32
    %swap3A_372 = arith.index_cast %swap3A_371 : i32 to index
    %swap3A_373 = arith.constant 0 : index
    %swap3A_374 = tpu.vector_load %arg6[%swap3A_372, %swap3A_373] {strides = array<i32>} : memref<16x16xf32, #tpu.memory_space<vmem>>, vector<1x16xf32>,
    %swap3A_375 = vector.shape_cast %swap3A_374 : vector<1x16xf32> to vector<16xf32>
    %swap3A_376 = vector.shape_cast %add3A_370 : vector<16xf32> to vector<1x16xf32>
    tpu.vector_store %arg6[%swap3A_372, %swap3A_373], %swap3A_376 {strides = array<i32>} : memref<16x16xf32, #tpu.memory_space<vmem>>, vector<1x16xf32>,
    %add3A_377 = arith.constant 6 : i32
    %add3A_378 = arith.addi %add3A_4, %add3A_377 : i32
    %add3A_379 = arith.constant 1 : i32
    %add3A_380 = arith.addi %add3A_378, %add3A_379 : i32
    %dma_start3A_381 = arith.constant 0 : i32
    %dma_start3A_382 = arith.constant 0 : i32
    %dma_start3A_383 = tpu.memref_slice %arg2[%add3A_380, %dma_start3A_381, %dma_start3A_382] : memref<1536x224x224xf32, #tpu.memory_space<hbm>> -> memref<1x224x224xf32, #tpu.memory_space<hbm>>
    %dma_start3A_384 = tpu.memref_squeeze %dma_start3A_383 : memref<1x224x224xf32, #tpu.memory_space<hbm>> -> memref<224x224xf32, #tpu.memory_space<hbm>>
    %dma_start3A_385 = arith.constant 0 : i32
    %dma_start3A_386 = arith.constant 0 : i32
    %dma_start3A_387 = tpu.memref_slice %arg2[%add3A_380, %dma_start3A_385, %dma_start3A_386] : memref<1536x224x224xf32, #tpu.memory_space<hbm>> -> memref<1x224x224xf32, #tpu.memory_space<hbm>>
    %dma_start3A_388 = tpu.memref_squeeze %dma_start3A_387 : memref<1x224x224xf32, #tpu.memory_space<hbm>> -> memref<224x224xf32, #tpu.memory_space<hbm>>
    tpu.enqueue_dma source(%dma_start3A_388 : memref<224x224xf32, #tpu.memory_space<hbm>>) target(%arg5 : memref<224x224xf32, #tpu.memory_space<vmem>>) target_semaphore(%arg8 : memref<!tpu.dma_semaphore, #tpu.memory_space<semaphore_mem>>)
    %dma_wait3A_389 = arith.constant 0 : i32
    %dma_wait3A_390 = arith.constant 0 : i32
    %dma_wait3A_391 = tpu.memref_slice %arg2[%add3A_318, %dma_wait3A_389, %dma_wait3A_390] : memref<1536x224x224xf32, #tpu.memory_space<hbm>> -> memref<1x224x224xf32, #tpu.memory_space<hbm>>
    %dma_wait3A_392 = tpu.memref_squeeze %dma_wait3A_391 : memref<1x224x224xf32, #tpu.memory_space<hbm>> -> memref<224x224xf32, #tpu.memory_space<hbm>>
    %dma_wait3A_393 = arith.constant 0 : i32
    %dma_wait3A_394 = arith.constant 0 : i32
    %dma_wait3A_395 = tpu.memref_slice %arg2[%add3A_318, %dma_wait3A_393, %dma_wait3A_394] : memref<1536x224x224xf32, #tpu.memory_space<hbm>> -> memref<1x224x224xf32, #tpu.memory_space<hbm>>
    %dma_wait3A_396 = tpu.memref_squeeze %dma_wait3A_395 : memref<1x224x224xf32, #tpu.memory_space<hbm>> -> memref<224x224xf32, #tpu.memory_space<hbm>>
    tpu.wait_dma2 semaphore(%arg7 : memref<!tpu.dma_semaphore, #tpu.memory_space<semaphore_mem>>) src(%dma_wait3A_396 : memref<224x224xf32, #tpu.memory_space<hbm>>) dst(%arg4 : memref<224x224xf32, #tpu.memory_space<vmem>>)
    %broadcast_in_dim3A_397 = arith.constant 0.000000e+00 : f32
    %broadcast_in_dim3A_398 = vector.broadcast %broadcast_in_dim3A_397 : f32 to vector<16xf32>
    %scan3A_399 = arith.constant 0 : i32
    %scan3A_400 = arith.constant 224 : i32
    %scan3A_401 = arith.addi %scan3A_399, %scan3A_400 : i32
    %scan3A_402 = arith.constant 1 : i32
    %scan3A_403 = scf.for %scan3A_985 = %scan3A_399 to %scan3A_401 step %scan3A_402 iter_args(%scan3A_986 = %broadcast_in_dim3A_398) -> (vector<16xf32>)  : i32 {
      %get3A = arith.index_cast %scan3A_985 : i32 to index
      %get3A_987 = arith.constant 0 : index
      %get3A_988 = tpu.vector_load %arg4[%get3A, %get3A_987] {strides = array<i32>} : memref<224x224xf32, #tpu.memory_space<vmem>>, vector<1x16xf32>,
      %get3A_989 = vector.shape_cast %get3A_988 : vector<1x16xf32> to vector<16xf32>
      %add3A_990 = arith.addf %scan3A_986, %get3A_989 : vector<16xf32>
      %get3A_991 = arith.index_cast %scan3A_985 : i32 to index
      %get3A_992 = arith.constant 16 : index
      %get3A_993 = tpu.vector_load %arg4[%get3A_991, %get3A_992] {strides = array<i32>} : memref<224x224xf32, #tpu.memory_space<vmem>>, vector<1x16xf32>,
      %get3A_994 = vector.shape_cast %get3A_993 : vector<1x16xf32> to vector<16xf32>
      %add3A_995 = arith.addf %add3A_990, %get3A_994 : vector<16xf32>
      %get3A_996 = arith.index_cast %scan3A_985 : i32 to index
      %get3A_997 = arith.constant 32 : index
      %get3A_998 = tpu.vector_load %arg4[%get3A_996, %get3A_997] {strides = array<i32>} : memref<224x224xf32, #tpu.memory_space<vmem>>, vector<1x16xf32>,
      %get3A_999 = vector.shape_cast %get3A_998 : vector<1x16xf32> to vector<16xf32>
      %add3A_1000 = arith.addf %add3A_995, %get3A_999 : vector<16xf32>
      %get3A_1001 = arith.index_cast %scan3A_985 : i32 to index
      %get3A_1002 = arith.constant 48 : index
      %get3A_1003 = tpu.vector_load %arg4[%get3A_1001, %get3A_1002] {strides = array<i32>} : memref<224x224xf32, #tpu.memory_space<vmem>>, vector<1x16xf32>,
      %get3A_1004 = vector.shape_cast %get3A_1003 : vector<1x16xf32> to vector<16xf32>
      %add3A_1005 = arith.addf %add3A_1000, %get3A_1004 : vector<16xf32>
      %get3A_1006 = arith.index_cast %scan3A_985 : i32 to index
      %get3A_1007 = arith.constant 64 : index
      %get3A_1008 = tpu.vector_load %arg4[%get3A_1006, %get3A_1007] {strides = array<i32>} : memref<224x224xf32, #tpu.memory_space<vmem>>, vector<1x16xf32>,
      %get3A_1009 = vector.shape_cast %get3A_1008 : vector<1x16xf32> to vector<16xf32>
      %add3A_1010 = arith.addf %add3A_1005, %get3A_1009 : vector<16xf32>
      %get3A_1011 = arith.index_cast %scan3A_985 : i32 to index
      %get3A_1012 = arith.constant 80 : index
      %get3A_1013 = tpu.vector_load %arg4[%get3A_1011, %get3A_1012] {strides = array<i32>} : memref<224x224xf32, #tpu.memory_space<vmem>>, vector<1x16xf32>,
      %get3A_1014 = vector.shape_cast %get3A_1013 : vector<1x16xf32> to vector<16xf32>
      %add3A_1015 = arith.addf %add3A_1010, %get3A_1014 : vector<16xf32>
      %get3A_1016 = arith.index_cast %scan3A_985 : i32 to index
      %get3A_1017 = arith.constant 96 : index
      %get3A_1018 = tpu.vector_load %arg4[%get3A_1016, %get3A_1017] {strides = array<i32>} : memref<224x224xf32, #tpu.memory_space<vmem>>, vector<1x16xf32>,
      %get3A_1019 = vector.shape_cast %get3A_1018 : vector<1x16xf32> to vector<16xf32>
      %add3A_1020 = arith.addf %add3A_1015, %get3A_1019 : vector<16xf32>
      %get3A_1021 = arith.index_cast %scan3A_985 : i32 to index
      %get3A_1022 = arith.constant 112 : index
      %get3A_1023 = tpu.vector_load %arg4[%get3A_1021, %get3A_1022] {strides = array<i32>} : memref<224x224xf32, #tpu.memory_space<vmem>>, vector<1x16xf32>,
      %get3A_1024 = vector.shape_cast %get3A_1023 : vector<1x16xf32> to vector<16xf32>
      %add3A_1025 = arith.addf %add3A_1020, %get3A_1024 : vector<16xf32>
      %get3A_1026 = arith.index_cast %scan3A_985 : i32 to index
      %get3A_1027 = arith.constant 128 : index
      %get3A_1028 = tpu.vector_load %arg4[%get3A_1026, %get3A_1027] {strides = array<i32>} : memref<224x224xf32, #tpu.memory_space<vmem>>, vector<1x16xf32>,
      %get3A_1029 = vector.shape_cast %get3A_1028 : vector<1x16xf32> to vector<16xf32>
      %add3A_1030 = arith.addf %add3A_1025, %get3A_1029 : vector<16xf32>
      %get3A_1031 = arith.index_cast %scan3A_985 : i32 to index
      %get3A_1032 = arith.constant 144 : index
      %get3A_1033 = tpu.vector_load %arg4[%get3A_1031, %get3A_1032] {strides = array<i32>} : memref<224x224xf32, #tpu.memory_space<vmem>>, vector<1x16xf32>,
      %get3A_1034 = vector.shape_cast %get3A_1033 : vector<1x16xf32> to vector<16xf32>
      %add3A_1035 = arith.addf %add3A_1030, %get3A_1034 : vector<16xf32>
      %get3A_1036 = arith.index_cast %scan3A_985 : i32 to index
      %get3A_1037 = arith.constant 160 : index
      %get3A_1038 = tpu.vector_load %arg4[%get3A_1036, %get3A_1037] {strides = array<i32>} : memref<224x224xf32, #tpu.memory_space<vmem>>, vector<1x16xf32>,
      %get3A_1039 = vector.shape_cast %get3A_1038 : vector<1x16xf32> to vector<16xf32>
      %add3A_1040 = arith.addf %add3A_1035, %get3A_1039 : vector<16xf32>
      %get3A_1041 = arith.index_cast %scan3A_985 : i32 to index
      %get3A_1042 = arith.constant 176 : index
      %get3A_1043 = tpu.vector_load %arg4[%get3A_1041, %get3A_1042] {strides = array<i32>} : memref<224x224xf32, #tpu.memory_space<vmem>>, vector<1x16xf32>,
      %get3A_1044 = vector.shape_cast %get3A_1043 : vector<1x16xf32> to vector<16xf32>
      %add3A_1045 = arith.addf %add3A_1040, %get3A_1044 : vector<16xf32>
      %get3A_1046 = arith.index_cast %scan3A_985 : i32 to index
      %get3A_1047 = arith.constant 192 : index
      %get3A_1048 = tpu.vector_load %arg4[%get3A_1046, %get3A_1047] {strides = array<i32>} : memref<224x224xf32, #tpu.memory_space<vmem>>, vector<1x16xf32>,
      %get3A_1049 = vector.shape_cast %get3A_1048 : vector<1x16xf32> to vector<16xf32>
      %add3A_1050 = arith.addf %add3A_1045, %get3A_1049 : vector<16xf32>
      %get3A_1051 = arith.index_cast %scan3A_985 : i32 to index
      %get3A_1052 = arith.constant 208 : index
      %get3A_1053 = tpu.vector_load %arg4[%get3A_1051, %get3A_1052] {strides = array<i32>} : memref<224x224xf32, #tpu.memory_space<vmem>>, vector<1x16xf32>,
      %get3A_1054 = vector.shape_cast %get3A_1053 : vector<1x16xf32> to vector<16xf32>
      %add3A_1055 = arith.addf %add3A_1050, %get3A_1054 : vector<16xf32>
      scf.yield %add3A_1055 : vector<16xf32>
    }
    %scan3A_404 = arith.constant 224 : i32
    %xor3A_405 = arith.constant 8 : i32
    %xor3A_406 = vector.broadcast %xor3A_405 : i32 to vector<16xi32>
    %xor3A_407 = arith.xori %iota3A, %xor3A_406 : vector<16xi32>
    %reshape3A_408 = vector.shape_cast %xor3A_407 : vector<16xi32> to vector<16x1xi32>
    %gather3A_409 = vector.shape_cast %reshape3A_408 : vector<16x1xi32> to vector<16xi32>
    %gather3A_410 = tpu.dynamic_gather %scan3A_403[%gather3A_409] in [0] : vector<16xf32>, vector<16xi32> -> vector<16xf32>
    %add3A_411 = arith.addf %scan3A_403, %gather3A_410 : vector<16xf32>
    %xor3A_412 = arith.constant 4 : i32
    %xor3A_413 = vector.broadcast %xor3A_412 : i32 to vector<16xi32>
    %xor3A_414 = arith.xori %iota3A, %xor3A_413 : vector<16xi32>
    %reshape3A_415 = vector.shape_cast %xor3A_414 : vector<16xi32> to vector<16x1xi32>
    %gather3A_416 = vector.shape_cast %reshape3A_415 : vector<16x1xi32> to vector<16xi32>
    %gather3A_417 = tpu.dynamic_gather %add3A_411[%gather3A_416] in [0] : vector<16xf32>, vector<16xi32> -> vector<16xf32>
    %add3A_418 = arith.addf %add3A_411, %gather3A_417 : vector<16xf32>
    %xor3A_419 = arith.constant 2 : i32
    %xor3A_420 = vector.broadcast %xor3A_419 : i32 to vector<16xi32>
    %xor3A_421 = arith.xori %iota3A, %xor3A_420 : vector<16xi32>
    %reshape3A_422 = vector.shape_cast %xor3A_421 : vector<16xi32> to vector<16x1xi32>
    %gather3A_423 = vector.shape_cast %reshape3A_422 : vector<16x1xi32> to vector<16xi32>
    %gather3A_424 = tpu.dynamic_gather %add3A_418[%gather3A_423] in [0] : vector<16xf32>, vector<16xi32> -> vector<16xf32>
    %add3A_425 = arith.addf %add3A_418, %gather3A_424 : vector<16xf32>
    %xor3A_426 = arith.constant 1 : i32
    %xor3A_427 = vector.broadcast %xor3A_426 : i32 to vector<16xi32>
    %xor3A_428 = arith.xori %iota3A, %xor3A_427 : vector<16xi32>
    %reshape3A_429 = vector.shape_cast %xor3A_428 : vector<16xi32> to vector<16x1xi32>
    %gather3A_430 = vector.shape_cast %reshape3A_429 : vector<16x1xi32> to vector<16xi32>
    %gather3A_431 = tpu.dynamic_gather %add3A_425[%gather3A_430] in [0] : vector<16xf32>, vector<16xi32> -> vector<16xf32>
    %add3A_432 = arith.addf %add3A_425, %gather3A_431 : vector<16xf32>
    %swap3A_433 = arith.constant 6 : i32
    %swap3A_434 = arith.index_cast %swap3A_433 : i32 to index
    %swap3A_435 = arith.constant 0 : index
    %swap3A_436 = tpu.vector_load %arg6[%swap3A_434, %swap3A_435] {strides = array<i32>} : memref<16x16xf32, #tpu.memory_space<vmem>>, vector<1x16xf32>,
    %swap3A_437 = vector.shape_cast %swap3A_436 : vector<1x16xf32> to vector<16xf32>
    %swap3A_438 = vector.shape_cast %add3A_432 : vector<16xf32> to vector<1x16xf32>
    tpu.vector_store %arg6[%swap3A_434, %swap3A_435], %swap3A_438 {strides = array<i32>} : memref<16x16xf32, #tpu.memory_space<vmem>>, vector<1x16xf32>,
    %add3A_439 = arith.constant 7 : i32
    %add3A_440 = arith.addi %add3A_4, %add3A_439 : i32
    %add3A_441 = arith.constant 1 : i32
    %add3A_442 = arith.addi %add3A_440, %add3A_441 : i32
    %dma_start3A_443 = arith.constant 0 : i32
    %dma_start3A_444 = arith.constant 0 : i32
    %dma_start3A_445 = tpu.memref_slice %arg2[%add3A_442, %dma_start3A_443, %dma_start3A_444] : memref<1536x224x224xf32, #tpu.memory_space<hbm>> -> memref<1x224x224xf32, #tpu.memory_space<hbm>>
    %dma_start3A_446 = tpu.memref_squeeze %dma_start3A_445 : memref<1x224x224xf32, #tpu.memory_space<hbm>> -> memref<224x224xf32, #tpu.memory_space<hbm>>
    %dma_start3A_447 = arith.constant 0 : i32
    %dma_start3A_448 = arith.constant 0 : i32
    %dma_start3A_449 = tpu.memref_slice %arg2[%add3A_442, %dma_start3A_447, %dma_start3A_448] : memref<1536x224x224xf32, #tpu.memory_space<hbm>> -> memref<1x224x224xf32, #tpu.memory_space<hbm>>
    %dma_start3A_450 = tpu.memref_squeeze %dma_start3A_449 : memref<1x224x224xf32, #tpu.memory_space<hbm>> -> memref<224x224xf32, #tpu.memory_space<hbm>>
    tpu.enqueue_dma source(%dma_start3A_450 : memref<224x224xf32, #tpu.memory_space<hbm>>) target(%arg4 : memref<224x224xf32, #tpu.memory_space<vmem>>) target_semaphore(%arg7 : memref<!tpu.dma_semaphore, #tpu.memory_space<semaphore_mem>>)
    %dma_wait3A_451 = arith.constant 0 : i32
    %dma_wait3A_452 = arith.constant 0 : i32
    %dma_wait3A_453 = tpu.memref_slice %arg2[%add3A_380, %dma_wait3A_451, %dma_wait3A_452] : memref<1536x224x224xf32, #tpu.memory_space<hbm>> -> memref<1x224x224xf32, #tpu.memory_space<hbm>>
    %dma_wait3A_454 = tpu.memref_squeeze %dma_wait3A_453 : memref<1x224x224xf32, #tpu.memory_space<hbm>> -> memref<224x224xf32, #tpu.memory_space<hbm>>
    %dma_wait3A_455 = arith.constant 0 : i32
    %dma_wait3A_456 = arith.constant 0 : i32
    %dma_wait3A_457 = tpu.memref_slice %arg2[%add3A_380, %dma_wait3A_455, %dma_wait3A_456] : memref<1536x224x224xf32, #tpu.memory_space<hbm>> -> memref<1x224x224xf32, #tpu.memory_space<hbm>>
    %dma_wait3A_458 = tpu.memref_squeeze %dma_wait3A_457 : memref<1x224x224xf32, #tpu.memory_space<hbm>> -> memref<224x224xf32, #tpu.memory_space<hbm>>
    tpu.wait_dma2 semaphore(%arg8 : memref<!tpu.dma_semaphore, #tpu.memory_space<semaphore_mem>>) src(%dma_wait3A_458 : memref<224x224xf32, #tpu.memory_space<hbm>>) dst(%arg5 : memref<224x224xf32, #tpu.memory_space<vmem>>)
    %broadcast_in_dim3A_459 = arith.constant 0.000000e+00 : f32
    %broadcast_in_dim3A_460 = vector.broadcast %broadcast_in_dim3A_459 : f32 to vector<16xf32>
    %scan3A_461 = arith.constant 0 : i32
    %scan3A_462 = arith.constant 224 : i32
    %scan3A_463 = arith.addi %scan3A_461, %scan3A_462 : i32
    %scan3A_464 = arith.constant 1 : i32
    %scan3A_465 = scf.for %scan3A_985 = %scan3A_461 to %scan3A_463 step %scan3A_464 iter_args(%scan3A_986 = %broadcast_in_dim3A_460) -> (vector<16xf32>)  : i32 {
      %get3A = arith.index_cast %scan3A_985 : i32 to index
      %get3A_987 = arith.constant 0 : index
      %get3A_988 = tpu.vector_load %arg5[%get3A, %get3A_987] {strides = array<i32>} : memref<224x224xf32, #tpu.memory_space<vmem>>, vector<1x16xf32>,
      %get3A_989 = vector.shape_cast %get3A_988 : vector<1x16xf32> to vector<16xf32>
      %add3A_990 = arith.addf %scan3A_986, %get3A_989 : vector<16xf32>
      %get3A_991 = arith.index_cast %scan3A_985 : i32 to index
      %get3A_992 = arith.constant 16 : index
      %get3A_993 = tpu.vector_load %arg5[%get3A_991, %get3A_992] {strides = array<i32>} : memref<224x224xf32, #tpu.memory_space<vmem>>, vector<1x16xf32>,
      %get3A_994 = vector.shape_cast %get3A_993 : vector<1x16xf32> to vector<16xf32>
      %add3A_995 = arith.addf %add3A_990, %get3A_994 : vector<16xf32>
      %get3A_996 = arith.index_cast %scan3A_985 : i32 to index
      %get3A_997 = arith.constant 32 : index
      %get3A_998 = tpu.vector_load %arg5[%get3A_996, %get3A_997] {strides = array<i32>} : memref<224x224xf32, #tpu.memory_space<vmem>>, vector<1x16xf32>,
      %get3A_999 = vector.shape_cast %get3A_998 : vector<1x16xf32> to vector<16xf32>
      %add3A_1000 = arith.addf %add3A_995, %get3A_999 : vector<16xf32>
      %get3A_1001 = arith.index_cast %scan3A_985 : i32 to index
      %get3A_1002 = arith.constant 48 : index
      %get3A_1003 = tpu.vector_load %arg5[%get3A_1001, %get3A_1002] {strides = array<i32>} : memref<224x224xf32, #tpu.memory_space<vmem>>, vector<1x16xf32>,
      %get3A_1004 = vector.shape_cast %get3A_1003 : vector<1x16xf32> to vector<16xf32>
      %add3A_1005 = arith.addf %add3A_1000, %get3A_1004 : vector<16xf32>
      %get3A_1006 = arith.index_cast %scan3A_985 : i32 to index
      %get3A_1007 = arith.constant 64 : index
      %get3A_1008 = tpu.vector_load %arg5[%get3A_1006, %get3A_1007] {strides = array<i32>} : memref<224x224xf32, #tpu.memory_space<vmem>>, vector<1x16xf32>,
      %get3A_1009 = vector.shape_cast %get3A_1008 : vector<1x16xf32> to vector<16xf32>
      %add3A_1010 = arith.addf %add3A_1005, %get3A_1009 : vector<16xf32>
      %get3A_1011 = arith.index_cast %scan3A_985 : i32 to index
      %get3A_1012 = arith.constant 80 : index
      %get3A_1013 = tpu.vector_load %arg5[%get3A_1011, %get3A_1012] {strides = array<i32>} : memref<224x224xf32, #tpu.memory_space<vmem>>, vector<1x16xf32>,
      %get3A_1014 = vector.shape_cast %get3A_1013 : vector<1x16xf32> to vector<16xf32>
      %add3A_1015 = arith.addf %add3A_1010, %get3A_1014 : vector<16xf32>
      %get3A_1016 = arith.index_cast %scan3A_985 : i32 to index
      %get3A_1017 = arith.constant 96 : index
      %get3A_1018 = tpu.vector_load %arg5[%get3A_1016, %get3A_1017] {strides = array<i32>} : memref<224x224xf32, #tpu.memory_space<vmem>>, vector<1x16xf32>,
      %get3A_1019 = vector.shape_cast %get3A_1018 : vector<1x16xf32> to vector<16xf32>
      %add3A_1020 = arith.addf %add3A_1015, %get3A_1019 : vector<16xf32>
      %get3A_1021 = arith.index_cast %scan3A_985 : i32 to index
      %get3A_1022 = arith.constant 112 : index
      %get3A_1023 = tpu.vector_load %arg5[%get3A_1021, %get3A_1022] {strides = array<i32>} : memref<224x224xf32, #tpu.memory_space<vmem>>, vector<1x16xf32>,
      %get3A_1024 = vector.shape_cast %get3A_1023 : vector<1x16xf32> to vector<16xf32>
      %add3A_1025 = arith.addf %add3A_1020, %get3A_1024 : vector<16xf32>
      %get3A_1026 = arith.index_cast %scan3A_985 : i32 to index
      %get3A_1027 = arith.constant 128 : index
      %get3A_1028 = tpu.vector_load %arg5[%get3A_1026, %get3A_1027] {strides = array<i32>} : memref<224x224xf32, #tpu.memory_space<vmem>>, vector<1x16xf32>,
      %get3A_1029 = vector.shape_cast %get3A_1028 : vector<1x16xf32> to vector<16xf32>
      %add3A_1030 = arith.addf %add3A_1025, %get3A_1029 : vector<16xf32>
      %get3A_1031 = arith.index_cast %scan3A_985 : i32 to index
      %get3A_1032 = arith.constant 144 : index
      %get3A_1033 = tpu.vector_load %arg5[%get3A_1031, %get3A_1032] {strides = array<i32>} : memref<224x224xf32, #tpu.memory_space<vmem>>, vector<1x16xf32>,
      %get3A_1034 = vector.shape_cast %get3A_1033 : vector<1x16xf32> to vector<16xf32>
      %add3A_1035 = arith.addf %add3A_1030, %get3A_1034 : vector<16xf32>
      %get3A_1036 = arith.index_cast %scan3A_985 : i32 to index
      %get3A_1037 = arith.constant 160 : index
      %get3A_1038 = tpu.vector_load %arg5[%get3A_1036, %get3A_1037] {strides = array<i32>} : memref<224x224xf32, #tpu.memory_space<vmem>>, vector<1x16xf32>,
      %get3A_1039 = vector.shape_cast %get3A_1038 : vector<1x16xf32> to vector<16xf32>
      %add3A_1040 = arith.addf %add3A_1035, %get3A_1039 : vector<16xf32>
      %get3A_1041 = arith.index_cast %scan3A_985 : i32 to index
      %get3A_1042 = arith.constant 176 : index
      %get3A_1043 = tpu.vector_load %arg5[%get3A_1041, %get3A_1042] {strides = array<i32>} : memref<224x224xf32, #tpu.memory_space<vmem>>, vector<1x16xf32>,
      %get3A_1044 = vector.shape_cast %get3A_1043 : vector<1x16xf32> to vector<16xf32>
      %add3A_1045 = arith.addf %add3A_1040, %get3A_1044 : vector<16xf32>
      %get3A_1046 = arith.index_cast %scan3A_985 : i32 to index
      %get3A_1047 = arith.constant 192 : index
      %get3A_1048 = tpu.vector_load %arg5[%get3A_1046, %get3A_1047] {strides = array<i32>} : memref<224x224xf32, #tpu.memory_space<vmem>>, vector<1x16xf32>,
      %get3A_1049 = vector.shape_cast %get3A_1048 : vector<1x16xf32> to vector<16xf32>
      %add3A_1050 = arith.addf %add3A_1045, %get3A_1049 : vector<16xf32>
      %get3A_1051 = arith.index_cast %scan3A_985 : i32 to index
      %get3A_1052 = arith.constant 208 : index
      %get3A_1053 = tpu.vector_load %arg5[%get3A_1051, %get3A_1052] {strides = array<i32>} : memref<224x224xf32, #tpu.memory_space<vmem>>, vector<1x16xf32>,
      %get3A_1054 = vector.shape_cast %get3A_1053 : vector<1x16xf32> to vector<16xf32>
      %add3A_1055 = arith.addf %add3A_1050, %get3A_1054 : vector<16xf32>
      scf.yield %add3A_1055 : vector<16xf32>
    }
    %scan3A_466 = arith.constant 224 : i32
    %xor3A_467 = arith.constant 8 : i32
    %xor3A_468 = vector.broadcast %xor3A_467 : i32 to vector<16xi32>
    %xor3A_469 = arith.xori %iota3A, %xor3A_468 : vector<16xi32>
    %reshape3A_470 = vector.shape_cast %xor3A_469 : vector<16xi32> to vector<16x1xi32>
    %gather3A_471 = vector.shape_cast %reshape3A_470 : vector<16x1xi32> to vector<16xi32>
    %gather3A_472 = tpu.dynamic_gather %scan3A_465[%gather3A_471] in [0] : vector<16xf32>, vector<16xi32> -> vector<16xf32>
    %add3A_473 = arith.addf %scan3A_465, %gather3A_472 : vector<16xf32>
    %xor3A_474 = arith.constant 4 : i32
    %xor3A_475 = vector.broadcast %xor3A_474 : i32 to vector<16xi32>
    %xor3A_476 = arith.xori %iota3A, %xor3A_475 : vector<16xi32>
    %reshape3A_477 = vector.shape_cast %xor3A_476 : vector<16xi32> to vector<16x1xi32>
    %gather3A_478 = vector.shape_cast %reshape3A_477 : vector<16x1xi32> to vector<16xi32>
    %gather3A_479 = tpu.dynamic_gather %add3A_473[%gather3A_478] in [0] : vector<16xf32>, vector<16xi32> -> vector<16xf32>
    %add3A_480 = arith.addf %add3A_473, %gather3A_479 : vector<16xf32>
    %xor3A_481 = arith.constant 2 : i32
    %xor3A_482 = vector.broadcast %xor3A_481 : i32 to vector<16xi32>
    %xor3A_483 = arith.xori %iota3A, %xor3A_482 : vector<16xi32>
    %reshape3A_484 = vector.shape_cast %xor3A_483 : vector<16xi32> to vector<16x1xi32>
    %gather3A_485 = vector.shape_cast %reshape3A_484 : vector<16x1xi32> to vector<16xi32>
    %gather3A_486 = tpu.dynamic_gather %add3A_480[%gather3A_485] in [0] : vector<16xf32>, vector<16xi32> -> vector<16xf32>
    %add3A_487 = arith.addf %add3A_480, %gather3A_486 : vector<16xf32>
    %xor3A_488 = arith.constant 1 : i32
    %xor3A_489 = vector.broadcast %xor3A_488 : i32 to vector<16xi32>
    %xor3A_490 = arith.xori %iota3A, %xor3A_489 : vector<16xi32>
    %reshape3A_491 = vector.shape_cast %xor3A_490 : vector<16xi32> to vector<16x1xi32>
    %gather3A_492 = vector.shape_cast %reshape3A_491 : vector<16x1xi32> to vector<16xi32>
    %gather3A_493 = tpu.dynamic_gather %add3A_487[%gather3A_492] in [0] : vector<16xf32>, vector<16xi32> -> vector<16xf32>
    %add3A_494 = arith.addf %add3A_487, %gather3A_493 : vector<16xf32>
    %swap3A_495 = arith.constant 7 : i32
    %swap3A_496 = arith.index_cast %swap3A_495 : i32 to index
    %swap3A_497 = arith.constant 0 : index
    %swap3A_498 = tpu.vector_load %arg6[%swap3A_496, %swap3A_497] {strides = array<i32>} : memref<16x16xf32, #tpu.memory_space<vmem>>, vector<1x16xf32>,
    %swap3A_499 = vector.shape_cast %swap3A_498 : vector<1x16xf32> to vector<16xf32>
    %swap3A_500 = vector.shape_cast %add3A_494 : vector<16xf32> to vector<1x16xf32>
    tpu.vector_store %arg6[%swap3A_496, %swap3A_497], %swap3A_500 {strides = array<i32>} : memref<16x16xf32, #tpu.memory_space<vmem>>, vector<1x16xf32>,
    %add3A_501 = arith.constant 8 : i32
    %add3A_502 = arith.addi %add3A_4, %add3A_501 : i32
    %add3A_503 = arith.constant 1 : i32
    %add3A_504 = arith.addi %add3A_502, %add3A_503 : i32
    %dma_start3A_505 = arith.constant 0 : i32
    %dma_start3A_506 = arith.constant 0 : i32
    %dma_start3A_507 = tpu.memref_slice %arg2[%add3A_504, %dma_start3A_505, %dma_start3A_506] : memref<1536x224x224xf32, #tpu.memory_space<hbm>> -> memref<1x224x224xf32, #tpu.memory_space<hbm>>
    %dma_start3A_508 = tpu.memref_squeeze %dma_start3A_507 : memref<1x224x224xf32, #tpu.memory_space<hbm>> -> memref<224x224xf32, #tpu.memory_space<hbm>>
    %dma_start3A_509 = arith.constant 0 : i32
    %dma_start3A_510 = arith.constant 0 : i32
    %dma_start3A_511 = tpu.memref_slice %arg2[%add3A_504, %dma_start3A_509, %dma_start3A_510] : memref<1536x224x224xf32, #tpu.memory_space<hbm>> -> memref<1x224x224xf32, #tpu.memory_space<hbm>>
    %dma_start3A_512 = tpu.memref_squeeze %dma_start3A_511 : memref<1x224x224xf32, #tpu.memory_space<hbm>> -> memref<224x224xf32, #tpu.memory_space<hbm>>
    tpu.enqueue_dma source(%dma_start3A_512 : memref<224x224xf32, #tpu.memory_space<hbm>>) target(%arg5 : memref<224x224xf32, #tpu.memory_space<vmem>>) target_semaphore(%arg8 : memref<!tpu.dma_semaphore, #tpu.memory_space<semaphore_mem>>)
    %dma_wait3A_513 = arith.constant 0 : i32
    %dma_wait3A_514 = arith.constant 0 : i32
    %dma_wait3A_515 = tpu.memref_slice %arg2[%add3A_442, %dma_wait3A_513, %dma_wait3A_514] : memref<1536x224x224xf32, #tpu.memory_space<hbm>> -> memref<1x224x224xf32, #tpu.memory_space<hbm>>
    %dma_wait3A_516 = tpu.memref_squeeze %dma_wait3A_515 : memref<1x224x224xf32, #tpu.memory_space<hbm>> -> memref<224x224xf32, #tpu.memory_space<hbm>>
    %dma_wait3A_517 = arith.constant 0 : i32
    %dma_wait3A_518 = arith.constant 0 : i32
    %dma_wait3A_519 = tpu.memref_slice %arg2[%add3A_442, %dma_wait3A_517, %dma_wait3A_518] : memref<1536x224x224xf32, #tpu.memory_space<hbm>> -> memref<1x224x224xf32, #tpu.memory_space<hbm>>
    %dma_wait3A_520 = tpu.memref_squeeze %dma_wait3A_519 : memref<1x224x224xf32, #tpu.memory_space<hbm>> -> memref<224x224xf32, #tpu.memory_space<hbm>>
    tpu.wait_dma2 semaphore(%arg7 : memref<!tpu.dma_semaphore, #tpu.memory_space<semaphore_mem>>) src(%dma_wait3A_520 : memref<224x224xf32, #tpu.memory_space<hbm>>) dst(%arg4 : memref<224x224xf32, #tpu.memory_space<vmem>>)
    %broadcast_in_dim3A_521 = arith.constant 0.000000e+00 : f32
    %broadcast_in_dim3A_522 = vector.broadcast %broadcast_in_dim3A_521 : f32 to vector<16xf32>
    %scan3A_523 = arith.constant 0 : i32
    %scan3A_524 = arith.constant 224 : i32
    %scan3A_525 = arith.addi %scan3A_523, %scan3A_524 : i32
    %scan3A_526 = arith.constant 1 : i32
    %scan3A_527 = scf.for %scan3A_985 = %scan3A_523 to %scan3A_525 step %scan3A_526 iter_args(%scan3A_986 = %broadcast_in_dim3A_522) -> (vector<16xf32>)  : i32 {
      %get3A = arith.index_cast %scan3A_985 : i32 to index
      %get3A_987 = arith.constant 0 : index
      %get3A_988 = tpu.vector_load %arg4[%get3A, %get3A_987] {strides = array<i32>} : memref<224x224xf32, #tpu.memory_space<vmem>>, vector<1x16xf32>,
      %get3A_989 = vector.shape_cast %get3A_988 : vector<1x16xf32> to vector<16xf32>
      %add3A_990 = arith.addf %scan3A_986, %get3A_989 : vector<16xf32>
      %get3A_991 = arith.index_cast %scan3A_985 : i32 to index
      %get3A_992 = arith.constant 16 : index
      %get3A_993 = tpu.vector_load %arg4[%get3A_991, %get3A_992] {strides = array<i32>} : memref<224x224xf32, #tpu.memory_space<vmem>>, vector<1x16xf32>,
      %get3A_994 = vector.shape_cast %get3A_993 : vector<1x16xf32> to vector<16xf32>
      %add3A_995 = arith.addf %add3A_990, %get3A_994 : vector<16xf32>
      %get3A_996 = arith.index_cast %scan3A_985 : i32 to index
      %get3A_997 = arith.constant 32 : index
      %get3A_998 = tpu.vector_load %arg4[%get3A_996, %get3A_997] {strides = array<i32>} : memref<224x224xf32, #tpu.memory_space<vmem>>, vector<1x16xf32>,
      %get3A_999 = vector.shape_cast %get3A_998 : vector<1x16xf32> to vector<16xf32>
      %add3A_1000 = arith.addf %add3A_995, %get3A_999 : vector<16xf32>
      %get3A_1001 = arith.index_cast %scan3A_985 : i32 to index
      %get3A_1002 = arith.constant 48 : index
      %get3A_1003 = tpu.vector_load %arg4[%get3A_1001, %get3A_1002] {strides = array<i32>} : memref<224x224xf32, #tpu.memory_space<vmem>>, vector<1x16xf32>,
      %get3A_1004 = vector.shape_cast %get3A_1003 : vector<1x16xf32> to vector<16xf32>
      %add3A_1005 = arith.addf %add3A_1000, %get3A_1004 : vector<16xf32>
      %get3A_1006 = arith.index_cast %scan3A_985 : i32 to index
      %get3A_1007 = arith.constant 64 : index
      %get3A_1008 = tpu.vector_load %arg4[%get3A_1006, %get3A_1007] {strides = array<i32>} : memref<224x224xf32, #tpu.memory_space<vmem>>, vector<1x16xf32>,
      %get3A_1009 = vector.shape_cast %get3A_1008 : vector<1x16xf32> to vector<16xf32>
      %add3A_1010 = arith.addf %add3A_1005, %get3A_1009 : vector<16xf32>
      %get3A_1011 = arith.index_cast %scan3A_985 : i32 to index
      %get3A_1012 = arith.constant 80 : index
      %get3A_1013 = tpu.vector_load %arg4[%get3A_1011, %get3A_1012] {strides = array<i32>} : memref<224x224xf32, #tpu.memory_space<vmem>>, vector<1x16xf32>,
      %get3A_1014 = vector.shape_cast %get3A_1013 : vector<1x16xf32> to vector<16xf32>
      %add3A_1015 = arith.addf %add3A_1010, %get3A_1014 : vector<16xf32>
      %get3A_1016 = arith.index_cast %scan3A_985 : i32 to index
      %get3A_1017 = arith.constant 96 : index
      %get3A_1018 = tpu.vector_load %arg4[%get3A_1016, %get3A_1017] {strides = array<i32>} : memref<224x224xf32, #tpu.memory_space<vmem>>, vector<1x16xf32>,
      %get3A_1019 = vector.shape_cast %get3A_1018 : vector<1x16xf32> to vector<16xf32>
      %add3A_1020 = arith.addf %add3A_1015, %get3A_1019 : vector<16xf32>
      %get3A_1021 = arith.index_cast %scan3A_985 : i32 to index
      %get3A_1022 = arith.constant 112 : index
      %get3A_1023 = tpu.vector_load %arg4[%get3A_1021, %get3A_1022] {strides = array<i32>} : memref<224x224xf32, #tpu.memory_space<vmem>>, vector<1x16xf32>,
      %get3A_1024 = vector.shape_cast %get3A_1023 : vector<1x16xf32> to vector<16xf32>
      %add3A_1025 = arith.addf %add3A_1020, %get3A_1024 : vector<16xf32>
      %get3A_1026 = arith.index_cast %scan3A_985 : i32 to index
      %get3A_1027 = arith.constant 128 : index
      %get3A_1028 = tpu.vector_load %arg4[%get3A_1026, %get3A_1027] {strides = array<i32>} : memref<224x224xf32, #tpu.memory_space<vmem>>, vector<1x16xf32>,
      %get3A_1029 = vector.shape_cast %get3A_1028 : vector<1x16xf32> to vector<16xf32>
      %add3A_1030 = arith.addf %add3A_1025, %get3A_1029 : vector<16xf32>
      %get3A_1031 = arith.index_cast %scan3A_985 : i32 to index
      %get3A_1032 = arith.constant 144 : index
      %get3A_1033 = tpu.vector_load %arg4[%get3A_1031, %get3A_1032] {strides = array<i32>} : memref<224x224xf32, #tpu.memory_space<vmem>>, vector<1x16xf32>,
      %get3A_1034 = vector.shape_cast %get3A_1033 : vector<1x16xf32> to vector<16xf32>
      %add3A_1035 = arith.addf %add3A_1030, %get3A_1034 : vector<16xf32>
      %get3A_1036 = arith.index_cast %scan3A_985 : i32 to index
      %get3A_1037 = arith.constant 160 : index
      %get3A_1038 = tpu.vector_load %arg4[%get3A_1036, %get3A_1037] {strides = array<i32>} : memref<224x224xf32, #tpu.memory_space<vmem>>, vector<1x16xf32>,
      %get3A_1039 = vector.shape_cast %get3A_1038 : vector<1x16xf32> to vector<16xf32>
      %add3A_1040 = arith.addf %add3A_1035, %get3A_1039 : vector<16xf32>
      %get3A_1041 = arith.index_cast %scan3A_985 : i32 to index
      %get3A_1042 = arith.constant 176 : index
      %get3A_1043 = tpu.vector_load %arg4[%get3A_1041, %get3A_1042] {strides = array<i32>} : memref<224x224xf32, #tpu.memory_space<vmem>>, vector<1x16xf32>,
      %get3A_1044 = vector.shape_cast %get3A_1043 : vector<1x16xf32> to vector<16xf32>
      %add3A_1045 = arith.addf %add3A_1040, %get3A_1044 : vector<16xf32>
      %get3A_1046 = arith.index_cast %scan3A_985 : i32 to index
      %get3A_1047 = arith.constant 192 : index
      %get3A_1048 = tpu.vector_load %arg4[%get3A_1046, %get3A_1047] {strides = array<i32>} : memref<224x224xf32, #tpu.memory_space<vmem>>, vector<1x16xf32>,
      %get3A_1049 = vector.shape_cast %get3A_1048 : vector<1x16xf32> to vector<16xf32>
      %add3A_1050 = arith.addf %add3A_1045, %get3A_1049 : vector<16xf32>
      %get3A_1051 = arith.index_cast %scan3A_985 : i32 to index
      %get3A_1052 = arith.constant 208 : index
      %get3A_1053 = tpu.vector_load %arg4[%get3A_1051, %get3A_1052] {strides = array<i32>} : memref<224x224xf32, #tpu.memory_space<vmem>>, vector<1x16xf32>,
      %get3A_1054 = vector.shape_cast %get3A_1053 : vector<1x16xf32> to vector<16xf32>
      %add3A_1055 = arith.addf %add3A_1050, %get3A_1054 : vector<16xf32>
      scf.yield %add3A_1055 : vector<16xf32>
    }
    %scan3A_528 = arith.constant 224 : i32
    %xor3A_529 = arith.constant 8 : i32
    %xor3A_530 = vector.broadcast %xor3A_529 : i32 to vector<16xi32>
    %xor3A_531 = arith.xori %iota3A, %xor3A_530 : vector<16xi32>
    %reshape3A_532 = vector.shape_cast %xor3A_531 : vector<16xi32> to vector<16x1xi32>
    %gather3A_533 = vector.shape_cast %reshape3A_532 : vector<16x1xi32> to vector<16xi32>
    %gather3A_534 = tpu.dynamic_gather %scan3A_527[%gather3A_533] in [0] : vector<16xf32>, vector<16xi32> -> vector<16xf32>
    %add3A_535 = arith.addf %scan3A_527, %gather3A_534 : vector<16xf32>
    %xor3A_536 = arith.constant 4 : i32
    %xor3A_537 = vector.broadcast %xor3A_536 : i32 to vector<16xi32>
    %xor3A_538 = arith.xori %iota3A, %xor3A_537 : vector<16xi32>
    %reshape3A_539 = vector.shape_cast %xor3A_538 : vector<16xi32> to vector<16x1xi32>
    %gather3A_540 = vector.shape_cast %reshape3A_539 : vector<16x1xi32> to vector<16xi32>
    %gather3A_541 = tpu.dynamic_gather %add3A_535[%gather3A_540] in [0] : vector<16xf32>, vector<16xi32> -> vector<16xf32>
    %add3A_542 = arith.addf %add3A_535, %gather3A_541 : vector<16xf32>
    %xor3A_543 = arith.constant 2 : i32
    %xor3A_544 = vector.broadcast %xor3A_543 : i32 to vector<16xi32>
    %xor3A_545 = arith.xori %iota3A, %xor3A_544 : vector<16xi32>
    %reshape3A_546 = vector.shape_cast %xor3A_545 : vector<16xi32> to vector<16x1xi32>
    %gather3A_547 = vector.shape_cast %reshape3A_546 : vector<16x1xi32> to vector<16xi32>
    %gather3A_548 = tpu.dynamic_gather %add3A_542[%gather3A_547] in [0] : vector<16xf32>, vector<16xi32> -> vector<16xf32>
    %add3A_549 = arith.addf %add3A_542, %gather3A_548 : vector<16xf32>
    %xor3A_550 = arith.constant 1 : i32
    %xor3A_551 = vector.broadcast %xor3A_550 : i32 to vector<16xi32>
    %xor3A_552 = arith.xori %iota3A, %xor3A_551 : vector<16xi32>
    %reshape3A_553 = vector.shape_cast %xor3A_552 : vector<16xi32> to vector<16x1xi32>
    %gather3A_554 = vector.shape_cast %reshape3A_553 : vector<16x1xi32> to vector<16xi32>
    %gather3A_555 = tpu.dynamic_gather %add3A_549[%gather3A_554] in [0] : vector<16xf32>, vector<16xi32> -> vector<16xf32>
    %add3A_556 = arith.addf %add3A_549, %gather3A_555 : vector<16xf32>
    %swap3A_557 = arith.constant 8 : i32
    %swap3A_558 = arith.index_cast %swap3A_557 : i32 to index
    %swap3A_559 = arith.constant 0 : index
    %swap3A_560 = tpu.vector_load %arg6[%swap3A_558, %swap3A_559] {strides = array<i32>} : memref<16x16xf32, #tpu.memory_space<vmem>>, vector<1x16xf32>,
    %swap3A_561 = vector.shape_cast %swap3A_560 : vector<1x16xf32> to vector<16xf32>
    %swap3A_562 = vector.shape_cast %add3A_556 : vector<16xf32> to vector<1x16xf32>
    tpu.vector_store %arg6[%swap3A_558, %swap3A_559], %swap3A_562 {strides = array<i32>} : memref<16x16xf32, #tpu.memory_space<vmem>>, vector<1x16xf32>,
    %add3A_563 = arith.constant 9 : i32
    %add3A_564 = arith.addi %add3A_4, %add3A_563 : i32
    %add3A_565 = arith.constant 1 : i32
    %add3A_566 = arith.addi %add3A_564, %add3A_565 : i32
    %dma_start3A_567 = arith.constant 0 : i32
    %dma_start3A_568 = arith.constant 0 : i32
    %dma_start3A_569 = tpu.memref_slice %arg2[%add3A_566, %dma_start3A_567, %dma_start3A_568] : memref<1536x224x224xf32, #tpu.memory_space<hbm>> -> memref<1x224x224xf32, #tpu.memory_space<hbm>>
    %dma_start3A_570 = tpu.memref_squeeze %dma_start3A_569 : memref<1x224x224xf32, #tpu.memory_space<hbm>> -> memref<224x224xf32, #tpu.memory_space<hbm>>
    %dma_start3A_571 = arith.constant 0 : i32
    %dma_start3A_572 = arith.constant 0 : i32
    %dma_start3A_573 = tpu.memref_slice %arg2[%add3A_566, %dma_start3A_571, %dma_start3A_572] : memref<1536x224x224xf32, #tpu.memory_space<hbm>> -> memref<1x224x224xf32, #tpu.memory_space<hbm>>
    %dma_start3A_574 = tpu.memref_squeeze %dma_start3A_573 : memref<1x224x224xf32, #tpu.memory_space<hbm>> -> memref<224x224xf32, #tpu.memory_space<hbm>>
    tpu.enqueue_dma source(%dma_start3A_574 : memref<224x224xf32, #tpu.memory_space<hbm>>) target(%arg4 : memref<224x224xf32, #tpu.memory_space<vmem>>) target_semaphore(%arg7 : memref<!tpu.dma_semaphore, #tpu.memory_space<semaphore_mem>>)
    %dma_wait3A_575 = arith.constant 0 : i32
    %dma_wait3A_576 = arith.constant 0 : i32
    %dma_wait3A_577 = tpu.memref_slice %arg2[%add3A_504, %dma_wait3A_575, %dma_wait3A_576] : memref<1536x224x224xf32, #tpu.memory_space<hbm>> -> memref<1x224x224xf32, #tpu.memory_space<hbm>>
    %dma_wait3A_578 = tpu.memref_squeeze %dma_wait3A_577 : memref<1x224x224xf32, #tpu.memory_space<hbm>> -> memref<224x224xf32, #tpu.memory_space<hbm>>
    %dma_wait3A_579 = arith.constant 0 : i32
    %dma_wait3A_580 = arith.constant 0 : i32
    %dma_wait3A_581 = tpu.memref_slice %arg2[%add3A_504, %dma_wait3A_579, %dma_wait3A_580] : memref<1536x224x224xf32, #tpu.memory_space<hbm>> -> memref<1x224x224xf32, #tpu.memory_space<hbm>>
    %dma_wait3A_582 = tpu.memref_squeeze %dma_wait3A_581 : memref<1x224x224xf32, #tpu.memory_space<hbm>> -> memref<224x224xf32, #tpu.memory_space<hbm>>
    tpu.wait_dma2 semaphore(%arg8 : memref<!tpu.dma_semaphore, #tpu.memory_space<semaphore_mem>>) src(%dma_wait3A_582 : memref<224x224xf32, #tpu.memory_space<hbm>>) dst(%arg5 : memref<224x224xf32, #tpu.memory_space<vmem>>)
    %broadcast_in_dim3A_583 = arith.constant 0.000000e+00 : f32
    %broadcast_in_dim3A_584 = vector.broadcast %broadcast_in_dim3A_583 : f32 to vector<16xf32>
    %scan3A_585 = arith.constant 0 : i32
    %scan3A_586 = arith.constant 224 : i32
    %scan3A_587 = arith.addi %scan3A_585, %scan3A_586 : i32
    %scan3A_588 = arith.constant 1 : i32
    %scan3A_589 = scf.for %scan3A_985 = %scan3A_585 to %scan3A_587 step %scan3A_588 iter_args(%scan3A_986 = %broadcast_in_dim3A_584) -> (vector<16xf32>)  : i32 {
      %get3A = arith.index_cast %scan3A_985 : i32 to index
      %get3A_987 = arith.constant 0 : index
      %get3A_988 = tpu.vector_load %arg5[%get3A, %get3A_987] {strides = array<i32>} : memref<224x224xf32, #tpu.memory_space<vmem>>, vector<1x16xf32>,
      %get3A_989 = vector.shape_cast %get3A_988 : vector<1x16xf32> to vector<16xf32>
      %add3A_990 = arith.addf %scan3A_986, %get3A_989 : vector<16xf32>
      %get3A_991 = arith.index_cast %scan3A_985 : i32 to index
      %get3A_992 = arith.constant 16 : index
      %get3A_993 = tpu.vector_load %arg5[%get3A_991, %get3A_992] {strides = array<i32>} : memref<224x224xf32, #tpu.memory_space<vmem>>, vector<1x16xf32>,
      %get3A_994 = vector.shape_cast %get3A_993 : vector<1x16xf32> to vector<16xf32>
      %add3A_995 = arith.addf %add3A_990, %get3A_994 : vector<16xf32>
      %get3A_996 = arith.index_cast %scan3A_985 : i32 to index
      %get3A_997 = arith.constant 32 : index
      %get3A_998 = tpu.vector_load %arg5[%get3A_996, %get3A_997] {strides = array<i32>} : memref<224x224xf32, #tpu.memory_space<vmem>>, vector<1x16xf32>,
      %get3A_999 = vector.shape_cast %get3A_998 : vector<1x16xf32> to vector<16xf32>
      %add3A_1000 = arith.addf %add3A_995, %get3A_999 : vector<16xf32>
      %get3A_1001 = arith.index_cast %scan3A_985 : i32 to index
      %get3A_1002 = arith.constant 48 : index
      %get3A_1003 = tpu.vector_load %arg5[%get3A_1001, %get3A_1002] {strides = array<i32>} : memref<224x224xf32, #tpu.memory_space<vmem>>, vector<1x16xf32>,
      %get3A_1004 = vector.shape_cast %get3A_1003 : vector<1x16xf32> to vector<16xf32>
      %add3A_1005 = arith.addf %add3A_1000, %get3A_1004 : vector<16xf32>
      %get3A_1006 = arith.index_cast %scan3A_985 : i32 to index
      %get3A_1007 = arith.constant 64 : index
      %get3A_1008 = tpu.vector_load %arg5[%get3A_1006, %get3A_1007] {strides = array<i32>} : memref<224x224xf32, #tpu.memory_space<vmem>>, vector<1x16xf32>,
      %get3A_1009 = vector.shape_cast %get3A_1008 : vector<1x16xf32> to vector<16xf32>
      %add3A_1010 = arith.addf %add3A_1005, %get3A_1009 : vector<16xf32>
      %get3A_1011 = arith.index_cast %scan3A_985 : i32 to index
      %get3A_1012 = arith.constant 80 : index
      %get3A_1013 = tpu.vector_load %arg5[%get3A_1011, %get3A_1012] {strides = array<i32>} : memref<224x224xf32, #tpu.memory_space<vmem>>, vector<1x16xf32>,
      %get3A_1014 = vector.shape_cast %get3A_1013 : vector<1x16xf32> to vector<16xf32>
      %add3A_1015 = arith.addf %add3A_1010, %get3A_1014 : vector<16xf32>
      %get3A_1016 = arith.index_cast %scan3A_985 : i32 to index
      %get3A_1017 = arith.constant 96 : index
      %get3A_1018 = tpu.vector_load %arg5[%get3A_1016, %get3A_1017] {strides = array<i32>} : memref<224x224xf32, #tpu.memory_space<vmem>>, vector<1x16xf32>,
      %get3A_1019 = vector.shape_cast %get3A_1018 : vector<1x16xf32> to vector<16xf32>
      %add3A_1020 = arith.addf %add3A_1015, %get3A_1019 : vector<16xf32>
      %get3A_1021 = arith.index_cast %scan3A_985 : i32 to index
      %get3A_1022 = arith.constant 112 : index
      %get3A_1023 = tpu.vector_load %arg5[%get3A_1021, %get3A_1022] {strides = array<i32>} : memref<224x224xf32, #tpu.memory_space<vmem>>, vector<1x16xf32>,
      %get3A_1024 = vector.shape_cast %get3A_1023 : vector<1x16xf32> to vector<16xf32>
      %add3A_1025 = arith.addf %add3A_1020, %get3A_1024 : vector<16xf32>
      %get3A_1026 = arith.index_cast %scan3A_985 : i32 to index
      %get3A_1027 = arith.constant 128 : index
      %get3A_1028 = tpu.vector_load %arg5[%get3A_1026, %get3A_1027] {strides = array<i32>} : memref<224x224xf32, #tpu.memory_space<vmem>>, vector<1x16xf32>,
      %get3A_1029 = vector.shape_cast %get3A_1028 : vector<1x16xf32> to vector<16xf32>
      %add3A_1030 = arith.addf %add3A_1025, %get3A_1029 : vector<16xf32>
      %get3A_1031 = arith.index_cast %scan3A_985 : i32 to index
      %get3A_1032 = arith.constant 144 : index
      %get3A_1033 = tpu.vector_load %arg5[%get3A_1031, %get3A_1032] {strides = array<i32>} : memref<224x224xf32, #tpu.memory_space<vmem>>, vector<1x16xf32>,
      %get3A_1034 = vector.shape_cast %get3A_1033 : vector<1x16xf32> to vector<16xf32>
      %add3A_1035 = arith.addf %add3A_1030, %get3A_1034 : vector<16xf32>
      %get3A_1036 = arith.index_cast %scan3A_985 : i32 to index
      %get3A_1037 = arith.constant 160 : index
      %get3A_1038 = tpu.vector_load %arg5[%get3A_1036, %get3A_1037] {strides = array<i32>} : memref<224x224xf32, #tpu.memory_space<vmem>>, vector<1x16xf32>,
      %get3A_1039 = vector.shape_cast %get3A_1038 : vector<1x16xf32> to vector<16xf32>
      %add3A_1040 = arith.addf %add3A_1035, %get3A_1039 : vector<16xf32>
      %get3A_1041 = arith.index_cast %scan3A_985 : i32 to index
      %get3A_1042 = arith.constant 176 : index
      %get3A_1043 = tpu.vector_load %arg5[%get3A_1041, %get3A_1042] {strides = array<i32>} : memref<224x224xf32, #tpu.memory_space<vmem>>, vector<1x16xf32>,
      %get3A_1044 = vector.shape_cast %get3A_1043 : vector<1x16xf32> to vector<16xf32>
      %add3A_1045 = arith.addf %add3A_1040, %get3A_1044 : vector<16xf32>
      %get3A_1046 = arith.index_cast %scan3A_985 : i32 to index
      %get3A_1047 = arith.constant 192 : index
      %get3A_1048 = tpu.vector_load %arg5[%get3A_1046, %get3A_1047] {strides = array<i32>} : memref<224x224xf32, #tpu.memory_space<vmem>>, vector<1x16xf32>,
      %get3A_1049 = vector.shape_cast %get3A_1048 : vector<1x16xf32> to vector<16xf32>
      %add3A_1050 = arith.addf %add3A_1045, %get3A_1049 : vector<16xf32>
      %get3A_1051 = arith.index_cast %scan3A_985 : i32 to index
      %get3A_1052 = arith.constant 208 : index
      %get3A_1053 = tpu.vector_load %arg5[%get3A_1051, %get3A_1052] {strides = array<i32>} : memref<224x224xf32, #tpu.memory_space<vmem>>, vector<1x16xf32>,
      %get3A_1054 = vector.shape_cast %get3A_1053 : vector<1x16xf32> to vector<16xf32>
      %add3A_1055 = arith.addf %add3A_1050, %get3A_1054 : vector<16xf32>
      scf.yield %add3A_1055 : vector<16xf32>
    }
    %scan3A_590 = arith.constant 224 : i32
    %xor3A_591 = arith.constant 8 : i32
    %xor3A_592 = vector.broadcast %xor3A_591 : i32 to vector<16xi32>
    %xor3A_593 = arith.xori %iota3A, %xor3A_592 : vector<16xi32>
    %reshape3A_594 = vector.shape_cast %xor3A_593 : vector<16xi32> to vector<16x1xi32>
    %gather3A_595 = vector.shape_cast %reshape3A_594 : vector<16x1xi32> to vector<16xi32>
    %gather3A_596 = tpu.dynamic_gather %scan3A_589[%gather3A_595] in [0] : vector<16xf32>, vector<16xi32> -> vector<16xf32>
    %add3A_597 = arith.addf %scan3A_589, %gather3A_596 : vector<16xf32>
    %xor3A_598 = arith.constant 4 : i32
    %xor3A_599 = vector.broadcast %xor3A_598 : i32 to vector<16xi32>
    %xor3A_600 = arith.xori %iota3A, %xor3A_599 : vector<16xi32>
    %reshape3A_601 = vector.shape_cast %xor3A_600 : vector<16xi32> to vector<16x1xi32>
    %gather3A_602 = vector.shape_cast %reshape3A_601 : vector<16x1xi32> to vector<16xi32>
    %gather3A_603 = tpu.dynamic_gather %add3A_597[%gather3A_602] in [0] : vector<16xf32>, vector<16xi32> -> vector<16xf32>
    %add3A_604 = arith.addf %add3A_597, %gather3A_603 : vector<16xf32>
    %xor3A_605 = arith.constant 2 : i32
    %xor3A_606 = vector.broadcast %xor3A_605 : i32 to vector<16xi32>
    %xor3A_607 = arith.xori %iota3A, %xor3A_606 : vector<16xi32>
    %reshape3A_608 = vector.shape_cast %xor3A_607 : vector<16xi32> to vector<16x1xi32>
    %gather3A_609 = vector.shape_cast %reshape3A_608 : vector<16x1xi32> to vector<16xi32>
    %gather3A_610 = tpu.dynamic_gather %add3A_604[%gather3A_609] in [0] : vector<16xf32>, vector<16xi32> -> vector<16xf32>
    %add3A_611 = arith.addf %add3A_604, %gather3A_610 : vector<16xf32>
    %xor3A_612 = arith.constant 1 : i32
    %xor3A_613 = vector.broadcast %xor3A_612 : i32 to vector<16xi32>
    %xor3A_614 = arith.xori %iota3A, %xor3A_613 : vector<16xi32>
    %reshape3A_615 = vector.shape_cast %xor3A_614 : vector<16xi32> to vector<16x1xi32>
    %gather3A_616 = vector.shape_cast %reshape3A_615 : vector<16x1xi32> to vector<16xi32>
    %gather3A_617 = tpu.dynamic_gather %add3A_611[%gather3A_616] in [0] : vector<16xf32>, vector<16xi32> -> vector<16xf32>
    %add3A_618 = arith.addf %add3A_611, %gather3A_617 : vector<16xf32>
    %swap3A_619 = arith.constant 9 : i32
    %swap3A_620 = arith.index_cast %swap3A_619 : i32 to index
    %swap3A_621 = arith.constant 0 : index
    %swap3A_622 = tpu.vector_load %arg6[%swap3A_620, %swap3A_621] {strides = array<i32>} : memref<16x16xf32, #tpu.memory_space<vmem>>, vector<1x16xf32>,
    %swap3A_623 = vector.shape_cast %swap3A_622 : vector<1x16xf32> to vector<16xf32>
    %swap3A_624 = vector.shape_cast %add3A_618 : vector<16xf32> to vector<1x16xf32>
    tpu.vector_store %arg6[%swap3A_620, %swap3A_621], %swap3A_624 {strides = array<i32>} : memref<16x16xf32, #tpu.memory_space<vmem>>, vector<1x16xf32>,
    %add3A_625 = arith.constant 10 : i32
    %add3A_626 = arith.addi %add3A_4, %add3A_625 : i32
    %add3A_627 = arith.constant 1 : i32
    %add3A_628 = arith.addi %add3A_626, %add3A_627 : i32
    %dma_start3A_629 = arith.constant 0 : i32
    %dma_start3A_630 = arith.constant 0 : i32
    %dma_start3A_631 = tpu.memref_slice %arg2[%add3A_628, %dma_start3A_629, %dma_start3A_630] : memref<1536x224x224xf32, #tpu.memory_space<hbm>> -> memref<1x224x224xf32, #tpu.memory_space<hbm>>
    %dma_start3A_632 = tpu.memref_squeeze %dma_start3A_631 : memref<1x224x224xf32, #tpu.memory_space<hbm>> -> memref<224x224xf32, #tpu.memory_space<hbm>>
    %dma_start3A_633 = arith.constant 0 : i32
    %dma_start3A_634 = arith.constant 0 : i32
    %dma_start3A_635 = tpu.memref_slice %arg2[%add3A_628, %dma_start3A_633, %dma_start3A_634] : memref<1536x224x224xf32, #tpu.memory_space<hbm>> -> memref<1x224x224xf32, #tpu.memory_space<hbm>>
    %dma_start3A_636 = tpu.memref_squeeze %dma_start3A_635 : memref<1x224x224xf32, #tpu.memory_space<hbm>> -> memref<224x224xf32, #tpu.memory_space<hbm>>
    tpu.enqueue_dma source(%dma_start3A_636 : memref<224x224xf32, #tpu.memory_space<hbm>>) target(%arg5 : memref<224x224xf32, #tpu.memory_space<vmem>>) target_semaphore(%arg8 : memref<!tpu.dma_semaphore, #tpu.memory_space<semaphore_mem>>)
    %dma_wait3A_637 = arith.constant 0 : i32
    %dma_wait3A_638 = arith.constant 0 : i32
    %dma_wait3A_639 = tpu.memref_slice %arg2[%add3A_566, %dma_wait3A_637, %dma_wait3A_638] : memref<1536x224x224xf32, #tpu.memory_space<hbm>> -> memref<1x224x224xf32, #tpu.memory_space<hbm>>
    %dma_wait3A_640 = tpu.memref_squeeze %dma_wait3A_639 : memref<1x224x224xf32, #tpu.memory_space<hbm>> -> memref<224x224xf32, #tpu.memory_space<hbm>>
    %dma_wait3A_641 = arith.constant 0 : i32
    %dma_wait3A_642 = arith.constant 0 : i32
    %dma_wait3A_643 = tpu.memref_slice %arg2[%add3A_566, %dma_wait3A_641, %dma_wait3A_642] : memref<1536x224x224xf32, #tpu.memory_space<hbm>> -> memref<1x224x224xf32, #tpu.memory_space<hbm>>
    %dma_wait3A_644 = tpu.memref_squeeze %dma_wait3A_643 : memref<1x224x224xf32, #tpu.memory_space<hbm>> -> memref<224x224xf32, #tpu.memory_space<hbm>>
    tpu.wait_dma2 semaphore(%arg7 : memref<!tpu.dma_semaphore, #tpu.memory_space<semaphore_mem>>) src(%dma_wait3A_644 : memref<224x224xf32, #tpu.memory_space<hbm>>) dst(%arg4 : memref<224x224xf32, #tpu.memory_space<vmem>>)
    %broadcast_in_dim3A_645 = arith.constant 0.000000e+00 : f32
    %broadcast_in_dim3A_646 = vector.broadcast %broadcast_in_dim3A_645 : f32 to vector<16xf32>
    %scan3A_647 = arith.constant 0 : i32
    %scan3A_648 = arith.constant 224 : i32
    %scan3A_649 = arith.addi %scan3A_647, %scan3A_648 : i32
    %scan3A_650 = arith.constant 1 : i32
    %scan3A_651 = scf.for %scan3A_985 = %scan3A_647 to %scan3A_649 step %scan3A_650 iter_args(%scan3A_986 = %broadcast_in_dim3A_646) -> (vector<16xf32>)  : i32 {
      %get3A = arith.index_cast %scan3A_985 : i32 to index
      %get3A_987 = arith.constant 0 : index
      %get3A_988 = tpu.vector_load %arg4[%get3A, %get3A_987] {strides = array<i32>} : memref<224x224xf32, #tpu.memory_space<vmem>>, vector<1x16xf32>,
      %get3A_989 = vector.shape_cast %get3A_988 : vector<1x16xf32> to vector<16xf32>
      %add3A_990 = arith.addf %scan3A_986, %get3A_989 : vector<16xf32>
      %get3A_991 = arith.index_cast %scan3A_985 : i32 to index
      %get3A_992 = arith.constant 16 : index
      %get3A_993 = tpu.vector_load %arg4[%get3A_991, %get3A_992] {strides = array<i32>} : memref<224x224xf32, #tpu.memory_space<vmem>>, vector<1x16xf32>,
      %get3A_994 = vector.shape_cast %get3A_993 : vector<1x16xf32> to vector<16xf32>
      %add3A_995 = arith.addf %add3A_990, %get3A_994 : vector<16xf32>
      %get3A_996 = arith.index_cast %scan3A_985 : i32 to index
      %get3A_997 = arith.constant 32 : index
      %get3A_998 = tpu.vector_load %arg4[%get3A_996, %get3A_997] {strides = array<i32>} : memref<224x224xf32, #tpu.memory_space<vmem>>, vector<1x16xf32>,
      %get3A_999 = vector.shape_cast %get3A_998 : vector<1x16xf32> to vector<16xf32>
      %add3A_1000 = arith.addf %add3A_995, %get3A_999 : vector<16xf32>
      %get3A_1001 = arith.index_cast %scan3A_985 : i32 to index
      %get3A_1002 = arith.constant 48 : index
      %get3A_1003 = tpu.vector_load %arg4[%get3A_1001, %get3A_1002] {strides = array<i32>} : memref<224x224xf32, #tpu.memory_space<vmem>>, vector<1x16xf32>,
      %get3A_1004 = vector.shape_cast %get3A_1003 : vector<1x16xf32> to vector<16xf32>
      %add3A_1005 = arith.addf %add3A_1000, %get3A_1004 : vector<16xf32>
      %get3A_1006 = arith.index_cast %scan3A_985 : i32 to index
      %get3A_1007 = arith.constant 64 : index
      %get3A_1008 = tpu.vector_load %arg4[%get3A_1006, %get3A_1007] {strides = array<i32>} : memref<224x224xf32, #tpu.memory_space<vmem>>, vector<1x16xf32>,
      %get3A_1009 = vector.shape_cast %get3A_1008 : vector<1x16xf32> to vector<16xf32>
      %add3A_1010 = arith.addf %add3A_1005, %get3A_1009 : vector<16xf32>
      %get3A_1011 = arith.index_cast %scan3A_985 : i32 to index
      %get3A_1012 = arith.constant 80 : index
      %get3A_1013 = tpu.vector_load %arg4[%get3A_1011, %get3A_1012] {strides = array<i32>} : memref<224x224xf32, #tpu.memory_space<vmem>>, vector<1x16xf32>,
      %get3A_1014 = vector.shape_cast %get3A_1013 : vector<1x16xf32> to vector<16xf32>
      %add3A_1015 = arith.addf %add3A_1010, %get3A_1014 : vector<16xf32>
      %get3A_1016 = arith.index_cast %scan3A_985 : i32 to index
      %get3A_1017 = arith.constant 96 : index
      %get3A_1018 = tpu.vector_load %arg4[%get3A_1016, %get3A_1017] {strides = array<i32>} : memref<224x224xf32, #tpu.memory_space<vmem>>, vector<1x16xf32>,
      %get3A_1019 = vector.shape_cast %get3A_1018 : vector<1x16xf32> to vector<16xf32>
      %add3A_1020 = arith.addf %add3A_1015, %get3A_1019 : vector<16xf32>
      %get3A_1021 = arith.index_cast %scan3A_985 : i32 to index
      %get3A_1022 = arith.constant 112 : index
      %get3A_1023 = tpu.vector_load %arg4[%get3A_1021, %get3A_1022] {strides = array<i32>} : memref<224x224xf32, #tpu.memory_space<vmem>>, vector<1x16xf32>,
      %get3A_1024 = vector.shape_cast %get3A_1023 : vector<1x16xf32> to vector<16xf32>
      %add3A_1025 = arith.addf %add3A_1020, %get3A_1024 : vector<16xf32>
      %get3A_1026 = arith.index_cast %scan3A_985 : i32 to index
      %get3A_1027 = arith.constant 128 : index
      %get3A_1028 = tpu.vector_load %arg4[%get3A_1026, %get3A_1027] {strides = array<i32>} : memref<224x224xf32, #tpu.memory_space<vmem>>, vector<1x16xf32>,
      %get3A_1029 = vector.shape_cast %get3A_1028 : vector<1x16xf32> to vector<16xf32>
      %add3A_1030 = arith.addf %add3A_1025, %get3A_1029 : vector<16xf32>
      %get3A_1031 = arith.index_cast %scan3A_985 : i32 to index
      %get3A_1032 = arith.constant 144 : index
      %get3A_1033 = tpu.vector_load %arg4[%get3A_1031, %get3A_1032] {strides = array<i32>} : memref<224x224xf32, #tpu.memory_space<vmem>>, vector<1x16xf32>,
      %get3A_1034 = vector.shape_cast %get3A_1033 : vector<1x16xf32> to vector<16xf32>
      %add3A_1035 = arith.addf %add3A_1030, %get3A_1034 : vector<16xf32>
      %get3A_1036 = arith.index_cast %scan3A_985 : i32 to index
      %get3A_1037 = arith.constant 160 : index
      %get3A_1038 = tpu.vector_load %arg4[%get3A_1036, %get3A_1037] {strides = array<i32>} : memref<224x224xf32, #tpu.memory_space<vmem>>, vector<1x16xf32>,
      %get3A_1039 = vector.shape_cast %get3A_1038 : vector<1x16xf32> to vector<16xf32>
      %add3A_1040 = arith.addf %add3A_1035, %get3A_1039 : vector<16xf32>
      %get3A_1041 = arith.index_cast %scan3A_985 : i32 to index
      %get3A_1042 = arith.constant 176 : index
      %get3A_1043 = tpu.vector_load %arg4[%get3A_1041, %get3A_1042] {strides = array<i32>} : memref<224x224xf32, #tpu.memory_space<vmem>>, vector<1x16xf32>,
      %get3A_1044 = vector.shape_cast %get3A_1043 : vector<1x16xf32> to vector<16xf32>
      %add3A_1045 = arith.addf %add3A_1040, %get3A_1044 : vector<16xf32>
      %get3A_1046 = arith.index_cast %scan3A_985 : i32 to index
      %get3A_1047 = arith.constant 192 : index
      %get3A_1048 = tpu.vector_load %arg4[%get3A_1046, %get3A_1047] {strides = array<i32>} : memref<224x224xf32, #tpu.memory_space<vmem>>, vector<1x16xf32>,
      %get3A_1049 = vector.shape_cast %get3A_1048 : vector<1x16xf32> to vector<16xf32>
      %add3A_1050 = arith.addf %add3A_1045, %get3A_1049 : vector<16xf32>
      %get3A_1051 = arith.index_cast %scan3A_985 : i32 to index
      %get3A_1052 = arith.constant 208 : index
      %get3A_1053 = tpu.vector_load %arg4[%get3A_1051, %get3A_1052] {strides = array<i32>} : memref<224x224xf32, #tpu.memory_space<vmem>>, vector<1x16xf32>,
      %get3A_1054 = vector.shape_cast %get3A_1053 : vector<1x16xf32> to vector<16xf32>
      %add3A_1055 = arith.addf %add3A_1050, %get3A_1054 : vector<16xf32>
      scf.yield %add3A_1055 : vector<16xf32>
    }
    %scan3A_652 = arith.constant 224 : i32
    %xor3A_653 = arith.constant 8 : i32
    %xor3A_654 = vector.broadcast %xor3A_653 : i32 to vector<16xi32>
    %xor3A_655 = arith.xori %iota3A, %xor3A_654 : vector<16xi32>
    %reshape3A_656 = vector.shape_cast %xor3A_655 : vector<16xi32> to vector<16x1xi32>
    %gather3A_657 = vector.shape_cast %reshape3A_656 : vector<16x1xi32> to vector<16xi32>
    %gather3A_658 = tpu.dynamic_gather %scan3A_651[%gather3A_657] in [0] : vector<16xf32>, vector<16xi32> -> vector<16xf32>
    %add3A_659 = arith.addf %scan3A_651, %gather3A_658 : vector<16xf32>
    %xor3A_660 = arith.constant 4 : i32
    %xor3A_661 = vector.broadcast %xor3A_660 : i32 to vector<16xi32>
    %xor3A_662 = arith.xori %iota3A, %xor3A_661 : vector<16xi32>
    %reshape3A_663 = vector.shape_cast %xor3A_662 : vector<16xi32> to vector<16x1xi32>
    %gather3A_664 = vector.shape_cast %reshape3A_663 : vector<16x1xi32> to vector<16xi32>
    %gather3A_665 = tpu.dynamic_gather %add3A_659[%gather3A_664] in [0] : vector<16xf32>, vector<16xi32> -> vector<16xf32>
    %add3A_666 = arith.addf %add3A_659, %gather3A_665 : vector<16xf32>
    %xor3A_667 = arith.constant 2 : i32
    %xor3A_668 = vector.broadcast %xor3A_667 : i32 to vector<16xi32>
    %xor3A_669 = arith.xori %iota3A, %xor3A_668 : vector<16xi32>
    %reshape3A_670 = vector.shape_cast %xor3A_669 : vector<16xi32> to vector<16x1xi32>
    %gather3A_671 = vector.shape_cast %reshape3A_670 : vector<16x1xi32> to vector<16xi32>
    %gather3A_672 = tpu.dynamic_gather %add3A_666[%gather3A_671] in [0] : vector<16xf32>, vector<16xi32> -> vector<16xf32>
    %add3A_673 = arith.addf %add3A_666, %gather3A_672 : vector<16xf32>
    %xor3A_674 = arith.constant 1 : i32
    %xor3A_675 = vector.broadcast %xor3A_674 : i32 to vector<16xi32>
    %xor3A_676 = arith.xori %iota3A, %xor3A_675 : vector<16xi32>
    %reshape3A_677 = vector.shape_cast %xor3A_676 : vector<16xi32> to vector<16x1xi32>
    %gather3A_678 = vector.shape_cast %reshape3A_677 : vector<16x1xi32> to vector<16xi32>
    %gather3A_679 = tpu.dynamic_gather %add3A_673[%gather3A_678] in [0] : vector<16xf32>, vector<16xi32> -> vector<16xf32>
    %add3A_680 = arith.addf %add3A_673, %gather3A_679 : vector<16xf32>
    %swap3A_681 = arith.constant 10 : i32
    %swap3A_682 = arith.index_cast %swap3A_681 : i32 to index
    %swap3A_683 = arith.constant 0 : index
    %swap3A_684 = tpu.vector_load %arg6[%swap3A_682, %swap3A_683] {strides = array<i32>} : memref<16x16xf32, #tpu.memory_space<vmem>>, vector<1x16xf32>,
    %swap3A_685 = vector.shape_cast %swap3A_684 : vector<1x16xf32> to vector<16xf32>
    %swap3A_686 = vector.shape_cast %add3A_680 : vector<16xf32> to vector<1x16xf32>
    tpu.vector_store %arg6[%swap3A_682, %swap3A_683], %swap3A_686 {strides = array<i32>} : memref<16x16xf32, #tpu.memory_space<vmem>>, vector<1x16xf32>,
    %add3A_687 = arith.constant 11 : i32
    %add3A_688 = arith.addi %add3A_4, %add3A_687 : i32
    %add3A_689 = arith.constant 1 : i32
    %add3A_690 = arith.addi %add3A_688, %add3A_689 : i32
    %dma_start3A_691 = arith.constant 0 : i32
    %dma_start3A_692 = arith.constant 0 : i32
    %dma_start3A_693 = tpu.memref_slice %arg2[%add3A_690, %dma_start3A_691, %dma_start3A_692] : memref<1536x224x224xf32, #tpu.memory_space<hbm>> -> memref<1x224x224xf32, #tpu.memory_space<hbm>>
    %dma_start3A_694 = tpu.memref_squeeze %dma_start3A_693 : memref<1x224x224xf32, #tpu.memory_space<hbm>> -> memref<224x224xf32, #tpu.memory_space<hbm>>
    %dma_start3A_695 = arith.constant 0 : i32
    %dma_start3A_696 = arith.constant 0 : i32
    %dma_start3A_697 = tpu.memref_slice %arg2[%add3A_690, %dma_start3A_695, %dma_start3A_696] : memref<1536x224x224xf32, #tpu.memory_space<hbm>> -> memref<1x224x224xf32, #tpu.memory_space<hbm>>
    %dma_start3A_698 = tpu.memref_squeeze %dma_start3A_697 : memref<1x224x224xf32, #tpu.memory_space<hbm>> -> memref<224x224xf32, #tpu.memory_space<hbm>>
    tpu.enqueue_dma source(%dma_start3A_698 : memref<224x224xf32, #tpu.memory_space<hbm>>) target(%arg4 : memref<224x224xf32, #tpu.memory_space<vmem>>) target_semaphore(%arg7 : memref<!tpu.dma_semaphore, #tpu.memory_space<semaphore_mem>>)
    %dma_wait3A_699 = arith.constant 0 : i32
    %dma_wait3A_700 = arith.constant 0 : i32
    %dma_wait3A_701 = tpu.memref_slice %arg2[%add3A_628, %dma_wait3A_699, %dma_wait3A_700] : memref<1536x224x224xf32, #tpu.memory_space<hbm>> -> memref<1x224x224xf32, #tpu.memory_space<hbm>>
    %dma_wait3A_702 = tpu.memref_squeeze %dma_wait3A_701 : memref<1x224x224xf32, #tpu.memory_space<hbm>> -> memref<224x224xf32, #tpu.memory_space<hbm>>
    %dma_wait3A_703 = arith.constant 0 : i32
    %dma_wait3A_704 = arith.constant 0 : i32
    %dma_wait3A_705 = tpu.memref_slice %arg2[%add3A_628, %dma_wait3A_703, %dma_wait3A_704] : memref<1536x224x224xf32, #tpu.memory_space<hbm>> -> memref<1x224x224xf32, #tpu.memory_space<hbm>>
    %dma_wait3A_706 = tpu.memref_squeeze %dma_wait3A_705 : memref<1x224x224xf32, #tpu.memory_space<hbm>> -> memref<224x224xf32, #tpu.memory_space<hbm>>
    tpu.wait_dma2 semaphore(%arg8 : memref<!tpu.dma_semaphore, #tpu.memory_space<semaphore_mem>>) src(%dma_wait3A_706 : memref<224x224xf32, #tpu.memory_space<hbm>>) dst(%arg5 : memref<224x224xf32, #tpu.memory_space<vmem>>)
    %broadcast_in_dim3A_707 = arith.constant 0.000000e+00 : f32
    %broadcast_in_dim3A_708 = vector.broadcast %broadcast_in_dim3A_707 : f32 to vector<16xf32>
    %scan3A_709 = arith.constant 0 : i32
    %scan3A_710 = arith.constant 224 : i32
    %scan3A_711 = arith.addi %scan3A_709, %scan3A_710 : i32
    %scan3A_712 = arith.constant 1 : i32
    %scan3A_713 = scf.for %scan3A_985 = %scan3A_709 to %scan3A_711 step %scan3A_712 iter_args(%scan3A_986 = %broadcast_in_dim3A_708) -> (vector<16xf32>)  : i32 {
      %get3A = arith.index_cast %scan3A_985 : i32 to index
      %get3A_987 = arith.constant 0 : index
      %get3A_988 = tpu.vector_load %arg5[%get3A, %get3A_987] {strides = array<i32>} : memref<224x224xf32, #tpu.memory_space<vmem>>, vector<1x16xf32>,
      %get3A_989 = vector.shape_cast %get3A_988 : vector<1x16xf32> to vector<16xf32>
      %add3A_990 = arith.addf %scan3A_986, %get3A_989 : vector<16xf32>
      %get3A_991 = arith.index_cast %scan3A_985 : i32 to index
      %get3A_992 = arith.constant 16 : index
      %get3A_993 = tpu.vector_load %arg5[%get3A_991, %get3A_992] {strides = array<i32>} : memref<224x224xf32, #tpu.memory_space<vmem>>, vector<1x16xf32>,
      %get3A_994 = vector.shape_cast %get3A_993 : vector<1x16xf32> to vector<16xf32>
      %add3A_995 = arith.addf %add3A_990, %get3A_994 : vector<16xf32>
      %get3A_996 = arith.index_cast %scan3A_985 : i32 to index
      %get3A_997 = arith.constant 32 : index
      %get3A_998 = tpu.vector_load %arg5[%get3A_996, %get3A_997] {strides = array<i32>} : memref<224x224xf32, #tpu.memory_space<vmem>>, vector<1x16xf32>,
      %get3A_999 = vector.shape_cast %get3A_998 : vector<1x16xf32> to vector<16xf32>
      %add3A_1000 = arith.addf %add3A_995, %get3A_999 : vector<16xf32>
      %get3A_1001 = arith.index_cast %scan3A_985 : i32 to index
      %get3A_1002 = arith.constant 48 : index
      %get3A_1003 = tpu.vector_load %arg5[%get3A_1001, %get3A_1002] {strides = array<i32>} : memref<224x224xf32, #tpu.memory_space<vmem>>, vector<1x16xf32>,
      %get3A_1004 = vector.shape_cast %get3A_1003 : vector<1x16xf32> to vector<16xf32>
      %add3A_1005 = arith.addf %add3A_1000, %get3A_1004 : vector<16xf32>
      %get3A_1006 = arith.index_cast %scan3A_985 : i32 to index
      %get3A_1007 = arith.constant 64 : index
      %get3A_1008 = tpu.vector_load %arg5[%get3A_1006, %get3A_1007] {strides = array<i32>} : memref<224x224xf32, #tpu.memory_space<vmem>>, vector<1x16xf32>,
      %get3A_1009 = vector.shape_cast %get3A_1008 : vector<1x16xf32> to vector<16xf32>
      %add3A_1010 = arith.addf %add3A_1005, %get3A_1009 : vector<16xf32>
      %get3A_1011 = arith.index_cast %scan3A_985 : i32 to index
      %get3A_1012 = arith.constant 80 : index
      %get3A_1013 = tpu.vector_load %arg5[%get3A_1011, %get3A_1012] {strides = array<i32>} : memref<224x224xf32, #tpu.memory_space<vmem>>, vector<1x16xf32>,
      %get3A_1014 = vector.shape_cast %get3A_1013 : vector<1x16xf32> to vector<16xf32>
      %add3A_1015 = arith.addf %add3A_1010, %get3A_1014 : vector<16xf32>
      %get3A_1016 = arith.index_cast %scan3A_985 : i32 to index
      %get3A_1017 = arith.constant 96 : index
      %get3A_1018 = tpu.vector_load %arg5[%get3A_1016, %get3A_1017] {strides = array<i32>} : memref<224x224xf32, #tpu.memory_space<vmem>>, vector<1x16xf32>,
      %get3A_1019 = vector.shape_cast %get3A_1018 : vector<1x16xf32> to vector<16xf32>
      %add3A_1020 = arith.addf %add3A_1015, %get3A_1019 : vector<16xf32>
      %get3A_1021 = arith.index_cast %scan3A_985 : i32 to index
      %get3A_1022 = arith.constant 112 : index
      %get3A_1023 = tpu.vector_load %arg5[%get3A_1021, %get3A_1022] {strides = array<i32>} : memref<224x224xf32, #tpu.memory_space<vmem>>, vector<1x16xf32>,
      %get3A_1024 = vector.shape_cast %get3A_1023 : vector<1x16xf32> to vector<16xf32>
      %add3A_1025 = arith.addf %add3A_1020, %get3A_1024 : vector<16xf32>
      %get3A_1026 = arith.index_cast %scan3A_985 : i32 to index
      %get3A_1027 = arith.constant 128 : index
      %get3A_1028 = tpu.vector_load %arg5[%get3A_1026, %get3A_1027] {strides = array<i32>} : memref<224x224xf32, #tpu.memory_space<vmem>>, vector<1x16xf32>,
      %get3A_1029 = vector.shape_cast %get3A_1028 : vector<1x16xf32> to vector<16xf32>
      %add3A_1030 = arith.addf %add3A_1025, %get3A_1029 : vector<16xf32>
      %get3A_1031 = arith.index_cast %scan3A_985 : i32 to index
      %get3A_1032 = arith.constant 144 : index
      %get3A_1033 = tpu.vector_load %arg5[%get3A_1031, %get3A_1032] {strides = array<i32>} : memref<224x224xf32, #tpu.memory_space<vmem>>, vector<1x16xf32>,
      %get3A_1034 = vector.shape_cast %get3A_1033 : vector<1x16xf32> to vector<16xf32>
      %add3A_1035 = arith.addf %add3A_1030, %get3A_1034 : vector<16xf32>
      %get3A_1036 = arith.index_cast %scan3A_985 : i32 to index
      %get3A_1037 = arith.constant 160 : index
      %get3A_1038 = tpu.vector_load %arg5[%get3A_1036, %get3A_1037] {strides = array<i32>} : memref<224x224xf32, #tpu.memory_space<vmem>>, vector<1x16xf32>,
      %get3A_1039 = vector.shape_cast %get3A_1038 : vector<1x16xf32> to vector<16xf32>
      %add3A_1040 = arith.addf %add3A_1035, %get3A_1039 : vector<16xf32>
      %get3A_1041 = arith.index_cast %scan3A_985 : i32 to index
      %get3A_1042 = arith.constant 176 : index
      %get3A_1043 = tpu.vector_load %arg5[%get3A_1041, %get3A_1042] {strides = array<i32>} : memref<224x224xf32, #tpu.memory_space<vmem>>, vector<1x16xf32>,
      %get3A_1044 = vector.shape_cast %get3A_1043 : vector<1x16xf32> to vector<16xf32>
      %add3A_1045 = arith.addf %add3A_1040, %get3A_1044 : vector<16xf32>
      %get3A_1046 = arith.index_cast %scan3A_985 : i32 to index
      %get3A_1047 = arith.constant 192 : index
      %get3A_1048 = tpu.vector_load %arg5[%get3A_1046, %get3A_1047] {strides = array<i32>} : memref<224x224xf32, #tpu.memory_space<vmem>>, vector<1x16xf32>,
      %get3A_1049 = vector.shape_cast %get3A_1048 : vector<1x16xf32> to vector<16xf32>
      %add3A_1050 = arith.addf %add3A_1045, %get3A_1049 : vector<16xf32>
      %get3A_1051 = arith.index_cast %scan3A_985 : i32 to index
      %get3A_1052 = arith.constant 208 : index
      %get3A_1053 = tpu.vector_load %arg5[%get3A_1051, %get3A_1052] {strides = array<i32>} : memref<224x224xf32, #tpu.memory_space<vmem>>, vector<1x16xf32>,
      %get3A_1054 = vector.shape_cast %get3A_1053 : vector<1x16xf32> to vector<16xf32>
      %add3A_1055 = arith.addf %add3A_1050, %get3A_1054 : vector<16xf32>
      scf.yield %add3A_1055 : vector<16xf32>
    }
    %scan3A_714 = arith.constant 224 : i32
    %xor3A_715 = arith.constant 8 : i32
    %xor3A_716 = vector.broadcast %xor3A_715 : i32 to vector<16xi32>
    %xor3A_717 = arith.xori %iota3A, %xor3A_716 : vector<16xi32>
    %reshape3A_718 = vector.shape_cast %xor3A_717 : vector<16xi32> to vector<16x1xi32>
    %gather3A_719 = vector.shape_cast %reshape3A_718 : vector<16x1xi32> to vector<16xi32>
    %gather3A_720 = tpu.dynamic_gather %scan3A_713[%gather3A_719] in [0] : vector<16xf32>, vector<16xi32> -> vector<16xf32>
    %add3A_721 = arith.addf %scan3A_713, %gather3A_720 : vector<16xf32>
    %xor3A_722 = arith.constant 4 : i32
    %xor3A_723 = vector.broadcast %xor3A_722 : i32 to vector<16xi32>
    %xor3A_724 = arith.xori %iota3A, %xor3A_723 : vector<16xi32>
    %reshape3A_725 = vector.shape_cast %xor3A_724 : vector<16xi32> to vector<16x1xi32>
    %gather3A_726 = vector.shape_cast %reshape3A_725 : vector<16x1xi32> to vector<16xi32>
    %gather3A_727 = tpu.dynamic_gather %add3A_721[%gather3A_726] in [0] : vector<16xf32>, vector<16xi32> -> vector<16xf32>
    %add3A_728 = arith.addf %add3A_721, %gather3A_727 : vector<16xf32>
    %xor3A_729 = arith.constant 2 : i32
    %xor3A_730 = vector.broadcast %xor3A_729 : i32 to vector<16xi32>
    %xor3A_731 = arith.xori %iota3A, %xor3A_730 : vector<16xi32>
    %reshape3A_732 = vector.shape_cast %xor3A_731 : vector<16xi32> to vector<16x1xi32>
    %gather3A_733 = vector.shape_cast %reshape3A_732 : vector<16x1xi32> to vector<16xi32>
    %gather3A_734 = tpu.dynamic_gather %add3A_728[%gather3A_733] in [0] : vector<16xf32>, vector<16xi32> -> vector<16xf32>
    %add3A_735 = arith.addf %add3A_728, %gather3A_734 : vector<16xf32>
    %xor3A_736 = arith.constant 1 : i32
    %xor3A_737 = vector.broadcast %xor3A_736 : i32 to vector<16xi32>
    %xor3A_738 = arith.xori %iota3A, %xor3A_737 : vector<16xi32>
    %reshape3A_739 = vector.shape_cast %xor3A_738 : vector<16xi32> to vector<16x1xi32>
    %gather3A_740 = vector.shape_cast %reshape3A_739 : vector<16x1xi32> to vector<16xi32>
    %gather3A_741 = tpu.dynamic_gather %add3A_735[%gather3A_740] in [0] : vector<16xf32>, vector<16xi32> -> vector<16xf32>
    %add3A_742 = arith.addf %add3A_735, %gather3A_741 : vector<16xf32>
    %swap3A_743 = arith.constant 11 : i32
    %swap3A_744 = arith.index_cast %swap3A_743 : i32 to index
    %swap3A_745 = arith.constant 0 : index
    %swap3A_746 = tpu.vector_load %arg6[%swap3A_744, %swap3A_745] {strides = array<i32>} : memref<16x16xf32, #tpu.memory_space<vmem>>, vector<1x16xf32>,
    %swap3A_747 = vector.shape_cast %swap3A_746 : vector<1x16xf32> to vector<16xf32>
    %swap3A_748 = vector.shape_cast %add3A_742 : vector<16xf32> to vector<1x16xf32>
    tpu.vector_store %arg6[%swap3A_744, %swap3A_745], %swap3A_748 {strides = array<i32>} : memref<16x16xf32, #tpu.memory_space<vmem>>, vector<1x16xf32>,
    %add3A_749 = arith.constant 12 : i32
    %add3A_750 = arith.addi %add3A_4, %add3A_749 : i32
    %add3A_751 = arith.constant 1 : i32
    %add3A_752 = arith.addi %add3A_750, %add3A_751 : i32
    %dma_start3A_753 = arith.constant 0 : i32
    %dma_start3A_754 = arith.constant 0 : i32
    %dma_start3A_755 = tpu.memref_slice %arg2[%add3A_752, %dma_start3A_753, %dma_start3A_754] : memref<1536x224x224xf32, #tpu.memory_space<hbm>> -> memref<1x224x224xf32, #tpu.memory_space<hbm>>
    %dma_start3A_756 = tpu.memref_squeeze %dma_start3A_755 : memref<1x224x224xf32, #tpu.memory_space<hbm>> -> memref<224x224xf32, #tpu.memory_space<hbm>>
    %dma_start3A_757 = arith.constant 0 : i32
    %dma_start3A_758 = arith.constant 0 : i32
    %dma_start3A_759 = tpu.memref_slice %arg2[%add3A_752, %dma_start3A_757, %dma_start3A_758] : memref<1536x224x224xf32, #tpu.memory_space<hbm>> -> memref<1x224x224xf32, #tpu.memory_space<hbm>>
    %dma_start3A_760 = tpu.memref_squeeze %dma_start3A_759 : memref<1x224x224xf32, #tpu.memory_space<hbm>> -> memref<224x224xf32, #tpu.memory_space<hbm>>
    tpu.enqueue_dma source(%dma_start3A_760 : memref<224x224xf32, #tpu.memory_space<hbm>>) target(%arg5 : memref<224x224xf32, #tpu.memory_space<vmem>>) target_semaphore(%arg8 : memref<!tpu.dma_semaphore, #tpu.memory_space<semaphore_mem>>)
    %dma_wait3A_761 = arith.constant 0 : i32
    %dma_wait3A_762 = arith.constant 0 : i32
    %dma_wait3A_763 = tpu.memref_slice %arg2[%add3A_690, %dma_wait3A_761, %dma_wait3A_762] : memref<1536x224x224xf32, #tpu.memory_space<hbm>> -> memref<1x224x224xf32, #tpu.memory_space<hbm>>
    %dma_wait3A_764 = tpu.memref_squeeze %dma_wait3A_763 : memref<1x224x224xf32, #tpu.memory_space<hbm>> -> memref<224x224xf32, #tpu.memory_space<hbm>>
    %dma_wait3A_765 = arith.constant 0 : i32
    %dma_wait3A_766 = arith.constant 0 : i32
    %dma_wait3A_767 = tpu.memref_slice %arg2[%add3A_690, %dma_wait3A_765, %dma_wait3A_766] : memref<1536x224x224xf32, #tpu.memory_space<hbm>> -> memref<1x224x224xf32, #tpu.memory_space<hbm>>
    %dma_wait3A_768 = tpu.memref_squeeze %dma_wait3A_767 : memref<1x224x224xf32, #tpu.memory_space<hbm>> -> memref<224x224xf32, #tpu.memory_space<hbm>>
    tpu.wait_dma2 semaphore(%arg7 : memref<!tpu.dma_semaphore, #tpu.memory_space<semaphore_mem>>) src(%dma_wait3A_768 : memref<224x224xf32, #tpu.memory_space<hbm>>) dst(%arg4 : memref<224x224xf32, #tpu.memory_space<vmem>>)
    %broadcast_in_dim3A_769 = arith.constant 0.000000e+00 : f32
    %broadcast_in_dim3A_770 = vector.broadcast %broadcast_in_dim3A_769 : f32 to vector<16xf32>
    %scan3A_771 = arith.constant 0 : i32
    %scan3A_772 = arith.constant 224 : i32
    %scan3A_773 = arith.addi %scan3A_771, %scan3A_772 : i32
    %scan3A_774 = arith.constant 1 : i32
    %scan3A_775 = scf.for %scan3A_985 = %scan3A_771 to %scan3A_773 step %scan3A_774 iter_args(%scan3A_986 = %broadcast_in_dim3A_770) -> (vector<16xf32>)  : i32 {
      %get3A = arith.index_cast %scan3A_985 : i32 to index
      %get3A_987 = arith.constant 0 : index
      %get3A_988 = tpu.vector_load %arg4[%get3A, %get3A_987] {strides = array<i32>} : memref<224x224xf32, #tpu.memory_space<vmem>>, vector<1x16xf32>,
      %get3A_989 = vector.shape_cast %get3A_988 : vector<1x16xf32> to vector<16xf32>
      %add3A_990 = arith.addf %scan3A_986, %get3A_989 : vector<16xf32>
      %get3A_991 = arith.index_cast %scan3A_985 : i32 to index
      %get3A_992 = arith.constant 16 : index
      %get3A_993 = tpu.vector_load %arg4[%get3A_991, %get3A_992] {strides = array<i32>} : memref<224x224xf32, #tpu.memory_space<vmem>>, vector<1x16xf32>,
      %get3A_994 = vector.shape_cast %get3A_993 : vector<1x16xf32> to vector<16xf32>
      %add3A_995 = arith.addf %add3A_990, %get3A_994 : vector<16xf32>
      %get3A_996 = arith.index_cast %scan3A_985 : i32 to index
      %get3A_997 = arith.constant 32 : index
      %get3A_998 = tpu.vector_load %arg4[%get3A_996, %get3A_997] {strides = array<i32>} : memref<224x224xf32, #tpu.memory_space<vmem>>, vector<1x16xf32>,
      %get3A_999 = vector.shape_cast %get3A_998 : vector<1x16xf32> to vector<16xf32>
      %add3A_1000 = arith.addf %add3A_995, %get3A_999 : vector<16xf32>
      %get3A_1001 = arith.index_cast %scan3A_985 : i32 to index
      %get3A_1002 = arith.constant 48 : index
      %get3A_1003 = tpu.vector_load %arg4[%get3A_1001, %get3A_1002] {strides = array<i32>} : memref<224x224xf32, #tpu.memory_space<vmem>>, vector<1x16xf32>,
      %get3A_1004 = vector.shape_cast %get3A_1003 : vector<1x16xf32> to vector<16xf32>
      %add3A_1005 = arith.addf %add3A_1000, %get3A_1004 : vector<16xf32>
      %get3A_1006 = arith.index_cast %scan3A_985 : i32 to index
      %get3A_1007 = arith.constant 64 : index
      %get3A_1008 = tpu.vector_load %arg4[%get3A_1006, %get3A_1007] {strides = array<i32>} : memref<224x224xf32, #tpu.memory_space<vmem>>, vector<1x16xf32>,
      %get3A_1009 = vector.shape_cast %get3A_1008 : vector<1x16xf32> to vector<16xf32>
      %add3A_1010 = arith.addf %add3A_1005, %get3A_1009 : vector<16xf32>
      %get3A_1011 = arith.index_cast %scan3A_985 : i32 to index
      %get3A_1012 = arith.constant 80 : index
      %get3A_1013 = tpu.vector_load %arg4[%get3A_1011, %get3A_1012] {strides = array<i32>} : memref<224x224xf32, #tpu.memory_space<vmem>>, vector<1x16xf32>,
      %get3A_1014 = vector.shape_cast %get3A_1013 : vector<1x16xf32> to vector<16xf32>
      %add3A_1015 = arith.addf %add3A_1010, %get3A_1014 : vector<16xf32>
      %get3A_1016 = arith.index_cast %scan3A_985 : i32 to index
      %get3A_1017 = arith.constant 96 : index
      %get3A_1018 = tpu.vector_load %arg4[%get3A_1016, %get3A_1017] {strides = array<i32>} : memref<224x224xf32, #tpu.memory_space<vmem>>, vector<1x16xf32>,
      %get3A_1019 = vector.shape_cast %get3A_1018 : vector<1x16xf32> to vector<16xf32>
      %add3A_1020 = arith.addf %add3A_1015, %get3A_1019 : vector<16xf32>
      %get3A_1021 = arith.index_cast %scan3A_985 : i32 to index
      %get3A_1022 = arith.constant 112 : index
      %get3A_1023 = tpu.vector_load %arg4[%get3A_1021, %get3A_1022] {strides = array<i32>} : memref<224x224xf32, #tpu.memory_space<vmem>>, vector<1x16xf32>,
      %get3A_1024 = vector.shape_cast %get3A_1023 : vector<1x16xf32> to vector<16xf32>
      %add3A_1025 = arith.addf %add3A_1020, %get3A_1024 : vector<16xf32>
      %get3A_1026 = arith.index_cast %scan3A_985 : i32 to index
      %get3A_1027 = arith.constant 128 : index
      %get3A_1028 = tpu.vector_load %arg4[%get3A_1026, %get3A_1027] {strides = array<i32>} : memref<224x224xf32, #tpu.memory_space<vmem>>, vector<1x16xf32>,
      %get3A_1029 = vector.shape_cast %get3A_1028 : vector<1x16xf32> to vector<16xf32>
      %add3A_1030 = arith.addf %add3A_1025, %get3A_1029 : vector<16xf32>
      %get3A_1031 = arith.index_cast %scan3A_985 : i32 to index
      %get3A_1032 = arith.constant 144 : index
      %get3A_1033 = tpu.vector_load %arg4[%get3A_1031, %get3A_1032] {strides = array<i32>} : memref<224x224xf32, #tpu.memory_space<vmem>>, vector<1x16xf32>,
      %get3A_1034 = vector.shape_cast %get3A_1033 : vector<1x16xf32> to vector<16xf32>
      %add3A_1035 = arith.addf %add3A_1030, %get3A_1034 : vector<16xf32>
      %get3A_1036 = arith.index_cast %scan3A_985 : i32 to index
      %get3A_1037 = arith.constant 160 : index
      %get3A_1038 = tpu.vector_load %arg4[%get3A_1036, %get3A_1037] {strides = array<i32>} : memref<224x224xf32, #tpu.memory_space<vmem>>, vector<1x16xf32>,
      %get3A_1039 = vector.shape_cast %get3A_1038 : vector<1x16xf32> to vector<16xf32>
      %add3A_1040 = arith.addf %add3A_1035, %get3A_1039 : vector<16xf32>
      %get3A_1041 = arith.index_cast %scan3A_985 : i32 to index
      %get3A_1042 = arith.constant 176 : index
      %get3A_1043 = tpu.vector_load %arg4[%get3A_1041, %get3A_1042] {strides = array<i32>} : memref<224x224xf32, #tpu.memory_space<vmem>>, vector<1x16xf32>,
      %get3A_1044 = vector.shape_cast %get3A_1043 : vector<1x16xf32> to vector<16xf32>
      %add3A_1045 = arith.addf %add3A_1040, %get3A_1044 : vector<16xf32>
      %get3A_1046 = arith.index_cast %scan3A_985 : i32 to index
      %get3A_1047 = arith.constant 192 : index
      %get3A_1048 = tpu.vector_load %arg4[%get3A_1046, %get3A_1047] {strides = array<i32>} : memref<224x224xf32, #tpu.memory_space<vmem>>, vector<1x16xf32>,
      %get3A_1049 = vector.shape_cast %get3A_1048 : vector<1x16xf32> to vector<16xf32>
      %add3A_1050 = arith.addf %add3A_1045, %get3A_1049 : vector<16xf32>
      %get3A_1051 = arith.index_cast %scan3A_985 : i32 to index
      %get3A_1052 = arith.constant 208 : index
      %get3A_1053 = tpu.vector_load %arg4[%get3A_1051, %get3A_1052] {strides = array<i32>} : memref<224x224xf32, #tpu.memory_space<vmem>>, vector<1x16xf32>,
      %get3A_1054 = vector.shape_cast %get3A_1053 : vector<1x16xf32> to vector<16xf32>
      %add3A_1055 = arith.addf %add3A_1050, %get3A_1054 : vector<16xf32>
      scf.yield %add3A_1055 : vector<16xf32>
    }
    %scan3A_776 = arith.constant 224 : i32
    %xor3A_777 = arith.constant 8 : i32
    %xor3A_778 = vector.broadcast %xor3A_777 : i32 to vector<16xi32>
    %xor3A_779 = arith.xori %iota3A, %xor3A_778 : vector<16xi32>
    %reshape3A_780 = vector.shape_cast %xor3A_779 : vector<16xi32> to vector<16x1xi32>
    %gather3A_781 = vector.shape_cast %reshape3A_780 : vector<16x1xi32> to vector<16xi32>
    %gather3A_782 = tpu.dynamic_gather %scan3A_775[%gather3A_781] in [0] : vector<16xf32>, vector<16xi32> -> vector<16xf32>
    %add3A_783 = arith.addf %scan3A_775, %gather3A_782 : vector<16xf32>
    %xor3A_784 = arith.constant 4 : i32
    %xor3A_785 = vector.broadcast %xor3A_784 : i32 to vector<16xi32>
    %xor3A_786 = arith.xori %iota3A, %xor3A_785 : vector<16xi32>
    %reshape3A_787 = vector.shape_cast %xor3A_786 : vector<16xi32> to vector<16x1xi32>
    %gather3A_788 = vector.shape_cast %reshape3A_787 : vector<16x1xi32> to vector<16xi32>
    %gather3A_789 = tpu.dynamic_gather %add3A_783[%gather3A_788] in [0] : vector<16xf32>, vector<16xi32> -> vector<16xf32>
    %add3A_790 = arith.addf %add3A_783, %gather3A_789 : vector<16xf32>
    %xor3A_791 = arith.constant 2 : i32
    %xor3A_792 = vector.broadcast %xor3A_791 : i32 to vector<16xi32>
    %xor3A_793 = arith.xori %iota3A, %xor3A_792 : vector<16xi32>
    %reshape3A_794 = vector.shape_cast %xor3A_793 : vector<16xi32> to vector<16x1xi32>
    %gather3A_795 = vector.shape_cast %reshape3A_794 : vector<16x1xi32> to vector<16xi32>
    %gather3A_796 = tpu.dynamic_gather %add3A_790[%gather3A_795] in [0] : vector<16xf32>, vector<16xi32> -> vector<16xf32>
    %add3A_797 = arith.addf %add3A_790, %gather3A_796 : vector<16xf32>
    %xor3A_798 = arith.constant 1 : i32
    %xor3A_799 = vector.broadcast %xor3A_798 : i32 to vector<16xi32>
    %xor3A_800 = arith.xori %iota3A, %xor3A_799 : vector<16xi32>
    %reshape3A_801 = vector.shape_cast %xor3A_800 : vector<16xi32> to vector<16x1xi32>
    %gather3A_802 = vector.shape_cast %reshape3A_801 : vector<16x1xi32> to vector<16xi32>
    %gather3A_803 = tpu.dynamic_gather %add3A_797[%gather3A_802] in [0] : vector<16xf32>, vector<16xi32> -> vector<16xf32>
    %add3A_804 = arith.addf %add3A_797, %gather3A_803 : vector<16xf32>
    %swap3A_805 = arith.constant 12 : i32
    %swap3A_806 = arith.index_cast %swap3A_805 : i32 to index
    %swap3A_807 = arith.constant 0 : index
    %swap3A_808 = tpu.vector_load %arg6[%swap3A_806, %swap3A_807] {strides = array<i32>} : memref<16x16xf32, #tpu.memory_space<vmem>>, vector<1x16xf32>,
    %swap3A_809 = vector.shape_cast %swap3A_808 : vector<1x16xf32> to vector<16xf32>
    %swap3A_810 = vector.shape_cast %add3A_804 : vector<16xf32> to vector<1x16xf32>
    tpu.vector_store %arg6[%swap3A_806, %swap3A_807], %swap3A_810 {strides = array<i32>} : memref<16x16xf32, #tpu.memory_space<vmem>>, vector<1x16xf32>,
    %add3A_811 = arith.constant 13 : i32
    %add3A_812 = arith.addi %add3A_4, %add3A_811 : i32
    %add3A_813 = arith.constant 1 : i32
    %add3A_814 = arith.addi %add3A_812, %add3A_813 : i32
    %dma_start3A_815 = arith.constant 0 : i32
    %dma_start3A_816 = arith.constant 0 : i32
    %dma_start3A_817 = tpu.memref_slice %arg2[%add3A_814, %dma_start3A_815, %dma_start3A_816] : memref<1536x224x224xf32, #tpu.memory_space<hbm>> -> memref<1x224x224xf32, #tpu.memory_space<hbm>>
    %dma_start3A_818 = tpu.memref_squeeze %dma_start3A_817 : memref<1x224x224xf32, #tpu.memory_space<hbm>> -> memref<224x224xf32, #tpu.memory_space<hbm>>
    %dma_start3A_819 = arith.constant 0 : i32
    %dma_start3A_820 = arith.constant 0 : i32
    %dma_start3A_821 = tpu.memref_slice %arg2[%add3A_814, %dma_start3A_819, %dma_start3A_820] : memref<1536x224x224xf32, #tpu.memory_space<hbm>> -> memref<1x224x224xf32, #tpu.memory_space<hbm>>
    %dma_start3A_822 = tpu.memref_squeeze %dma_start3A_821 : memref<1x224x224xf32, #tpu.memory_space<hbm>> -> memref<224x224xf32, #tpu.memory_space<hbm>>
    tpu.enqueue_dma source(%dma_start3A_822 : memref<224x224xf32, #tpu.memory_space<hbm>>) target(%arg4 : memref<224x224xf32, #tpu.memory_space<vmem>>) target_semaphore(%arg7 : memref<!tpu.dma_semaphore, #tpu.memory_space<semaphore_mem>>)
    %dma_wait3A_823 = arith.constant 0 : i32
    %dma_wait3A_824 = arith.constant 0 : i32
    %dma_wait3A_825 = tpu.memref_slice %arg2[%add3A_752, %dma_wait3A_823, %dma_wait3A_824] : memref<1536x224x224xf32, #tpu.memory_space<hbm>> -> memref<1x224x224xf32, #tpu.memory_space<hbm>>
    %dma_wait3A_826 = tpu.memref_squeeze %dma_wait3A_825 : memref<1x224x224xf32, #tpu.memory_space<hbm>> -> memref<224x224xf32, #tpu.memory_space<hbm>>
    %dma_wait3A_827 = arith.constant 0 : i32
    %dma_wait3A_828 = arith.constant 0 : i32
    %dma_wait3A_829 = tpu.memref_slice %arg2[%add3A_752, %dma_wait3A_827, %dma_wait3A_828] : memref<1536x224x224xf32, #tpu.memory_space<hbm>> -> memref<1x224x224xf32, #tpu.memory_space<hbm>>
    %dma_wait3A_830 = tpu.memref_squeeze %dma_wait3A_829 : memref<1x224x224xf32, #tpu.memory_space<hbm>> -> memref<224x224xf32, #tpu.memory_space<hbm>>
    tpu.wait_dma2 semaphore(%arg8 : memref<!tpu.dma_semaphore, #tpu.memory_space<semaphore_mem>>) src(%dma_wait3A_830 : memref<224x224xf32, #tpu.memory_space<hbm>>) dst(%arg5 : memref<224x224xf32, #tpu.memory_space<vmem>>)
    %broadcast_in_dim3A_831 = arith.constant 0.000000e+00 : f32
    %broadcast_in_dim3A_832 = vector.broadcast %broadcast_in_dim3A_831 : f32 to vector<16xf32>
    %scan3A_833 = arith.constant 0 : i32
    %scan3A_834 = arith.constant 224 : i32
    %scan3A_835 = arith.addi %scan3A_833, %scan3A_834 : i32
    %scan3A_836 = arith.constant 1 : i32
    %scan3A_837 = scf.for %scan3A_985 = %scan3A_833 to %scan3A_835 step %scan3A_836 iter_args(%scan3A_986 = %broadcast_in_dim3A_832) -> (vector<16xf32>)  : i32 {
      %get3A = arith.index_cast %scan3A_985 : i32 to index
      %get3A_987 = arith.constant 0 : index
      %get3A_988 = tpu.vector_load %arg5[%get3A, %get3A_987] {strides = array<i32>} : memref<224x224xf32, #tpu.memory_space<vmem>>, vector<1x16xf32>,
      %get3A_989 = vector.shape_cast %get3A_988 : vector<1x16xf32> to vector<16xf32>
      %add3A_990 = arith.addf %scan3A_986, %get3A_989 : vector<16xf32>
      %get3A_991 = arith.index_cast %scan3A_985 : i32 to index
      %get3A_992 = arith.constant 16 : index
      %get3A_993 = tpu.vector_load %arg5[%get3A_991, %get3A_992] {strides = array<i32>} : memref<224x224xf32, #tpu.memory_space<vmem>>, vector<1x16xf32>,
      %get3A_994 = vector.shape_cast %get3A_993 : vector<1x16xf32> to vector<16xf32>
      %add3A_995 = arith.addf %add3A_990, %get3A_994 : vector<16xf32>
      %get3A_996 = arith.index_cast %scan3A_985 : i32 to index
      %get3A_997 = arith.constant 32 : index
      %get3A_998 = tpu.vector_load %arg5[%get3A_996, %get3A_997] {strides = array<i32>} : memref<224x224xf32, #tpu.memory_space<vmem>>, vector<1x16xf32>,
      %get3A_999 = vector.shape_cast %get3A_998 : vector<1x16xf32> to vector<16xf32>
      %add3A_1000 = arith.addf %add3A_995, %get3A_999 : vector<16xf32>
      %get3A_1001 = arith.index_cast %scan3A_985 : i32 to index
      %get3A_1002 = arith.constant 48 : index
      %get3A_1003 = tpu.vector_load %arg5[%get3A_1001, %get3A_1002] {strides = array<i32>} : memref<224x224xf32, #tpu.memory_space<vmem>>, vector<1x16xf32>,
      %get3A_1004 = vector.shape_cast %get3A_1003 : vector<1x16xf32> to vector<16xf32>
      %add3A_1005 = arith.addf %add3A_1000, %get3A_1004 : vector<16xf32>
      %get3A_1006 = arith.index_cast %scan3A_985 : i32 to index
      %get3A_1007 = arith.constant 64 : index
      %get3A_1008 = tpu.vector_load %arg5[%get3A_1006, %get3A_1007] {strides = array<i32>} : memref<224x224xf32, #tpu.memory_space<vmem>>, vector<1x16xf32>,
      %get3A_1009 = vector.shape_cast %get3A_1008 : vector<1x16xf32> to vector<16xf32>
      %add3A_1010 = arith.addf %add3A_1005, %get3A_1009 : vector<16xf32>
      %get3A_1011 = arith.index_cast %scan3A_985 : i32 to index
      %get3A_1012 = arith.constant 80 : index
      %get3A_1013 = tpu.vector_load %arg5[%get3A_1011, %get3A_1012] {strides = array<i32>} : memref<224x224xf32, #tpu.memory_space<vmem>>, vector<1x16xf32>,
      %get3A_1014 = vector.shape_cast %get3A_1013 : vector<1x16xf32> to vector<16xf32>
      %add3A_1015 = arith.addf %add3A_1010, %get3A_1014 : vector<16xf32>
      %get3A_1016 = arith.index_cast %scan3A_985 : i32 to index
      %get3A_1017 = arith.constant 96 : index
      %get3A_1018 = tpu.vector_load %arg5[%get3A_1016, %get3A_1017] {strides = array<i32>} : memref<224x224xf32, #tpu.memory_space<vmem>>, vector<1x16xf32>,
      %get3A_1019 = vector.shape_cast %get3A_1018 : vector<1x16xf32> to vector<16xf32>
      %add3A_1020 = arith.addf %add3A_1015, %get3A_1019 : vector<16xf32>
      %get3A_1021 = arith.index_cast %scan3A_985 : i32 to index
      %get3A_1022 = arith.constant 112 : index
      %get3A_1023 = tpu.vector_load %arg5[%get3A_1021, %get3A_1022] {strides = array<i32>} : memref<224x224xf32, #tpu.memory_space<vmem>>, vector<1x16xf32>,
      %get3A_1024 = vector.shape_cast %get3A_1023 : vector<1x16xf32> to vector<16xf32>
      %add3A_1025 = arith.addf %add3A_1020, %get3A_1024 : vector<16xf32>
      %get3A_1026 = arith.index_cast %scan3A_985 : i32 to index
      %get3A_1027 = arith.constant 128 : index
      %get3A_1028 = tpu.vector_load %arg5[%get3A_1026, %get3A_1027] {strides = array<i32>} : memref<224x224xf32, #tpu.memory_space<vmem>>, vector<1x16xf32>,
      %get3A_1029 = vector.shape_cast %get3A_1028 : vector<1x16xf32> to vector<16xf32>
      %add3A_1030 = arith.addf %add3A_1025, %get3A_1029 : vector<16xf32>
      %get3A_1031 = arith.index_cast %scan3A_985 : i32 to index
      %get3A_1032 = arith.constant 144 : index
      %get3A_1033 = tpu.vector_load %arg5[%get3A_1031, %get3A_1032] {strides = array<i32>} : memref<224x224xf32, #tpu.memory_space<vmem>>, vector<1x16xf32>,
      %get3A_1034 = vector.shape_cast %get3A_1033 : vector<1x16xf32> to vector<16xf32>
      %add3A_1035 = arith.addf %add3A_1030, %get3A_1034 : vector<16xf32>
      %get3A_1036 = arith.index_cast %scan3A_985 : i32 to index
      %get3A_1037 = arith.constant 160 : index
      %get3A_1038 = tpu.vector_load %arg5[%get3A_1036, %get3A_1037] {strides = array<i32>} : memref<224x224xf32, #tpu.memory_space<vmem>>, vector<1x16xf32>,
      %get3A_1039 = vector.shape_cast %get3A_1038 : vector<1x16xf32> to vector<16xf32>
      %add3A_1040 = arith.addf %add3A_1035, %get3A_1039 : vector<16xf32>
      %get3A_1041 = arith.index_cast %scan3A_985 : i32 to index
      %get3A_1042 = arith.constant 176 : index
      %get3A_1043 = tpu.vector_load %arg5[%get3A_1041, %get3A_1042] {strides = array<i32>} : memref<224x224xf32, #tpu.memory_space<vmem>>, vector<1x16xf32>,
      %get3A_1044 = vector.shape_cast %get3A_1043 : vector<1x16xf32> to vector<16xf32>
      %add3A_1045 = arith.addf %add3A_1040, %get3A_1044 : vector<16xf32>
      %get3A_1046 = arith.index_cast %scan3A_985 : i32 to index
      %get3A_1047 = arith.constant 192 : index
      %get3A_1048 = tpu.vector_load %arg5[%get3A_1046, %get3A_1047] {strides = array<i32>} : memref<224x224xf32, #tpu.memory_space<vmem>>, vector<1x16xf32>,
      %get3A_1049 = vector.shape_cast %get3A_1048 : vector<1x16xf32> to vector<16xf32>
      %add3A_1050 = arith.addf %add3A_1045, %get3A_1049 : vector<16xf32>
      %get3A_1051 = arith.index_cast %scan3A_985 : i32 to index
      %get3A_1052 = arith.constant 208 : index
      %get3A_1053 = tpu.vector_load %arg5[%get3A_1051, %get3A_1052] {strides = array<i32>} : memref<224x224xf32, #tpu.memory_space<vmem>>, vector<1x16xf32>,
      %get3A_1054 = vector.shape_cast %get3A_1053 : vector<1x16xf32> to vector<16xf32>
      %add3A_1055 = arith.addf %add3A_1050, %get3A_1054 : vector<16xf32>
      scf.yield %add3A_1055 : vector<16xf32>
    }
    %scan3A_838 = arith.constant 224 : i32
    %xor3A_839 = arith.constant 8 : i32
    %xor3A_840 = vector.broadcast %xor3A_839 : i32 to vector<16xi32>
    %xor3A_841 = arith.xori %iota3A, %xor3A_840 : vector<16xi32>
    %reshape3A_842 = vector.shape_cast %xor3A_841 : vector<16xi32> to vector<16x1xi32>
    %gather3A_843 = vector.shape_cast %reshape3A_842 : vector<16x1xi32> to vector<16xi32>
    %gather3A_844 = tpu.dynamic_gather %scan3A_837[%gather3A_843] in [0] : vector<16xf32>, vector<16xi32> -> vector<16xf32>
    %add3A_845 = arith.addf %scan3A_837, %gather3A_844 : vector<16xf32>
    %xor3A_846 = arith.constant 4 : i32
    %xor3A_847 = vector.broadcast %xor3A_846 : i32 to vector<16xi32>
    %xor3A_848 = arith.xori %iota3A, %xor3A_847 : vector<16xi32>
    %reshape3A_849 = vector.shape_cast %xor3A_848 : vector<16xi32> to vector<16x1xi32>
    %gather3A_850 = vector.shape_cast %reshape3A_849 : vector<16x1xi32> to vector<16xi32>
    %gather3A_851 = tpu.dynamic_gather %add3A_845[%gather3A_850] in [0] : vector<16xf32>, vector<16xi32> -> vector<16xf32>
    %add3A_852 = arith.addf %add3A_845, %gather3A_851 : vector<16xf32>
    %xor3A_853 = arith.constant 2 : i32
    %xor3A_854 = vector.broadcast %xor3A_853 : i32 to vector<16xi32>
    %xor3A_855 = arith.xori %iota3A, %xor3A_854 : vector<16xi32>
    %reshape3A_856 = vector.shape_cast %xor3A_855 : vector<16xi32> to vector<16x1xi32>
    %gather3A_857 = vector.shape_cast %reshape3A_856 : vector<16x1xi32> to vector<16xi32>
    %gather3A_858 = tpu.dynamic_gather %add3A_852[%gather3A_857] in [0] : vector<16xf32>, vector<16xi32> -> vector<16xf32>
    %add3A_859 = arith.addf %add3A_852, %gather3A_858 : vector<16xf32>
    %xor3A_860 = arith.constant 1 : i32
    %xor3A_861 = vector.broadcast %xor3A_860 : i32 to vector<16xi32>
    %xor3A_862 = arith.xori %iota3A, %xor3A_861 : vector<16xi32>
    %reshape3A_863 = vector.shape_cast %xor3A_862 : vector<16xi32> to vector<16x1xi32>
    %gather3A_864 = vector.shape_cast %reshape3A_863 : vector<16x1xi32> to vector<16xi32>
    %gather3A_865 = tpu.dynamic_gather %add3A_859[%gather3A_864] in [0] : vector<16xf32>, vector<16xi32> -> vector<16xf32>
    %add3A_866 = arith.addf %add3A_859, %gather3A_865 : vector<16xf32>
    %swap3A_867 = arith.constant 13 : i32
    %swap3A_868 = arith.index_cast %swap3A_867 : i32 to index
    %swap3A_869 = arith.constant 0 : index
    %swap3A_870 = tpu.vector_load %arg6[%swap3A_868, %swap3A_869] {strides = array<i32>} : memref<16x16xf32, #tpu.memory_space<vmem>>, vector<1x16xf32>,
    %swap3A_871 = vector.shape_cast %swap3A_870 : vector<1x16xf32> to vector<16xf32>
    %swap3A_872 = vector.shape_cast %add3A_866 : vector<16xf32> to vector<1x16xf32>
    tpu.vector_store %arg6[%swap3A_868, %swap3A_869], %swap3A_872 {strides = array<i32>} : memref<16x16xf32, #tpu.memory_space<vmem>>, vector<1x16xf32>,
    %add3A_873 = arith.constant 14 : i32
    %add3A_874 = arith.addi %add3A_4, %add3A_873 : i32
    %add3A_875 = arith.constant 1 : i32
    %add3A_876 = arith.addi %add3A_874, %add3A_875 : i32
    %dma_start3A_877 = arith.constant 0 : i32
    %dma_start3A_878 = arith.constant 0 : i32
    %dma_start3A_879 = tpu.memref_slice %arg2[%add3A_876, %dma_start3A_877, %dma_start3A_878] : memref<1536x224x224xf32, #tpu.memory_space<hbm>> -> memref<1x224x224xf32, #tpu.memory_space<hbm>>
    %dma_start3A_880 = tpu.memref_squeeze %dma_start3A_879 : memref<1x224x224xf32, #tpu.memory_space<hbm>> -> memref<224x224xf32, #tpu.memory_space<hbm>>
    %dma_start3A_881 = arith.constant 0 : i32
    %dma_start3A_882 = arith.constant 0 : i32
    %dma_start3A_883 = tpu.memref_slice %arg2[%add3A_876, %dma_start3A_881, %dma_start3A_882] : memref<1536x224x224xf32, #tpu.memory_space<hbm>> -> memref<1x224x224xf32, #tpu.memory_space<hbm>>
    %dma_start3A_884 = tpu.memref_squeeze %dma_start3A_883 : memref<1x224x224xf32, #tpu.memory_space<hbm>> -> memref<224x224xf32, #tpu.memory_space<hbm>>
    tpu.enqueue_dma source(%dma_start3A_884 : memref<224x224xf32, #tpu.memory_space<hbm>>) target(%arg5 : memref<224x224xf32, #tpu.memory_space<vmem>>) target_semaphore(%arg8 : memref<!tpu.dma_semaphore, #tpu.memory_space<semaphore_mem>>)
    %dma_wait3A_885 = arith.constant 0 : i32
    %dma_wait3A_886 = arith.constant 0 : i32
    %dma_wait3A_887 = tpu.memref_slice %arg2[%add3A_814, %dma_wait3A_885, %dma_wait3A_886] : memref<1536x224x224xf32, #tpu.memory_space<hbm>> -> memref<1x224x224xf32, #tpu.memory_space<hbm>>
    %dma_wait3A_888 = tpu.memref_squeeze %dma_wait3A_887 : memref<1x224x224xf32, #tpu.memory_space<hbm>> -> memref<224x224xf32, #tpu.memory_space<hbm>>
    %dma_wait3A_889 = arith.constant 0 : i32
    %dma_wait3A_890 = arith.constant 0 : i32
    %dma_wait3A_891 = tpu.memref_slice %arg2[%add3A_814, %dma_wait3A_889, %dma_wait3A_890] : memref<1536x224x224xf32, #tpu.memory_space<hbm>> -> memref<1x224x224xf32, #tpu.memory_space<hbm>>
    %dma_wait3A_892 = tpu.memref_squeeze %dma_wait3A_891 : memref<1x224x224xf32, #tpu.memory_space<hbm>> -> memref<224x224xf32, #tpu.memory_space<hbm>>
    tpu.wait_dma2 semaphore(%arg7 : memref<!tpu.dma_semaphore, #tpu.memory_space<semaphore_mem>>) src(%dma_wait3A_892 : memref<224x224xf32, #tpu.memory_space<hbm>>) dst(%arg4 : memref<224x224xf32, #tpu.memory_space<vmem>>)
    %broadcast_in_dim3A_893 = arith.constant 0.000000e+00 : f32
    %broadcast_in_dim3A_894 = vector.broadcast %broadcast_in_dim3A_893 : f32 to vector<16xf32>
    %scan3A_895 = arith.constant 0 : i32
    %scan3A_896 = arith.constant 224 : i32
    %scan3A_897 = arith.addi %scan3A_895, %scan3A_896 : i32
    %scan3A_898 = arith.constant 1 : i32
    %scan3A_899 = scf.for %scan3A_985 = %scan3A_895 to %scan3A_897 step %scan3A_898 iter_args(%scan3A_986 = %broadcast_in_dim3A_894) -> (vector<16xf32>)  : i32 {
      %get3A = arith.index_cast %scan3A_985 : i32 to index
      %get3A_987 = arith.constant 0 : index
      %get3A_988 = tpu.vector_load %arg4[%get3A, %get3A_987] {strides = array<i32>} : memref<224x224xf32, #tpu.memory_space<vmem>>, vector<1x16xf32>,
      %get3A_989 = vector.shape_cast %get3A_988 : vector<1x16xf32> to vector<16xf32>
      %add3A_990 = arith.addf %scan3A_986, %get3A_989 : vector<16xf32>
      %get3A_991 = arith.index_cast %scan3A_985 : i32 to index
      %get3A_992 = arith.constant 16 : index
      %get3A_993 = tpu.vector_load %arg4[%get3A_991, %get3A_992] {strides = array<i32>} : memref<224x224xf32, #tpu.memory_space<vmem>>, vector<1x16xf32>,
      %get3A_994 = vector.shape_cast %get3A_993 : vector<1x16xf32> to vector<16xf32>
      %add3A_995 = arith.addf %add3A_990, %get3A_994 : vector<16xf32>
      %get3A_996 = arith.index_cast %scan3A_985 : i32 to index
      %get3A_997 = arith.constant 32 : index
      %get3A_998 = tpu.vector_load %arg4[%get3A_996, %get3A_997] {strides = array<i32>} : memref<224x224xf32, #tpu.memory_space<vmem>>, vector<1x16xf32>,
      %get3A_999 = vector.shape_cast %get3A_998 : vector<1x16xf32> to vector<16xf32>
      %add3A_1000 = arith.addf %add3A_995, %get3A_999 : vector<16xf32>
      %get3A_1001 = arith.index_cast %scan3A_985 : i32 to index
      %get3A_1002 = arith.constant 48 : index
      %get3A_1003 = tpu.vector_load %arg4[%get3A_1001, %get3A_1002] {strides = array<i32>} : memref<224x224xf32, #tpu.memory_space<vmem>>, vector<1x16xf32>,
      %get3A_1004 = vector.shape_cast %get3A_1003 : vector<1x16xf32> to vector<16xf32>
      %add3A_1005 = arith.addf %add3A_1000, %get3A_1004 : vector<16xf32>
      %get3A_1006 = arith.index_cast %scan3A_985 : i32 to index
      %get3A_1007 = arith.constant 64 : index
      %get3A_1008 = tpu.vector_load %arg4[%get3A_1006, %get3A_1007] {strides = array<i32>} : memref<224x224xf32, #tpu.memory_space<vmem>>, vector<1x16xf32>,
      %get3A_1009 = vector.shape_cast %get3A_1008 : vector<1x16xf32> to vector<16xf32>
      %add3A_1010 = arith.addf %add3A_1005, %get3A_1009 : vector<16xf32>
      %get3A_1011 = arith.index_cast %scan3A_985 : i32 to index
      %get3A_1012 = arith.constant 80 : index
      %get3A_1013 = tpu.vector_load %arg4[%get3A_1011, %get3A_1012] {strides = array<i32>} : memref<224x224xf32, #tpu.memory_space<vmem>>, vector<1x16xf32>,
      %get3A_1014 = vector.shape_cast %get3A_1013 : vector<1x16xf32> to vector<16xf32>
      %add3A_1015 = arith.addf %add3A_1010, %get3A_1014 : vector<16xf32>
      %get3A_1016 = arith.index_cast %scan3A_985 : i32 to index
      %get3A_1017 = arith.constant 96 : index
      %get3A_1018 = tpu.vector_load %arg4[%get3A_1016, %get3A_1017] {strides = array<i32>} : memref<224x224xf32, #tpu.memory_space<vmem>>, vector<1x16xf32>,
      %get3A_1019 = vector.shape_cast %get3A_1018 : vector<1x16xf32> to vector<16xf32>
      %add3A_1020 = arith.addf %add3A_1015, %get3A_1019 : vector<16xf32>
      %get3A_1021 = arith.index_cast %scan3A_985 : i32 to index
      %get3A_1022 = arith.constant 112 : index
      %get3A_1023 = tpu.vector_load %arg4[%get3A_1021, %get3A_1022] {strides = array<i32>} : memref<224x224xf32, #tpu.memory_space<vmem>>, vector<1x16xf32>,
      %get3A_1024 = vector.shape_cast %get3A_1023 : vector<1x16xf32> to vector<16xf32>
      %add3A_1025 = arith.addf %add3A_1020, %get3A_1024 : vector<16xf32>
      %get3A_1026 = arith.index_cast %scan3A_985 : i32 to index
      %get3A_1027 = arith.constant 128 : index
      %get3A_1028 = tpu.vector_load %arg4[%get3A_1026, %get3A_1027] {strides = array<i32>} : memref<224x224xf32, #tpu.memory_space<vmem>>, vector<1x16xf32>,
      %get3A_1029 = vector.shape_cast %get3A_1028 : vector<1x16xf32> to vector<16xf32>
      %add3A_1030 = arith.addf %add3A_1025, %get3A_1029 : vector<16xf32>
      %get3A_1031 = arith.index_cast %scan3A_985 : i32 to index
      %get3A_1032 = arith.constant 144 : index
      %get3A_1033 = tpu.vector_load %arg4[%get3A_1031, %get3A_1032] {strides = array<i32>} : memref<224x224xf32, #tpu.memory_space<vmem>>, vector<1x16xf32>,
      %get3A_1034 = vector.shape_cast %get3A_1033 : vector<1x16xf32> to vector<16xf32>
      %add3A_1035 = arith.addf %add3A_1030, %get3A_1034 : vector<16xf32>
      %get3A_1036 = arith.index_cast %scan3A_985 : i32 to index
      %get3A_1037 = arith.constant 160 : index
      %get3A_1038 = tpu.vector_load %arg4[%get3A_1036, %get3A_1037] {strides = array<i32>} : memref<224x224xf32, #tpu.memory_space<vmem>>, vector<1x16xf32>,
      %get3A_1039 = vector.shape_cast %get3A_1038 : vector<1x16xf32> to vector<16xf32>
      %add3A_1040 = arith.addf %add3A_1035, %get3A_1039 : vector<16xf32>
      %get3A_1041 = arith.index_cast %scan3A_985 : i32 to index
      %get3A_1042 = arith.constant 176 : index
      %get3A_1043 = tpu.vector_load %arg4[%get3A_1041, %get3A_1042] {strides = array<i32>} : memref<224x224xf32, #tpu.memory_space<vmem>>, vector<1x16xf32>,
      %get3A_1044 = vector.shape_cast %get3A_1043 : vector<1x16xf32> to vector<16xf32>
      %add3A_1045 = arith.addf %add3A_1040, %get3A_1044 : vector<16xf32>
      %get3A_1046 = arith.index_cast %scan3A_985 : i32 to index
      %get3A_1047 = arith.constant 192 : index
      %get3A_1048 = tpu.vector_load %arg4[%get3A_1046, %get3A_1047] {strides = array<i32>} : memref<224x224xf32, #tpu.memory_space<vmem>>, vector<1x16xf32>,
      %get3A_1049 = vector.shape_cast %get3A_1048 : vector<1x16xf32> to vector<16xf32>
      %add3A_1050 = arith.addf %add3A_1045, %get3A_1049 : vector<16xf32>
      %get3A_1051 = arith.index_cast %scan3A_985 : i32 to index
      %get3A_1052 = arith.constant 208 : index
      %get3A_1053 = tpu.vector_load %arg4[%get3A_1051, %get3A_1052] {strides = array<i32>} : memref<224x224xf32, #tpu.memory_space<vmem>>, vector<1x16xf32>,
      %get3A_1054 = vector.shape_cast %get3A_1053 : vector<1x16xf32> to vector<16xf32>
      %add3A_1055 = arith.addf %add3A_1050, %get3A_1054 : vector<16xf32>
      scf.yield %add3A_1055 : vector<16xf32>
    }
    %scan3A_900 = arith.constant 224 : i32
    %xor3A_901 = arith.constant 8 : i32
    %xor3A_902 = vector.broadcast %xor3A_901 : i32 to vector<16xi32>
    %xor3A_903 = arith.xori %iota3A, %xor3A_902 : vector<16xi32>
    %reshape3A_904 = vector.shape_cast %xor3A_903 : vector<16xi32> to vector<16x1xi32>
    %gather3A_905 = vector.shape_cast %reshape3A_904 : vector<16x1xi32> to vector<16xi32>
    %gather3A_906 = tpu.dynamic_gather %scan3A_899[%gather3A_905] in [0] : vector<16xf32>, vector<16xi32> -> vector<16xf32>
    %add3A_907 = arith.addf %scan3A_899, %gather3A_906 : vector<16xf32>
    %xor3A_908 = arith.constant 4 : i32
    %xor3A_909 = vector.broadcast %xor3A_908 : i32 to vector<16xi32>
    %xor3A_910 = arith.xori %iota3A, %xor3A_909 : vector<16xi32>
    %reshape3A_911 = vector.shape_cast %xor3A_910 : vector<16xi32> to vector<16x1xi32>
    %gather3A_912 = vector.shape_cast %reshape3A_911 : vector<16x1xi32> to vector<16xi32>
    %gather3A_913 = tpu.dynamic_gather %add3A_907[%gather3A_912] in [0] : vector<16xf32>, vector<16xi32> -> vector<16xf32>
    %add3A_914 = arith.addf %add3A_907, %gather3A_913 : vector<16xf32>
    %xor3A_915 = arith.constant 2 : i32
    %xor3A_916 = vector.broadcast %xor3A_915 : i32 to vector<16xi32>
    %xor3A_917 = arith.xori %iota3A, %xor3A_916 : vector<16xi32>
    %reshape3A_918 = vector.shape_cast %xor3A_917 : vector<16xi32> to vector<16x1xi32>
    %gather3A_919 = vector.shape_cast %reshape3A_918 : vector<16x1xi32> to vector<16xi32>
    %gather3A_920 = tpu.dynamic_gather %add3A_914[%gather3A_919] in [0] : vector<16xf32>, vector<16xi32> -> vector<16xf32>
    %add3A_921 = arith.addf %add3A_914, %gather3A_920 : vector<16xf32>
    %xor3A_922 = arith.constant 1 : i32
    %xor3A_923 = vector.broadcast %xor3A_922 : i32 to vector<16xi32>
    %xor3A_924 = arith.xori %iota3A, %xor3A_923 : vector<16xi32>
    %reshape3A_925 = vector.shape_cast %xor3A_924 : vector<16xi32> to vector<16x1xi32>
    %gather3A_926 = vector.shape_cast %reshape3A_925 : vector<16x1xi32> to vector<16xi32>
    %gather3A_927 = tpu.dynamic_gather %add3A_921[%gather3A_926] in [0] : vector<16xf32>, vector<16xi32> -> vector<16xf32>
    %add3A_928 = arith.addf %add3A_921, %gather3A_927 : vector<16xf32>
    %swap3A_929 = arith.constant 14 : i32
    %swap3A_930 = arith.index_cast %swap3A_929 : i32 to index
    %swap3A_931 = arith.constant 0 : index
    %swap3A_932 = tpu.vector_load %arg6[%swap3A_930, %swap3A_931] {strides = array<i32>} : memref<16x16xf32, #tpu.memory_space<vmem>>, vector<1x16xf32>,
    %swap3A_933 = vector.shape_cast %swap3A_932 : vector<1x16xf32> to vector<16xf32>
    %swap3A_934 = vector.shape_cast %add3A_928 : vector<16xf32> to vector<1x16xf32>
    tpu.vector_store %arg6[%swap3A_930, %swap3A_931], %swap3A_934 {strides = array<i32>} : memref<16x16xf32, #tpu.memory_space<vmem>>, vector<1x16xf32>,
    %dma_wait3A_935 = arith.constant 0 : i32
    %dma_wait3A_936 = arith.constant 0 : i32
    %dma_wait3A_937 = tpu.memref_slice %arg2[%add3A_876, %dma_wait3A_935, %dma_wait3A_936] : memref<1536x224x224xf32, #tpu.memory_space<hbm>> -> memref<1x224x224xf32, #tpu.memory_space<hbm>>
    %dma_wait3A_938 = tpu.memref_squeeze %dma_wait3A_937 : memref<1x224x224xf32, #tpu.memory_space<hbm>> -> memref<224x224xf32, #tpu.memory_space<hbm>>
    %dma_wait3A_939 = arith.constant 0 : i32
    %dma_wait3A_940 = arith.constant 0 : i32
    %dma_wait3A_941 = tpu.memref_slice %arg2[%add3A_876, %dma_wait3A_939, %dma_wait3A_940] : memref<1536x224x224xf32, #tpu.memory_space<hbm>> -> memref<1x224x224xf32, #tpu.memory_space<hbm>>
    %dma_wait3A_942 = tpu.memref_squeeze %dma_wait3A_941 : memref<1x224x224xf32, #tpu.memory_space<hbm>> -> memref<224x224xf32, #tpu.memory_space<hbm>>
    tpu.wait_dma2 semaphore(%arg8 : memref<!tpu.dma_semaphore, #tpu.memory_space<semaphore_mem>>) src(%dma_wait3A_942 : memref<224x224xf32, #tpu.memory_space<hbm>>) dst(%arg5 : memref<224x224xf32, #tpu.memory_space<vmem>>)
    %broadcast_in_dim3A_943 = arith.constant 0.000000e+00 : f32
    %broadcast_in_dim3A_944 = vector.broadcast %broadcast_in_dim3A_943 : f32 to vector<16xf32>
    %scan3A_945 = arith.constant 0 : i32
    %scan3A_946 = arith.constant 224 : i32
    %scan3A_947 = arith.addi %scan3A_945, %scan3A_946 : i32
    %scan3A_948 = arith.constant 1 : i32
    %scan3A_949 = scf.for %scan3A_985 = %scan3A_945 to %scan3A_947 step %scan3A_948 iter_args(%scan3A_986 = %broadcast_in_dim3A_944) -> (vector<16xf32>)  : i32 {
      %get3A = arith.index_cast %scan3A_985 : i32 to index
      %get3A_987 = arith.constant 0 : index
      %get3A_988 = tpu.vector_load %arg5[%get3A, %get3A_987] {strides = array<i32>} : memref<224x224xf32, #tpu.memory_space<vmem>>, vector<1x16xf32>,
      %get3A_989 = vector.shape_cast %get3A_988 : vector<1x16xf32> to vector<16xf32>
      %add3A_990 = arith.addf %scan3A_986, %get3A_989 : vector<16xf32>
      %get3A_991 = arith.index_cast %scan3A_985 : i32 to index
      %get3A_992 = arith.constant 16 : index
      %get3A_993 = tpu.vector_load %arg5[%get3A_991, %get3A_992] {strides = array<i32>} : memref<224x224xf32, #tpu.memory_space<vmem>>, vector<1x16xf32>,
      %get3A_994 = vector.shape_cast %get3A_993 : vector<1x16xf32> to vector<16xf32>
      %add3A_995 = arith.addf %add3A_990, %get3A_994 : vector<16xf32>
      %get3A_996 = arith.index_cast %scan3A_985 : i32 to index
      %get3A_997 = arith.constant 32 : index
      %get3A_998 = tpu.vector_load %arg5[%get3A_996, %get3A_997] {strides = array<i32>} : memref<224x224xf32, #tpu.memory_space<vmem>>, vector<1x16xf32>,
      %get3A_999 = vector.shape_cast %get3A_998 : vector<1x16xf32> to vector<16xf32>
      %add3A_1000 = arith.addf %add3A_995, %get3A_999 : vector<16xf32>
      %get3A_1001 = arith.index_cast %scan3A_985 : i32 to index
      %get3A_1002 = arith.constant 48 : index
      %get3A_1003 = tpu.vector_load %arg5[%get3A_1001, %get3A_1002] {strides = array<i32>} : memref<224x224xf32, #tpu.memory_space<vmem>>, vector<1x16xf32>,
      %get3A_1004 = vector.shape_cast %get3A_1003 : vector<1x16xf32> to vector<16xf32>
      %add3A_1005 = arith.addf %add3A_1000, %get3A_1004 : vector<16xf32>
      %get3A_1006 = arith.index_cast %scan3A_985 : i32 to index
      %get3A_1007 = arith.constant 64 : index
      %get3A_1008 = tpu.vector_load %arg5[%get3A_1006, %get3A_1007] {strides = array<i32>} : memref<224x224xf32, #tpu.memory_space<vmem>>, vector<1x16xf32>,
      %get3A_1009 = vector.shape_cast %get3A_1008 : vector<1x16xf32> to vector<16xf32>
      %add3A_1010 = arith.addf %add3A_1005, %get3A_1009 : vector<16xf32>
      %get3A_1011 = arith.index_cast %scan3A_985 : i32 to index
      %get3A_1012 = arith.constant 80 : index
      %get3A_1013 = tpu.vector_load %arg5[%get3A_1011, %get3A_1012] {strides = array<i32>} : memref<224x224xf32, #tpu.memory_space<vmem>>, vector<1x16xf32>,
      %get3A_1014 = vector.shape_cast %get3A_1013 : vector<1x16xf32> to vector<16xf32>
      %add3A_1015 = arith.addf %add3A_1010, %get3A_1014 : vector<16xf32>
      %get3A_1016 = arith.index_cast %scan3A_985 : i32 to index
      %get3A_1017 = arith.constant 96 : index
      %get3A_1018 = tpu.vector_load %arg5[%get3A_1016, %get3A_1017] {strides = array<i32>} : memref<224x224xf32, #tpu.memory_space<vmem>>, vector<1x16xf32>,
      %get3A_1019 = vector.shape_cast %get3A_1018 : vector<1x16xf32> to vector<16xf32>
      %add3A_1020 = arith.addf %add3A_1015, %get3A_1019 : vector<16xf32>
      %get3A_1021 = arith.index_cast %scan3A_985 : i32 to index
      %get3A_1022 = arith.constant 112 : index
      %get3A_1023 = tpu.vector_load %arg5[%get3A_1021, %get3A_1022] {strides = array<i32>} : memref<224x224xf32, #tpu.memory_space<vmem>>, vector<1x16xf32>,
      %get3A_1024 = vector.shape_cast %get3A_1023 : vector<1x16xf32> to vector<16xf32>
      %add3A_1025 = arith.addf %add3A_1020, %get3A_1024 : vector<16xf32>
      %get3A_1026 = arith.index_cast %scan3A_985 : i32 to index
      %get3A_1027 = arith.constant 128 : index
      %get3A_1028 = tpu.vector_load %arg5[%get3A_1026, %get3A_1027] {strides = array<i32>} : memref<224x224xf32, #tpu.memory_space<vmem>>, vector<1x16xf32>,
      %get3A_1029 = vector.shape_cast %get3A_1028 : vector<1x16xf32> to vector<16xf32>
      %add3A_1030 = arith.addf %add3A_1025, %get3A_1029 : vector<16xf32>
      %get3A_1031 = arith.index_cast %scan3A_985 : i32 to index
      %get3A_1032 = arith.constant 144 : index
      %get3A_1033 = tpu.vector_load %arg5[%get3A_1031, %get3A_1032] {strides = array<i32>} : memref<224x224xf32, #tpu.memory_space<vmem>>, vector<1x16xf32>,
      %get3A_1034 = vector.shape_cast %get3A_1033 : vector<1x16xf32> to vector<16xf32>
      %add3A_1035 = arith.addf %add3A_1030, %get3A_1034 : vector<16xf32>
      %get3A_1036 = arith.index_cast %scan3A_985 : i32 to index
      %get3A_1037 = arith.constant 160 : index
      %get3A_1038 = tpu.vector_load %arg5[%get3A_1036, %get3A_1037] {strides = array<i32>} : memref<224x224xf32, #tpu.memory_space<vmem>>, vector<1x16xf32>,
      %get3A_1039 = vector.shape_cast %get3A_1038 : vector<1x16xf32> to vector<16xf32>
      %add3A_1040 = arith.addf %add3A_1035, %get3A_1039 : vector<16xf32>
      %get3A_1041 = arith.index_cast %scan3A_985 : i32 to index
      %get3A_1042 = arith.constant 176 : index
      %get3A_1043 = tpu.vector_load %arg5[%get3A_1041, %get3A_1042] {strides = array<i32>} : memref<224x224xf32, #tpu.memory_space<vmem>>, vector<1x16xf32>,
      %get3A_1044 = vector.shape_cast %get3A_1043 : vector<1x16xf32> to vector<16xf32>
      %add3A_1045 = arith.addf %add3A_1040, %get3A_1044 : vector<16xf32>
      %get3A_1046 = arith.index_cast %scan3A_985 : i32 to index
      %get3A_1047 = arith.constant 192 : index
      %get3A_1048 = tpu.vector_load %arg5[%get3A_1046, %get3A_1047] {strides = array<i32>} : memref<224x224xf32, #tpu.memory_space<vmem>>, vector<1x16xf32>,
      %get3A_1049 = vector.shape_cast %get3A_1048 : vector<1x16xf32> to vector<16xf32>
      %add3A_1050 = arith.addf %add3A_1045, %get3A_1049 : vector<16xf32>
      %get3A_1051 = arith.index_cast %scan3A_985 : i32 to index
      %get3A_1052 = arith.constant 208 : index
      %get3A_1053 = tpu.vector_load %arg5[%get3A_1051, %get3A_1052] {strides = array<i32>} : memref<224x224xf32, #tpu.memory_space<vmem>>, vector<1x16xf32>,
      %get3A_1054 = vector.shape_cast %get3A_1053 : vector<1x16xf32> to vector<16xf32>
      %add3A_1055 = arith.addf %add3A_1050, %get3A_1054 : vector<16xf32>
      scf.yield %add3A_1055 : vector<16xf32>
    }
    %scan3A_950 = arith.constant 224 : i32
    %xor3A_951 = arith.constant 8 : i32
    %xor3A_952 = vector.broadcast %xor3A_951 : i32 to vector<16xi32>
    %xor3A_953 = arith.xori %iota3A, %xor3A_952 : vector<16xi32>
    %reshape3A_954 = vector.shape_cast %xor3A_953 : vector<16xi32> to vector<16x1xi32>
    %gather3A_955 = vector.shape_cast %reshape3A_954 : vector<16x1xi32> to vector<16xi32>
    %gather3A_956 = tpu.dynamic_gather %scan3A_949[%gather3A_955] in [0] : vector<16xf32>, vector<16xi32> -> vector<16xf32>
    %add3A_957 = arith.addf %scan3A_949, %gather3A_956 : vector<16xf32>
    %xor3A_958 = arith.constant 4 : i32
    %xor3A_959 = vector.broadcast %xor3A_958 : i32 to vector<16xi32>
    %xor3A_960 = arith.xori %iota3A, %xor3A_959 : vector<16xi32>
    %reshape3A_961 = vector.shape_cast %xor3A_960 : vector<16xi32> to vector<16x1xi32>
    %gather3A_962 = vector.shape_cast %reshape3A_961 : vector<16x1xi32> to vector<16xi32>
    %gather3A_963 = tpu.dynamic_gather %add3A_957[%gather3A_962] in [0] : vector<16xf32>, vector<16xi32> -> vector<16xf32>
    %add3A_964 = arith.addf %add3A_957, %gather3A_963 : vector<16xf32>
    %xor3A_965 = arith.constant 2 : i32
    %xor3A_966 = vector.broadcast %xor3A_965 : i32 to vector<16xi32>
    %xor3A_967 = arith.xori %iota3A, %xor3A_966 : vector<16xi32>
    %reshape3A_968 = vector.shape_cast %xor3A_967 : vector<16xi32> to vector<16x1xi32>
    %gather3A_969 = vector.shape_cast %reshape3A_968 : vector<16x1xi32> to vector<16xi32>
    %gather3A_970 = tpu.dynamic_gather %add3A_964[%gather3A_969] in [0] : vector<16xf32>, vector<16xi32> -> vector<16xf32>
    %add3A_971 = arith.addf %add3A_964, %gather3A_970 : vector<16xf32>
    %xor3A_972 = arith.constant 1 : i32
    %xor3A_973 = vector.broadcast %xor3A_972 : i32 to vector<16xi32>
    %xor3A_974 = arith.xori %iota3A, %xor3A_973 : vector<16xi32>
    %reshape3A_975 = vector.shape_cast %xor3A_974 : vector<16xi32> to vector<16x1xi32>
    %gather3A_976 = vector.shape_cast %reshape3A_975 : vector<16x1xi32> to vector<16xi32>
    %gather3A_977 = tpu.dynamic_gather %add3A_971[%gather3A_976] in [0] : vector<16xf32>, vector<16xi32> -> vector<16xf32>
    %add3A_978 = arith.addf %add3A_971, %gather3A_977 : vector<16xf32>
    %swap3A_979 = arith.constant 15 : i32
    %swap3A_980 = arith.index_cast %swap3A_979 : i32 to index
    %swap3A_981 = arith.constant 0 : index
    %swap3A_982 = tpu.vector_load %arg6[%swap3A_980, %swap3A_981] {strides = array<i32>} : memref<16x16xf32, #tpu.memory_space<vmem>>, vector<1x16xf32>,
    %swap3A_983 = vector.shape_cast %swap3A_982 : vector<1x16xf32> to vector<16xf32>
    %swap3A_984 = vector.shape_cast %add3A_978 : vector<16xf32> to vector<1x16xf32>
    tpu.vector_store %arg6[%swap3A_980, %swap3A_981], %swap3A_984 {strides = array<i32>} : memref<16x16xf32, #tpu.memory_space<vmem>>, vector<1x16xf32>,
    "tpu.region"() ({
      %run_scoped3A = tpu.sem_alloc : memref<!tpu.dma_semaphore, #tpu.memory_space<semaphore_mem>>
      %dma_start3A_985 = arith.constant 0 : i32
      %dma_start3A_986 = tpu.memref_slice %arg3[%mul3A_2, %dma_start3A_985] : memref<512x16xf32, #tpu.memory_space<hbm>> -> memref<16x16xf32, #tpu.memory_space<hbm>>
      %dma_start3A_987 = arith.constant 0 : i32
      %dma_start3A_988 = tpu.memref_slice %arg3[%mul3A_2, %dma_start3A_987] : memref<512x16xf32, #tpu.memory_space<hbm>> -> memref<16x16xf32, #tpu.memory_space<hbm>>
      tpu.enqueue_dma source(%arg6 : memref<16x16xf32, #tpu.memory_space<vmem>>) target(%dma_start3A_988 : memref<16x16xf32, #tpu.memory_space<hbm>>) target_semaphore(%run_scoped3A : memref<!tpu.dma_semaphore, #tpu.memory_space<semaphore_mem>>)
      %dma_wait3A_989 = arith.constant 0 : i32
      %dma_wait3A_990 = tpu.memref_slice %arg3[%mul3A_2, %dma_wait3A_989] : memref<512x16xf32, #tpu.memory_space<hbm>> -> memref<16x16xf32, #tpu.memory_space<hbm>>
      %dma_wait3A_991 = arith.constant 0 : i32
      %dma_wait3A_992 = tpu.memref_slice %arg3[%mul3A_2, %dma_wait3A_991] : memref<512x16xf32, #tpu.memory_space<hbm>> -> memref<16x16xf32, #tpu.memory_space<hbm>>
      tpu.wait_dma2 semaphore(%run_scoped3A : memref<!tpu.dma_semaphore, #tpu.memory_space<semaphore_mem>>) src(%arg6 : memref<16x16xf32, #tpu.memory_space<vmem>>) dst(%dma_wait3A_992 : memref<16x16xf32, #tpu.memory_space<hbm>>)
      tpu.yield
    }) : () -> ()
    return
  }
}

module attributes {stable_mosaic.version = 14 : i64} {
  func.func @_rowsum_kernel(%arg0: i32, %arg1: memref<64x224x224xf32, #tpu.memory_space<vmem>>, %arg2: memref<64x1xf32, #tpu.memory_space<vmem>>) attributes {dimension_semantics = [#tpu.dimension_semantics<arbitrary>], iteration_bounds = array<i64: 24>, scalar_prefetch = 0 : i64, scratch_operands = 0 : i64, tpu.core_type = #tpu.core_type<tc>, window_params = [{transform_indices = @transform_0, window_bounds = array<i64: 64, 224, 224>}, {transform_indices = @transform_1, window_bounds = array<i64: 64, 1>}]} {
    %get3A = arith.constant 0 : index
    %get3A_0 = arith.constant 0 : index
    %get3A_1 = arith.constant 0 : index
    %get3A_2 = vector.load %arg1[%get3A, %get3A_0, %get3A_1] : memref<64x224x224xf32, #tpu.memory_space<vmem>>, vector<64x224x224xf32>
    %reduce_sum3A = arith.constant dense<0.000000e+00> : vector<64x224xf32>
    %reduce_sum3A_3 = vector.multi_reduction <add>, %get3A_2, %reduce_sum3A [1] : vector<64x224x224xf32> to vector<64x224xf32>
    %reduce_sum3A_4 = arith.constant dense<0.000000e+00> : vector<64xf32>
    %reduce_sum3A_5 = vector.multi_reduction <add>, %reduce_sum3A_3, %reduce_sum3A_4 [1] : vector<64x224xf32> to vector<64xf32>
    %broadcast_in_dim3A = vector.shape_cast %reduce_sum3A_5 : vector<64xf32> to vector<64x1xf32>
    %swap3A = arith.constant 0 : index
    %swap3A_6 = arith.constant 0 : index
    %swap3A_7 = vector.load %arg2[%swap3A, %swap3A_6] : memref<64x1xf32, #tpu.memory_space<vmem>>, vector<64x1xf32>
    tpu.vector_store %arg2[%swap3A, %swap3A_6], %broadcast_in_dim3A {strides = array<i32>} : memref<64x1xf32, #tpu.memory_space<vmem>>, vector<64x1xf32>,
    return
  }
  func.func @transform_0(%arg0: i32) -> (i32, i32, i32) {
    %c0_i32 = arith.constant 0 : i32
    %c0_i32_0 = arith.constant 0 : i32
    %c0_i32_1 = arith.constant 0 : i32
    return %arg0, %c0_i32, %c0_i32_0 : i32, i32, i32
  }
  func.func @transform_1(%arg0: i32) -> (i32, i32) {
    %c0_i32 = arith.constant 0 : i32
    %c0_i32_0 = arith.constant 0 : i32
    return %arg0, %c0_i32 : i32, i32
  }
}

module attributes {stable_mosaic.version = 14 : i64} {
  func.func @_mlp_kernel(%arg0: memref<8x192xf32, #tpu.memory_space<vmem>>, %arg1: memref<192x384xf32, #tpu.memory_space<vmem>>, %arg2: memref<1x384xf32, #tpu.memory_space<vmem>>, %arg3: memref<1x384xf32, #tpu.memory_space<vmem>>, %arg4: memref<1x384xf32, #tpu.memory_space<vmem>>, %arg5: memref<384x24xf32, #tpu.memory_space<vmem>>, %arg6: memref<1x24xf32, #tpu.memory_space<vmem>>, %arg7: memref<24x384xf32, #tpu.memory_space<vmem>>, %arg8: memref<1x384xf32, #tpu.memory_space<vmem>>, %arg9: memref<384x192xf32, #tpu.memory_space<vmem>>, %arg10: memref<1x192xf32, #tpu.memory_space<vmem>>, %arg11: memref<1x192xf32, #tpu.memory_space<vmem>>, %arg12: memref<1x192xf32, #tpu.memory_space<vmem>>, %arg13: memref<192x16xf32, #tpu.memory_space<vmem>>, %arg14: memref<1x16xf32, #tpu.memory_space<vmem>>, %arg15: memref<8x2xi32, #tpu.memory_space<vmem>>, %arg16: memref<8x2xf32, #tpu.memory_space<vmem>>) attributes {dimension_semantics = [], scalar_prefetch = 0 : i64, scratch_operands = 0 : i64, tpu.core_type = #tpu.core_type<tc>} {
    %sqrt3A = arith.constant 1.000010e+00 : f32
    %sqrt3A_0 = math.sqrt %sqrt3A : f32
    %div3A = arith.constant 1.000000e+00 : f32
    %div3A_1 = arith.divf %div3A, %sqrt3A_0 : f32
    %get3A = arith.constant 0 : index
    %get3A_2 = arith.constant 0 : index
    %get3A_3 = vector.load %arg0[%get3A, %get3A_2] : memref<8x192xf32, #tpu.memory_space<vmem>>, vector<8x192xf32>
    %mul3A = arith.constant 1.99298465E-5 : f32
    %mul3A_4 = vector.broadcast %mul3A : f32 to vector<8x192xf32>
    %mul3A_5 = arith.mulf %get3A_3, %mul3A_4 : vector<8x192xf32>
    %get3A_6 = arith.constant 0 : index
    %get3A_7 = arith.constant 0 : index
    %get3A_8 = vector.load %arg1[%get3A_6, %get3A_7] : memref<192x384xf32, #tpu.memory_space<vmem>>, vector<192x384xf32>
    %dot_general3A = arith.constant dense<0.000000e+00> : vector<8x384xf32>
    %dot_general3A_9 = tpu.matmul %mul3A_5, %get3A_8, %dot_general3A {dimension_numbers = #tpu.dot_dimension_numbers<[1], [0], [0], [1], [0, 0, 1, 1], [], []>, transpose_lhs_hint = false} : vector<8x192xf32>, vector<192x384xf32>, vector<8x384xf32> -> vector<8x384xf32>
    %get3A_10 = arith.constant 0 : index
    %get3A_11 = arith.constant 0 : index
    %get3A_12 = vector.load %arg2[%get3A_10, %get3A_11] : memref<1x384xf32, #tpu.memory_space<vmem>>, vector<1x384xf32>
    %add3A = vector.broadcast %get3A_12 : vector<1x384xf32> to vector<8x384xf32>
    %add3A_13 = arith.addf %dot_general3A_9, %add3A : vector<8x384xf32>
    %get3A_14 = arith.constant 0 : index
    %get3A_15 = arith.constant 0 : index
    %get3A_16 = vector.load %arg3[%get3A_14, %get3A_15] : memref<1x384xf32, #tpu.memory_space<vmem>>, vector<1x384xf32>
    %mul3A_17 = vector.broadcast %div3A_1 : f32 to vector<1x384xf32>
    %mul3A_18 = arith.mulf %get3A_16, %mul3A_17 : vector<1x384xf32>
    %mul3A_19 = vector.broadcast %mul3A_18 : vector<1x384xf32> to vector<8x384xf32>
    %mul3A_20 = arith.mulf %add3A_13, %mul3A_19 : vector<8x384xf32>
    %get3A_21 = arith.constant 0 : index
    %get3A_22 = arith.constant 0 : index
    %get3A_23 = vector.load %arg4[%get3A_21, %get3A_22] : memref<1x384xf32, #tpu.memory_space<vmem>>, vector<1x384xf32>
    %add3A_24 = vector.broadcast %get3A_23 : vector<1x384xf32> to vector<8x384xf32>
    %add3A_25 = arith.addf %mul3A_20, %add3A_24 : vector<8x384xf32>
    %mul3A_26 = arith.constant 5.000000e-01 : f32
    %mul3A_27 = vector.broadcast %mul3A_26 : f32 to vector<8x384xf32>
    %mul3A_28 = arith.mulf %mul3A_27, %add3A_25 : vector<8x384xf32>
    %sqrt3A_29 = arith.constant 2.000000e+00 : f32
    %sqrt3A_30 = math.sqrt %sqrt3A_29 : f32
    %div3A_31 = arith.constant 1.000000e+00 : f32
    %div3A_32 = arith.divf %div3A_31, %sqrt3A_30 : f32
    %mul3A_33 = vector.broadcast %div3A_32 : f32 to vector<8x384xf32>
    %mul3A_34 = arith.mulf %add3A_25, %mul3A_33 : vector<8x384xf32>
    %erf3A = math.erf %mul3A_34 : vector<8x384xf32>
    %add3A_35 = arith.constant 1.000000e+00 : f32
    %add3A_36 = vector.broadcast %add3A_35 : f32 to vector<8x384xf32>
    %add3A_37 = arith.addf %add3A_36, %erf3A : vector<8x384xf32>
    %mul3A_38 = arith.mulf %mul3A_28, %add3A_37 : vector<8x384xf32>
    %get3A_39 = arith.constant 0 : index
    %get3A_40 = arith.constant 0 : index
    %get3A_41 = vector.load %arg5[%get3A_39, %get3A_40] : memref<384x24xf32, #tpu.memory_space<vmem>>, vector<384x24xf32>
    %dot_general3A_42 = arith.constant dense<0.000000e+00> : vector<8x24xf32>
    %dot_general3A_43 = tpu.matmul %mul3A_38, %get3A_41, %dot_general3A_42 {dimension_numbers = #tpu.dot_dimension_numbers<[1], [0], [0], [1], [0, 0, 1, 1], [], []>, transpose_lhs_hint = false} : vector<8x384xf32>, vector<384x24xf32>, vector<8x24xf32> -> vector<8x24xf32>
    %get3A_44 = arith.constant 0 : index
    %get3A_45 = arith.constant 0 : index
    %get3A_46 = vector.load %arg6[%get3A_44, %get3A_45] : memref<1x24xf32, #tpu.memory_space<vmem>>, vector<1x24xf32>
    %add3A_47 = vector.broadcast %get3A_46 : vector<1x24xf32> to vector<8x24xf32>
    %add3A_48 = arith.addf %dot_general3A_43, %add3A_47 : vector<8x24xf32>
    %mul3A_49 = arith.constant 5.000000e-01 : f32
    %mul3A_50 = vector.broadcast %mul3A_49 : f32 to vector<8x24xf32>
    %mul3A_51 = arith.mulf %mul3A_50, %add3A_48 : vector<8x24xf32>
    %sqrt3A_52 = arith.constant 2.000000e+00 : f32
    %sqrt3A_53 = math.sqrt %sqrt3A_52 : f32
    %div3A_54 = arith.constant 1.000000e+00 : f32
    %div3A_55 = arith.divf %div3A_54, %sqrt3A_53 : f32
    %mul3A_56 = vector.broadcast %div3A_55 : f32 to vector<8x24xf32>
    %mul3A_57 = arith.mulf %add3A_48, %mul3A_56 : vector<8x24xf32>
    %erf3A_58 = math.erf %mul3A_57 : vector<8x24xf32>
    %add3A_59 = arith.constant 1.000000e+00 : f32
    %add3A_60 = vector.broadcast %add3A_59 : f32 to vector<8x24xf32>
    %add3A_61 = arith.addf %add3A_60, %erf3A_58 : vector<8x24xf32>
    %mul3A_62 = arith.mulf %mul3A_51, %add3A_61 : vector<8x24xf32>
    %get3A_63 = arith.constant 0 : index
    %get3A_64 = arith.constant 0 : index
    %get3A_65 = vector.load %arg7[%get3A_63, %get3A_64] : memref<24x384xf32, #tpu.memory_space<vmem>>, vector<24x384xf32>
    %dot_general3A_66 = arith.constant dense<0.000000e+00> : vector<8x384xf32>
    %dot_general3A_67 = tpu.matmul %mul3A_62, %get3A_65, %dot_general3A_66 {dimension_numbers = #tpu.dot_dimension_numbers<[1], [0], [0], [1], [0, 0, 1, 1], [], []>, transpose_lhs_hint = false} : vector<8x24xf32>, vector<24x384xf32>, vector<8x384xf32> -> vector<8x384xf32>
    %get3A_68 = arith.constant 0 : index
    %get3A_69 = arith.constant 0 : index
    %get3A_70 = vector.load %arg8[%get3A_68, %get3A_69] : memref<1x384xf32, #tpu.memory_space<vmem>>, vector<1x384xf32>
    %add3A_71 = vector.broadcast %get3A_70 : vector<1x384xf32> to vector<8x384xf32>
    %add3A_72 = arith.addf %dot_general3A_67, %add3A_71 : vector<8x384xf32>
    %mul3A_73 = arith.constant 2.000000e+00 : f32
    %mul3A_74 = vector.broadcast %mul3A_73 : f32 to vector<8x384xf32>
    %mul3A_75 = arith.mulf %mul3A_74, %add3A_72 : vector<8x384xf32>
    %logistic3A = arith.negf %mul3A_75 : vector<8x384xf32>
    %logistic3A_76 = math.exp %logistic3A : vector<8x384xf32>
    %logistic3A_77 = arith.constant 1.000000e+00 : f32
    %logistic3A_78 = vector.broadcast %logistic3A_77 : f32 to vector<8x384xf32>
    %logistic3A_79 = arith.addf %logistic3A_78, %logistic3A_76 : vector<8x384xf32>
    %logistic3A_80 = arith.divf %logistic3A_78, %logistic3A_79 : vector<8x384xf32>
    %mul3A_81 = arith.mulf %mul3A_38, %logistic3A_80 : vector<8x384xf32>
    %get3A_82 = arith.constant 0 : index
    %get3A_83 = arith.constant 0 : index
    %get3A_84 = vector.load %arg9[%get3A_82, %get3A_83] : memref<384x192xf32, #tpu.memory_space<vmem>>, vector<384x192xf32>
    %dot_general3A_85 = arith.constant dense<0.000000e+00> : vector<8x192xf32>
    %dot_general3A_86 = tpu.matmul %mul3A_81, %get3A_84, %dot_general3A_85 {dimension_numbers = #tpu.dot_dimension_numbers<[1], [0], [0], [1], [0, 0, 1, 1], [], []>, transpose_lhs_hint = false} : vector<8x384xf32>, vector<384x192xf32>, vector<8x192xf32> -> vector<8x192xf32>
    %get3A_87 = arith.constant 0 : index
    %get3A_88 = arith.constant 0 : index
    %get3A_89 = vector.load %arg10[%get3A_87, %get3A_88] : memref<1x192xf32, #tpu.memory_space<vmem>>, vector<1x192xf32>
    %add3A_90 = vector.broadcast %get3A_89 : vector<1x192xf32> to vector<8x192xf32>
    %add3A_91 = arith.addf %dot_general3A_86, %add3A_90 : vector<8x192xf32>
    %get3A_92 = arith.constant 0 : index
    %get3A_93 = arith.constant 0 : index
    %get3A_94 = vector.load %arg11[%get3A_92, %get3A_93] : memref<1x192xf32, #tpu.memory_space<vmem>>, vector<1x192xf32>
    %mul3A_95 = vector.broadcast %div3A_1 : f32 to vector<1x192xf32>
    %mul3A_96 = arith.mulf %get3A_94, %mul3A_95 : vector<1x192xf32>
    %mul3A_97 = vector.broadcast %mul3A_96 : vector<1x192xf32> to vector<8x192xf32>
    %mul3A_98 = arith.mulf %add3A_91, %mul3A_97 : vector<8x192xf32>
    %get3A_99 = arith.constant 0 : index
    %get3A_100 = arith.constant 0 : index
    %get3A_101 = vector.load %arg12[%get3A_99, %get3A_100] : memref<1x192xf32, #tpu.memory_space<vmem>>, vector<1x192xf32>
    %add3A_102 = vector.broadcast %get3A_101 : vector<1x192xf32> to vector<8x192xf32>
    %add3A_103 = arith.addf %mul3A_98, %add3A_102 : vector<8x192xf32>
    %mul3A_104 = arith.constant 5.000000e-01 : f32
    %mul3A_105 = vector.broadcast %mul3A_104 : f32 to vector<8x192xf32>
    %mul3A_106 = arith.mulf %mul3A_105, %add3A_103 : vector<8x192xf32>
    %sqrt3A_107 = arith.constant 2.000000e+00 : f32
    %sqrt3A_108 = math.sqrt %sqrt3A_107 : f32
    %div3A_109 = arith.constant 1.000000e+00 : f32
    %div3A_110 = arith.divf %div3A_109, %sqrt3A_108 : f32
    %mul3A_111 = vector.broadcast %div3A_110 : f32 to vector<8x192xf32>
    %mul3A_112 = arith.mulf %add3A_103, %mul3A_111 : vector<8x192xf32>
    %erf3A_113 = math.erf %mul3A_112 : vector<8x192xf32>
    %add3A_114 = arith.constant 1.000000e+00 : f32
    %add3A_115 = vector.broadcast %add3A_114 : f32 to vector<8x192xf32>
    %add3A_116 = arith.addf %add3A_115, %erf3A_113 : vector<8x192xf32>
    %mul3A_117 = arith.mulf %mul3A_106, %add3A_116 : vector<8x192xf32>
    %get3A_118 = arith.constant 0 : index
    %get3A_119 = arith.constant 0 : index
    %get3A_120 = vector.load %arg13[%get3A_118, %get3A_119] : memref<192x16xf32, #tpu.memory_space<vmem>>, vector<192x16xf32>
    %dot_general3A_121 = arith.constant dense<0.000000e+00> : vector<8x16xf32>
    %dot_general3A_122 = tpu.matmul %mul3A_117, %get3A_120, %dot_general3A_121 {dimension_numbers = #tpu.dot_dimension_numbers<[1], [0], [0], [1], [0, 0, 1, 1], [], []>, transpose_lhs_hint = false} : vector<8x192xf32>, vector<192x16xf32>, vector<8x16xf32> -> vector<8x16xf32>
    %get3A_123 = arith.constant 0 : index
    %get3A_124 = arith.constant 0 : index
    %get3A_125 = vector.load %arg14[%get3A_123, %get3A_124] : memref<1x16xf32, #tpu.memory_space<vmem>>, vector<1x16xf32>
    %add3A_126 = vector.broadcast %get3A_125 : vector<1x16xf32> to vector<8x16xf32>
    %add3A_127 = arith.addf %dot_general3A_122, %add3A_126 : vector<8x16xf32>
    %iota3A = tpu.iota {dimensions = array<i32: 1>} : vector<8x16xi32>
    %reduce_max3A = arith.constant dense<0xFF800000> : vector<8xf32>
    %reduce_max3A_128 = vector.multi_reduction <maximumf>, %add3A_127, %reduce_max3A [1] : vector<8x16xf32> to vector<8xf32>
    %broadcast_in_dim3A = vector.shape_cast %reduce_max3A_128 : vector<8xf32> to vector<8x1xf32>
    %eq3A = vector.broadcast %broadcast_in_dim3A : vector<8x1xf32> to vector<8x16xf32>
    %eq3A_129 = arith.cmpf oeq, %add3A_127, %eq3A : vector<8x16xf32>
    %jit3A = arith.constant 16 : i32
    %broadcast_in_dim3A_130 = vector.broadcast %jit3A : i32 to vector<8x16xi32>
    %select_n3A = arith.select %eq3A_129, %iota3A, %broadcast_in_dim3A_130 : vector<8x16xi1>, vector<8x16xi32>
    %reduce_min3A = arith.constant dense<2147483647> : vector<8xi32>
    %reduce_min3A_131 = vector.multi_reduction <minsi>, %select_n3A, %reduce_min3A [1] : vector<8x16xi32> to vector<8xi32>
    %broadcast_in_dim3A_132 = vector.shape_cast %reduce_min3A_131 : vector<8xi32> to vector<8x1xi32>
    %eq3A_133 = vector.broadcast %broadcast_in_dim3A_132 : vector<8x1xi32> to vector<8x16xi32>
    %eq3A_134 = arith.cmpi eq, %iota3A, %eq3A_133 : vector<8x16xi32>
    %jit3A_135 = arith.constant 0xFF800000 : f32
    %broadcast_in_dim3A_136 = vector.broadcast %jit3A_135 : f32 to vector<8x16xf32>
    %select_n3A_137 = arith.select %eq3A_134, %broadcast_in_dim3A_136, %add3A_127 : vector<8x16xi1>, vector<8x16xf32>
    %reduce_max3A_138 = arith.constant dense<0xFF800000> : vector<8xf32>
    %reduce_max3A_139 = vector.multi_reduction <maximumf>, %select_n3A_137, %reduce_max3A_138 [1] : vector<8x16xf32> to vector<8xf32>
    %broadcast_in_dim3A_140 = vector.shape_cast %reduce_max3A_139 : vector<8xf32> to vector<8x1xf32>
    %eq3A_141 = vector.broadcast %broadcast_in_dim3A_140 : vector<8x1xf32> to vector<8x16xf32>
    %eq3A_142 = arith.cmpf oeq, %select_n3A_137, %eq3A_141 : vector<8x16xf32>
    %jit3A_143 = arith.constant 16 : i32
    %broadcast_in_dim3A_144 = vector.broadcast %jit3A_143 : i32 to vector<8x16xi32>
    %select_n3A_145 = arith.select %eq3A_142, %iota3A, %broadcast_in_dim3A_144 : vector<8x16xi1>, vector<8x16xi32>
    %reduce_min3A_146 = arith.constant dense<2147483647> : vector<8xi32>
    %reduce_min3A_147 = vector.multi_reduction <minsi>, %select_n3A_145, %reduce_min3A_146 [1] : vector<8x16xi32> to vector<8xi32>
    %broadcast_in_dim3A_148 = vector.shape_cast %reduce_min3A_147 : vector<8xi32> to vector<8x1xi32>
    %sub3A = arith.subf %broadcast_in_dim3A_140, %broadcast_in_dim3A : vector<8x1xf32>
    %div3A_149 = arith.constant 2.000000e+00 : f32
    %div3A_150 = vector.broadcast %div3A_149 : f32 to vector<8x1xf32>
    %div3A_151 = arith.divf %sub3A, %div3A_150 : vector<8x1xf32>
    %exp3A = math.exp %div3A_151 : vector<8x1xf32>
    %add3A_152 = arith.constant 1.000000e+00 : f32
    %add3A_153 = vector.broadcast %add3A_152 : f32 to vector<8x1xf32>
    %add3A_154 = arith.addf %add3A_153, %exp3A : vector<8x1xf32>
    %div3A_155 = arith.constant 1.000000e+00 : f32
    %div3A_156 = vector.broadcast %div3A_155 : f32 to vector<8x1xf32>
    %div3A_157 = arith.divf %div3A_156, %add3A_154 : vector<8x1xf32>
    %sub3A_158 = arith.constant 1.000000e+00 : f32
    %sub3A_159 = vector.broadcast %sub3A_158 : f32 to vector<8x1xf32>
    %sub3A_160 = arith.subf %sub3A_159, %div3A_157 : vector<8x1xf32>
    %iota3A_161 = tpu.iota {dimensions = array<i32: 1>} : vector<8x2xi32>
    %eq3A_162 = arith.constant 0 : i32
    %eq3A_163 = vector.broadcast %eq3A_162 : i32 to vector<8x2xi32>
    %eq3A_164 = arith.cmpi eq, %iota3A_161, %eq3A_163 : vector<8x2xi32>
    %broadcast_in_dim3A_165 = vector.shape_cast %broadcast_in_dim3A_132 : vector<8x1xi32> to vector<8x1xi32>
    %broadcast_in_dim3A_166 = vector.broadcast %broadcast_in_dim3A_165 : vector<8x1xi32> to vector<8x2xi32>
    %broadcast_in_dim3A_167 = vector.shape_cast %broadcast_in_dim3A_148 : vector<8x1xi32> to vector<8x1xi32>
    %broadcast_in_dim3A_168 = vector.broadcast %broadcast_in_dim3A_167 : vector<8x1xi32> to vector<8x2xi32>
    %select_n3A_169 = arith.select %eq3A_164, %broadcast_in_dim3A_166, %broadcast_in_dim3A_168 : vector<8x2xi1>, vector<8x2xi32>
    %swap3A = arith.constant 0 : index
    %swap3A_170 = arith.constant 0 : index
    %swap3A_171 = vector.load %arg15[%swap3A, %swap3A_170] : memref<8x2xi32, #tpu.memory_space<vmem>>, vector<8x2xi32>
    tpu.vector_store %arg15[%swap3A, %swap3A_170], %select_n3A_169 {strides = array<i32>} : memref<8x2xi32, #tpu.memory_space<vmem>>, vector<8x2xi32>,
    %eq3A_172 = arith.constant 0 : i32
    %eq3A_173 = vector.broadcast %eq3A_172 : i32 to vector<8x2xi32>
    %eq3A_174 = arith.cmpi eq, %iota3A_161, %eq3A_173 : vector<8x2xi32>
    %broadcast_in_dim3A_175 = vector.shape_cast %div3A_157 : vector<8x1xf32> to vector<8x1xf32>
    %broadcast_in_dim3A_176 = vector.broadcast %broadcast_in_dim3A_175 : vector<8x1xf32> to vector<8x2xf32>
    %broadcast_in_dim3A_177 = vector.shape_cast %sub3A_160 : vector<8x1xf32> to vector<8x1xf32>
    %broadcast_in_dim3A_178 = vector.broadcast %broadcast_in_dim3A_177 : vector<8x1xf32> to vector<8x2xf32>
    %select_n3A_179 = arith.select %eq3A_174, %broadcast_in_dim3A_176, %broadcast_in_dim3A_178 : vector<8x2xi1>, vector<8x2xf32>
    %swap3A_180 = arith.constant 0 : index
    %swap3A_181 = arith.constant 0 : index
    %swap3A_182 = vector.load %arg16[%swap3A_180, %swap3A_181] : memref<8x2xf32, #tpu.memory_space<vmem>>, vector<8x2xf32>
    tpu.vector_store %arg16[%swap3A_180, %swap3A_181], %select_n3A_179 {strides = array<i32>} : memref<8x2xf32, #tpu.memory_space<vmem>>, vector<8x2xf32>,
    return
  }
}

</mosaic_0001>

<sc_bundles>
// kernel: kernel.5.cloned.1.call-start
scs
__scs_entry_jumppad:
0x0: {  	(pc) =	sbr.rel $0x88, $3  }
0x1: {  	(tag) =	ssettag $0x0;
	lr =	simm.s32 $0x1  }
0x2: {  	[smem:$0x3F92] =	sst lr;
	_ =	strace $0xD0000000  }
0x3: {  	_ = 	snop  }
0x4: {  	_ = 	snop  }
0x5: {  	_ = 	snop  }
0x6: {  	_ = 	snop  }
0x7: {  	_ = 	snop  }
__scs_overlays_trampoline_lowered:
0x8: {  	[smem:$0x3FA1] =	sst s0  }
0x9: {  	[smem:$0x3FA2] =	sst s1  }
0xa: {  	[smem:$0x3FA3] =	sst s2  }
0xb: {  	[smem:$0x3FA4] =	sst s3  }
0xc: {  	[smem:$0x3FA5] =	sst s4  }
0xd: {  	[smem:$0x3FA6] =	sst s5  }
0xe: {  	[smem:$0x3FA7] =	sst s6  }
0xf: {  	[smem:$0x3FA8] =	sst s7  }
0x10: {  	[smem:$0x3FA9] =	sst s8  }
0x11: {  	[smem:$0x3FAA] =	sst s9;
	s0 =	simm.s32 @!p0 $0x0  }
0x12: {  	s1 =	sld [smem:$0x3F90];
	s0 =	simm.s32 @p0 $0x1  }
0x13: {  	[smem:$0x3FAB] =	sst s0;
	s0 =	simm.s32 @!p1 $0x0  }
0x14: {  	s2 =	sld [smem:$0x3F8F];
	s0 =	simm.s32 @p1 $0x1  }
0x15: {  	[smem:$0x3FAC] =	sst s0;
	s0 =	simm.s32 @!p2 $0x0  }
0x16: {  	s3 =	sld [smem:$0x3FDB];
	s0 =	simm.s32 @p2 $0x1  }
0x17: {  	s4 =	simm.s32 $0x1BF5;
	[smem:$0x3FAE] =	sst s0  }
0x18: {  	s0 =	sld [smem:$0x3F91];
	_ =	swait.ge [sflag:s4], $0x0  }
0x19: {  	s7 =	sld [smem:$0x3F92]  }
0x1a: {  	s8 =	sadd.s32 $0xFFFFE003, lr  }
0x1b: {  	s9 =	sadd.s32 $0xFFFFFEF7, lr;
	s5 =	simm.s32 $0xFFFFFFFF;
	p2 =	slt.u32 s8, $0xFFFFF086  }
0x1c: {  	p1 =	slt.u32 s9, $0xF7A;
	s5 =	simm.s32 @!p2 $0x0  }
0x1d: {  	s5 =	simm.s32 @p1 $0x1;
	p0 =	seq.s32 s7, s2  }
0x1e: {  	s7 =	smul.u32 @!p0 $0xF7A, s2;
	p2 =	seq.s32 @!p0 s5, $0x0  }
0x1f: {  	s9 =	smul.u32 $0xF7A, s1;
	s8 =	simm.s32 @!p0 $0x1BF5;
	p2 =	por !p2, p0  }
0x20: {  	[sflag:s8] =	ssyncset.s32 @!p0 $0xFFFFF086;
	s6 =	sadd.s32 @!p0 s3, s7;
	s7 =	simm.s32 @!p0 $0x108  }
0x21: {  	s3 =	sadd.s32 s3, s9;
	s6 =	sadd.s32 @!p0 $0x88, s6;
	s7 =	simm.s32 @p2 $0x1082  }
0x22: {  	[simem:s7], [sflag:s8] =	dma.local @!p0 [hbm:s6], $0xF7A  }
0x23: {  	s9 =	sor.u32 $0xD0000000, s2;
	s6 =	simm.s32 $0x108;
	_ =	swait.ge @!p0 [sflag:s8], $0x0  }
0x24: {  	s3 =	sadd.s32 $0x88, s3;
	s6 =	simm.s32 @!p1 $0x1082;
	[sflag:s4] =	ssyncset.s32 $0xFFFFF086  }
0x25: {  	[simem:s6], [sflag:s4] =	dma.local [hbm:s3], $0xF7A  }
0x26: {  	[smem:$0x3F92] =	sst s1;
	(tag) =	ssettag s2;
	_ =	strace s9  }
0x27: {  	s1 =	sld [smem:$0x3FA2]  }
0x28: {  	s2 =	sld [smem:$0x3FA3]  }
0x29: {  	s4 =	sld [smem:$0x3FA5]  }
0x2a: {  	p0 =	seq.s32 s5, $0x0;
	s5 =	sld [smem:$0x3FA6]  }
0x2b: {  	s6 =	sld [smem:$0x3FA7]  }
0x2c: {  	s7 =	sld [smem:$0x3FA8]  }
0x2d: {  	s3 =	simm.s32 $0x108;
	s8 =	sld [smem:$0x3FA9]  }
0x2e: {  	s3 =	simm.s32 @!p0 $0x1082;
	s9 =	sld [smem:$0x3FAA]  }
0x2f: {  	lr =	sadd.s32 s0, s3;
	s0 =	sld [smem:$0x3FA1]  }
0x30: {  	s3 =	sld [smem:$0x3FA4]  }
0x31: {  	[smem:$0x3FAD] =	sst s10  }
0x32: {  	s10 =	sld [smem:$0x3FAB];
	_ =	sdelay $0x3  }
0x33: {  	p0 =	seq.s32 s10, $0x1;
	s10 =	sld [smem:$0x3FAD];
	_ =	sdelay $0x3  }
0x34: {  	[smem:$0x3FAD] =	sst s10  }
0x35: {  	s10 =	sld [smem:$0x3FAC];
	_ =	sdelay $0x3  }
0x36: {  	p1 =	seq.s32 s10, $0x1;
	s10 =	sld [smem:$0x3FAD];
	_ =	sdelay $0x3  }
0x37: {  	[smem:$0x3FAD] =	sst s10  }
0x38: {  	s10 =	sld [smem:$0x3FAE]  }
0x39: {  	_ = 	snop;
	(pc) =	sbr.ind lr, $3  }
0x3a: {  	_ = 	snop  }
0x3b: {  	_ = 	snop  }
0x3c: {  	p2 =	seq.s32 s10, $0x1;
	s10 =	sld [smem:$0x3FAD]  }
0x3d: {  	_ =	shalt  }
0x3e: {  	_ =	shalt  }
0x3f: {  	_ =	shalt  }
0x40: {  	_ =	shalt  }
0x41: {  	_ =	shalt  }
0x42: {  	_ =	shalt  }
0x43: {  	_ =	shalt  }
0x44: {  	_ =	shalt  }
0x45: {  	_ =	shalt  }
0x46: {  	_ =	shalt  }
0x47: {  	_ =	shalt  }
0x48: {  	_ =	shalt  }
0x49: {  	_ =	shalt  }
0x4a: {  	_ =	shalt  }
0x4b: {  	_ =	shalt  }
0x4c: {  	_ =	shalt  }
0x4d: {  	_ =	shalt  }
0x4e: {  	_ =	shalt  }
0x4f: {  	_ =	shalt  }
0x50: {  	_ =	shalt  }
0x51: {  	_ =	shalt  }
0x52: {  	_ =	shalt  }
0x53: {  	_ =	shalt  }
0x54: {  	_ =	shalt  }
0x55: {  	_ =	shalt  }
0x56: {  	_ =	shalt  }
0x57: {  	_ =	shalt  }
0x58: {  	_ =	shalt  }
0x59: {  	_ =	shalt  }
0x5a: {  	_ =	shalt  }
0x5b: {  	_ =	shalt  }
0x5c: {  	_ =	shalt  }
0x5d: {  	_ =	shalt  }
0x5e: {  	_ =	shalt  }
0x5f: {  	_ =	shalt  }
0x60: {  	_ =	shalt  }
0x61: {  	_ =	shalt  }
0x62: {  	_ =	shalt  }
0x63: {  	_ =	shalt  }
0x64: {  	_ =	shalt  }
0x65: {  	_ =	shalt  }
0x66: {  	_ =	shalt  }
0x67: {  	_ =	shalt  }
0x68: {  	_ =	shalt  }
0x69: {  	_ =	shalt  }
0x6a: {  	_ =	shalt  }
0x6b: {  	_ =	shalt  }
0x6c: {  	_ =	shalt  }
0x6d: {  	_ =	shalt  }
0x6e: {  	_ =	shalt  }
0x6f: {  	_ =	shalt  }
0x70: {  	_ =	shalt  }
0x71: {  	_ =	shalt  }
0x72: {  	_ =	shalt  }
0x73: {  	_ =	shalt  }
0x74: {  	_ =	shalt  }
0x75: {  	_ =	shalt  }
0x76: {  	_ =	shalt  }
0x77: {  	_ =	shalt  }
0x78: {  	_ =	shalt  }
0x79: {  	_ =	shalt  }
0x7a: {  	_ =	shalt  }
0x7b: {  	_ =	shalt  }
0x7c: {  	_ =	shalt  }
0x7d: {  	_ =	shalt  }
0x7e: {  	_ =	shalt  }
0x7f: {  	_ =	shalt  }
0x80: {  	_ =	shalt  }
0x81: {  	_ =	shalt  }
0x82: {  	_ =	shalt  }
0x83: {  	_ =	shalt  }
0x84: {  	_ =	shalt  }
0x85: {  	_ =	shalt  }
0x86: {  	_ =	shalt  }
0x87: {  	_ =	shalt  }
.Lfunc_end0:
.L_simem_size_0:
called_computation_lowered:
.L_overlay_start_0:
0x88: {  	s2 =	sld [smem:$0x3FD9]  }
0x89: {  	s3 =	sld [smem:$0x3FFE];
	_ =	sdelay $0x1  }
0x8a: {  	s1 =	srdreg.scid  }
0x8b: {  	s0 =	sand.u32 $0x1, s1  }
0x8c: {  	s17 =	sshll.u32 s0, $0xA;
	s2 =	sadd.s32 s3, s2  }
0x8d: {  	s2 =	sadd.s32 s2, s17  }
0x8e: {  	[smem:$0x3FB9] =	sst s2  }
0x8f: {  	_ = 	snop  }
0x90: {  	s2 =	sld [smem:$0x3FC9];
	(tm) =	ssettm $0x1  }
0x91: {  	s18 =	sld [smem:$0x3FFB];
	_ =	sdelay $0x3  }
0x92: {  	_ =	strace s18  }
0x93: {  	s3 =	sld [smem:$0x3FFC];
	_ =	sdelay $0x3  }
0x94: {  	_ =	strace s3  }
0x95: {  	s3 =	sld [smem:$0x3FFD];
	_ =	sdelay $0x3  }
0x96: {  	_ =	strace s3  }
0x97: {  	_ =	strace $0x8FFFFFFF  }
0x98: {  	s19 =	sld [smem:$0x3FDB];
	_ =	sdelay $0x1  }
0x99: {  	s4 =	simm.s32 $_scs_section_size  }
0x9a: {  	s5 =	simm.s32 $_size__tile_overlayer_lowered;
	s6 =	simm.s32 $_tile_overlayer_lowered  }
0x9b: {  	s22 =	simm.s32 $0x1BFF;
	s21 =	sshll.u32 s6, $0x1;
	s3 =	sadd.s32 s4, s19  }
0x9c: {  	s7 =	simm.s32 $0x0;
	s20 =	sshll.u32 s5, $0x1;
	s5 =	sadd.s32 s21, s3  }
0x9d: {  	[timem:s7], [sflag:s22] =	dma.local [hbm:s5], s20  }
0x9e: {  	_ =	swait.ge [sflag:s22], s20  }
0x9f: {  	s4 =	ssub.s32 $0x0, s20;
	[sflag:s22] =	ssyncset.done $0x0  }
0xa0: {  	[sflag:s22] =	ssyncadd.s32 s4;
	_ =	sdelay $0x1  }
0xa1: {  	s23 =	simm.s32 $0x1B8B  }
0xa2: {  	_ =	swait.ge [sflag:s23], $0x1  }
0xa3: {  	[sflag:s23] =	ssyncset.done $0x0  }
0xa4: {  	s25 =	simm.s32 $0x1B8E;
	s24 =	sld [smem:$0x3FFE];
	[sflag:s23] =	ssyncadd.s32 $0xFFFFFFFF  }
0xa5: {  	s26 =	simm.s32 $execute0_lowered;
	[smem:$0x3FD2] =	sst s25  }
0xa6: {  	s5 =	sshll.u32 s26, $0x1;
	_ =	strace $0x80000046;
	[dreg:$0x1] =	wrdreg $0xFFFFFFFF  }
0xa7: {  	s28 =	simm.s32 $_size_execute0_lowered;
	s3 =	sadd.s32 s3, s5;
	[dreg:$0x0] =	wrdreg $0x0  }
0xa8: {  	s5 =	sshll.u32 s28, $0x1;
	[dreg:$0x2] =	wrdreg s3  }
0xa9: {  	[dreg:$0x3] =	wrdreg s5  }
0xaa: {  	[dreg:$0x4] =	wrdreg $0xC0  }
0xab: {  	_ =	task [dreg:s7], $0x5FFFF  }
0xac: {  	[dreg:$0x1] =	wrdreg $0xFFFFFFFF  }
0xad: {  	[dreg:$0x0] =	wrdreg $0x60  }
0xae: {  	[dreg:$0x2] =	wrdreg s2  }
0xaf: {  	[dreg:$0x3] =	wrdreg s24  }
0xb0: {  	[dreg:$0x4] =	wrdreg $0x9  }
0xb1: {  	_ =	task.clear_ibuf [dreg:s7], $0x5FFFF;
	_ =	strace $0x90000046  }
0xb2: {  	s29 =	simm.s32 $0x9;
	_ =	strace $0x80000048  }
0xb3: {  	_ =	swait.ge [sflag:s29], $0x1  }
0xb4: {  	[sflag:s29] =	ssyncadd.s32 $0xFFFFFFFF  }
0xb5: {  	_ =	strace $0x90000048  }
0xb6: {  	_ =	sfence  }
0xb7: {  	s30 =	sld [smem:$0x0];
	_ =	sdelay $0x2  }
0xb8: {  	s31 =	sshll.u32 s1, $0xD;
	s1 =	sshrl.u32 s1, $0x2  }
0xb9: {  	s3 =	sand.u32 $0x4000, s31;
	s1 =	sadd.s32 s1, s30  }
0xba: {  	s0 =	sor.u32 s3, s0;
	s1 =	sshll.u32 s1, $0x11  }
0xbb: {  	s0 =	sor.u32 s1, s0  }
0xbc: {  	s0 =	sadd.s32 $0x8F2B, s0  }
0xbd: {  	[sflag:s0] =	ssyncadd.remote.s32 $0x1  }
0xbe: {  	_ =	sfence.sel $0xFFFF  }
0xbf: {  	[dreg:$0x0] =	wrdreg $0xFFFFFFFF;
	(pc) =	sbr.abs _section_cstart, $3  }
0xc0: {  	[dreg:$0x1] =	wrdreg $0xFFFFFFFF  }
0xc1: {  	_ =	task.clear_ibuf [dreg:s7], $0x2FFFF;
	_ =	strace $0x9FFFFFFF  }
0xc2: {  	(tm) =	ssettm $0x7FFFFFFF  }
0xc3: {  	_ =	shalt  }
tec
execute0_lowered:
.L_overlay_start_1:
0x0: {  	(tag) =	ssettag $0x1  }
0x1: {  	s1 =	srdreg.scid  }
0x2: {  	s0 =	stileid.u32;
	s3 =	rddreg [dreg:$0x0];
	s11 =	sand.u32 $0x1, s1  }
0x3: {  	s13 =	rddreg [dreg:$0x1];
	s31 =	sshll.u32 s0, $0x5;
	s2 =	sshll.u32 s11, $0x4  }
0x4: {  	s21 =	simm.s32 $0xE000;
	s22 =	simm.s32 $0x1;
	s12 =	sor.u32 s2, s31  }
0x5: {  	v0 =	vimm.s32 $0xFEDCBA98;
	v1 =	vimm.s32 $0x76543210;
	s23 =	simm.s32 $0x2;
	s24 =	simm.s32 $0x1C000;
	s4 =	smul.u32 $0xE000, s12  }
0x6: {  	v2 =	vimm.s32 $0xBA98FEDC;
	v3 =	vimm.s32 $0x32107654;
	v4 =	vimm.s32 $0xDCFE98BA;
	s25 =	simm.s32 $0x3;
	s2 =	simm.s32 $0x0;
	s14 =	sshll.u32 s12, $0x4  }
0x7: {  	v5 =	vimm.s32 $0x54761032;
	v6 =	vimm.s32 $0xEFCDAB89;
	[smem:$0x7FF] =	sst s2;
	s19 =	sadd.s32 s14, s13;
	s4 =	sshrl.u32 s4, $0x3  }
0x8: {  	v7 =	vimm.s32 $0x67452301;
	v0 =	vunpack.c.l.s4.s8 v0;
	v1 =	vunpack.c.l.s4.s8 v1;
	_ =	strace $0x80000047;
	s19 =	sadd.s32 $0x1E00, s19;
	s18 =	sadd.s32 s3, s4  }
0x9: {  	s26 =	simm.s32 $0x0;
	v2 =	vunpack.c.l.s4.s8 v2;
	v3 =	vunpack.c.l.s4.s8 v3;
	v4 =	vunpack.c.l.s4.s8 v4;
	s3 =	sadd.s32 $0x701C00, s18;
	s4 =	sadd.s32 $0x703800, s18  }
0xa: {  	v5 =	vunpack.c.l.s4.s8 v5;
	v6 =	vunpack.c.l.s4.s8 v6;
	v7 =	vunpack.c.l.s4.s8 v7;
	s5 =	sadd.s32 $0x705400, s18;
	s6 =	sadd.s32 $0x700000, s18;
	s7 =	sadd.s32 $0x707000, s18  }
0xb: {  	s16 =	ssub.s32 $0x2, s11;
	v0 =	vunpack.c.0.s8.s32 v0;
	v1 =	vunpack.c.0.s8.s32 v1;
	v2 =	vunpack.c.0.s8.s32 v2;
	s8 =	sadd.s32 $0x708C00, s18;
	s9 =	sadd.s32 $0x70A800, s18  }
0xc: {  	s17 =	sshrl.u32 s16, $0x1;
	v3 =	vunpack.c.0.s8.s32 v3;
	v4 =	vunpack.c.0.s8.s32 v4;
	v5 =	vunpack.c.0.s8.s32 v5;
	s10 =	sadd.s32 $0x70C400, s18;
	s11 =	sadd.s32 $0x70FC00, s18  }
0xd: {  	v6 =	vunpack.c.0.s8.s32 v6;
	v7 =	vunpack.c.0.s8.s32 v7;
	s20 =	ssub.s32 s16, s17;
	v0 =	vand.u32 $0xF, v0;
	s12 =	sadd.s32 $0x711800, s18;
	s14 =	sadd.s32 $0x713400, s18  }
0xe: {  	v0 =	vcombine.low v0, v1;
	v1 =	vcombine.low v3, v2;
	s13 =	sadd.s32 $0x70E000, s18;
	s15 =	sadd.s32 $0x715000, s18;
	s16 =	sadd.s32 $0x716C00, s18  }
0xf: {  	s20 =	smax.u32 s20, $0x1;
	v2 =	vcombine.low v5, v4;
	v3 =	vcombine.low v7, v6;
	s17 =	sadd.s32 $0x718800, s18;
	s18 =	sadd.s32 $0x71A400, s18  }
.LBB2_1:
0x10: {  	[tilespmem:s2], [sflag:$0x1] =	stream.linear.gather [hbm4b:s6+s2], $0xE000, $0x38;
	[tilespmem:$0x1C800] =	vst v63  }
0x11: {  	_ = 	snop  }
0x12: {  	[tilespmem:s21], [sflag:$0x2] =	stream.linear.gather [hbm4b:s3+s2], $0xE000, $0x38;
	[tilespmem:$0x1C800] =	vst v63  }
0x13: {  	_ =	swait.ge [sflag:s22], $0xE000  }
0x14: {  	s28 =	sand.u32 $0xF800, s2;
	s29 =	sand.u32 $0x380, s2;
	[sflag:s22] =	ssyncset.done $0x0  }
0x15: {  	s1 =	sor.u32 s29, s28;
	[sflag:s22] =	ssyncadd.s32 $0xFFFF2000  }
0x16: {  	v4 =	vld [tilespmem:s1+$0x0];
	_ =	sdelay $0x1  }
0x17: {  	v5 =	vld [tilespmem:s1+$0x10];
	_ =	sdelay $0x1  }
0x18: {  	v6 =	vimm.f32 $0.0e+00;
	v7 =	vld [tilespmem:s1+$0x20]  }
0x19: {  	v4 =	vadd.f32 v4, v6  }
0x1a: {  	v6 =	vld [tilespmem:s1+$0x30]  }
0x1b: {  	v4 =	vadd.f32 v5, v4  }
0x1c: {  	v5 =	vld [tilespmem:s1+$0x40]  }
0x1d: {  	v4 =	vadd.f32 v7, v4  }
0x1e: {  	v7 =	vld [tilespmem:s1+$0x50]  }
0x1f: {  	v4 =	vadd.f32 v6, v4  }
0x20: {  	v6 =	vld [tilespmem:s1+$0x60]  }
0x21: {  	v4 =	vadd.f32 v5, v4  }
0x22: {  	v5 =	vld [tilespmem:s1+$0x70]  }
0x23: {  	v4 =	vadd.f32 v7, v4  }
0x24: {  	v7 =	vld [tilespmem:s1+$0x400]  }
0x25: {  	v4 =	vadd.f32 v6, v4  }
0x26: {  	v6 =	vld [tilespmem:s1+$0x410]  }
0x27: {  	v4 =	vadd.f32 v5, v4  }
0x28: {  	v8 =	vld [tilespmem:s1+$0x420]  }
0x29: {  	v5 =	vadd.f32 v7, v4  }
0x2a: {  	v4 =	vld [tilespmem:s1+$0x430]  }
0x2b: {  	v6 =	vadd.f32 v6, v5  }
0x2c: {  	v5 =	vld [tilespmem:s1+$0x440]  }
0x2d: {  	s29 =	simm.s32 $0x100;
	s28 =	simm.s32 $0x80;
	v7 =	vadd.f32 v8, v6  }
0x2e: {  	s30 =	sand.u32 $0xF800, s29;
	s31 =	sand.u32 $0x380, s28;
	s29 =	simm.s32 $0x200;
	v6 =	vld [tilespmem:s1+$0x450]  }
.LBB2_2:
0x2f: {  	p0 =	sne.s32 s29, $0xDF00;
	s1 =	sor.u32 s31, s30;
	v4 =	vadd.f32 v4, v7  }
0x30: {  	v7 =	vld [tilespmem:s1+$0x0]  }
0x31: {  	v4 =	vadd.f32 v5, v4  }
0x32: {  	v5 =	vld [tilespmem:s1+$0x10]  }
0x33: {  	v4 =	vadd.f32 v6, v4  }
0x34: {  	v6 =	vld [tilespmem:s1+$0x20]  }
0x35: {  	v4 =	vadd.f32 v7, v4  }
0x36: {  	v7 =	vld [tilespmem:s1+$0x30]  }
0x37: {  	v4 =	vadd.f32 v5, v4  }
0x38: {  	v5 =	vld [tilespmem:s1+$0x40]  }
0x39: {  	v4 =	vadd.f32 v6, v4  }
0x3a: {  	v6 =	vld [tilespmem:s1+$0x50]  }
0x3b: {  	v4 =	vadd.f32 v7, v4  }
0x3c: {  	v7 =	vld [tilespmem:s1+$0x60]  }
0x3d: {  	v4 =	vadd.f32 v5, v4  }
0x3e: {  	v5 =	vld [tilespmem:s1+$0x70]  }
0x3f: {  	v4 =	vadd.f32 v6, v4  }
0x40: {  	v6 =	vld [tilespmem:s1+$0x400]  }
0x41: {  	v4 =	vadd.f32 v7, v4  }
0x42: {  	v7 =	vld [tilespmem:s1+$0x410]  }
0x43: {  	v4 =	vadd.f32 v5, v4  }
0x44: {  	v8 =	vld [tilespmem:s1+$0x420]  }
0x45: {  	v5 =	vadd.f32 v6, v4  }
.Ltmp0:
0x46: {  	v4 =	vld [tilespmem:s1+$0x430];
	(pc) =	sbr.rel @p0 .LBB2_2-.Ltmp0, $4  }
0x47: {  	v6 =	vadd.f32 v7, v5  }
0x48: {  	v5 =	vld [tilespmem:s1+$0x440]  }
0x49: {  	s28 =	sadd.s32 $0x80, s28;
	v7 =	vadd.f32 v8, v6  }
0x4a: {  	s30 =	sand.u32 $0xF800, s29;
	s29 =	sadd.s32 $0x100, s29;
	s31 =	sand.u32 $0x380, s28;
	v6 =	vld [tilespmem:s1+$0x450]  }
0x4b: {  	s1 =	sor.u32 s31, s30;
	v4 =	vadd.f32 v4, v7  }
0x4c: {  	v7 =	vld [tilespmem:s1+$0x0]  }
0x4d: {  	v4 =	vadd.f32 v5, v4  }
0x4e: {  	v5 =	vld [tilespmem:s1+$0x10]  }
0x4f: {  	v4 =	vadd.f32 v6, v4  }
0x50: {  	v6 =	vld [tilespmem:s1+$0x20]  }
0x51: {  	v4 =	vadd.f32 v7, v4  }
0x52: {  	v7 =	vld [tilespmem:s1+$0x30]  }
0x53: {  	v4 =	vadd.f32 v5, v4  }
0x54: {  	v5 =	vld [tilespmem:s1+$0x40]  }
0x55: {  	v4 =	vadd.f32 v6, v4  }
0x56: {  	v6 =	vld [tilespmem:s1+$0x50]  }
0x57: {  	v4 =	vadd.f32 v7, v4  }
0x58: {  	v7 =	vld [tilespmem:s1+$0x60]  }
0x59: {  	v4 =	vadd.f32 v5, v4  }
0x5a: {  	v5 =	vld [tilespmem:s1+$0x70]  }
0x5b: {  	v4 =	vadd.f32 v6, v4  }
0x5c: {  	v6 =	vld [tilespmem:s1+$0x400]  }
0x5d: {  	v4 =	vadd.f32 v7, v4  }
0x5e: {  	v7 =	vld [tilespmem:s1+$0x410]  }
0x5f: {  	v4 =	vadd.f32 v5, v4  }
0x60: {  	v5 =	vld [tilespmem:s1+$0x420]  }
0x61: {  	v4 =	vadd.f32 v6, v4  }
0x62: {  	v6 =	vld [tilespmem:s1+$0x430]  }
0x63: {  	v4 =	vadd.f32 v7, v4  }
0x64: {  	v7 =	vld [tilespmem:s1+$0x440]  }
0x65: {  	v4 =	vadd.f32 v5, v4  }
0x66: {  	v5 =	vld [tilespmem:s1+$0x450]  }
0x67: {  	v4 =	vadd.f32 v6, v4;
	_ =	sdelay $0x1  }
0x68: {  	v4 =	vadd.f32 v7, v4;
	_ =	sdelay $0x1  }
0x69: {  	v4 =	vadd.f32 v5, v4;
	_ =	sdelay $0x1  }
0x6a: {  	v5 =	vperm.xlane v4, v0;
	_ =	sdelay $0x1  }
0x6b: {  	v4 =	vadd.f32 v5, v4;
	_ =	sdelay $0x1  }
0x6c: {  	v5 =	vperm.xlane v4, v1;
	_ =	sdelay $0x1  }
0x6d: {  	v4 =	vadd.f32 v5, v4;
	_ =	sdelay $0x1  }
0x6e: {  	v5 =	vperm.xlane v4, v2;
	_ =	sdelay $0x1  }
0x6f: {  	v4 =	vadd.f32 v5, v4;
	_ =	sdelay $0x1  }
0x70: {  	v5 =	vperm.xlane v4, v3;
	_ =	sdelay $0x1  }
0x71: {  	v4 =	vadd.f32 v5, v4;
	_ =	sdelay $0x1  }
0x72: {  	s1 =	simm.s32 $0x0;
	[tilespmem:$0x1C000] =	vst v4  }
0x73: {  	[tilespmem:s1], [sflag:$0x1] =	stream.linear.gather [hbm4b:s4+s1], $0xE000, $0x38;
	[tilespmem:$0x1C800] =	vst v63  }
0x74: {  	_ =	swait.ge [sflag:s23], $0xE000  }
0x75: {  	s28 =	sand.u32 $0xF800, s1;
	s1 =	sand.u32 $0x380, s1;
	[sflag:s23] =	ssyncset.done $0x0  }
0x76: {  	s1 =	sor.u32 s1, s28;
	[sflag:s23] =	ssyncadd.s32 $0xFFFF2000  }
0x77: {  	v4 =	vld [tilespmem:s1+$0xE000];
	_ =	sdelay $0x1  }
0x78: {  	v5 =	vld [tilespmem:s1+$0xE010];
	_ =	sdelay $0x1  }
0x79: {  	v6 =	vimm.f32 $0.0e+00;
	v7 =	vld [tilespmem:s1+$0xE020]  }
0x7a: {  	v4 =	vadd.f32 v4, v6  }
0x7b: {  	v6 =	vld [tilespmem:s1+$0xE030]  }
0x7c: {  	v4 =	vadd.f32 v5, v4  }
0x7d: {  	v5 =	vld [tilespmem:s1+$0xE040]  }
0x7e: {  	v4 =	vadd.f32 v7, v4  }
0x7f: {  	v7 =	vld [tilespmem:s1+$0xE050]  }
0x80: {  	v4 =	vadd.f32 v6, v4  }
0x81: {  	v6 =	vld [tilespmem:s1+$0xE060]  }
0x82: {  	v4 =	vadd.f32 v5, v4  }
0x83: {  	v5 =	vld [tilespmem:s1+$0xE070]  }
0x84: {  	v4 =	vadd.f32 v7, v4  }
0x85: {  	v7 =	vld [tilespmem:s1+$0xE400]  }
0x86: {  	v4 =	vadd.f32 v6, v4  }
0x87: {  	v6 =	vld [tilespmem:s1+$0xE410]  }
0x88: {  	v4 =	vadd.f32 v5, v4  }
0x89: {  	v8 =	vld [tilespmem:s1+$0xE420]  }
0x8a: {  	v5 =	vadd.f32 v7, v4  }
0x8b: {  	v4 =	vld [tilespmem:s1+$0xE430]  }
0x8c: {  	v6 =	vadd.f32 v6, v5  }
0x8d: {  	v5 =	vld [tilespmem:s1+$0xE440]  }
0x8e: {  	s29 =	simm.s32 $0x100;
	s28 =	simm.s32 $0x80;
	v7 =	vadd.f32 v8, v6  }
0x8f: {  	s30 =	sand.u32 $0xF800, s29;
	s29 =	simm.s32 $0x200;
	s31 =	sand.u32 $0x380, s28;
	v6 =	vld [tilespmem:s1+$0xE450]  }
.LBB2_4:
0x90: {  	p0 =	sne.s32 s29, $0xDF00;
	s1 =	sor.u32 s31, s30;
	v4 =	vadd.f32 v4, v7  }
0x91: {  	v7 =	vld [tilespmem:s1+$0xE000]  }
0x92: {  	v4 =	vadd.f32 v5, v4  }
0x93: {  	v5 =	vld [tilespmem:s1+$0xE010]  }
0x94: {  	v4 =	vadd.f32 v6, v4  }
0x95: {  	v6 =	vld [tilespmem:s1+$0xE020]  }
0x96: {  	v4 =	vadd.f32 v7, v4  }
0x97: {  	v7 =	vld [tilespmem:s1+$0xE030]  }
0x98: {  	v4 =	vadd.f32 v5, v4  }
0x99: {  	v5 =	vld [tilespmem:s1+$0xE040]  }
0x9a: {  	v4 =	vadd.f32 v6, v4  }
0x9b: {  	v6 =	vld [tilespmem:s1+$0xE050]  }
0x9c: {  	v4 =	vadd.f32 v7, v4  }
0x9d: {  	v7 =	vld [tilespmem:s1+$0xE060]  }
0x9e: {  	v4 =	vadd.f32 v5, v4  }
0x9f: {  	v5 =	vld [tilespmem:s1+$0xE070]  }
0xa0: {  	v4 =	vadd.f32 v6, v4  }
0xa1: {  	v6 =	vld [tilespmem:s1+$0xE400]  }
0xa2: {  	v4 =	vadd.f32 v7, v4  }
0xa3: {  	v7 =	vld [tilespmem:s1+$0xE410]  }
0xa4: {  	v4 =	vadd.f32 v5, v4  }
0xa5: {  	v8 =	vld [tilespmem:s1+$0xE420]  }
0xa6: {  	v5 =	vadd.f32 v6, v4  }
.Ltmp1:
0xa7: {  	v4 =	vld [tilespmem:s1+$0xE430];
	(pc) =	sbr.rel @p0 .LBB2_4-.Ltmp1, $4  }
0xa8: {  	v6 =	vadd.f32 v7, v5  }
0xa9: {  	v5 =	vld [tilespmem:s1+$0xE440]  }
0xaa: {  	s28 =	sadd.s32 $0x80, s28;
	v7 =	vadd.f32 v8, v6  }
0xab: {  	s30 =	sand.u32 $0xF800, s29;
	s29 =	sadd.s32 $0x100, s29;
	s31 =	sand.u32 $0x380, s28;
	v6 =	vld [tilespmem:s1+$0xE450]  }
0xac: {  	s1 =	sor.u32 s31, s30;
	v4 =	vadd.f32 v4, v7  }
0xad: {  	v7 =	vld [tilespmem:s1+$0xE000]  }
0xae: {  	v4 =	vadd.f32 v5, v4  }
0xaf: {  	v5 =	vld [tilespmem:s1+$0xE010]  }
0xb0: {  	v4 =	vadd.f32 v6, v4  }
0xb1: {  	v6 =	vld [tilespmem:s1+$0xE020]  }
0xb2: {  	v4 =	vadd.f32 v7, v4  }
0xb3: {  	v7 =	vld [tilespmem:s1+$0xE030]  }
0xb4: {  	v4 =	vadd.f32 v5, v4  }
0xb5: {  	v5 =	vld [tilespmem:s1+$0xE040]  }
0xb6: {  	v4 =	vadd.f32 v6, v4  }
0xb7: {  	v6 =	vld [tilespmem:s1+$0xE050]  }
0xb8: {  	v4 =	vadd.f32 v7, v4  }
0xb9: {  	v7 =	vld [tilespmem:s1+$0xE060]  }
0xba: {  	v4 =	vadd.f32 v5, v4  }
0xbb: {  	v5 =	vld [tilespmem:s1+$0xE070]  }
0xbc: {  	v4 =	vadd.f32 v6, v4  }
0xbd: {  	v6 =	vld [tilespmem:s1+$0xE400]  }
0xbe: {  	v4 =	vadd.f32 v7, v4  }
0xbf: {  	v7 =	vld [tilespmem:s1+$0xE410]  }
0xc0: {  	v4 =	vadd.f32 v5, v4  }
0xc1: {  	v5 =	vld [tilespmem:s1+$0xE420]  }
0xc2: {  	v4 =	vadd.f32 v6, v4  }
0xc3: {  	v6 =	vld [tilespmem:s1+$0xE430]  }
0xc4: {  	v4 =	vadd.f32 v7, v4  }
0xc5: {  	v7 =	vld [tilespmem:s1+$0xE440]  }
0xc6: {  	v4 =	vadd.f32 v5, v4  }
0xc7: {  	v5 =	vld [tilespmem:s1+$0xE450]  }
0xc8: {  	v4 =	vadd.f32 v6, v4;
	_ =	sdelay $0x1  }
0xc9: {  	v4 =	vadd.f32 v7, v4;
	_ =	sdelay $0x1  }
0xca: {  	v4 =	vadd.f32 v5, v4;
	_ =	sdelay $0x1  }
0xcb: {  	v5 =	vperm.xlane v4, v0;
	_ =	sdelay $0x1  }
0xcc: {  	v4 =	vadd.f32 v5, v4;
	_ =	sdelay $0x1  }
0xcd: {  	v5 =	vperm.xlane v4, v1;
	_ =	sdelay $0x1  }
0xce: {  	v4 =	vadd.f32 v5, v4;
	_ =	sdelay $0x1  }
0xcf: {  	v5 =	vperm.xlane v4, v2;
	_ =	sdelay $0x1  }
0xd0: {  	v4 =	vadd.f32 v5, v4;
	_ =	sdelay $0x1  }
0xd1: {  	v5 =	vperm.xlane v4, v3;
	_ =	sdelay $0x1  }
0xd2: {  	v4 =	vadd.f32 v5, v4;
	_ =	sdelay $0x1  }
0xd3: {  	s1 =	simm.s32 $0x0;
	[tilespmem:$0x1C080] =	vst v4  }
0xd4: {  	[tilespmem:s21], [sflag:$0x2] =	stream.linear.gather [hbm4b:s5+s1], $0xE000, $0x38;
	[tilespmem:$0x1C800] =	vst v63  }
0xd5: {  	_ =	swait.ge [sflag:s22], $0xE000  }
0xd6: {  	s28 =	sand.u32 $0xF800, s1;
	s1 =	sand.u32 $0x380, s1;
	[sflag:s22] =	ssyncset.done $0x0  }
0xd7: {  	s1 =	sor.u32 s1, s28;
	[sflag:s22] =	ssyncadd.s32 $0xFFFF2000  }
0xd8: {  	v4 =	vld [tilespmem:s1+$0x0];
	_ =	sdelay $0x1  }
0xd9: {  	v5 =	vld [tilespmem:s1+$0x10];
	_ =	sdelay $0x1  }
0xda: {  	v6 =	vimm.f32 $0.0e+00;
	v7 =	vld [tilespmem:s1+$0x20]  }
0xdb: {  	v4 =	vadd.f32 v4, v6  }
0xdc: {  	v6 =	vld [tilespmem:s1+$0x30]  }
0xdd: {  	v4 =	vadd.f32 v5, v4  }
0xde: {  	v5 =	vld [tilespmem:s1+$0x40]  }
0xdf: {  	v4 =	vadd.f32 v7, v4  }
0xe0: {  	v7 =	vld [tilespmem:s1+$0x50]  }
0xe1: {  	v4 =	vadd.f32 v6, v4  }
0xe2: {  	v6 =	vld [tilespmem:s1+$0x60]  }
0xe3: {  	v4 =	vadd.f32 v5, v4  }
0xe4: {  	v5 =	vld [tilespmem:s1+$0x70]  }
0xe5: {  	v4 =	vadd.f32 v7, v4  }
0xe6: {  	v7 =	vld [tilespmem:s1+$0x400]  }
0xe7: {  	v4 =	vadd.f32 v6, v4  }
0xe8: {  	v6 =	vld [tilespmem:s1+$0x410]  }
0xe9: {  	v4 =	vadd.f32 v5, v4  }
0xea: {  	v8 =	vld [tilespmem:s1+$0x420]  }
0xeb: {  	v5 =	vadd.f32 v7, v4  }
0xec: {  	v4 =	vld [tilespmem:s1+$0x430]  }
0xed: {  	v6 =	vadd.f32 v6, v5  }
0xee: {  	v5 =	vld [tilespmem:s1+$0x440]  }
0xef: {  	s29 =	simm.s32 $0x100;
	s28 =	simm.s32 $0x80;
	v7 =	vadd.f32 v8, v6  }
0xf0: {  	s30 =	sand.u32 $0xF800, s29;
	s29 =	simm.s32 $0x200;
	s31 =	sand.u32 $0x380, s28;
	v6 =	vld [tilespmem:s1+$0x450]  }
.LBB2_6:
0xf1: {  	p0 =	sne.s32 s29, $0xDF00;
	s1 =	sor.u32 s31, s30;
	v4 =	vadd.f32 v4, v7  }
0xf2: {  	v7 =	vld [tilespmem:s1+$0x0]  }
0xf3: {  	v4 =	vadd.f32 v5, v4  }
0xf4: {  	v5 =	vld [tilespmem:s1+$0x10]  }
0xf5: {  	v4 =	vadd.f32 v6, v4  }
0xf6: {  	v6 =	vld [tilespmem:s1+$0x20]  }
0xf7: {  	v4 =	vadd.f32 v7, v4  }
0xf8: {  	v7 =	vld [tilespmem:s1+$0x30]  }
0xf9: {  	v4 =	vadd.f32 v5, v4  }
0xfa: {  	v5 =	vld [tilespmem:s1+$0x40]  }
0xfb: {  	v4 =	vadd.f32 v6, v4  }
0xfc: {  	v6 =	vld [tilespmem:s1+$0x50]  }
0xfd: {  	v4 =	vadd.f32 v7, v4  }
0xfe: {  	v7 =	vld [tilespmem:s1+$0x60]  }
0xff: {  	v4 =	vadd.f32 v5, v4  }
0x100: {  	v5 =	vld [tilespmem:s1+$0x70]  }
0x101: {  	v4 =	vadd.f32 v6, v4  }
0x102: {  	v6 =	vld [tilespmem:s1+$0x400]  }
0x103: {  	v4 =	vadd.f32 v7, v4  }
0x104: {  	v7 =	vld [tilespmem:s1+$0x410]  }
0x105: {  	v4 =	vadd.f32 v5, v4  }
0x106: {  	v8 =	vld [tilespmem:s1+$0x420]  }
0x107: {  	v5 =	vadd.f32 v6, v4  }
.Ltmp2:
0x108: {  	v4 =	vld [tilespmem:s1+$0x430];
	(pc) =	sbr.rel @p0 .LBB2_6-.Ltmp2, $4  }
0x109: {  	v6 =	vadd.f32 v7, v5  }
0x10a: {  	v5 =	vld [tilespmem:s1+$0x440]  }
0x10b: {  	s28 =	sadd.s32 $0x80, s28;
	v7 =	vadd.f32 v8, v6  }
0x10c: {  	s30 =	sand.u32 $0xF800, s29;
	s29 =	sadd.s32 $0x100, s29;
	s31 =	sand.u32 $0x380, s28;
	v6 =	vld [tilespmem:s1+$0x450]  }
0x10d: {  	s1 =	sor.u32 s31, s30;
	v4 =	vadd.f32 v4, v7  }
0x10e: {  	v7 =	vld [tilespmem:s1+$0x0]  }
0x10f: {  	v4 =	vadd.f32 v5, v4  }
0x110: {  	v5 =	vld [tilespmem:s1+$0x10]  }
0x111: {  	v4 =	vadd.f32 v6, v4  }
0x112: {  	v6 =	vld [tilespmem:s1+$0x20]  }
0x113: {  	v4 =	vadd.f32 v7, v4  }
0x114: {  	v7 =	vld [tilespmem:s1+$0x30]  }
0x115: {  	v4 =	vadd.f32 v5, v4  }
0x116: {  	v5 =	vld [tilespmem:s1+$0x40]  }
0x117: {  	v4 =	vadd.f32 v6, v4  }
0x118: {  	v6 =	vld [tilespmem:s1+$0x50]  }
0x119: {  	v4 =	vadd.f32 v7, v4  }
0x11a: {  	v7 =	vld [tilespmem:s1+$0x60]  }
0x11b: {  	v4 =	vadd.f32 v5, v4  }
0x11c: {  	v5 =	vld [tilespmem:s1+$0x70]  }
0x11d: {  	v4 =	vadd.f32 v6, v4  }
0x11e: {  	v6 =	vld [tilespmem:s1+$0x400]  }
0x11f: {  	v4 =	vadd.f32 v7, v4  }
0x120: {  	v7 =	vld [tilespmem:s1+$0x410]  }
0x121: {  	v4 =	vadd.f32 v5, v4  }
0x122: {  	v5 =	vld [tilespmem:s1+$0x420]  }
0x123: {  	v4 =	vadd.f32 v6, v4  }
0x124: {  	v6 =	vld [tilespmem:s1+$0x430]  }
0x125: {  	v4 =	vadd.f32 v7, v4  }
0x126: {  	v7 =	vld [tilespmem:s1+$0x440]  }
0x127: {  	v4 =	vadd.f32 v5, v4  }
0x128: {  	v5 =	vld [tilespmem:s1+$0x450]  }
0x129: {  	v4 =	vadd.f32 v6, v4;
	_ =	sdelay $0x1  }
0x12a: {  	v4 =	vadd.f32 v7, v4;
	_ =	sdelay $0x1  }
0x12b: {  	v4 =	vadd.f32 v5, v4;
	_ =	sdelay $0x1  }
0x12c: {  	v5 =	vperm.xlane v4, v0;
	_ =	sdelay $0x1  }
0x12d: {  	v4 =	vadd.f32 v5, v4;
	_ =	sdelay $0x1  }
0x12e: {  	v5 =	vperm.xlane v4, v1;
	_ =	sdelay $0x1  }
0x12f: {  	v4 =	vadd.f32 v5, v4;
	_ =	sdelay $0x1  }
0x130: {  	v5 =	vperm.xlane v4, v2;
	_ =	sdelay $0x1  }
0x131: {  	v4 =	vadd.f32 v5, v4;
	_ =	sdelay $0x1  }
0x132: {  	v5 =	vperm.xlane v4, v3;
	_ =	sdelay $0x1  }
0x133: {  	v4 =	vadd.f32 v5, v4;
	_ =	sdelay $0x1  }
0x134: {  	s1 =	simm.s32 $0x0;
	[tilespmem:$0x1C100] =	vst v4  }
0x135: {  	[tilespmem:s1], [sflag:$0x1] =	stream.linear.gather [hbm4b:s7+s1], $0xE000, $0x38;
	[tilespmem:$0x1C800] =	vst v63  }
0x136: {  	_ =	swait.ge [sflag:s23], $0xE000  }
0x137: {  	s28 =	sand.u32 $0xF800, s1;
	s1 =	sand.u32 $0x380, s1;
	[sflag:s23] =	ssyncset.done $0x0  }
0x138: {  	s1 =	sor.u32 s1, s28;
	[sflag:s23] =	ssyncadd.s32 $0xFFFF2000  }
0x139: {  	v4 =	vld [tilespmem:s1+$0xE000];
	_ =	sdelay $0x1  }
0x13a: {  	v5 =	vld [tilespmem:s1+$0xE010];
	_ =	sdelay $0x1  }
0x13b: {  	v6 =	vimm.f32 $0.0e+00;
	v7 =	vld [tilespmem:s1+$0xE020]  }
0x13c: {  	v4 =	vadd.f32 v4, v6  }
0x13d: {  	v6 =	vld [tilespmem:s1+$0xE030]  }
0x13e: {  	v4 =	vadd.f32 v5, v4  }
0x13f: {  	v5 =	vld [tilespmem:s1+$0xE040]  }
0x140: {  	v4 =	vadd.f32 v7, v4  }
0x141: {  	v7 =	vld [tilespmem:s1+$0xE050]  }
0x142: {  	v4 =	vadd.f32 v6, v4  }
0x143: {  	v6 =	vld [tilespmem:s1+$0xE060]  }
0x144: {  	v4 =	vadd.f32 v5, v4  }
0x145: {  	v5 =	vld [tilespmem:s1+$0xE070]  }
0x146: {  	v4 =	vadd.f32 v7, v4  }
0x147: {  	v7 =	vld [tilespmem:s1+$0xE400]  }
0x148: {  	v4 =	vadd.f32 v6, v4  }
0x149: {  	v6 =	vld [tilespmem:s1+$0xE410]  }
0x14a: {  	v4 =	vadd.f32 v5, v4  }
0x14b: {  	v8 =	vld [tilespmem:s1+$0xE420]  }
0x14c: {  	v5 =	vadd.f32 v7, v4  }
0x14d: {  	v4 =	vld [tilespmem:s1+$0xE430]  }
0x14e: {  	v6 =	vadd.f32 v6, v5  }
0x14f: {  	v5 =	vld [tilespmem:s1+$0xE440]  }
0x150: {  	s29 =	simm.s32 $0x100;
	s28 =	simm.s32 $0x80;
	v7 =	vadd.f32 v8, v6  }
0x151: {  	s30 =	sand.u32 $0xF800, s29;
	s29 =	simm.s32 $0x200;
	s31 =	sand.u32 $0x380, s28;
	v6 =	vld [tilespmem:s1+$0xE450]  }
.LBB2_8:
0x152: {  	p0 =	sne.s32 s29, $0xDF00;
	s1 =	sor.u32 s31, s30;
	v4 =	vadd.f32 v4, v7  }
0x153: {  	v7 =	vld [tilespmem:s1+$0xE000]  }
0x154: {  	v4 =	vadd.f32 v5, v4  }
0x155: {  	v5 =	vld [tilespmem:s1+$0xE010]  }
0x156: {  	v4 =	vadd.f32 v6, v4  }
0x157: {  	v6 =	vld [tilespmem:s1+$0xE020]  }
0x158: {  	v4 =	vadd.f32 v7, v4  }
0x159: {  	v7 =	vld [tilespmem:s1+$0xE030]  }
0x15a: {  	v4 =	vadd.f32 v5, v4  }
0x15b: {  	v5 =	vld [tilespmem:s1+$0xE040]  }
0x15c: {  	v4 =	vadd.f32 v6, v4  }
0x15d: {  	v6 =	vld [tilespmem:s1+$0xE050]  }
0x15e: {  	v4 =	vadd.f32 v7, v4  }
0x15f: {  	v7 =	vld [tilespmem:s1+$0xE060]  }
0x160: {  	v4 =	vadd.f32 v5, v4  }
0x161: {  	v5 =	vld [tilespmem:s1+$0xE070]  }
0x162: {  	v4 =	vadd.f32 v6, v4  }
0x163: {  	v6 =	vld [tilespmem:s1+$0xE400]  }
0x164: {  	v4 =	vadd.f32 v7, v4  }
0x165: {  	v7 =	vld [tilespmem:s1+$0xE410]  }
0x166: {  	v4 =	vadd.f32 v5, v4  }
0x167: {  	v8 =	vld [tilespmem:s1+$0xE420]  }
0x168: {  	v5 =	vadd.f32 v6, v4  }
.Ltmp3:
0x169: {  	v4 =	vld [tilespmem:s1+$0xE430];
	(pc) =	sbr.rel @p0 .LBB2_8-.Ltmp3, $4  }
0x16a: {  	v6 =	vadd.f32 v7, v5  }
0x16b: {  	v5 =	vld [tilespmem:s1+$0xE440]  }
0x16c: {  	s28 =	sadd.s32 $0x80, s28;
	v7 =	vadd.f32 v8, v6  }
0x16d: {  	s30 =	sand.u32 $0xF800, s29;
	s29 =	sadd.s32 $0x100, s29;
	s31 =	sand.u32 $0x380, s28;
	v6 =	vld [tilespmem:s1+$0xE450]  }
0x16e: {  	s1 =	sor.u32 s31, s30;
	v4 =	vadd.f32 v4, v7  }
0x16f: {  	v7 =	vld [tilespmem:s1+$0xE000]  }
0x170: {  	v4 =	vadd.f32 v5, v4  }
0x171: {  	v5 =	vld [tilespmem:s1+$0xE010]  }
0x172: {  	v4 =	vadd.f32 v6, v4  }
0x173: {  	v6 =	vld [tilespmem:s1+$0xE020]  }
0x174: {  	v4 =	vadd.f32 v7, v4  }
0x175: {  	v7 =	vld [tilespmem:s1+$0xE030]  }
0x176: {  	v4 =	vadd.f32 v5, v4  }
0x177: {  	v5 =	vld [tilespmem:s1+$0xE040]  }
0x178: {  	v4 =	vadd.f32 v6, v4  }
0x179: {  	v6 =	vld [tilespmem:s1+$0xE050]  }
0x17a: {  	v4 =	vadd.f32 v7, v4  }
0x17b: {  	v7 =	vld [tilespmem:s1+$0xE060]  }
0x17c: {  	v4 =	vadd.f32 v5, v4  }
0x17d: {  	v5 =	vld [tilespmem:s1+$0xE070]  }
0x17e: {  	v4 =	vadd.f32 v6, v4  }
0x17f: {  	v6 =	vld [tilespmem:s1+$0xE400]  }
0x180: {  	v4 =	vadd.f32 v7, v4  }
0x181: {  	v7 =	vld [tilespmem:s1+$0xE410]  }
0x182: {  	v4 =	vadd.f32 v5, v4  }
0x183: {  	v5 =	vld [tilespmem:s1+$0xE420]  }
0x184: {  	v4 =	vadd.f32 v6, v4  }
0x185: {  	v6 =	vld [tilespmem:s1+$0xE430]  }
0x186: {  	v4 =	vadd.f32 v7, v4  }
0x187: {  	v7 =	vld [tilespmem:s1+$0xE440]  }
0x188: {  	v4 =	vadd.f32 v5, v4  }
0x189: {  	v5 =	vld [tilespmem:s1+$0xE450]  }
0x18a: {  	v4 =	vadd.f32 v6, v4;
	_ =	sdelay $0x1  }
0x18b: {  	v4 =	vadd.f32 v7, v4;
	_ =	sdelay $0x1  }
0x18c: {  	v4 =	vadd.f32 v5, v4;
	_ =	sdelay $0x1  }
0x18d: {  	v5 =	vperm.xlane v4, v0;
	_ =	sdelay $0x1  }
0x18e: {  	v4 =	vadd.f32 v5, v4;
	_ =	sdelay $0x1  }
0x18f: {  	v5 =	vperm.xlane v4, v1;
	_ =	sdelay $0x1  }
0x190: {  	v4 =	vadd.f32 v5, v4;
	_ =	sdelay $0x1  }
0x191: {  	v5 =	vperm.xlane v4, v2;
	_ =	sdelay $0x1  }
0x192: {  	v4 =	vadd.f32 v5, v4;
	_ =	sdelay $0x1  }
0x193: {  	v5 =	vperm.xlane v4, v3;
	_ =	sdelay $0x1  }
0x194: {  	v4 =	vadd.f32 v5, v4;
	_ =	sdelay $0x1  }
0x195: {  	s1 =	simm.s32 $0x0;
	[tilespmem:$0x1C180] =	vst v4  }
0x196: {  	[tilespmem:s21], [sflag:$0x2] =	stream.linear.gather [hbm4b:s8+s1], $0xE000, $0x38;
	[tilespmem:$0x1C800] =	vst v63  }
0x197: {  	_ =	swait.ge [sflag:s22], $0xE000  }
0x198: {  	s28 =	sand.u32 $0xF800, s1;
	s1 =	sand.u32 $0x380, s1;
	[sflag:s22] =	ssyncset.done $0x0  }
0x199: {  	s1 =	sor.u32 s1, s28;
	[sflag:s22] =	ssyncadd.s32 $0xFFFF2000  }
0x19a: {  	v4 =	vld [tilespmem:s1+$0x0];
	_ =	sdelay $0x1  }
0x19b: {  	v5 =	vld [tilespmem:s1+$0x10];
	_ =	sdelay $0x1  }
0x19c: {  	v6 =	vimm.f32 $0.0e+00;
	v7 =	vld [tilespmem:s1+$0x20]  }
0x19d: {  	v4 =	vadd.f32 v4, v6  }
0x19e: {  	v6 =	vld [tilespmem:s1+$0x30]  }
0x19f: {  	v4 =	vadd.f32 v5, v4  }
0x1a0: {  	v5 =	vld [tilespmem:s1+$0x40]  }
0x1a1: {  	v4 =	vadd.f32 v7, v4  }
0x1a2: {  	v7 =	vld [tilespmem:s1+$0x50]  }
0x1a3: {  	v4 =	vadd.f32 v6, v4  }
0x1a4: {  	v6 =	vld [tilespmem:s1+$0x60]  }
0x1a5: {  	v4 =	vadd.f32 v5, v4  }
0x1a6: {  	v5 =	vld [tilespmem:s1+$0x70]  }
0x1a7: {  	v4 =	vadd.f32 v7, v4  }
0x1a8: {  	v7 =	vld [tilespmem:s1+$0x400]  }
0x1a9: {  	v4 =	vadd.f32 v6, v4  }
0x1aa: {  	v6 =	vld [tilespmem:s1+$0x410]  }
0x1ab: {  	v4 =	vadd.f32 v5, v4  }
0x1ac: {  	v8 =	vld [tilespmem:s1+$0x420]  }
0x1ad: {  	v5 =	vadd.f32 v7, v4  }
0x1ae: {  	v4 =	vld [tilespmem:s1+$0x430]  }
0x1af: {  	v6 =	vadd.f32 v6, v5  }
0x1b0: {  	v5 =	vld [tilespmem:s1+$0x440]  }
0x1b1: {  	s29 =	simm.s32 $0x100;
	s28 =	simm.s32 $0x80;
	v7 =	vadd.f32 v8, v6  }
0x1b2: {  	s30 =	sand.u32 $0xF800, s29;
	s29 =	simm.s32 $0x200;
	s31 =	sand.u32 $0x380, s28;
	v6 =	vld [tilespmem:s1+$0x450]  }
.LBB2_10:
0x1b3: {  	p0 =	sne.s32 s29, $0xDF00;
	s1 =	sor.u32 s31, s30;
	v4 =	vadd.f32 v4, v7  }
0x1b4: {  	v7 =	vld [tilespmem:s1+$0x0]  }
0x1b5: {  	v4 =	vadd.f32 v5, v4  }
0x1b6: {  	v5 =	vld [tilespmem:s1+$0x10]  }
0x1b7: {  	v4 =	vadd.f32 v6, v4  }
0x1b8: {  	v6 =	vld [tilespmem:s1+$0x20]  }
0x1b9: {  	v4 =	vadd.f32 v7, v4  }
0x1ba: {  	v7 =	vld [tilespmem:s1+$0x30]  }
0x1bb: {  	v4 =	vadd.f32 v5, v4  }
0x1bc: {  	v5 =	vld [tilespmem:s1+$0x40]  }
0x1bd: {  	v4 =	vadd.f32 v6, v4  }
0x1be: {  	v6 =	vld [tilespmem:s1+$0x50]  }
0x1bf: {  	v4 =	vadd.f32 v7, v4  }
0x1c0: {  	v7 =	vld [tilespmem:s1+$0x60]  }
0x1c1: {  	v4 =	vadd.f32 v5, v4  }
0x1c2: {  	v5 =	vld [tilespmem:s1+$0x70]  }
0x1c3: {  	v4 =	vadd.f32 v6, v4  }
0x1c4: {  	v6 =	vld [tilespmem:s1+$0x400]  }
0x1c5: {  	v4 =	vadd.f32 v7, v4  }
0x1c6: {  	v7 =	vld [tilespmem:s1+$0x410]  }
0x1c7: {  	v4 =	vadd.f32 v5, v4  }
0x1c8: {  	v8 =	vld [tilespmem:s1+$0x420]  }
0x1c9: {  	v5 =	vadd.f32 v6, v4  }
.Ltmp4:
0x1ca: {  	v4 =	vld [tilespmem:s1+$0x430];
	(pc) =	sbr.rel @p0 .LBB2_10-.Ltmp4, $4  }
0x1cb: {  	v6 =	vadd.f32 v7, v5  }
0x1cc: {  	v5 =	vld [tilespmem:s1+$0x440]  }
0x1cd: {  	s28 =	sadd.s32 $0x80, s28;
	v7 =	vadd.f32 v8, v6  }
0x1ce: {  	s30 =	sand.u32 $0xF800, s29;
	s29 =	sadd.s32 $0x100, s29;
	s31 =	sand.u32 $0x380, s28;
	v6 =	vld [tilespmem:s1+$0x450]  }
0x1cf: {  	s1 =	sor.u32 s31, s30;
	v4 =	vadd.f32 v4, v7  }
0x1d0: {  	v7 =	vld [tilespmem:s1+$0x0]  }
0x1d1: {  	v4 =	vadd.f32 v5, v4  }
0x1d2: {  	v5 =	vld [tilespmem:s1+$0x10]  }
0x1d3: {  	v4 =	vadd.f32 v6, v4  }
0x1d4: {  	v6 =	vld [tilespmem:s1+$0x20]  }
0x1d5: {  	v4 =	vadd.f32 v7, v4  }
0x1d6: {  	v7 =	vld [tilespmem:s1+$0x30]  }
0x1d7: {  	v4 =	vadd.f32 v5, v4  }
0x1d8: {  	v5 =	vld [tilespmem:s1+$0x40]  }
0x1d9: {  	v4 =	vadd.f32 v6, v4  }
0x1da: {  	v6 =	vld [tilespmem:s1+$0x50]  }
0x1db: {  	v4 =	vadd.f32 v7, v4  }
0x1dc: {  	v7 =	vld [tilespmem:s1+$0x60]  }
0x1dd: {  	v4 =	vadd.f32 v5, v4  }
0x1de: {  	v5 =	vld [tilespmem:s1+$0x70]  }
0x1df: {  	v4 =	vadd.f32 v6, v4  }
0x1e0: {  	v6 =	vld [tilespmem:s1+$0x400]  }
0x1e1: {  	v4 =	vadd.f32 v7, v4  }
0x1e2: {  	v7 =	vld [tilespmem:s1+$0x410]  }
0x1e3: {  	v4 =	vadd.f32 v5, v4  }
0x1e4: {  	v5 =	vld [tilespmem:s1+$0x420]  }
0x1e5: {  	v4 =	vadd.f32 v6, v4  }
0x1e6: {  	v6 =	vld [tilespmem:s1+$0x430]  }
0x1e7: {  	v4 =	vadd.f32 v7, v4  }
0x1e8: {  	v7 =	vld [tilespmem:s1+$0x440]  }
0x1e9: {  	v4 =	vadd.f32 v5, v4  }
0x1ea: {  	v5 =	vld [tilespmem:s1+$0x450]  }
0x1eb: {  	v4 =	vadd.f32 v6, v4;
	_ =	sdelay $0x1  }
0x1ec: {  	v4 =	vadd.f32 v7, v4;
	_ =	sdelay $0x1  }
0x1ed: {  	v4 =	vadd.f32 v5, v4;
	_ =	sdelay $0x1  }
0x1ee: {  	v5 =	vperm.xlane v4, v0;
	_ =	sdelay $0x1  }
0x1ef: {  	v4 =	vadd.f32 v5, v4;
	_ =	sdelay $0x1  }
0x1f0: {  	v5 =	vperm.xlane v4, v1;
	_ =	sdelay $0x1  }
0x1f1: {  	v4 =	vadd.f32 v5, v4;
	_ =	sdelay $0x1  }
0x1f2: {  	v5 =	vperm.xlane v4, v2;
	_ =	sdelay $0x1  }
0x1f3: {  	v4 =	vadd.f32 v5, v4;
	_ =	sdelay $0x1  }
0x1f4: {  	v5 =	vperm.xlane v4, v3;
	_ =	sdelay $0x1  }
0x1f5: {  	v4 =	vadd.f32 v5, v4;
	_ =	sdelay $0x1  }
0x1f6: {  	s1 =	simm.s32 $0x0;
	[tilespmem:$0x1C200] =	vst v4  }
0x1f7: {  	[tilespmem:s1], [sflag:$0x1] =	stream.linear.gather [hbm4b:s9+s1], $0xE000, $0x38;
	[tilespmem:$0x1C800] =	vst v63  }
0x1f8: {  	_ =	swait.ge [sflag:s23], $0xE000  }
0x1f9: {  	s28 =	sand.u32 $0xF800, s1;
	s1 =	sand.u32 $0x380, s1;
	[sflag:s23] =	ssyncset.done $0x0  }
0x1fa: {  	s1 =	sor.u32 s1, s28;
	[sflag:s23] =	ssyncadd.s32 $0xFFFF2000  }
0x1fb: {  	v4 =	vld [tilespmem:s1+$0xE000];
	_ =	sdelay $0x1  }
0x1fc: {  	v5 =	vld [tilespmem:s1+$0xE010];
	_ =	sdelay $0x1  }
0x1fd: {  	v6 =	vimm.f32 $0.0e+00;
	v7 =	vld [tilespmem:s1+$0xE020]  }
0x1fe: {  	v4 =	vadd.f32 v4, v6  }
0x1ff: {  	v6 =	vld [tilespmem:s1+$0xE030]  }
0x200: {  	v4 =	vadd.f32 v5, v4  }
0x201: {  	v5 =	vld [tilespmem:s1+$0xE040]  }
0x202: {  	v4 =	vadd.f32 v7, v4  }
0x203: {  	v7 =	vld [tilespmem:s1+$0xE050]  }
0x204: {  	v4 =	vadd.f32 v6, v4  }
0x205: {  	v6 =	vld [tilespmem:s1+$0xE060]  }
0x206: {  	v4 =	vadd.f32 v5, v4  }
0x207: {  	v5 =	vld [tilespmem:s1+$0xE070]  }
0x208: {  	v4 =	vadd.f32 v7, v4  }
0x209: {  	v7 =	vld [tilespmem:s1+$0xE400]  }
0x20a: {  	v4 =	vadd.f32 v6, v4  }
0x20b: {  	v6 =	vld [tilespmem:s1+$0xE410]  }
0x20c: {  	v4 =	vadd.f32 v5, v4  }
0x20d: {  	v8 =	vld [tilespmem:s1+$0xE420]  }
0x20e: {  	v5 =	vadd.f32 v7, v4  }
0x20f: {  	v4 =	vld [tilespmem:s1+$0xE430]  }
0x210: {  	v6 =	vadd.f32 v6, v5  }
0x211: {  	v5 =	vld [tilespmem:s1+$0xE440]  }
0x212: {  	s29 =	simm.s32 $0x100;
	s28 =	simm.s32 $0x80;
	v7 =	vadd.f32 v8, v6  }
0x213: {  	s30 =	sand.u32 $0xF800, s29;
	s29 =	simm.s32 $0x200;
	s31 =	sand.u32 $0x380, s28;
	v6 =	vld [tilespmem:s1+$0xE450]  }
.LBB2_12:
0x214: {  	p0 =	sne.s32 s29, $0xDF00;
	s1 =	sor.u32 s31, s30;
	v4 =	vadd.f32 v4, v7  }
0x215: {  	v7 =	vld [tilespmem:s1+$0xE000]  }
0x216: {  	v4 =	vadd.f32 v5, v4  }
0x217: {  	v5 =	vld [tilespmem:s1+$0xE010]  }
0x218: {  	v4 =	vadd.f32 v6, v4  }
0x219: {  	v6 =	vld [tilespmem:s1+$0xE020]  }
0x21a: {  	v4 =	vadd.f32 v7, v4  }
0x21b: {  	v7 =	vld [tilespmem:s1+$0xE030]  }
0x21c: {  	v4 =	vadd.f32 v5, v4  }
0x21d: {  	v5 =	vld [tilespmem:s1+$0xE040]  }
0x21e: {  	v4 =	vadd.f32 v6, v4  }
0x21f: {  	v6 =	vld [tilespmem:s1+$0xE050]  }
0x220: {  	v4 =	vadd.f32 v7, v4  }
0x221: {  	v7 =	vld [tilespmem:s1+$0xE060]  }
0x222: {  	v4 =	vadd.f32 v5, v4  }
0x223: {  	v5 =	vld [tilespmem:s1+$0xE070]  }
0x224: {  	v4 =	vadd.f32 v6, v4  }
0x225: {  	v6 =	vld [tilespmem:s1+$0xE400]  }
0x226: {  	v4 =	vadd.f32 v7, v4  }
0x227: {  	v7 =	vld [tilespmem:s1+$0xE410]  }
0x228: {  	v4 =	vadd.f32 v5, v4  }
0x229: {  	v8 =	vld [tilespmem:s1+$0xE420]  }
0x22a: {  	v5 =	vadd.f32 v6, v4  }
.Ltmp5:
0x22b: {  	v4 =	vld [tilespmem:s1+$0xE430];
	(pc) =	sbr.rel @p0 .LBB2_12-.Ltmp5, $4  }
0x22c: {  	v6 =	vadd.f32 v7, v5  }
0x22d: {  	v5 =	vld [tilespmem:s1+$0xE440]  }
0x22e: {  	s28 =	sadd.s32 $0x80, s28;
	v7 =	vadd.f32 v8, v6  }
0x22f: {  	s30 =	sand.u32 $0xF800, s29;
	s29 =	sadd.s32 $0x100, s29;
	s31 =	sand.u32 $0x380, s28;
	v6 =	vld [tilespmem:s1+$0xE450]  }
0x230: {  	s1 =	sor.u32 s31, s30;
	v4 =	vadd.f32 v4, v7  }
0x231: {  	v7 =	vld [tilespmem:s1+$0xE000]  }
0x232: {  	v4 =	vadd.f32 v5, v4  }
0x233: {  	v5 =	vld [tilespmem:s1+$0xE010]  }
0x234: {  	v4 =	vadd.f32 v6, v4  }
0x235: {  	v6 =	vld [tilespmem:s1+$0xE020]  }
0x236: {  	v4 =	vadd.f32 v7, v4  }
0x237: {  	v7 =	vld [tilespmem:s1+$0xE030]  }
0x238: {  	v4 =	vadd.f32 v5, v4  }
0x239: {  	v5 =	vld [tilespmem:s1+$0xE040]  }
0x23a: {  	v4 =	vadd.f32 v6, v4  }
0x23b: {  	v6 =	vld [tilespmem:s1+$0xE050]  }
0x23c: {  	v4 =	vadd.f32 v7, v4  }
0x23d: {  	v7 =	vld [tilespmem:s1+$0xE060]  }
0x23e: {  	v4 =	vadd.f32 v5, v4  }
0x23f: {  	v5 =	vld [tilespmem:s1+$0xE070]  }
0x240: {  	v4 =	vadd.f32 v6, v4  }
0x241: {  	v6 =	vld [tilespmem:s1+$0xE400]  }
0x242: {  	v4 =	vadd.f32 v7, v4  }
0x243: {  	v7 =	vld [tilespmem:s1+$0xE410]  }
0x244: {  	v4 =	vadd.f32 v5, v4  }
0x245: {  	v5 =	vld [tilespmem:s1+$0xE420]  }
0x246: {  	v4 =	vadd.f32 v6, v4  }
0x247: {  	v6 =	vld [tilespmem:s1+$0xE430]  }
0x248: {  	v4 =	vadd.f32 v7, v4  }
0x249: {  	v7 =	vld [tilespmem:s1+$0xE440]  }
0x24a: {  	v4 =	vadd.f32 v5, v4  }
0x24b: {  	v5 =	vld [tilespmem:s1+$0xE450]  }
0x24c: {  	v4 =	vadd.f32 v6, v4;
	_ =	sdelay $0x1  }
0x24d: {  	v4 =	vadd.f32 v7, v4;
	_ =	sdelay $0x1  }
0x24e: {  	v4 =	vadd.f32 v5, v4;
	_ =	sdelay $0x1  }
0x24f: {  	v5 =	vperm.xlane v4, v0;
	_ =	sdelay $0x1  }
0x250: {  	v4 =	vadd.f32 v5, v4;
	_ =	sdelay $0x1  }
0x251: {  	v5 =	vperm.xlane v4, v1;
	_ =	sdelay $0x1  }
0x252: {  	v4 =	vadd.f32 v5, v4;
	_ =	sdelay $0x1  }
0x253: {  	v5 =	vperm.xlane v4, v2;
	_ =	sdelay $0x1  }
0x254: {  	v4 =	vadd.f32 v5, v4;
	_ =	sdelay $0x1  }
0x255: {  	v5 =	vperm.xlane v4, v3;
	_ =	sdelay $0x1  }
0x256: {  	v4 =	vadd.f32 v5, v4;
	_ =	sdelay $0x1  }
0x257: {  	s1 =	simm.s32 $0x0;
	[tilespmem:$0x1C280] =	vst v4  }
0x258: {  	[tilespmem:s21], [sflag:$0x2] =	stream.linear.gather [hbm4b:s10+s1], $0xE000, $0x38;
	[tilespmem:$0x1C800] =	vst v63  }
0x259: {  	_ =	swait.ge [sflag:s22], $0xE000  }
0x25a: {  	s28 =	sand.u32 $0xF800, s1;
	s1 =	sand.u32 $0x380, s1;
	[sflag:s22] =	ssyncset.done $0x0  }
0x25b: {  	s1 =	sor.u32 s1, s28;
	[sflag:s22] =	ssyncadd.s32 $0xFFFF2000  }
0x25c: {  	v4 =	vld [tilespmem:s1+$0x0];
	_ =	sdelay $0x1  }
0x25d: {  	v5 =	vld [tilespmem:s1+$0x10];
	_ =	sdelay $0x1  }
0x25e: {  	v6 =	vimm.f32 $0.0e+00;
	v7 =	vld [tilespmem:s1+$0x20]  }
0x25f: {  	v4 =	vadd.f32 v4, v6  }
0x260: {  	v6 =	vld [tilespmem:s1+$0x30]  }
0x261: {  	v4 =	vadd.f32 v5, v4  }
0x262: {  	v5 =	vld [tilespmem:s1+$0x40]  }
0x263: {  	v4 =	vadd.f32 v7, v4  }
0x264: {  	v7 =	vld [tilespmem:s1+$0x50]  }
0x265: {  	v4 =	vadd.f32 v6, v4  }
0x266: {  	v6 =	vld [tilespmem:s1+$0x60]  }
0x267: {  	v4 =	vadd.f32 v5, v4  }
0x268: {  	v5 =	vld [tilespmem:s1+$0x70]  }
0x269: {  	v4 =	vadd.f32 v7, v4  }
0x26a: {  	v7 =	vld [tilespmem:s1+$0x400]  }
0x26b: {  	v4 =	vadd.f32 v6, v4  }
0x26c: {  	v6 =	vld [tilespmem:s1+$0x410]  }
0x26d: {  	v4 =	vadd.f32 v5, v4  }
0x26e: {  	v8 =	vld [tilespmem:s1+$0x420]  }
0x26f: {  	v5 =	vadd.f32 v7, v4  }
0x270: {  	v4 =	vld [tilespmem:s1+$0x430]  }
0x271: {  	v6 =	vadd.f32 v6, v5  }
0x272: {  	v5 =	vld [tilespmem:s1+$0x440]  }
0x273: {  	s29 =	simm.s32 $0x100;
	s28 =	simm.s32 $0x80;
	v7 =	vadd.f32 v8, v6  }
0x274: {  	s30 =	sand.u32 $0xF800, s29;
	s29 =	simm.s32 $0x200;
	s31 =	sand.u32 $0x380, s28;
	v6 =	vld [tilespmem:s1+$0x450]  }
.LBB2_14:
0x275: {  	p0 =	sne.s32 s29, $0xDF00;
	s1 =	sor.u32 s31, s30;
	v4 =	vadd.f32 v4, v7  }
0x276: {  	v7 =	vld [tilespmem:s1+$0x0]  }
0x277: {  	v4 =	vadd.f32 v5, v4  }
0x278: {  	v5 =	vld [tilespmem:s1+$0x10]  }
0x279: {  	v4 =	vadd.f32 v6, v4  }
0x27a: {  	v6 =	vld [tilespmem:s1+$0x20]  }
0x27b: {  	v4 =	vadd.f32 v7, v4  }
0x27c: {  	v7 =	vld [tilespmem:s1+$0x30]  }
0x27d: {  	v4 =	vadd.f32 v5, v4  }
0x27e: {  	v5 =	vld [tilespmem:s1+$0x40]  }
0x27f: {  	v4 =	vadd.f32 v6, v4  }
0x280: {  	v6 =	vld [tilespmem:s1+$0x50]  }
0x281: {  	v4 =	vadd.f32 v7, v4  }
0x282: {  	v7 =	vld [tilespmem:s1+$0x60]  }
0x283: {  	v4 =	vadd.f32 v5, v4  }
0x284: {  	v5 =	vld [tilespmem:s1+$0x70]  }
0x285: {  	v4 =	vadd.f32 v6, v4  }
0x286: {  	v6 =	vld [tilespmem:s1+$0x400]  }
0x287: {  	v4 =	vadd.f32 v7, v4  }
0x288: {  	v7 =	vld [tilespmem:s1+$0x410]  }
0x289: {  	v4 =	vadd.f32 v5, v4  }
0x28a: {  	v8 =	vld [tilespmem:s1+$0x420]  }
0x28b: {  	v5 =	vadd.f32 v6, v4  }
.Ltmp6:
0x28c: {  	v4 =	vld [tilespmem:s1+$0x430];
	(pc) =	sbr.rel @p0 .LBB2_14-.Ltmp6, $4  }
0x28d: {  	v6 =	vadd.f32 v7, v5  }
0x28e: {  	v5 =	vld [tilespmem:s1+$0x440]  }
0x28f: {  	s28 =	sadd.s32 $0x80, s28;
	v7 =	vadd.f32 v8, v6  }
0x290: {  	s30 =	sand.u32 $0xF800, s29;
	s29 =	sadd.s32 $0x100, s29;
	s31 =	sand.u32 $0x380, s28;
	v6 =	vld [tilespmem:s1+$0x450]  }
0x291: {  	s1 =	sor.u32 s31, s30;
	v4 =	vadd.f32 v4, v7  }
0x292: {  	v7 =	vld [tilespmem:s1+$0x0]  }
0x293: {  	v4 =	vadd.f32 v5, v4  }
0x294: {  	v5 =	vld [tilespmem:s1+$0x10]  }
0x295: {  	v4 =	vadd.f32 v6, v4  }
0x296: {  	v6 =	vld [tilespmem:s1+$0x20]  }
0x297: {  	v4 =	vadd.f32 v7, v4  }
0x298: {  	v7 =	vld [tilespmem:s1+$0x30]  }
0x299: {  	v4 =	vadd.f32 v5, v4  }
0x29a: {  	v5 =	vld [tilespmem:s1+$0x40]  }
0x29b: {  	v4 =	vadd.f32 v6, v4  }
0x29c: {  	v6 =	vld [tilespmem:s1+$0x50]  }
0x29d: {  	v4 =	vadd.f32 v7, v4  }
0x29e: {  	v7 =	vld [tilespmem:s1+$0x60]  }
0x29f: {  	v4 =	vadd.f32 v5, v4  }
0x2a0: {  	v5 =	vld [tilespmem:s1+$0x70]  }
0x2a1: {  	v4 =	vadd.f32 v6, v4  }
0x2a2: {  	v6 =	vld [tilespmem:s1+$0x400]  }
0x2a3: {  	v4 =	vadd.f32 v7, v4  }
0x2a4: {  	v7 =	vld [tilespmem:s1+$0x410]  }
0x2a5: {  	v4 =	vadd.f32 v5, v4  }
0x2a6: {  	v5 =	vld [tilespmem:s1+$0x420]  }
0x2a7: {  	v4 =	vadd.f32 v6, v4  }
0x2a8: {  	v6 =	vld [tilespmem:s1+$0x430]  }
0x2a9: {  	v4 =	vadd.f32 v7, v4  }
0x2aa: {  	v7 =	vld [tilespmem:s1+$0x440]  }
0x2ab: {  	v4 =	vadd.f32 v5, v4  }
0x2ac: {  	v5 =	vld [tilespmem:s1+$0x450]  }
0x2ad: {  	v4 =	vadd.f32 v6, v4;
	_ =	sdelay $0x1  }
0x2ae: {  	v4 =	vadd.f32 v7, v4;
	_ =	sdelay $0x1  }
0x2af: {  	v4 =	vadd.f32 v5, v4;
	_ =	sdelay $0x1  }
0x2b0: {  	v5 =	vperm.xlane v4, v0;
	_ =	sdelay $0x1  }
0x2b1: {  	v4 =	vadd.f32 v5, v4;
	_ =	sdelay $0x1  }
0x2b2: {  	v5 =	vperm.xlane v4, v1;
	_ =	sdelay $0x1  }
0x2b3: {  	v4 =	vadd.f32 v5, v4;
	_ =	sdelay $0x1  }
0x2b4: {  	v5 =	vperm.xlane v4, v2;
	_ =	sdelay $0x1  }
0x2b5: {  	v4 =	vadd.f32 v5, v4;
	_ =	sdelay $0x1  }
0x2b6: {  	v5 =	vperm.xlane v4, v3;
	_ =	sdelay $0x1  }
0x2b7: {  	v4 =	vadd.f32 v5, v4;
	_ =	sdelay $0x1  }
0x2b8: {  	s1 =	simm.s32 $0x0;
	[tilespmem:$0x1C300] =	vst v4  }
0x2b9: {  	[tilespmem:s1], [sflag:$0x1] =	stream.linear.gather [hbm4b:s13+s1], $0xE000, $0x38;
	[tilespmem:$0x1C800] =	vst v63  }
0x2ba: {  	_ =	swait.ge [sflag:s23], $0xE000  }
0x2bb: {  	s28 =	sand.u32 $0xF800, s1;
	s1 =	sand.u32 $0x380, s1;
	[sflag:s23] =	ssyncset.done $0x0  }
0x2bc: {  	s1 =	sor.u32 s1, s28;
	[sflag:s23] =	ssyncadd.s32 $0xFFFF2000  }
0x2bd: {  	v4 =	vld [tilespmem:s1+$0xE000];
	_ =	sdelay $0x1  }
0x2be: {  	v5 =	vld [tilespmem:s1+$0xE010];
	_ =	sdelay $0x1  }
0x2bf: {  	v6 =	vimm.f32 $0.0e+00;
	v7 =	vld [tilespmem:s1+$0xE020]  }
0x2c0: {  	v4 =	vadd.f32 v4, v6  }
0x2c1: {  	v6 =	vld [tilespmem:s1+$0xE030]  }
0x2c2: {  	v4 =	vadd.f32 v5, v4  }
0x2c3: {  	v5 =	vld [tilespmem:s1+$0xE040]  }
0x2c4: {  	v4 =	vadd.f32 v7, v4  }
0x2c5: {  	v7 =	vld [tilespmem:s1+$0xE050]  }
0x2c6: {  	v4 =	vadd.f32 v6, v4  }
0x2c7: {  	v6 =	vld [tilespmem:s1+$0xE060]  }
0x2c8: {  	v4 =	vadd.f32 v5, v4  }
0x2c9: {  	v5 =	vld [tilespmem:s1+$0xE070]  }
0x2ca: {  	v4 =	vadd.f32 v7, v4  }
0x2cb: {  	v7 =	vld [tilespmem:s1+$0xE400]  }
0x2cc: {  	v4 =	vadd.f32 v6, v4  }
0x2cd: {  	v6 =	vld [tilespmem:s1+$0xE410]  }
0x2ce: {  	v4 =	vadd.f32 v5, v4  }
0x2cf: {  	v8 =	vld [tilespmem:s1+$0xE420]  }
0x2d0: {  	v5 =	vadd.f32 v7, v4  }
0x2d1: {  	v4 =	vld [tilespmem:s1+$0xE430]  }
0x2d2: {  	v6 =	vadd.f32 v6, v5  }
0x2d3: {  	v5 =	vld [tilespmem:s1+$0xE440]  }
0x2d4: {  	s29 =	simm.s32 $0x100;
	s28 =	simm.s32 $0x80;
	v7 =	vadd.f32 v8, v6  }
0x2d5: {  	s30 =	sand.u32 $0xF800, s29;
	s29 =	simm.s32 $0x200;
	s31 =	sand.u32 $0x380, s28;
	v6 =	vld [tilespmem:s1+$0xE450]  }
.LBB2_16:
0x2d6: {  	p0 =	sne.s32 s29, $0xDF00;
	s1 =	sor.u32 s31, s30;
	v4 =	vadd.f32 v4, v7  }
0x2d7: {  	v7 =	vld [tilespmem:s1+$0xE000]  }
0x2d8: {  	v4 =	vadd.f32 v5, v4  }
0x2d9: {  	v5 =	vld [tilespmem:s1+$0xE010]  }
0x2da: {  	v4 =	vadd.f32 v6, v4  }
0x2db: {  	v6 =	vld [tilespmem:s1+$0xE020]  }
0x2dc: {  	v4 =	vadd.f32 v7, v4  }
0x2dd: {  	v7 =	vld [tilespmem:s1+$0xE030]  }
0x2de: {  	v4 =	vadd.f32 v5, v4  }
0x2df: {  	v5 =	vld [tilespmem:s1+$0xE040]  }
0x2e0: {  	v4 =	vadd.f32 v6, v4  }
0x2e1: {  	v6 =	vld [tilespmem:s1+$0xE050]  }
0x2e2: {  	v4 =	vadd.f32 v7, v4  }
0x2e3: {  	v7 =	vld [tilespmem:s1+$0xE060]  }
0x2e4: {  	v4 =	vadd.f32 v5, v4  }
0x2e5: {  	v5 =	vld [tilespmem:s1+$0xE070]  }
0x2e6: {  	v4 =	vadd.f32 v6, v4  }
0x2e7: {  	v6 =	vld [tilespmem:s1+$0xE400]  }
0x2e8: {  	v4 =	vadd.f32 v7, v4  }
0x2e9: {  	v7 =	vld [tilespmem:s1+$0xE410]  }
0x2ea: {  	v4 =	vadd.f32 v5, v4  }
0x2eb: {  	v8 =	vld [tilespmem:s1+$0xE420]  }
0x2ec: {  	v5 =	vadd.f32 v6, v4  }
.Ltmp7:
0x2ed: {  	v4 =	vld [tilespmem:s1+$0xE430];
	(pc) =	sbr.rel @p0 .LBB2_16-.Ltmp7, $4  }
0x2ee: {  	v6 =	vadd.f32 v7, v5  }
0x2ef: {  	v5 =	vld [tilespmem:s1+$0xE440]  }
0x2f0: {  	s28 =	sadd.s32 $0x80, s28;
	v7 =	vadd.f32 v8, v6  }
0x2f1: {  	s30 =	sand.u32 $0xF800, s29;
	s29 =	sadd.s32 $0x100, s29;
	s31 =	sand.u32 $0x380, s28;
	v6 =	vld [tilespmem:s1+$0xE450]  }
0x2f2: {  	s1 =	sor.u32 s31, s30;
	v4 =	vadd.f32 v4, v7  }
0x2f3: {  	v7 =	vld [tilespmem:s1+$0xE000]  }
0x2f4: {  	v4 =	vadd.f32 v5, v4  }
0x2f5: {  	v5 =	vld [tilespmem:s1+$0xE010]  }
0x2f6: {  	v4 =	vadd.f32 v6, v4  }
0x2f7: {  	v6 =	vld [tilespmem:s1+$0xE020]  }
0x2f8: {  	v4 =	vadd.f32 v7, v4  }
0x2f9: {  	v7 =	vld [tilespmem:s1+$0xE030]  }
0x2fa: {  	v4 =	vadd.f32 v5, v4  }
0x2fb: {  	v5 =	vld [tilespmem:s1+$0xE040]  }
0x2fc: {  	v4 =	vadd.f32 v6, v4  }
0x2fd: {  	v6 =	vld [tilespmem:s1+$0xE050]  }
0x2fe: {  	v4 =	vadd.f32 v7, v4  }
0x2ff: {  	v7 =	vld [tilespmem:s1+$0xE060]  }
0x300: {  	v4 =	vadd.f32 v5, v4  }
0x301: {  	v5 =	vld [tilespmem:s1+$0xE070]  }
0x302: {  	v4 =	vadd.f32 v6, v4  }
0x303: {  	v6 =	vld [tilespmem:s1+$0xE400]  }
0x304: {  	v4 =	vadd.f32 v7, v4  }
0x305: {  	v7 =	vld [tilespmem:s1+$0xE410]  }
0x306: {  	v4 =	vadd.f32 v5, v4  }
0x307: {  	v5 =	vld [tilespmem:s1+$0xE420]  }
0x308: {  	v4 =	vadd.f32 v6, v4  }
0x309: {  	v6 =	vld [tilespmem:s1+$0xE430]  }
0x30a: {  	v4 =	vadd.f32 v7, v4  }
0x30b: {  	v7 =	vld [tilespmem:s1+$0xE440]  }
0x30c: {  	v4 =	vadd.f32 v5, v4  }
0x30d: {  	v5 =	vld [tilespmem:s1+$0xE450]  }
0x30e: {  	v4 =	vadd.f32 v6, v4;
	_ =	sdelay $0x1  }
0x30f: {  	v4 =	vadd.f32 v7, v4;
	_ =	sdelay $0x1  }
0x310: {  	v4 =	vadd.f32 v5, v4;
	_ =	sdelay $0x1  }
0x311: {  	v5 =	vperm.xlane v4, v0;
	_ =	sdelay $0x1  }
0x312: {  	v4 =	vadd.f32 v5, v4;
	_ =	sdelay $0x1  }
0x313: {  	v5 =	vperm.xlane v4, v1;
	_ =	sdelay $0x1  }
0x314: {  	v4 =	vadd.f32 v5, v4;
	_ =	sdelay $0x1  }
0x315: {  	v5 =	vperm.xlane v4, v2;
	_ =	sdelay $0x1  }
0x316: {  	v4 =	vadd.f32 v5, v4;
	_ =	sdelay $0x1  }
0x317: {  	v5 =	vperm.xlane v4, v3;
	_ =	sdelay $0x1  }
0x318: {  	v4 =	vadd.f32 v5, v4;
	_ =	sdelay $0x1  }
0x319: {  	s1 =	simm.s32 $0x0;
	[tilespmem:$0x1C380] =	vst v4  }
0x31a: {  	[tilespmem:s21], [sflag:$0x2] =	stream.linear.gather [hbm4b:s11+s1], $0xE000, $0x38;
	[tilespmem:$0x1C800] =	vst v63  }
0x31b: {  	_ =	swait.ge [sflag:s22], $0xE000  }
0x31c: {  	s28 =	sand.u32 $0xF800, s1;
	s1 =	sand.u32 $0x380, s1;
	[sflag:s22] =	ssyncset.done $0x0  }
0x31d: {  	s1 =	sor.u32 s1, s28;
	[sflag:s22] =	ssyncadd.s32 $0xFFFF2000  }
0x31e: {  	v4 =	vld [tilespmem:s1+$0x0];
	_ =	sdelay $0x1  }
0x31f: {  	v5 =	vld [tilespmem:s1+$0x10];
	_ =	sdelay $0x1  }
0x320: {  	v6 =	vimm.f32 $0.0e+00;
	v7 =	vld [tilespmem:s1+$0x20]  }
0x321: {  	v4 =	vadd.f32 v4, v6  }
0x322: {  	v6 =	vld [tilespmem:s1+$0x30]  }
0x323: {  	v4 =	vadd.f32 v5, v4  }
0x324: {  	v5 =	vld [tilespmem:s1+$0x40]  }
0x325: {  	v4 =	vadd.f32 v7, v4  }
0x326: {  	v7 =	vld [tilespmem:s1+$0x50]  }
0x327: {  	v4 =	vadd.f32 v6, v4  }
0x328: {  	v6 =	vld [tilespmem:s1+$0x60]  }
0x329: {  	v4 =	vadd.f32 v5, v4  }
0x32a: {  	v5 =	vld [tilespmem:s1+$0x70]  }
0x32b: {  	v4 =	vadd.f32 v7, v4  }
0x32c: {  	v7 =	vld [tilespmem:s1+$0x400]  }
0x32d: {  	v4 =	vadd.f32 v6, v4  }
0x32e: {  	v6 =	vld [tilespmem:s1+$0x410]  }
0x32f: {  	v4 =	vadd.f32 v5, v4  }
0x330: {  	v8 =	vld [tilespmem:s1+$0x420]  }
0x331: {  	v5 =	vadd.f32 v7, v4  }
0x332: {  	v4 =	vld [tilespmem:s1+$0x430]  }
0x333: {  	v6 =	vadd.f32 v6, v5  }
0x334: {  	v5 =	vld [tilespmem:s1+$0x440]  }
0x335: {  	s29 =	simm.s32 $0x100;
	s28 =	simm.s32 $0x80;
	v7 =	vadd.f32 v8, v6  }
0x336: {  	s30 =	sand.u32 $0xF800, s29;
	s29 =	simm.s32 $0x200;
	s31 =	sand.u32 $0x380, s28;
	v6 =	vld [tilespmem:s1+$0x450]  }
.LBB2_18:
0x337: {  	p0 =	sne.s32 s29, $0xDF00;
	s1 =	sor.u32 s31, s30;
	v4 =	vadd.f32 v4, v7  }
0x338: {  	v7 =	vld [tilespmem:s1+$0x0]  }
0x339: {  	v4 =	vadd.f32 v5, v4  }
0x33a: {  	v5 =	vld [tilespmem:s1+$0x10]  }
0x33b: {  	v4 =	vadd.f32 v6, v4  }
0x33c: {  	v6 =	vld [tilespmem:s1+$0x20]  }
0x33d: {  	v4 =	vadd.f32 v7, v4  }
0x33e: {  	v7 =	vld [tilespmem:s1+$0x30]  }
0x33f: {  	v4 =	vadd.f32 v5, v4  }
0x340: {  	v5 =	vld [tilespmem:s1+$0x40]  }
0x341: {  	v4 =	vadd.f32 v6, v4  }
0x342: {  	v6 =	vld [tilespmem:s1+$0x50]  }
0x343: {  	v4 =	vadd.f32 v7, v4  }
0x344: {  	v7 =	vld [tilespmem:s1+$0x60]  }
0x345: {  	v4 =	vadd.f32 v5, v4  }
0x346: {  	v5 =	vld [tilespmem:s1+$0x70]  }
0x347: {  	v4 =	vadd.f32 v6, v4  }
0x348: {  	v6 =	vld [tilespmem:s1+$0x400]  }
0x349: {  	v4 =	vadd.f32 v7, v4  }
0x34a: {  	v7 =	vld [tilespmem:s1+$0x410]  }
0x34b: {  	v4 =	vadd.f32 v5, v4  }
0x34c: {  	v8 =	vld [tilespmem:s1+$0x420]  }
0x34d: {  	v5 =	vadd.f32 v6, v4  }
.Ltmp8:
0x34e: {  	v4 =	vld [tilespmem:s1+$0x430];
	(pc) =	sbr.rel @p0 .LBB2_18-.Ltmp8, $4  }
0x34f: {  	v6 =	vadd.f32 v7, v5  }
0x350: {  	v5 =	vld [tilespmem:s1+$0x440]  }
0x351: {  	s28 =	sadd.s32 $0x80, s28;
	v7 =	vadd.f32 v8, v6  }
0x352: {  	s30 =	sand.u32 $0xF800, s29;
	s29 =	sadd.s32 $0x100, s29;
	s31 =	sand.u32 $0x380, s28;
	v6 =	vld [tilespmem:s1+$0x450]  }
0x353: {  	s1 =	sor.u32 s31, s30;
	v4 =	vadd.f32 v4, v7  }
0x354: {  	v7 =	vld [tilespmem:s1+$0x0]  }
0x355: {  	v4 =	vadd.f32 v5, v4  }
0x356: {  	v5 =	vld [tilespmem:s1+$0x10]  }
0x357: {  	v4 =	vadd.f32 v6, v4  }
0x358: {  	v6 =	vld [tilespmem:s1+$0x20]  }
0x359: {  	v4 =	vadd.f32 v7, v4  }
0x35a: {  	v7 =	vld [tilespmem:s1+$0x30]  }
0x35b: {  	v4 =	vadd.f32 v5, v4  }
0x35c: {  	v5 =	vld [tilespmem:s1+$0x40]  }
0x35d: {  	v4 =	vadd.f32 v6, v4  }
0x35e: {  	v6 =	vld [tilespmem:s1+$0x50]  }
0x35f: {  	v4 =	vadd.f32 v7, v4  }
0x360: {  	v7 =	vld [tilespmem:s1+$0x60]  }
0x361: {  	v4 =	vadd.f32 v5, v4  }
0x362: {  	v5 =	vld [tilespmem:s1+$0x70]  }
0x363: {  	v4 =	vadd.f32 v6, v4  }
0x364: {  	v6 =	vld [tilespmem:s1+$0x400]  }
0x365: {  	v4 =	vadd.f32 v7, v4  }
0x366: {  	v7 =	vld [tilespmem:s1+$0x410]  }
0x367: {  	v4 =	vadd.f32 v5, v4  }
0x368: {  	v5 =	vld [tilespmem:s1+$0x420]  }
0x369: {  	v4 =	vadd.f32 v6, v4  }
0x36a: {  	v6 =	vld [tilespmem:s1+$0x430]  }
0x36b: {  	v4 =	vadd.f32 v7, v4  }
0x36c: {  	v7 =	vld [tilespmem:s1+$0x440]  }
0x36d: {  	v4 =	vadd.f32 v5, v4  }
0x36e: {  	v5 =	vld [tilespmem:s1+$0x450]  }
0x36f: {  	v4 =	vadd.f32 v6, v4;
	_ =	sdelay $0x1  }
0x370: {  	v4 =	vadd.f32 v7, v4;
	_ =	sdelay $0x1  }
0x371: {  	v4 =	vadd.f32 v5, v4;
	_ =	sdelay $0x1  }
0x372: {  	v5 =	vperm.xlane v4, v0;
	_ =	sdelay $0x1  }
0x373: {  	v4 =	vadd.f32 v5, v4;
	_ =	sdelay $0x1  }
0x374: {  	v5 =	vperm.xlane v4, v1;
	_ =	sdelay $0x1  }
0x375: {  	v4 =	vadd.f32 v5, v4;
	_ =	sdelay $0x1  }
0x376: {  	v5 =	vperm.xlane v4, v2;
	_ =	sdelay $0x1  }
0x377: {  	v4 =	vadd.f32 v5, v4;
	_ =	sdelay $0x1  }
0x378: {  	v5 =	vperm.xlane v4, v3;
	_ =	sdelay $0x1  }
0x379: {  	v4 =	vadd.f32 v5, v4;
	_ =	sdelay $0x1  }
0x37a: {  	s1 =	simm.s32 $0x0;
	[tilespmem:$0x1C400] =	vst v4  }
0x37b: {  	[tilespmem:s1], [sflag:$0x1] =	stream.linear.gather [hbm4b:s12+s1], $0xE000, $0x38;
	[tilespmem:$0x1C800] =	vst v63  }
0x37c: {  	_ =	swait.ge [sflag:s23], $0xE000  }
0x37d: {  	s28 =	sand.u32 $0xF800, s1;
	s1 =	sand.u32 $0x380, s1;
	[sflag:s23] =	ssyncset.done $0x0  }
0x37e: {  	s1 =	sor.u32 s1, s28;
	[sflag:s23] =	ssyncadd.s32 $0xFFFF2000  }
0x37f: {  	v4 =	vld [tilespmem:s1+$0xE000];
	_ =	sdelay $0x1  }
0x380: {  	v5 =	vld [tilespmem:s1+$0xE010];
	_ =	sdelay $0x1  }
0x381: {  	v6 =	vimm.f32 $0.0e+00;
	v7 =	vld [tilespmem:s1+$0xE020]  }
0x382: {  	v4 =	vadd.f32 v4, v6  }
0x383: {  	v6 =	vld [tilespmem:s1+$0xE030]  }
0x384: {  	v4 =	vadd.f32 v5, v4  }
0x385: {  	v5 =	vld [tilespmem:s1+$0xE040]  }
0x386: {  	v4 =	vadd.f32 v7, v4  }
0x387: {  	v7 =	vld [tilespmem:s1+$0xE050]  }
0x388: {  	v4 =	vadd.f32 v6, v4  }
0x389: {  	v6 =	vld [tilespmem:s1+$0xE060]  }
0x38a: {  	v4 =	vadd.f32 v5, v4  }
0x38b: {  	v5 =	vld [tilespmem:s1+$0xE070]  }
0x38c: {  	v4 =	vadd.f32 v7, v4  }
0x38d: {  	v7 =	vld [tilespmem:s1+$0xE400]  }
0x38e: {  	v4 =	vadd.f32 v6, v4  }
0x38f: {  	v6 =	vld [tilespmem:s1+$0xE410]  }
0x390: {  	v4 =	vadd.f32 v5, v4  }
0x391: {  	v8 =	vld [tilespmem:s1+$0xE420]  }
0x392: {  	v5 =	vadd.f32 v7, v4  }
0x393: {  	v4 =	vld [tilespmem:s1+$0xE430]  }
0x394: {  	v6 =	vadd.f32 v6, v5  }
0x395: {  	v5 =	vld [tilespmem:s1+$0xE440]  }
0x396: {  	s29 =	simm.s32 $0x100;
	s28 =	simm.s32 $0x80;
	v7 =	vadd.f32 v8, v6  }
0x397: {  	s30 =	sand.u32 $0xF800, s29;
	s29 =	simm.s32 $0x200;
	s31 =	sand.u32 $0x380, s28;
	v6 =	vld [tilespmem:s1+$0xE450]  }
.LBB2_20:
0x398: {  	p0 =	sne.s32 s29, $0xDF00;
	s1 =	sor.u32 s31, s30;
	v4 =	vadd.f32 v4, v7  }
0x399: {  	v7 =	vld [tilespmem:s1+$0xE000]  }
0x39a: {  	v4 =	vadd.f32 v5, v4  }
0x39b: {  	v5 =	vld [tilespmem:s1+$0xE010]  }
0x39c: {  	v4 =	vadd.f32 v6, v4  }
0x39d: {  	v6 =	vld [tilespmem:s1+$0xE020]  }
0x39e: {  	v4 =	vadd.f32 v7, v4  }
0x39f: {  	v7 =	vld [tilespmem:s1+$0xE030]  }
0x3a0: {  	v4 =	vadd.f32 v5, v4  }
0x3a1: {  	v5 =	vld [tilespmem:s1+$0xE040]  }
0x3a2: {  	v4 =	vadd.f32 v6, v4  }
0x3a3: {  	v6 =	vld [tilespmem:s1+$0xE050]  }
0x3a4: {  	v4 =	vadd.f32 v7, v4  }
0x3a5: {  	v7 =	vld [tilespmem:s1+$0xE060]  }
0x3a6: {  	v4 =	vadd.f32 v5, v4  }
0x3a7: {  	v5 =	vld [tilespmem:s1+$0xE070]  }
0x3a8: {  	v4 =	vadd.f32 v6, v4  }
0x3a9: {  	v6 =	vld [tilespmem:s1+$0xE400]  }
0x3aa: {  	v4 =	vadd.f32 v7, v4  }
0x3ab: {  	v7 =	vld [tilespmem:s1+$0xE410]  }
0x3ac: {  	v4 =	vadd.f32 v5, v4  }
0x3ad: {  	v8 =	vld [tilespmem:s1+$0xE420]  }
0x3ae: {  	v5 =	vadd.f32 v6, v4  }
.Ltmp9:
0x3af: {  	v4 =	vld [tilespmem:s1+$0xE430];
	(pc) =	sbr.rel @p0 .LBB2_20-.Ltmp9, $4  }
0x3b0: {  	v6 =	vadd.f32 v7, v5  }
0x3b1: {  	v5 =	vld [tilespmem:s1+$0xE440]  }
0x3b2: {  	s28 =	sadd.s32 $0x80, s28;
	v7 =	vadd.f32 v8, v6  }
0x3b3: {  	s30 =	sand.u32 $0xF800, s29;
	s29 =	sadd.s32 $0x100, s29;
	s31 =	sand.u32 $0x380, s28;
	v6 =	vld [tilespmem:s1+$0xE450]  }
0x3b4: {  	s1 =	sor.u32 s31, s30;
	v4 =	vadd.f32 v4, v7  }
0x3b5: {  	v7 =	vld [tilespmem:s1+$0xE000]  }
0x3b6: {  	v4 =	vadd.f32 v5, v4  }
0x3b7: {  	v5 =	vld [tilespmem:s1+$0xE010]  }
0x3b8: {  	v4 =	vadd.f32 v6, v4  }
0x3b9: {  	v6 =	vld [tilespmem:s1+$0xE020]  }
0x3ba: {  	v4 =	vadd.f32 v7, v4  }
0x3bb: {  	v7 =	vld [tilespmem:s1+$0xE030]  }
0x3bc: {  	v4 =	vadd.f32 v5, v4  }
0x3bd: {  	v5 =	vld [tilespmem:s1+$0xE040]  }
0x3be: {  	v4 =	vadd.f32 v6, v4  }
0x3bf: {  	v6 =	vld [tilespmem:s1+$0xE050]  }
0x3c0: {  	v4 =	vadd.f32 v7, v4  }
0x3c1: {  	v7 =	vld [tilespmem:s1+$0xE060]  }
0x3c2: {  	v4 =	vadd.f32 v5, v4  }
0x3c3: {  	v5 =	vld [tilespmem:s1+$0xE070]  }
0x3c4: {  	v4 =	vadd.f32 v6, v4  }
0x3c5: {  	v6 =	vld [tilespmem:s1+$0xE400]  }
0x3c6: {  	v4 =	vadd.f32 v7, v4  }
0x3c7: {  	v7 =	vld [tilespmem:s1+$0xE410]  }
0x3c8: {  	v4 =	vadd.f32 v5, v4  }
0x3c9: {  	v5 =	vld [tilespmem:s1+$0xE420]  }
0x3ca: {  	v4 =	vadd.f32 v6, v4  }
0x3cb: {  	v6 =	vld [tilespmem:s1+$0xE430]  }
0x3cc: {  	v4 =	vadd.f32 v7, v4  }
0x3cd: {  	v7 =	vld [tilespmem:s1+$0xE440]  }
0x3ce: {  	v4 =	vadd.f32 v5, v4  }
0x3cf: {  	v5 =	vld [tilespmem:s1+$0xE450]  }
0x3d0: {  	v4 =	vadd.f32 v6, v4;
	_ =	sdelay $0x1  }
0x3d1: {  	v4 =	vadd.f32 v7, v4;
	_ =	sdelay $0x1  }
0x3d2: {  	v4 =	vadd.f32 v5, v4;
	_ =	sdelay $0x1  }
0x3d3: {  	v5 =	vperm.xlane v4, v0;
	_ =	sdelay $0x1  }
0x3d4: {  	v4 =	vadd.f32 v5, v4;
	_ =	sdelay $0x1  }
0x3d5: {  	v5 =	vperm.xlane v4, v1;
	_ =	sdelay $0x1  }
0x3d6: {  	v4 =	vadd.f32 v5, v4;
	_ =	sdelay $0x1  }
0x3d7: {  	v5 =	vperm.xlane v4, v2;
	_ =	sdelay $0x1  }
0x3d8: {  	v4 =	vadd.f32 v5, v4;
	_ =	sdelay $0x1  }
0x3d9: {  	v5 =	vperm.xlane v4, v3;
	_ =	sdelay $0x1  }
0x3da: {  	v4 =	vadd.f32 v5, v4;
	_ =	sdelay $0x1  }
0x3db: {  	s1 =	simm.s32 $0x0;
	[tilespmem:$0x1C480] =	vst v4  }
0x3dc: {  	[tilespmem:s21], [sflag:$0x2] =	stream.linear.gather [hbm4b:s14+s1], $0xE000, $0x38;
	[tilespmem:$0x1C800] =	vst v63  }
0x3dd: {  	_ =	swait.ge [sflag:s22], $0xE000  }
0x3de: {  	s28 =	sand.u32 $0xF800, s1;
	s1 =	sand.u32 $0x380, s1;
	[sflag:s22] =	ssyncset.done $0x0  }
0x3df: {  	s1 =	sor.u32 s1, s28;
	[sflag:s22] =	ssyncadd.s32 $0xFFFF2000  }
0x3e0: {  	v4 =	vld [tilespmem:s1+$0x0];
	_ =	sdelay $0x1  }
0x3e1: {  	v5 =	vld [tilespmem:s1+$0x10];
	_ =	sdelay $0x1  }
0x3e2: {  	v6 =	vimm.f32 $0.0e+00;
	v7 =	vld [tilespmem:s1+$0x20]  }
0x3e3: {  	v4 =	vadd.f32 v4, v6  }
0x3e4: {  	v6 =	vld [tilespmem:s1+$0x30]  }
0x3e5: {  	v4 =	vadd.f32 v5, v4  }
0x3e6: {  	v5 =	vld [tilespmem:s1+$0x40]  }
0x3e7: {  	v4 =	vadd.f32 v7, v4  }
0x3e8: {  	v7 =	vld [tilespmem:s1+$0x50]  }
0x3e9: {  	v4 =	vadd.f32 v6, v4  }
0x3ea: {  	v6 =	vld [tilespmem:s1+$0x60]  }
0x3eb: {  	v4 =	vadd.f32 v5, v4  }
0x3ec: {  	v5 =	vld [tilespmem:s1+$0x70]  }
0x3ed: {  	v4 =	vadd.f32 v7, v4  }
0x3ee: {  	v7 =	vld [tilespmem:s1+$0x400]  }
0x3ef: {  	v4 =	vadd.f32 v6, v4  }
0x3f0: {  	v6 =	vld [tilespmem:s1+$0x410]  }
0x3f1: {  	v4 =	vadd.f32 v5, v4  }
0x3f2: {  	v8 =	vld [tilespmem:s1+$0x420]  }
0x3f3: {  	v5 =	vadd.f32 v7, v4  }
0x3f4: {  	v4 =	vld [tilespmem:s1+$0x430]  }
0x3f5: {  	v6 =	vadd.f32 v6, v5  }
0x3f6: {  	v5 =	vld [tilespmem:s1+$0x440]  }
0x3f7: {  	s29 =	simm.s32 $0x100;
	s28 =	simm.s32 $0x80;
	v7 =	vadd.f32 v8, v6  }
0x3f8: {  	s30 =	sand.u32 $0xF800, s29;
	s29 =	simm.s32 $0x200;
	s31 =	sand.u32 $0x380, s28;
	v6 =	vld [tilespmem:s1+$0x450]  }
.LBB2_22:
0x3f9: {  	p0 =	sne.s32 s29, $0xDF00;
	s1 =	sor.u32 s31, s30;
	v4 =	vadd.f32 v4, v7  }
0x3fa: {  	v7 =	vld [tilespmem:s1+$0x0]  }
0x3fb: {  	v4 =	vadd.f32 v5, v4  }
0x3fc: {  	v5 =	vld [tilespmem:s1+$0x10]  }
0x3fd: {  	v4 =	vadd.f32 v6, v4  }
0x3fe: {  	v6 =	vld [tilespmem:s1+$0x20]  }
0x3ff: {  	v4 =	vadd.f32 v7, v4  }
0x400: {  	v7 =	vld [tilespmem:s1+$0x30]  }
0x401: {  	v4 =	vadd.f32 v5, v4  }
0x402: {  	v5 =	vld [tilespmem:s1+$0x40]  }
0x403: {  	v4 =	vadd.f32 v6, v4  }
0x404: {  	v6 =	vld [tilespmem:s1+$0x50]  }
0x405: {  	v4 =	vadd.f32 v7, v4  }
0x406: {  	v7 =	vld [tilespmem:s1+$0x60]  }
0x407: {  	v4 =	vadd.f32 v5, v4  }
0x408: {  	v5 =	vld [tilespmem:s1+$0x70]  }
0x409: {  	v4 =	vadd.f32 v6, v4  }
0x40a: {  	v6 =	vld [tilespmem:s1+$0x400]  }
0x40b: {  	v4 =	vadd.f32 v7, v4  }
0x40c: {  	v7 =	vld [tilespmem:s1+$0x410]  }
0x40d: {  	v4 =	vadd.f32 v5, v4  }
0x40e: {  	v8 =	vld [tilespmem:s1+$0x420]  }
0x40f: {  	v5 =	vadd.f32 v6, v4  }
.Ltmp10:
0x410: {  	v4 =	vld [tilespmem:s1+$0x430];
	(pc) =	sbr.rel @p0 .LBB2_22-.Ltmp10, $4  }
0x411: {  	v6 =	vadd.f32 v7, v5  }
0x412: {  	v5 =	vld [tilespmem:s1+$0x440]  }
0x413: {  	s28 =	sadd.s32 $0x80, s28;
	v7 =	vadd.f32 v8, v6  }
0x414: {  	s30 =	sand.u32 $0xF800, s29;
	s29 =	sadd.s32 $0x100, s29;
	s31 =	sand.u32 $0x380, s28;
	v6 =	vld [tilespmem:s1+$0x450]  }
0x415: {  	s1 =	sor.u32 s31, s30;
	v4 =	vadd.f32 v4, v7  }
0x416: {  	v7 =	vld [tilespmem:s1+$0x0]  }
0x417: {  	v4 =	vadd.f32 v5, v4  }
0x418: {  	v5 =	vld [tilespmem:s1+$0x10]  }
0x419: {  	v4 =	vadd.f32 v6, v4  }
0x41a: {  	v6 =	vld [tilespmem:s1+$0x20]  }
0x41b: {  	v4 =	vadd.f32 v7, v4  }
0x41c: {  	v7 =	vld [tilespmem:s1+$0x30]  }
0x41d: {  	v4 =	vadd.f32 v5, v4  }
0x41e: {  	v5 =	vld [tilespmem:s1+$0x40]  }
0x41f: {  	v4 =	vadd.f32 v6, v4  }
0x420: {  	v6 =	vld [tilespmem:s1+$0x50]  }
0x421: {  	v4 =	vadd.f32 v7, v4  }
0x422: {  	v7 =	vld [tilespmem:s1+$0x60]  }
0x423: {  	v4 =	vadd.f32 v5, v4  }
0x424: {  	v5 =	vld [tilespmem:s1+$0x70]  }
0x425: {  	v4 =	vadd.f32 v6, v4  }
0x426: {  	v6 =	vld [tilespmem:s1+$0x400]  }
0x427: {  	v4 =	vadd.f32 v7, v4  }
0x428: {  	v7 =	vld [tilespmem:s1+$0x410]  }
0x429: {  	v4 =	vadd.f32 v5, v4  }
0x42a: {  	v5 =	vld [tilespmem:s1+$0x420]  }
0x42b: {  	v4 =	vadd.f32 v6, v4  }
0x42c: {  	v6 =	vld [tilespmem:s1+$0x430]  }
0x42d: {  	v4 =	vadd.f32 v7, v4  }
0x42e: {  	v7 =	vld [tilespmem:s1+$0x440]  }
0x42f: {  	v4 =	vadd.f32 v5, v4  }
0x430: {  	v5 =	vld [tilespmem:s1+$0x450]  }
0x431: {  	v4 =	vadd.f32 v6, v4;
	_ =	sdelay $0x1  }
0x432: {  	v4 =	vadd.f32 v7, v4;
	_ =	sdelay $0x1  }
0x433: {  	v4 =	vadd.f32 v5, v4;
	_ =	sdelay $0x1  }
0x434: {  	v5 =	vperm.xlane v4, v0;
	_ =	sdelay $0x1  }
0x435: {  	v4 =	vadd.f32 v5, v4;
	_ =	sdelay $0x1  }
0x436: {  	v5 =	vperm.xlane v4, v1;
	_ =	sdelay $0x1  }
0x437: {  	v4 =	vadd.f32 v5, v4;
	_ =	sdelay $0x1  }
0x438: {  	v5 =	vperm.xlane v4, v2;
	_ =	sdelay $0x1  }
0x439: {  	v4 =	vadd.f32 v5, v4;
	_ =	sdelay $0x1  }
0x43a: {  	v5 =	vperm.xlane v4, v3;
	_ =	sdelay $0x1  }
0x43b: {  	v4 =	vadd.f32 v5, v4;
	_ =	sdelay $0x1  }
0x43c: {  	s1 =	simm.s32 $0x0;
	[tilespmem:$0x1C500] =	vst v4  }
0x43d: {  	[tilespmem:s1], [sflag:$0x1] =	stream.linear.gather [hbm4b:s15+s1], $0xE000, $0x38;
	[tilespmem:$0x1C800] =	vst v63  }
0x43e: {  	_ =	swait.ge [sflag:s23], $0xE000  }
0x43f: {  	s28 =	sand.u32 $0xF800, s1;
	s1 =	sand.u32 $0x380, s1;
	[sflag:s23] =	ssyncset.done $0x0  }
0x440: {  	s1 =	sor.u32 s1, s28;
	[sflag:s23] =	ssyncadd.s32 $0xFFFF2000  }
0x441: {  	v4 =	vld [tilespmem:s1+$0xE000];
	_ =	sdelay $0x1  }
0x442: {  	v5 =	vld [tilespmem:s1+$0xE010];
	_ =	sdelay $0x1  }
0x443: {  	v6 =	vimm.f32 $0.0e+00;
	v7 =	vld [tilespmem:s1+$0xE020]  }
0x444: {  	v4 =	vadd.f32 v4, v6  }
0x445: {  	v6 =	vld [tilespmem:s1+$0xE030]  }
0x446: {  	v4 =	vadd.f32 v5, v4  }
0x447: {  	v5 =	vld [tilespmem:s1+$0xE040]  }
0x448: {  	v4 =	vadd.f32 v7, v4  }
0x449: {  	v7 =	vld [tilespmem:s1+$0xE050]  }
0x44a: {  	v4 =	vadd.f32 v6, v4  }
0x44b: {  	v6 =	vld [tilespmem:s1+$0xE060]  }
0x44c: {  	v4 =	vadd.f32 v5, v4  }
0x44d: {  	v5 =	vld [tilespmem:s1+$0xE070]  }
0x44e: {  	v4 =	vadd.f32 v7, v4  }
0x44f: {  	v7 =	vld [tilespmem:s1+$0xE400]  }
0x450: {  	v4 =	vadd.f32 v6, v4  }
0x451: {  	v6 =	vld [tilespmem:s1+$0xE410]  }
0x452: {  	v4 =	vadd.f32 v5, v4  }
0x453: {  	v8 =	vld [tilespmem:s1+$0xE420]  }
0x454: {  	v5 =	vadd.f32 v7, v4  }
0x455: {  	v4 =	vld [tilespmem:s1+$0xE430]  }
0x456: {  	v6 =	vadd.f32 v6, v5  }
0x457: {  	v5 =	vld [tilespmem:s1+$0xE440]  }
0x458: {  	s29 =	simm.s32 $0x100;
	s28 =	simm.s32 $0x80;
	v7 =	vadd.f32 v8, v6  }
0x459: {  	s30 =	sand.u32 $0xF800, s29;
	s29 =	simm.s32 $0x200;
	s31 =	sand.u32 $0x380, s28;
	v6 =	vld [tilespmem:s1+$0xE450]  }
.LBB2_24:
0x45a: {  	p0 =	sne.s32 s29, $0xDF00;
	s1 =	sor.u32 s31, s30;
	v4 =	vadd.f32 v4, v7  }
0x45b: {  	v7 =	vld [tilespmem:s1+$0xE000]  }
0x45c: {  	v4 =	vadd.f32 v5, v4  }
0x45d: {  	v5 =	vld [tilespmem:s1+$0xE010]  }
0x45e: {  	v4 =	vadd.f32 v6, v4  }
0x45f: {  	v6 =	vld [tilespmem:s1+$0xE020]  }
0x460: {  	v4 =	vadd.f32 v7, v4  }
0x461: {  	v7 =	vld [tilespmem:s1+$0xE030]  }
0x462: {  	v4 =	vadd.f32 v5, v4  }
0x463: {  	v5 =	vld [tilespmem:s1+$0xE040]  }
0x464: {  	v4 =	vadd.f32 v6, v4  }
0x465: {  	v6 =	vld [tilespmem:s1+$0xE050]  }
0x466: {  	v4 =	vadd.f32 v7, v4  }
0x467: {  	v7 =	vld [tilespmem:s1+$0xE060]  }
0x468: {  	v4 =	vadd.f32 v5, v4  }
0x469: {  	v5 =	vld [tilespmem:s1+$0xE070]  }
0x46a: {  	v4 =	vadd.f32 v6, v4  }
0x46b: {  	v6 =	vld [tilespmem:s1+$0xE400]  }
0x46c: {  	v4 =	vadd.f32 v7, v4  }
0x46d: {  	v7 =	vld [tilespmem:s1+$0xE410]  }
0x46e: {  	v4 =	vadd.f32 v5, v4  }
0x46f: {  	v8 =	vld [tilespmem:s1+$0xE420]  }
0x470: {  	v5 =	vadd.f32 v6, v4  }
.Ltmp11:
0x471: {  	v4 =	vld [tilespmem:s1+$0xE430];
	(pc) =	sbr.rel @p0 .LBB2_24-.Ltmp11, $4  }
0x472: {  	v6 =	vadd.f32 v7, v5  }
0x473: {  	v5 =	vld [tilespmem:s1+$0xE440]  }
0x474: {  	s28 =	sadd.s32 $0x80, s28;
	v7 =	vadd.f32 v8, v6  }
0x475: {  	s30 =	sand.u32 $0xF800, s29;
	s29 =	sadd.s32 $0x100, s29;
	s31 =	sand.u32 $0x380, s28;
	v6 =	vld [tilespmem:s1+$0xE450]  }
0x476: {  	s1 =	sor.u32 s31, s30;
	v4 =	vadd.f32 v4, v7  }
0x477: {  	v7 =	vld [tilespmem:s1+$0xE000]  }
0x478: {  	v4 =	vadd.f32 v5, v4  }
0x479: {  	v5 =	vld [tilespmem:s1+$0xE010]  }
0x47a: {  	v4 =	vadd.f32 v6, v4  }
0x47b: {  	v6 =	vld [tilespmem:s1+$0xE020]  }
0x47c: {  	v4 =	vadd.f32 v7, v4  }
0x47d: {  	v7 =	vld [tilespmem:s1+$0xE030]  }
0x47e: {  	v4 =	vadd.f32 v5, v4  }
0x47f: {  	v5 =	vld [tilespmem:s1+$0xE040]  }
0x480: {  	v4 =	vadd.f32 v6, v4  }
0x481: {  	v6 =	vld [tilespmem:s1+$0xE050]  }
0x482: {  	v4 =	vadd.f32 v7, v4  }
0x483: {  	v7 =	vld [tilespmem:s1+$0xE060]  }
0x484: {  	v4 =	vadd.f32 v5, v4  }
0x485: {  	v5 =	vld [tilespmem:s1+$0xE070]  }
0x486: {  	v4 =	vadd.f32 v6, v4  }
0x487: {  	v6 =	vld [tilespmem:s1+$0xE400]  }
0x488: {  	v4 =	vadd.f32 v7, v4  }
0x489: {  	v7 =	vld [tilespmem:s1+$0xE410]  }
0x48a: {  	v4 =	vadd.f32 v5, v4  }
0x48b: {  	v5 =	vld [tilespmem:s1+$0xE420]  }
0x48c: {  	v4 =	vadd.f32 v6, v4  }
0x48d: {  	v6 =	vld [tilespmem:s1+$0xE430]  }
0x48e: {  	v4 =	vadd.f32 v7, v4  }
0x48f: {  	v7 =	vld [tilespmem:s1+$0xE440]  }
0x490: {  	v4 =	vadd.f32 v5, v4  }
0x491: {  	v5 =	vld [tilespmem:s1+$0xE450]  }
0x492: {  	v4 =	vadd.f32 v6, v4;
	_ =	sdelay $0x1  }
0x493: {  	v4 =	vadd.f32 v7, v4;
	_ =	sdelay $0x1  }
0x494: {  	v4 =	vadd.f32 v5, v4;
	_ =	sdelay $0x1  }
0x495: {  	v5 =	vperm.xlane v4, v0;
	_ =	sdelay $0x1  }
0x496: {  	v4 =	vadd.f32 v5, v4;
	_ =	sdelay $0x1  }
0x497: {  	v5 =	vperm.xlane v4, v1;
	_ =	sdelay $0x1  }
0x498: {  	v4 =	vadd.f32 v5, v4;
	_ =	sdelay $0x1  }
0x499: {  	v5 =	vperm.xlane v4, v2;
	_ =	sdelay $0x1  }
0x49a: {  	v4 =	vadd.f32 v5, v4;
	_ =	sdelay $0x1  }
0x49b: {  	v5 =	vperm.xlane v4, v3;
	_ =	sdelay $0x1  }
0x49c: {  	v4 =	vadd.f32 v5, v4;
	_ =	sdelay $0x1  }
0x49d: {  	s1 =	simm.s32 $0x0;
	[tilespmem:$0x1C580] =	vst v4  }
0x49e: {  	[tilespmem:s21], [sflag:$0x2] =	stream.linear.gather [hbm4b:s16+s1], $0xE000, $0x38;
	[tilespmem:$0x1C800] =	vst v63  }
0x49f: {  	_ =	swait.ge [sflag:s22], $0xE000  }
0x4a0: {  	s28 =	sand.u32 $0xF800, s1;
	s1 =	sand.u32 $0x380, s1;
	[sflag:s22] =	ssyncset.done $0x0  }
0x4a1: {  	s1 =	sor.u32 s1, s28;
	[sflag:s22] =	ssyncadd.s32 $0xFFFF2000  }
0x4a2: {  	v4 =	vld [tilespmem:s1+$0x0];
	_ =	sdelay $0x1  }
0x4a3: {  	v5 =	vld [tilespmem:s1+$0x10];
	_ =	sdelay $0x1  }
0x4a4: {  	v6 =	vimm.f32 $0.0e+00;
	v7 =	vld [tilespmem:s1+$0x20]  }
0x4a5: {  	v4 =	vadd.f32 v4, v6  }
0x4a6: {  	v6 =	vld [tilespmem:s1+$0x30]  }
0x4a7: {  	v4 =	vadd.f32 v5, v4  }
0x4a8: {  	v5 =	vld [tilespmem:s1+$0x40]  }
0x4a9: {  	v4 =	vadd.f32 v7, v4  }
0x4aa: {  	v7 =	vld [tilespmem:s1+$0x50]  }
0x4ab: {  	v4 =	vadd.f32 v6, v4  }
0x4ac: {  	v6 =	vld [tilespmem:s1+$0x60]  }
0x4ad: {  	v4 =	vadd.f32 v5, v4  }
0x4ae: {  	v5 =	vld [tilespmem:s1+$0x70]  }
0x4af: {  	v4 =	vadd.f32 v7, v4  }
0x4b0: {  	v7 =	vld [tilespmem:s1+$0x400]  }
0x4b1: {  	v4 =	vadd.f32 v6, v4  }
0x4b2: {  	v6 =	vld [tilespmem:s1+$0x410]  }
0x4b3: {  	v4 =	vadd.f32 v5, v4  }
0x4b4: {  	v8 =	vld [tilespmem:s1+$0x420]  }
0x4b5: {  	v5 =	vadd.f32 v7, v4  }
0x4b6: {  	v4 =	vld [tilespmem:s1+$0x430]  }
0x4b7: {  	v6 =	vadd.f32 v6, v5  }
0x4b8: {  	v5 =	vld [tilespmem:s1+$0x440]  }
0x4b9: {  	s29 =	simm.s32 $0x100;
	s28 =	simm.s32 $0x80;
	v7 =	vadd.f32 v8, v6  }
0x4ba: {  	s30 =	sand.u32 $0xF800, s29;
	s29 =	simm.s32 $0x200;
	s31 =	sand.u32 $0x380, s28;
	v6 =	vld [tilespmem:s1+$0x450]  }
.LBB2_26:
0x4bb: {  	p0 =	sne.s32 s29, $0xDF00;
	s1 =	sor.u32 s31, s30;
	v4 =	vadd.f32 v4, v7  }
0x4bc: {  	v7 =	vld [tilespmem:s1+$0x0]  }
0x4bd: {  	v4 =	vadd.f32 v5, v4  }
0x4be: {  	v5 =	vld [tilespmem:s1+$0x10]  }
0x4bf: {  	v4 =	vadd.f32 v6, v4  }
0x4c0: {  	v6 =	vld [tilespmem:s1+$0x20]  }
0x4c1: {  	v4 =	vadd.f32 v7, v4  }
0x4c2: {  	v7 =	vld [tilespmem:s1+$0x30]  }
0x4c3: {  	v4 =	vadd.f32 v5, v4  }
0x4c4: {  	v5 =	vld [tilespmem:s1+$0x40]  }
0x4c5: {  	v4 =	vadd.f32 v6, v4  }
0x4c6: {  	v6 =	vld [tilespmem:s1+$0x50]  }
0x4c7: {  	v4 =	vadd.f32 v7, v4  }
0x4c8: {  	v7 =	vld [tilespmem:s1+$0x60]  }
0x4c9: {  	v4 =	vadd.f32 v5, v4  }
0x4ca: {  	v5 =	vld [tilespmem:s1+$0x70]  }
0x4cb: {  	v4 =	vadd.f32 v6, v4  }
0x4cc: {  	v6 =	vld [tilespmem:s1+$0x400]  }
0x4cd: {  	v4 =	vadd.f32 v7, v4  }
0x4ce: {  	v7 =	vld [tilespmem:s1+$0x410]  }
0x4cf: {  	v4 =	vadd.f32 v5, v4  }
0x4d0: {  	v8 =	vld [tilespmem:s1+$0x420]  }
0x4d1: {  	v5 =	vadd.f32 v6, v4  }
.Ltmp12:
0x4d2: {  	v4 =	vld [tilespmem:s1+$0x430];
	(pc) =	sbr.rel @p0 .LBB2_26-.Ltmp12, $4  }
0x4d3: {  	v6 =	vadd.f32 v7, v5  }
0x4d4: {  	v5 =	vld [tilespmem:s1+$0x440]  }
0x4d5: {  	s28 =	sadd.s32 $0x80, s28;
	v7 =	vadd.f32 v8, v6  }
0x4d6: {  	s30 =	sand.u32 $0xF800, s29;
	s29 =	sadd.s32 $0x100, s29;
	s31 =	sand.u32 $0x380, s28;
	v6 =	vld [tilespmem:s1+$0x450]  }
0x4d7: {  	s1 =	sor.u32 s31, s30;
	v4 =	vadd.f32 v4, v7  }
0x4d8: {  	v7 =	vld [tilespmem:s1+$0x0]  }
0x4d9: {  	v4 =	vadd.f32 v5, v4  }
0x4da: {  	v5 =	vld [tilespmem:s1+$0x10]  }
0x4db: {  	v4 =	vadd.f32 v6, v4  }
0x4dc: {  	v6 =	vld [tilespmem:s1+$0x20]  }
0x4dd: {  	v4 =	vadd.f32 v7, v4  }
0x4de: {  	v7 =	vld [tilespmem:s1+$0x30]  }
0x4df: {  	v4 =	vadd.f32 v5, v4  }
0x4e0: {  	v5 =	vld [tilespmem:s1+$0x40]  }
0x4e1: {  	v4 =	vadd.f32 v6, v4  }
0x4e2: {  	v6 =	vld [tilespmem:s1+$0x50]  }
0x4e3: {  	v4 =	vadd.f32 v7, v4  }
0x4e4: {  	v7 =	vld [tilespmem:s1+$0x60]  }
0x4e5: {  	v4 =	vadd.f32 v5, v4  }
0x4e6: {  	v5 =	vld [tilespmem:s1+$0x70]  }
0x4e7: {  	v4 =	vadd.f32 v6, v4  }
0x4e8: {  	v6 =	vld [tilespmem:s1+$0x400]  }
0x4e9: {  	v4 =	vadd.f32 v7, v4  }
0x4ea: {  	v7 =	vld [tilespmem:s1+$0x410]  }
0x4eb: {  	v4 =	vadd.f32 v5, v4  }
0x4ec: {  	v5 =	vld [tilespmem:s1+$0x420]  }
0x4ed: {  	v4 =	vadd.f32 v6, v4  }
0x4ee: {  	v6 =	vld [tilespmem:s1+$0x430]  }
0x4ef: {  	v4 =	vadd.f32 v7, v4  }
0x4f0: {  	v7 =	vld [tilespmem:s1+$0x440]  }
0x4f1: {  	v4 =	vadd.f32 v5, v4  }
0x4f2: {  	v5 =	vld [tilespmem:s1+$0x450]  }
0x4f3: {  	v4 =	vadd.f32 v6, v4;
	_ =	sdelay $0x1  }
0x4f4: {  	v4 =	vadd.f32 v7, v4;
	_ =	sdelay $0x1  }
0x4f5: {  	v4 =	vadd.f32 v5, v4;
	_ =	sdelay $0x1  }
0x4f6: {  	v5 =	vperm.xlane v4, v0;
	_ =	sdelay $0x1  }
0x4f7: {  	v4 =	vadd.f32 v5, v4;
	_ =	sdelay $0x1  }
0x4f8: {  	v5 =	vperm.xlane v4, v1;
	_ =	sdelay $0x1  }
0x4f9: {  	v4 =	vadd.f32 v5, v4;
	_ =	sdelay $0x1  }
0x4fa: {  	v5 =	vperm.xlane v4, v2;
	_ =	sdelay $0x1  }
0x4fb: {  	v4 =	vadd.f32 v5, v4;
	_ =	sdelay $0x1  }
0x4fc: {  	v5 =	vperm.xlane v4, v3;
	_ =	sdelay $0x1  }
0x4fd: {  	v4 =	vadd.f32 v5, v4;
	_ =	sdelay $0x1  }
0x4fe: {  	s1 =	simm.s32 $0x0;
	[tilespmem:$0x1C600] =	vst v4  }
0x4ff: {  	[tilespmem:s1], [sflag:$0x1] =	stream.linear.gather [hbm4b:s17+s1], $0xE000, $0x38;
	[tilespmem:$0x1C800] =	vst v63  }
0x500: {  	_ =	swait.ge [sflag:s23], $0xE000  }
0x501: {  	s28 =	sand.u32 $0xF800, s1;
	s1 =	sand.u32 $0x380, s1;
	[sflag:s23] =	ssyncset.done $0x0  }
0x502: {  	s1 =	sor.u32 s1, s28;
	[sflag:s23] =	ssyncadd.s32 $0xFFFF2000  }
0x503: {  	v4 =	vld [tilespmem:s1+$0xE000];
	_ =	sdelay $0x1  }
0x504: {  	v5 =	vld [tilespmem:s1+$0xE010];
	_ =	sdelay $0x1  }
0x505: {  	v6 =	vimm.f32 $0.0e+00;
	v7 =	vld [tilespmem:s1+$0xE020]  }
0x506: {  	v4 =	vadd.f32 v4, v6  }
0x507: {  	v6 =	vld [tilespmem:s1+$0xE030]  }
0x508: {  	v4 =	vadd.f32 v5, v4  }
0x509: {  	v5 =	vld [tilespmem:s1+$0xE040]  }
0x50a: {  	v4 =	vadd.f32 v7, v4  }
0x50b: {  	v7 =	vld [tilespmem:s1+$0xE050]  }
0x50c: {  	v4 =	vadd.f32 v6, v4  }
0x50d: {  	v6 =	vld [tilespmem:s1+$0xE060]  }
0x50e: {  	v4 =	vadd.f32 v5, v4  }
0x50f: {  	v5 =	vld [tilespmem:s1+$0xE070]  }
0x510: {  	v4 =	vadd.f32 v7, v4  }
0x511: {  	v7 =	vld [tilespmem:s1+$0xE400]  }
0x512: {  	v4 =	vadd.f32 v6, v4  }
0x513: {  	v6 =	vld [tilespmem:s1+$0xE410]  }
0x514: {  	v4 =	vadd.f32 v5, v4  }
0x515: {  	v8 =	vld [tilespmem:s1+$0xE420]  }
0x516: {  	v5 =	vadd.f32 v7, v4  }
0x517: {  	v4 =	vld [tilespmem:s1+$0xE430]  }
0x518: {  	v6 =	vadd.f32 v6, v5  }
0x519: {  	v5 =	vld [tilespmem:s1+$0xE440]  }
0x51a: {  	s29 =	simm.s32 $0x100;
	s28 =	simm.s32 $0x80;
	v7 =	vadd.f32 v8, v6  }
0x51b: {  	s30 =	sand.u32 $0xF800, s29;
	s29 =	simm.s32 $0x200;
	s31 =	sand.u32 $0x380, s28;
	v6 =	vld [tilespmem:s1+$0xE450]  }
.LBB2_28:
0x51c: {  	p0 =	sne.s32 s29, $0xDF00;
	s1 =	sor.u32 s31, s30;
	v4 =	vadd.f32 v4, v7  }
0x51d: {  	v7 =	vld [tilespmem:s1+$0xE000]  }
0x51e: {  	v4 =	vadd.f32 v5, v4  }
0x51f: {  	v5 =	vld [tilespmem:s1+$0xE010]  }
0x520: {  	v4 =	vadd.f32 v6, v4  }
0x521: {  	v6 =	vld [tilespmem:s1+$0xE020]  }
0x522: {  	v4 =	vadd.f32 v7, v4  }
0x523: {  	v7 =	vld [tilespmem:s1+$0xE030]  }
0x524: {  	v4 =	vadd.f32 v5, v4  }
0x525: {  	v5 =	vld [tilespmem:s1+$0xE040]  }
0x526: {  	v4 =	vadd.f32 v6, v4  }
0x527: {  	v6 =	vld [tilespmem:s1+$0xE050]  }
0x528: {  	v4 =	vadd.f32 v7, v4  }
0x529: {  	v7 =	vld [tilespmem:s1+$0xE060]  }
0x52a: {  	v4 =	vadd.f32 v5, v4  }
0x52b: {  	v5 =	vld [tilespmem:s1+$0xE070]  }
0x52c: {  	v4 =	vadd.f32 v6, v4  }
0x52d: {  	v6 =	vld [tilespmem:s1+$0xE400]  }
0x52e: {  	v4 =	vadd.f32 v7, v4  }
0x52f: {  	v7 =	vld [tilespmem:s1+$0xE410]  }
0x530: {  	v4 =	vadd.f32 v5, v4  }
0x531: {  	v8 =	vld [tilespmem:s1+$0xE420]  }
0x532: {  	v5 =	vadd.f32 v6, v4  }
.Ltmp13:
0x533: {  	v4 =	vld [tilespmem:s1+$0xE430];
	(pc) =	sbr.rel @p0 .LBB2_28-.Ltmp13, $4  }
0x534: {  	v6 =	vadd.f32 v7, v5  }
0x535: {  	v5 =	vld [tilespmem:s1+$0xE440]  }
0x536: {  	s28 =	sadd.s32 $0x80, s28;
	v7 =	vadd.f32 v8, v6  }
0x537: {  	s30 =	sand.u32 $0xF800, s29;
	s29 =	sadd.s32 $0x100, s29;
	s31 =	sand.u32 $0x380, s28;
	v6 =	vld [tilespmem:s1+$0xE450]  }
0x538: {  	s1 =	sor.u32 s31, s30;
	v4 =	vadd.f32 v4, v7  }
0x539: {  	v7 =	vld [tilespmem:s1+$0xE000]  }
0x53a: {  	v4 =	vadd.f32 v5, v4  }
0x53b: {  	v5 =	vld [tilespmem:s1+$0xE010]  }
0x53c: {  	v4 =	vadd.f32 v6, v4  }
0x53d: {  	v6 =	vld [tilespmem:s1+$0xE020]  }
0x53e: {  	v4 =	vadd.f32 v7, v4  }
0x53f: {  	v7 =	vld [tilespmem:s1+$0xE030]  }
0x540: {  	v4 =	vadd.f32 v5, v4  }
0x541: {  	v5 =	vld [tilespmem:s1+$0xE040]  }
0x542: {  	v4 =	vadd.f32 v6, v4  }
0x543: {  	v6 =	vld [tilespmem:s1+$0xE050]  }
0x544: {  	v4 =	vadd.f32 v7, v4  }
0x545: {  	v7 =	vld [tilespmem:s1+$0xE060]  }
0x546: {  	v4 =	vadd.f32 v5, v4  }
0x547: {  	v5 =	vld [tilespmem:s1+$0xE070]  }
0x548: {  	v4 =	vadd.f32 v6, v4  }
0x549: {  	v6 =	vld [tilespmem:s1+$0xE400]  }
0x54a: {  	v4 =	vadd.f32 v7, v4  }
0x54b: {  	v7 =	vld [tilespmem:s1+$0xE410]  }
0x54c: {  	v4 =	vadd.f32 v5, v4  }
0x54d: {  	v5 =	vld [tilespmem:s1+$0xE420]  }
0x54e: {  	v4 =	vadd.f32 v6, v4  }
0x54f: {  	v6 =	vld [tilespmem:s1+$0xE430]  }
0x550: {  	v4 =	vadd.f32 v7, v4  }
0x551: {  	v7 =	vld [tilespmem:s1+$0xE440]  }
0x552: {  	v4 =	vadd.f32 v5, v4  }
0x553: {  	v5 =	vld [tilespmem:s1+$0xE450]  }
0x554: {  	v4 =	vadd.f32 v6, v4;
	_ =	sdelay $0x1  }
0x555: {  	v4 =	vadd.f32 v7, v4;
	_ =	sdelay $0x1  }
0x556: {  	v4 =	vadd.f32 v5, v4;
	_ =	sdelay $0x1  }
0x557: {  	v5 =	vperm.xlane v4, v0;
	_ =	sdelay $0x1  }
0x558: {  	v4 =	vadd.f32 v5, v4;
	_ =	sdelay $0x1  }
0x559: {  	v5 =	vperm.xlane v4, v1;
	_ =	sdelay $0x1  }
0x55a: {  	v4 =	vadd.f32 v5, v4;
	_ =	sdelay $0x1  }
0x55b: {  	v5 =	vperm.xlane v4, v2;
	_ =	sdelay $0x1  }
0x55c: {  	v4 =	vadd.f32 v5, v4;
	_ =	sdelay $0x1  }
0x55d: {  	v5 =	vperm.xlane v4, v3;
	_ =	sdelay $0x1  }
0x55e: {  	v4 =	vadd.f32 v5, v4;
	_ =	sdelay $0x1  }
0x55f: {  	s1 =	simm.s32 $0x0;
	[tilespmem:$0x1C680] =	vst v4  }
0x560: {  	[tilespmem:s21], [sflag:$0x2] =	stream.linear.gather [hbm4b:s18+s1], $0xE000, $0x38;
	[tilespmem:$0x1C800] =	vst v63  }
0x561: {  	_ =	swait.ge [sflag:s22], $0xE000  }
0x562: {  	s28 =	sand.u32 $0xF800, s1;
	s1 =	sand.u32 $0x380, s1;
	[sflag:s22] =	ssyncset.done $0x0  }
0x563: {  	s1 =	sor.u32 s1, s28;
	[sflag:s22] =	ssyncadd.s32 $0xFFFF2000  }
0x564: {  	v4 =	vld [tilespmem:s1+$0x0];
	_ =	sdelay $0x1  }
0x565: {  	v5 =	vld [tilespmem:s1+$0x10];
	_ =	sdelay $0x1  }
0x566: {  	v6 =	vimm.f32 $0.0e+00;
	v7 =	vld [tilespmem:s1+$0x20]  }
0x567: {  	v4 =	vadd.f32 v4, v6  }
0x568: {  	v6 =	vld [tilespmem:s1+$0x30]  }
0x569: {  	v4 =	vadd.f32 v5, v4  }
0x56a: {  	v5 =	vld [tilespmem:s1+$0x40]  }
0x56b: {  	v4 =	vadd.f32 v7, v4  }
0x56c: {  	v7 =	vld [tilespmem:s1+$0x50]  }
0x56d: {  	v4 =	vadd.f32 v6, v4  }
0x56e: {  	v6 =	vld [tilespmem:s1+$0x60]  }
0x56f: {  	v4 =	vadd.f32 v5, v4  }
0x570: {  	v5 =	vld [tilespmem:s1+$0x70]  }
0x571: {  	v4 =	vadd.f32 v7, v4  }
0x572: {  	v7 =	vld [tilespmem:s1+$0x400]  }
0x573: {  	v4 =	vadd.f32 v6, v4  }
0x574: {  	v6 =	vld [tilespmem:s1+$0x410]  }
0x575: {  	v4 =	vadd.f32 v5, v4  }
0x576: {  	v8 =	vld [tilespmem:s1+$0x420]  }
0x577: {  	v5 =	vadd.f32 v7, v4  }
0x578: {  	v4 =	vld [tilespmem:s1+$0x430]  }
0x579: {  	v6 =	vadd.f32 v6, v5  }
0x57a: {  	v5 =	vld [tilespmem:s1+$0x440]  }
0x57b: {  	s29 =	simm.s32 $0x100;
	s28 =	simm.s32 $0x80;
	v7 =	vadd.f32 v8, v6  }
0x57c: {  	s30 =	sand.u32 $0xF800, s29;
	s29 =	simm.s32 $0x200;
	s31 =	sand.u32 $0x380, s28;
	v6 =	vld [tilespmem:s1+$0x450]  }
.LBB2_30:
0x57d: {  	p0 =	sne.s32 s29, $0xDF00;
	s1 =	sor.u32 s31, s30;
	v4 =	vadd.f32 v4, v7  }
0x57e: {  	v7 =	vld [tilespmem:s1+$0x0]  }
0x57f: {  	v4 =	vadd.f32 v5, v4  }
0x580: {  	v5 =	vld [tilespmem:s1+$0x10]  }
0x581: {  	v4 =	vadd.f32 v6, v4  }
0x582: {  	v6 =	vld [tilespmem:s1+$0x20]  }
0x583: {  	v4 =	vadd.f32 v7, v4  }
0x584: {  	v7 =	vld [tilespmem:s1+$0x30]  }
0x585: {  	v4 =	vadd.f32 v5, v4  }
0x586: {  	v5 =	vld [tilespmem:s1+$0x40]  }
0x587: {  	v4 =	vadd.f32 v6, v4  }
0x588: {  	v6 =	vld [tilespmem:s1+$0x50]  }
0x589: {  	v4 =	vadd.f32 v7, v4  }
0x58a: {  	v7 =	vld [tilespmem:s1+$0x60]  }
0x58b: {  	v4 =	vadd.f32 v5, v4  }
0x58c: {  	v5 =	vld [tilespmem:s1+$0x70]  }
0x58d: {  	v4 =	vadd.f32 v6, v4  }
0x58e: {  	v6 =	vld [tilespmem:s1+$0x400]  }
0x58f: {  	v4 =	vadd.f32 v7, v4  }
0x590: {  	v7 =	vld [tilespmem:s1+$0x410]  }
0x591: {  	v4 =	vadd.f32 v5, v4  }
0x592: {  	v8 =	vld [tilespmem:s1+$0x420]  }
0x593: {  	v5 =	vadd.f32 v6, v4  }
.Ltmp14:
0x594: {  	v4 =	vld [tilespmem:s1+$0x430];
	(pc) =	sbr.rel @p0 .LBB2_30-.Ltmp14, $4  }
0x595: {  	v6 =	vadd.f32 v7, v5  }
0x596: {  	v5 =	vld [tilespmem:s1+$0x440]  }
0x597: {  	s28 =	sadd.s32 $0x80, s28;
	v7 =	vadd.f32 v8, v6  }
0x598: {  	s30 =	sand.u32 $0xF800, s29;
	s29 =	sadd.s32 $0x100, s29;
	s31 =	sand.u32 $0x380, s28;
	v6 =	vld [tilespmem:s1+$0x450]  }
0x599: {  	s1 =	sor.u32 s31, s30;
	v4 =	vadd.f32 v4, v7  }
0x59a: {  	v7 =	vld [tilespmem:s1+$0x0]  }
0x59b: {  	v4 =	vadd.f32 v5, v4  }
0x59c: {  	v5 =	vld [tilespmem:s1+$0x10]  }
0x59d: {  	v4 =	vadd.f32 v6, v4  }
0x59e: {  	v6 =	vld [tilespmem:s1+$0x20]  }
0x59f: {  	v4 =	vadd.f32 v7, v4  }
0x5a0: {  	v7 =	vld [tilespmem:s1+$0x30]  }
0x5a1: {  	v4 =	vadd.f32 v5, v4  }
0x5a2: {  	v5 =	vld [tilespmem:s1+$0x40]  }
0x5a3: {  	v4 =	vadd.f32 v6, v4  }
0x5a4: {  	v6 =	vld [tilespmem:s1+$0x50]  }
0x5a5: {  	v4 =	vadd.f32 v7, v4  }
0x5a6: {  	v7 =	vld [tilespmem:s1+$0x60]  }
0x5a7: {  	v4 =	vadd.f32 v5, v4  }
0x5a8: {  	v5 =	vld [tilespmem:s1+$0x70]  }
0x5a9: {  	v4 =	vadd.f32 v6, v4  }
0x5aa: {  	v6 =	vld [tilespmem:s1+$0x400]  }
0x5ab: {  	v4 =	vadd.f32 v7, v4  }
0x5ac: {  	v7 =	vld [tilespmem:s1+$0x410]  }
0x5ad: {  	v4 =	vadd.f32 v5, v4  }
0x5ae: {  	v5 =	vld [tilespmem:s1+$0x420]  }
0x5af: {  	v4 =	vadd.f32 v6, v4  }
0x5b0: {  	v6 =	vld [tilespmem:s1+$0x430]  }
0x5b1: {  	v4 =	vadd.f32 v7, v4  }
0x5b2: {  	v7 =	vld [tilespmem:s1+$0x440]  }
0x5b3: {  	v4 =	vadd.f32 v5, v4  }
0x5b4: {  	v5 =	vld [tilespmem:s1+$0x450]  }
0x5b5: {  	v4 =	vadd.f32 v6, v4;
	_ =	sdelay $0x1  }
0x5b6: {  	v4 =	vadd.f32 v7, v4;
	_ =	sdelay $0x1  }
0x5b7: {  	v4 =	vadd.f32 v5, v4;
	_ =	sdelay $0x1  }
0x5b8: {  	v5 =	vperm.xlane v4, v0;
	_ =	sdelay $0x1  }
0x5b9: {  	v4 =	vadd.f32 v5, v4;
	_ =	sdelay $0x1  }
0x5ba: {  	v5 =	vperm.xlane v4, v1;
	_ =	sdelay $0x1  }
0x5bb: {  	v4 =	vadd.f32 v5, v4;
	_ =	sdelay $0x1  }
0x5bc: {  	v5 =	vperm.xlane v4, v2;
	_ =	sdelay $0x1  }
0x5bd: {  	v4 =	vadd.f32 v5, v4;
	_ =	sdelay $0x1  }
0x5be: {  	v5 =	vperm.xlane v4, v3;
	_ =	sdelay $0x1  }
0x5bf: {  	v4 =	vadd.f32 v5, v4;
	_ =	sdelay $0x1  }
0x5c0: {  	[tilespmem:$0x1C700] =	vst v4  }
0x5c1: {  	s1 =	simm.s32 $0x0;
	_ =	swait.ge [sflag:s23], $0xE000  }
0x5c2: {  	s28 =	sand.u32 $0xF800, s1;
	s1 =	sand.u32 $0x380, s1;
	[sflag:s23] =	ssyncset.done $0x0  }
0x5c3: {  	s1 =	sor.u32 s1, s28;
	[sflag:s23] =	ssyncadd.s32 $0xFFFF2000  }
0x5c4: {  	v4 =	vld [tilespmem:s1+$0xE000];
	_ =	sdelay $0x1  }
0x5c5: {  	v5 =	vld [tilespmem:s1+$0xE010];
	_ =	sdelay $0x1  }
0x5c6: {  	v6 =	vimm.f32 $0.0e+00;
	v7 =	vld [tilespmem:s1+$0xE020]  }
0x5c7: {  	v4 =	vadd.f32 v4, v6  }
0x5c8: {  	v6 =	vld [tilespmem:s1+$0xE030]  }
0x5c9: {  	v4 =	vadd.f32 v5, v4  }
0x5ca: {  	v5 =	vld [tilespmem:s1+$0xE040]  }
0x5cb: {  	v4 =	vadd.f32 v7, v4  }
0x5cc: {  	v7 =	vld [tilespmem:s1+$0xE050]  }
0x5cd: {  	v4 =	vadd.f32 v6, v4  }
0x5ce: {  	v6 =	vld [tilespmem:s1+$0xE060]  }
0x5cf: {  	v4 =	vadd.f32 v5, v4  }
0x5d0: {  	v5 =	vld [tilespmem:s1+$0xE070]  }
0x5d1: {  	v4 =	vadd.f32 v7, v4  }
0x5d2: {  	v7 =	vld [tilespmem:s1+$0xE400]  }
0x5d3: {  	v4 =	vadd.f32 v6, v4  }
0x5d4: {  	v6 =	vld [tilespmem:s1+$0xE410]  }
0x5d5: {  	v4 =	vadd.f32 v5, v4  }
0x5d6: {  	v8 =	vld [tilespmem:s1+$0xE420]  }
0x5d7: {  	v5 =	vadd.f32 v7, v4  }
0x5d8: {  	v4 =	vld [tilespmem:s1+$0xE430]  }
0x5d9: {  	v6 =	vadd.f32 v6, v5  }
0x5da: {  	v5 =	vld [tilespmem:s1+$0xE440]  }
0x5db: {  	s29 =	simm.s32 $0x100;
	s28 =	simm.s32 $0x80;
	v7 =	vadd.f32 v8, v6  }
0x5dc: {  	s30 =	sand.u32 $0xF800, s29;
	s29 =	simm.s32 $0x200;
	s31 =	sand.u32 $0x380, s28;
	v6 =	vld [tilespmem:s1+$0xE450]  }
.LBB2_32:
0x5dd: {  	p0 =	sne.s32 s29, $0xDF00;
	s1 =	sor.u32 s31, s30;
	v4 =	vadd.f32 v4, v7  }
0x5de: {  	v7 =	vld [tilespmem:s1+$0xE000]  }
0x5df: {  	v4 =	vadd.f32 v5, v4  }
0x5e0: {  	v5 =	vld [tilespmem:s1+$0xE010]  }
0x5e1: {  	v4 =	vadd.f32 v6, v4  }
0x5e2: {  	v6 =	vld [tilespmem:s1+$0xE020]  }
0x5e3: {  	v4 =	vadd.f32 v7, v4  }
0x5e4: {  	v7 =	vld [tilespmem:s1+$0xE030]  }
0x5e5: {  	v4 =	vadd.f32 v5, v4  }
0x5e6: {  	v5 =	vld [tilespmem:s1+$0xE040]  }
0x5e7: {  	v4 =	vadd.f32 v6, v4  }
0x5e8: {  	v6 =	vld [tilespmem:s1+$0xE050]  }
0x5e9: {  	v4 =	vadd.f32 v7, v4  }
0x5ea: {  	v7 =	vld [tilespmem:s1+$0xE060]  }
0x5eb: {  	v4 =	vadd.f32 v5, v4  }
0x5ec: {  	v5 =	vld [tilespmem:s1+$0xE070]  }
0x5ed: {  	v4 =	vadd.f32 v6, v4  }
0x5ee: {  	v6 =	vld [tilespmem:s1+$0xE400]  }
0x5ef: {  	v4 =	vadd.f32 v7, v4  }
0x5f0: {  	v7 =	vld [tilespmem:s1+$0xE410]  }
0x5f1: {  	v4 =	vadd.f32 v5, v4  }
0x5f2: {  	v8 =	vld [tilespmem:s1+$0xE420]  }
0x5f3: {  	v5 =	vadd.f32 v6, v4  }
.Ltmp15:
0x5f4: {  	v4 =	vld [tilespmem:s1+$0xE430];
	(pc) =	sbr.rel @p0 .LBB2_32-.Ltmp15, $4  }
0x5f5: {  	v6 =	vadd.f32 v7, v5  }
0x5f6: {  	v5 =	vld [tilespmem:s1+$0xE440]  }
0x5f7: {  	s28 =	sadd.s32 $0x80, s28;
	v7 =	vadd.f32 v8, v6  }
0x5f8: {  	s30 =	sand.u32 $0xF800, s29;
	s29 =	sadd.s32 $0x100, s29;
	s31 =	sand.u32 $0x380, s28;
	v6 =	vld [tilespmem:s1+$0xE450]  }
0x5f9: {  	s1 =	sor.u32 s31, s30;
	v4 =	vadd.f32 v4, v7  }
0x5fa: {  	v55 =	vld [tilespmem:s1+$0xE000]  }
0x5fb: {  	v4 =	vadd.f32 v5, v4  }
0x5fc: {  	v5 =	vld [tilespmem:s1+$0xE010]  }
0x5fd: {  	v4 =	vadd.f32 v6, v4  }
0x5fe: {  	v56 =	vld [tilespmem:s1+$0xE020]  }
0x5ff: {  	v4 =	vadd.f32 v55, v4  }
0x600: {  	v57 =	vld [tilespmem:s1+$0xE030]  }
0x601: {  	v4 =	vadd.f32 v5, v4  }
0x602: {  	v5 =	vld [tilespmem:s1+$0xE040]  }
0x603: {  	v4 =	vadd.f32 v56, v4  }
0x604: {  	v58 =	vld [tilespmem:s1+$0xE050]  }
0x605: {  	v4 =	vadd.f32 v57, v4  }
0x606: {  	v59 =	vld [tilespmem:s1+$0xE060]  }
0x607: {  	v4 =	vadd.f32 v5, v4  }
0x608: {  	v5 =	vld [tilespmem:s1+$0xE070]  }
0x609: {  	v4 =	vadd.f32 v58, v4  }
0x60a: {  	v60 =	vld [tilespmem:s1+$0xE400]  }
0x60b: {  	v4 =	vadd.f32 v59, v4  }
0x60c: {  	v61 =	vld [tilespmem:s1+$0xE410]  }
0x60d: {  	v4 =	vadd.f32 v5, v4  }
0x60e: {  	v5 =	vld [tilespmem:s1+$0xE420]  }
0x60f: {  	v4 =	vadd.f32 v60, v4  }
0x610: {  	v62 =	vld [tilespmem:s1+$0xE430]  }
0x611: {  	v4 =	vadd.f32 v61, v4  }
0x612: {  	v63 =	vld [tilespmem:s1+$0xE440]  }
0x613: {  	v4 =	vadd.f32 v5, v4  }
0x614: {  	v5 =	vld [tilespmem:s1+$0xE450]  }
0x615: {  	v4 =	vadd.f32 v62, v4;
	_ =	sdelay $0x1  }
0x616: {  	v4 =	vadd.f32 v63, v4;
	_ =	sdelay $0x1  }
0x617: {  	v4 =	vadd.f32 v5, v4;
	_ =	sdelay $0x1  }
0x618: {  	v5 =	vperm.xlane v4, v0;
	_ =	sdelay $0x1  }
0x619: {  	v4 =	vadd.f32 v5, v4;
	_ =	sdelay $0x1  }
0x61a: {  	v5 =	vperm.xlane v4, v1;
	_ =	sdelay $0x1  }
0x61b: {  	v4 =	vadd.f32 v5, v4;
	_ =	sdelay $0x1  }
0x61c: {  	v5 =	vperm.xlane v4, v2;
	_ =	sdelay $0x1  }
0x61d: {  	v4 =	vadd.f32 v5, v4;
	_ =	sdelay $0x1  }
0x61e: {  	v5 =	vperm.xlane v4, v3;
	_ =	sdelay $0x1  }
0x61f: {  	s26 =	sadd.s32 $0x1, s26;
	v4 =	vadd.f32 v5, v4  }
0x620: {  	p0 =	sne.s32 s26, s20  }
.Ltmp16:
0x621: {  	[tilespmem:$0x1C780] =	vst v4;
	(pc) =	sbr.rel @p0 .LBB2_1-.Ltmp16, $4  }
0x622: {  	[hbm4b:s19+s2] =	stream.linear.scatter [tilespmem:s24], [sflag:$0x3], $0x800, $0x38;
	[tilespmem:$0x1C800] =	vst v63  }
0x623: {  	_ =	swait.ge [sflag:s25], $0x800  }
0x624: {  	[sflag:s25] =	ssyncset.done $0x0  }
0x625: {  	[sflag:s25] =	ssyncadd.s32 $0xFFFFF800  }
0x626: {  	_ =	sfence.sel $0x180000  }
0x627: {  	[bflag:$0x0] =	sbarrier.arrive $0xFFFF  }
0x628: {  	_ =	strace $0x90000047  }
0x629: {  	[bflag:$0x2] =	sbarrier.arrive $0xFFFF  }
0x62a: {  	p0 =	sne.s32 s0, $0x0;
	s0 =	rddreg [dreg:$0x2]  }
0x62b: {  	s0 =	sadd.s32 @!p0 $0x100000, s0  }
0x62c: {  	[sflag:s0] =	ssyncadd.tile.s32 @!p0 $0x1;
	_ =	shalt  }
.Lfunc_end2:
_tile_overlayer_lowered:
.L_overlay_start_2:
0x62d: {  	(tag) =	ssettag $0x2  }
0x62e: {  	s0 =	rddreg [dreg:$0x0];
	s2 =	stileid.u32  }
0x62f: {  	s1 =	rddreg [dreg:$0x1];
	p0 =	sne.s32 s2, $0x0  }
0x630: {  	s3 =	rddreg [dreg:$0x2];
	[bflag:$0x3] =	sbarrier.arrive $0xFFFF;
	s2 =	simm.s32 @!p0 $0x1C03  }
0x631: {  	[timem:s3], [sflag:s2] =	dma.local @!p0 [hbm:s0], s1  }
0x632: {  	s0 =	simm.s32 @!p0 $0x3  }
0x633: {  	_ =	swait.ge @!p0 [sflag:s0], s1  }
0x634: {  	s1 =	ssub.s32 @!p0 $0x0, s1;
	[sflag:s0] =	ssyncset.done @!p0 $0x0  }
0x635: {  	[sflag:s0] =	ssyncadd.s32 @!p0 s1  }
0x636: {  	[bflag:$0x3] =	sbarrier.arrive $0xFFFF  }
0x637: {  	_ =	shalt  }

</sc_bundles>
